<compile_context>
chip_gen: v7x
topology: tpu7x:2x2x1
jax: 0.10.2.dev20260603
libtpu: 0.0.44.dev20260713+nightly
codegen_flags: <defaults>
</compile_context>

<pallas_src>
import functools
import math

import jax
import jax.numpy as jnp
from jax import lax
from jax.experimental import pallas as pl
from jax.experimental.pallas import tpu as pltpu
from jax.experimental.pallas import tpu_sc as plsc

_B, _N, _C = 4, 4096, 32
_DPHI, _H1, _H2 = 2048, 128, 128
_R, _K, _MPHY = 8, 1024, 4
_J = _R * _MPHY
_BETA = 0.25
_BN = 1024
_NBLK = _N // _BN
_QINV = 1.0 / math.sqrt(10.0 + 1e-9)
_LOSS_SCALE = (1.0 + _BETA) / float(_B * _N * _C * _C)

_NC, _NS, _L = 2, 16, 16
_NW = _NC * _NS
_TPW = (_B * _N) // _NW
_PPW = _TPW // 2
_SPW = _PPW * 5


def _router_body(phi_ref, w1_ref, b1_ref, w2_ref, b2_ref, w3_ref, b3_ref,
                 logits_ref, probs_ref, modes_ref):
    f32 = jnp.float32
    dn = (((1,), (0,)), ((), ()))
    h = jnp.maximum(
        jax.lax.dot_general(phi_ref[...], w1_ref[...], dn,
                            preferred_element_type=f32) + b1_ref[...], 0.0)
    h = jnp.maximum(
        jax.lax.dot_general(h, w2_ref[...], dn,
                            preferred_element_type=f32) + b2_ref[...], 0.0)
    logits = jax.lax.dot_general(h, w3_ref[...], dn,
                                 preferred_element_type=f32) + b3_ref[...]
    logits_ref[...] = logits
    mx = jnp.max(logits, axis=-1, keepdims=True)
    ex = jnp.exp(logits - mx)
    probs_ref[...] = ex / jnp.sum(ex, axis=-1, keepdims=True)
    lane = jax.lax.broadcasted_iota(jnp.int32, (_B, _J), 1)
    mode = jnp.min(jnp.where(logits == mx, lane, _J), axis=-1, keepdims=True)
    expert = mode // _MPHY
    modes_ref[:, 0:1] = mode
    modes_ref[:, 1:2] = expert
    modes_ref[:, 2:3] = mode - _MPHY * expert
    modes_ref[:, 3:4] = mode


def _vq_body(expert_ref, z_ref, cb_ref, idx_ref, gidx_ref, loss_ref):
    b = pl.program_id(0)
    j = pl.program_id(1)
    zb = z_ref[0]
    cb = cb_ref[0]
    crossT = jax.lax.dot_general(cb, zb, (((1,), (1,)), ((), ())),
                                 preferred_element_type=jnp.float32)
    e_sq = jnp.sum(cb * cb, axis=-1, keepdims=True)
    z_sq_row = jnp.sum(zb * zb, axis=-1, keepdims=True).T
    dT = z_sq_row + e_sq - 2.0 * crossT
    idx_row = jnp.argmin(dT, axis=0)[None, :]
    part = jnp.sum(jnp.min(dT, axis=0))

    @pl.when(jnp.logical_and(b == 0, j == 0))
    def _():
        loss_ref[...] = jnp.zeros((1, 1), jnp.float32)

    loss_ref[...] += part.reshape(1, 1)

    @pl.when(jnp.logical_and(b == _B - 1, j == _NBLK - 1))
    def _():
        loss_ref[...] = loss_ref[...] * _LOSS_SCALE

    idx_ref[pl.ds(b, 1), pl.ds(j * _BN, _BN)] = idx_row
    gidx_ref[pl.ds(b, 1), pl.ds(j * _BN, _BN)] = idx_row + expert_ref[b] * _K


def _sc_body(gidx_hbm, i0_hbm, i1_hbm, cb_hbm, zq_hbm, sym_hbm,
             gidx_v, rows_v, i0_v, i1_v, sxy_v, sem):
    wid = lax.axis_index("s") * _NC + lax.axis_index("c")
    tbase = wid * _TPW
    pbase = wid * _PPW
    pltpu.sync_copy(gidx_hbm.at[pl.ds(tbase, _TPW)], gidx_v)
    pltpu.async_copy(cb_hbm.at[gidx_v], rows_v, sem).wait()
    pltpu.sync_copy(rows_v, zq_hbm.at[pl.ds(tbase, _TPW)])

    pltpu.sync_copy(i0_hbm.at[pl.ds(pbase, _PPW)], i0_v)
    pltpu.sync_copy(i1_hbm.at[pl.ds(pbase, _PPW)], i1_v)
    for i in range(_PPW // _L):
        sl = pl.ds(_L * i, _L)
        i0 = i0_v[sl]
        i1 = i1_v[sl]
        s_list = [
            i0 >> 6,
            (i0 >> 2) & 15,
            ((i0 & 3) << 2) | (i1 >> 8),
            (i1 >> 4) & 15,
            i1 & 15,
        ]
        for jj in range(5):
            s = s_list[jj]
            sxy_v[2 * jj, sl] = ((s >> 2) * 2 - 3).astype(jnp.float32) * _QINV
            sxy_v[2 * jj + 1, sl] = ((s & 3) * 2 - 3).astype(jnp.float32) * _QINV
    pltpu.sync_copy(sxy_v, sym_hbm.at[wid])


_sc_call = functools.partial(
    pl.kernel,
    mesh=plsc.VectorSubcoreMesh(core_axis_name="c", subcore_axis_name="s"),
    compiler_params=pltpu.CompilerParams(use_tc_tiling_on_sc=False),
    out_type=[
        jax.ShapeDtypeStruct((_B * _N, _C), jnp.float32),
        jax.ShapeDtypeStruct((_NW, 10, _PPW), jnp.float32),
    ],
    scratch_types=[
        pltpu.VMEM((_TPW,), jnp.int32),
        pltpu.VMEM((_TPW, _C), jnp.float32),
        pltpu.VMEM((_PPW,), jnp.int32),
        pltpu.VMEM((_PPW,), jnp.int32),
        pltpu.VMEM((10, _PPW), jnp.float32),
        pltpu.SemaphoreType.DMA,
    ],
)(_sc_body)


def kernel(z_e, phi, W1, b1, W2, b2, W3, b3, codebooks):
    f32 = jnp.float32
    logits, probs, modes = pl.pallas_call(
        _router_body,
        out_shape=[
            jax.ShapeDtypeStruct((_B, _J), f32),
            jax.ShapeDtypeStruct((_B, _J), f32),
            jax.ShapeDtypeStruct((_B, 4), jnp.int32),
        ],
    )(phi, W1, b1.reshape(1, _H1), W2, b2.reshape(1, _H2), W3,
      b3.reshape(1, _J))
    mode_idx = modes[:, 0]
    expert_idx = modes[:, 1]
    phy_idx = modes[:, 2]

    grid_spec = pltpu.PrefetchScalarGridSpec(
        num_scalar_prefetch=1,
        grid=(_B, _NBLK),
        in_specs=[
            pl.BlockSpec((1, _BN, _C), lambda b, j, e: (b, j, 0)),
            pl.BlockSpec((1, _K, _C), lambda b, j, e: (e[b], 0, 0)),
        ],
        out_specs=[
            pl.BlockSpec((_B, _N), lambda b, j, e: (0, 0)),
            pl.BlockSpec((_B, _N), lambda b, j, e: (0, 0)),
            pl.BlockSpec((1, 1), lambda b, j, e: (0, 0)),
        ],
    )
    indices, gidx, loss = pl.pallas_call(
        _vq_body,
        grid_spec=grid_spec,
        out_shape=[
            jax.ShapeDtypeStruct((_B, _N), jnp.int32),
            jax.ShapeDtypeStruct((_B, _N), jnp.int32),
            jax.ShapeDtypeStruct((1, 1), f32),
        ],
    )(expert_idx, z_e, codebooks)
    vq_loss = loss[0, 0]

    pairs = indices.reshape(_B * _N // 2, 2)
    zq_flat, sym_flat = _sc_call(
        gidx.reshape(_B * _N), pairs[:, 0], pairs[:, 1],
        codebooks.reshape(_R * _K, _C))
    z_q_st = zq_flat.reshape(_B, _N, _C)
    symbols = (sym_flat.reshape(_NW, 5, 2, _PPW)
               .transpose(0, 3, 1, 2).reshape(_B, _N * 10 // 4, 2))

    return (z_q_st, indices, vq_loss, logits, probs, mode_idx, phy_idx,
            symbols)

# --- scband reference (transcript-rebuilt; emitter-appended) ---
"""Pipeline reference for scband-mo-etransceiver-vq-49864570306944 (READ-ONLY COPY).

The authoritative reference and input builder live on the scoring server;
editing this copy changes nothing except your own understanding.
"""

import jax, jax.numpy as jnp
import numpy as np
import math

B, N, C = 4, 4096, 32
D_PHI = 2048
R = 8
K = 1024
M_PHY = 4
J = R * M_PHY
H1 = 128
H2 = 128
BETA = 0.25
BITS = 10  # ceil(log2(1024))
QAM_M = 16
QAM_BITS = 4


def qam_constellation(M):
    m_side = int(math.isqrt(M))
    levels = jnp.arange(-(m_side - 1), m_side + 1, 2).astype(jnp.float32)
    xs, ys = jnp.meshgrid(levels, levels, indexing='ij')
    points = jnp.stack([xs.reshape(-1), ys.reshape(-1)], axis=-1)
    avg_power = (points ** 2).sum(axis=-1).mean()
    return points / jnp.sqrt(avg_power + 1e-9)


def int_to_bits(x, num_bits):
    shifts = jnp.arange(num_bits - 1, -1, -1, dtype=jnp.int32)
    bits = (x[..., None] >> shifts) & 1
    return bits.astype(jnp.float32)


def bits_to_int(bits):
    b = bits.astype(jnp.int32)
    num_bits = b.shape[-1]
    weights = (2 ** jnp.arange(num_bits - 1, -1, -1, dtype=jnp.int32))
    return (b * weights).sum(axis=-1)


def setup_inputs(seed: int = 0) -> dict:
    key = jax.random.key(seed)
    ks = jax.random.split(key, 10)
    z_e = jax.random.normal(ks[0], (B, N, C), dtype=jnp.float32)
    phi = jax.random.normal(ks[1], (B, D_PHI), dtype=jnp.float32)
    W1 = jax.random.normal(ks[2], (D_PHI, H1), dtype=jnp.float32) / math.sqrt(D_PHI)
    b1 = jnp.zeros((H1,), dtype=jnp.float32)
    W2 = jax.random.normal(ks[3], (H1, H2), dtype=jnp.float32) / math.sqrt(H1)
    b2 = jnp.zeros((H2,), dtype=jnp.float32)
    W3 = jax.random.normal(ks[4], (H2, J), dtype=jnp.float32) / math.sqrt(H2)
    b3 = jnp.zeros((J,), dtype=jnp.float32)
    bound = 1.0 / math.sqrt(C)
    codebooks = jax.random.uniform(ks[5], (R, K, C), dtype=jnp.float32, minval=-bound, maxval=bound)
    return {"z_e": z_e, "phi": phi, "W1": W1, "b1": b1, "W2": W2, "b2": b2, "W3": W3, "b3": b3, "codebooks": codebooks}


def reference(z_e, phi, W1, b1, W2, b2, W3, b3, codebooks):
    # ---- Mode router g_rt(phi) ----
    h = jax.nn.relu(phi @ W1 + b1)
    h = jax.nn.relu(h @ W2 + b2)
    logits = h @ W3 + b3                      # [B, J]
    probs = jax.nn.softmax(logits / 1.0, axis=-1)
    mode_idx = jnp.argmax(logits, axis=-1)    # [B] hard joint-mode selection
    expert_idx = mode_idx // M_PHY            # [B] VQ expert index
    phy_idx = mode_idx % M_PHY                # [B] PHY mode index

    # ---- VQMoE: per-example expert selection (all experts same K here,
    # so the per-expert masked loop collapses to a batched gather) ----
    cb = codebooks[expert_idx]                # [B, K, C] gather of selected codebooks
    z_sq = (z_e ** 2).sum(axis=-1, keepdims=True)          # [B, N, 1]
    e_sq = (cb ** 2).sum(axis=-1)[:, None, :]              # [B, 1, K]
    cross = jnp.einsum('bnc,bkc->bnk', z_e, cb)            # [B, N, K]
    dists = z_sq + e_sq - 2.0 * cross
    indices = jnp.argmin(dists, axis=-1)                   # [B, N]
    z_q = jnp.take_along_axis(cb, indices[:, :, None], axis=1)  # [B, N, C]
    z_q_st = z_e + jax.lax.stop_gradient(z_q - z_e)

    codebook_loss = jnp.mean((jax.lax.stop_gradient(z_q) - z_e) ** 2)
    commit_loss = jnp.mean((z_q - jax.lax.stop_gradient(z_e)) ** 2)
    vq_loss = (codebook_loss + BETA * commit_loss) / C

    # ---- index -> bits -> QAM symbols (transmit path) ----
    bits = int_to_bits(indices.astype(jnp.int32), BITS)    # [B, N, 10]
    flat_bits = bits.reshape(B, -1)                        # [B, N*10]
    sym_idx = bits_to_int(flat_bits.reshape(B, -1, QAM_BITS))  # [B, N*10/4]
    const = qam_constellation(QAM_M)                       # [16, 2]
    symbols = const[sym_idx]                               # [B, S, 2]

    return (z_q_st, indices, vq_loss, logits, probs, mode_idx, phy_idx, symbols)

if __name__ == "__main__":
    import jax
    _d = setup_inputs()
    print(jax.jit(kernel)(*tuple(_d.values())))

</pallas_src>

<mosaic_0001>
#map = affine_map<(d0, d1) -> (0)>
#map1 = affine_map<(d0, d1) -> (0, 0)>
#map2 = affine_map<(d0, d1) -> (0, 0, 0)>
module attributes {stable_mosaic.version = 14 : i64} {
  func.func @_sc_body(%arg0: i32, %arg1: i32, %arg2: memref<16384xi32, #tpu.memory_space<hbm>>, %arg3: memref<8192xi32, #tpu.memory_space<hbm>>, %arg4: memref<8192xi32, #tpu.memory_space<hbm>>, %arg5: memref<8192x32xf32, #tpu.memory_space<hbm>>, %arg6: memref<16384x32xf32, #tpu.memory_space<hbm>>, %arg7: memref<32x10x256xf32, #tpu.memory_space<hbm>>, %arg8: memref<512xi32, #tpu.memory_space<vmem>>, %arg9: memref<512x32xf32, #tpu.memory_space<vmem>>, %arg10: memref<256xi32, #tpu.memory_space<vmem>>, %arg11: memref<256xi32, #tpu.memory_space<vmem>>, %arg12: memref<10x256xf32, #tpu.memory_space<vmem>>, %arg13: memref<!tpu.dma_semaphore, #tpu.memory_space<semaphore_mem>>) attributes {dimension_semantics = [#tpu.dimension_semantics<core_parallel>, #tpu.dimension_semantics<subcore_parallel>], iteration_bounds = array<i64: 2, 16>, scalar_prefetch = 0 : i64, scratch_operands = 6 : i64, tpu.core_type = #tpu.core_type<sc_vector_subcore>, window_params = [{transform_indices = #map}, {transform_indices = #map}, {transform_indices = #map}, {transform_indices = #map1}, {transform_indices = #map1}, {transform_indices = #map2}]} {
    %mul3A = arith.constant 2 : i32
    %mul3A_0 = arith.muli %arg1, %mul3A : i32
    %add3A = arith.addi %mul3A_0, %arg0 : i32
    %mul3A_1 = arith.constant 512 : i32
    %mul3A_2 = arith.muli %add3A, %mul3A_1 : i32
    %mul3A_3 = arith.constant 256 : i32
    %mul3A_4 = arith.muli %add3A, %mul3A_3 : i32
    "tpu.region"() ({
      %run_scoped3A = tpu.sem_alloc : memref<!tpu.dma_semaphore, #tpu.memory_space<semaphore_mem>>
      %dma_start3A_3585 = tpu.memref_slice %arg2[%mul3A_2] : memref<16384xi32, #tpu.memory_space<hbm>> -> memref<512xi32, #tpu.memory_space<hbm>>
      %dma_start3A_3586 = tpu.memref_slice %arg2[%mul3A_2] : memref<16384xi32, #tpu.memory_space<hbm>> -> memref<512xi32, #tpu.memory_space<hbm>>
      tpu.enqueue_dma source(%dma_start3A_3586 : memref<512xi32, #tpu.memory_space<hbm>>) target(%arg8 : memref<512xi32, #tpu.memory_space<vmem>>) target_semaphore(%run_scoped3A : memref<!tpu.dma_semaphore, #tpu.memory_space<semaphore_mem>>)
      %dma_wait3A_3587 = tpu.memref_slice %arg2[%mul3A_2] : memref<16384xi32, #tpu.memory_space<hbm>> -> memref<512xi32, #tpu.memory_space<hbm>>
      %dma_wait3A_3588 = tpu.memref_slice %arg2[%mul3A_2] : memref<16384xi32, #tpu.memory_space<hbm>> -> memref<512xi32, #tpu.memory_space<hbm>>
      tpu.wait_dma2 semaphore(%run_scoped3A : memref<!tpu.dma_semaphore, #tpu.memory_space<semaphore_mem>>) src(%dma_wait3A_3588 : memref<512xi32, #tpu.memory_space<hbm>>) dst(%arg8 : memref<512xi32, #tpu.memory_space<vmem>>)
      tpu.yield
    }) : () -> ()
    %dma_start3A = arith.constant 0 : i32
    %dma_start3A_5 = arith.constant 0 : i32
    %dma_start3A_6 = tpu.memref_slice %arg5[%dma_start3A, %dma_start3A_5] : memref<8192x32xf32, #tpu.memory_space<hbm>> -> memref<8192x32xf32, #tpu.memory_space<hbm>>
    tpu.enqueue_indirect_dma source(%dma_start3A_6 : memref<8192x32xf32, #tpu.memory_space<hbm>>) target(%arg9 : memref<512x32xf32, #tpu.memory_space<vmem>>) offsets(%arg8 : memref<512xi32, #tpu.memory_space<vmem>>) semaphore(%arg13 : memref<!tpu.dma_semaphore, #tpu.memory_space<semaphore_mem>>)
    %dma_wait3A = arith.constant 0 : i32
    %dma_wait3A_7 = arith.constant 0 : i32
    %dma_wait3A_8 = tpu.memref_slice %arg5[%dma_wait3A, %dma_wait3A_7] : memref<8192x32xf32, #tpu.memory_space<hbm>> -> memref<8192x32xf32, #tpu.memory_space<hbm>>
    tpu.wait_indirect_dma semaphore(%arg13 : memref<!tpu.dma_semaphore, #tpu.memory_space<semaphore_mem>>) src(%dma_wait3A_8 : memref<8192x32xf32, #tpu.memory_space<hbm>>) dst(%arg9 : memref<512x32xf32, #tpu.memory_space<vmem>>)
    "tpu.region"() ({
      %run_scoped3A = tpu.sem_alloc : memref<!tpu.dma_semaphore, #tpu.memory_space<semaphore_mem>>
      %dma_start3A_3585 = arith.constant 0 : i32
      %dma_start3A_3586 = tpu.memref_slice %arg6[%mul3A_2, %dma_start3A_3585] : memref<16384x32xf32, #tpu.memory_space<hbm>> -> memref<512x32xf32, #tpu.memory_space<hbm>>
      %dma_start3A_3587 = arith.constant 0 : i32
      %dma_start3A_3588 = tpu.memref_slice %arg6[%mul3A_2, %dma_start3A_3587] : memref<16384x32xf32, #tpu.memory_space<hbm>> -> memref<512x32xf32, #tpu.memory_space<hbm>>
      tpu.enqueue_dma source(%arg9 : memref<512x32xf32, #tpu.memory_space<vmem>>) target(%dma_start3A_3588 : memref<512x32xf32, #tpu.memory_space<hbm>>) target_semaphore(%run_scoped3A : memref<!tpu.dma_semaphore, #tpu.memory_space<semaphore_mem>>)
      %dma_wait3A_3589 = arith.constant 0 : i32
      %dma_wait3A_3590 = tpu.memref_slice %arg6[%mul3A_2, %dma_wait3A_3589] : memref<16384x32xf32, #tpu.memory_space<hbm>> -> memref<512x32xf32, #tpu.memory_space<hbm>>
      %dma_wait3A_3591 = arith.constant 0 : i32
      %dma_wait3A_3592 = tpu.memref_slice %arg6[%mul3A_2, %dma_wait3A_3591] : memref<16384x32xf32, #tpu.memory_space<hbm>> -> memref<512x32xf32, #tpu.memory_space<hbm>>
      tpu.wait_dma2 semaphore(%run_scoped3A : memref<!tpu.dma_semaphore, #tpu.memory_space<semaphore_mem>>) src(%arg9 : memref<512x32xf32, #tpu.memory_space<vmem>>) dst(%dma_wait3A_3592 : memref<512x32xf32, #tpu.memory_space<hbm>>)
      tpu.yield
    }) : () -> ()
    "tpu.region"() ({
      %run_scoped3A = tpu.sem_alloc : memref<!tpu.dma_semaphore, #tpu.memory_space<semaphore_mem>>
      %dma_start3A_3585 = tpu.memref_slice %arg3[%mul3A_4] : memref<8192xi32, #tpu.memory_space<hbm>> -> memref<256xi32, #tpu.memory_space<hbm>>
      %dma_start3A_3586 = tpu.memref_slice %arg3[%mul3A_4] : memref<8192xi32, #tpu.memory_space<hbm>> -> memref<256xi32, #tpu.memory_space<hbm>>
      tpu.enqueue_dma source(%dma_start3A_3586 : memref<256xi32, #tpu.memory_space<hbm>>) target(%arg10 : memref<256xi32, #tpu.memory_space<vmem>>) target_semaphore(%run_scoped3A : memref<!tpu.dma_semaphore, #tpu.memory_space<semaphore_mem>>)
      %dma_wait3A_3587 = tpu.memref_slice %arg3[%mul3A_4] : memref<8192xi32, #tpu.memory_space<hbm>> -> memref<256xi32, #tpu.memory_space<hbm>>
      %dma_wait3A_3588 = tpu.memref_slice %arg3[%mul3A_4] : memref<8192xi32, #tpu.memory_space<hbm>> -> memref<256xi32, #tpu.memory_space<hbm>>
      tpu.wait_dma2 semaphore(%run_scoped3A : memref<!tpu.dma_semaphore, #tpu.memory_space<semaphore_mem>>) src(%dma_wait3A_3588 : memref<256xi32, #tpu.memory_space<hbm>>) dst(%arg10 : memref<256xi32, #tpu.memory_space<vmem>>)
      tpu.yield
    }) : () -> ()
    "tpu.region"() ({
      %run_scoped3A = tpu.sem_alloc : memref<!tpu.dma_semaphore, #tpu.memory_space<semaphore_mem>>
      %dma_start3A_3585 = tpu.memref_slice %arg4[%mul3A_4] : memref<8192xi32, #tpu.memory_space<hbm>> -> memref<256xi32, #tpu.memory_space<hbm>>
      %dma_start3A_3586 = tpu.memref_slice %arg4[%mul3A_4] : memref<8192xi32, #tpu.memory_space<hbm>> -> memref<256xi32, #tpu.memory_space<hbm>>
      tpu.enqueue_dma source(%dma_start3A_3586 : memref<256xi32, #tpu.memory_space<hbm>>) target(%arg11 : memref<256xi32, #tpu.memory_space<vmem>>) target_semaphore(%run_scoped3A : memref<!tpu.dma_semaphore, #tpu.memory_space<semaphore_mem>>)
      %dma_wait3A_3587 = tpu.memref_slice %arg4[%mul3A_4] : memref<8192xi32, #tpu.memory_space<hbm>> -> memref<256xi32, #tpu.memory_space<hbm>>
      %dma_wait3A_3588 = tpu.memref_slice %arg4[%mul3A_4] : memref<8192xi32, #tpu.memory_space<hbm>> -> memref<256xi32, #tpu.memory_space<hbm>>
      tpu.wait_dma2 semaphore(%run_scoped3A : memref<!tpu.dma_semaphore, #tpu.memory_space<semaphore_mem>>) src(%dma_wait3A_3588 : memref<256xi32, #tpu.memory_space<hbm>>) dst(%arg11 : memref<256xi32, #tpu.memory_space<vmem>>)
      tpu.yield
    }) : () -> ()
    %get3A = arith.constant 0 : index
    %get3A_9 = tpu.vector_load %arg10[%get3A] {strides = array<i32>} : memref<256xi32, #tpu.memory_space<vmem>>, vector<16xi32>,
    %get3A_10 = vector.shape_cast %get3A_9 : vector<16xi32> to vector<16xi32>
    %get3A_11 = arith.constant 0 : index
    %get3A_12 = tpu.vector_load %arg11[%get3A_11] {strides = array<i32>} : memref<256xi32, #tpu.memory_space<vmem>>, vector<16xi32>,
    %get3A_13 = vector.shape_cast %get3A_12 : vector<16xi32> to vector<16xi32>
    %shift_right_arithmetic3A = arith.constant 6 : i32
    %shift_right_arithmetic3A_14 = vector.broadcast %shift_right_arithmetic3A : i32 to vector<16xi32>
    %shift_right_arithmetic3A_15 = arith.shrsi %get3A_10, %shift_right_arithmetic3A_14 : vector<16xi32>
    %shift_right_arithmetic3A_16 = arith.constant 2 : i32
    %shift_right_arithmetic3A_17 = vector.broadcast %shift_right_arithmetic3A_16 : i32 to vector<16xi32>
    %shift_right_arithmetic3A_18 = arith.shrsi %get3A_10, %shift_right_arithmetic3A_17 : vector<16xi32>
    %and3A = arith.constant 15 : i32
    %and3A_19 = vector.broadcast %and3A : i32 to vector<16xi32>
    %and3A_20 = arith.andi %shift_right_arithmetic3A_18, %and3A_19 : vector<16xi32>
    %and3A_21 = arith.constant 3 : i32
    %and3A_22 = vector.broadcast %and3A_21 : i32 to vector<16xi32>
    %and3A_23 = arith.andi %get3A_10, %and3A_22 : vector<16xi32>
    %shift_left3A = arith.constant 2 : i32
    %shift_left3A_24 = vector.broadcast %shift_left3A : i32 to vector<16xi32>
    %shift_left3A_25 = arith.shli %and3A_23, %shift_left3A_24 : vector<16xi32>
    %shift_right_arithmetic3A_26 = arith.constant 8 : i32
    %shift_right_arithmetic3A_27 = vector.broadcast %shift_right_arithmetic3A_26 : i32 to vector<16xi32>
    %shift_right_arithmetic3A_28 = arith.shrsi %get3A_13, %shift_right_arithmetic3A_27 : vector<16xi32>
    %or3A = arith.ori %shift_left3A_25, %shift_right_arithmetic3A_28 : vector<16xi32>
    %shift_right_arithmetic3A_29 = arith.constant 4 : i32
    %shift_right_arithmetic3A_30 = vector.broadcast %shift_right_arithmetic3A_29 : i32 to vector<16xi32>
    %shift_right_arithmetic3A_31 = arith.shrsi %get3A_13, %shift_right_arithmetic3A_30 : vector<16xi32>
    %and3A_32 = arith.constant 15 : i32
    %and3A_33 = vector.broadcast %and3A_32 : i32 to vector<16xi32>
    %and3A_34 = arith.andi %shift_right_arithmetic3A_31, %and3A_33 : vector<16xi32>
    %and3A_35 = arith.constant 15 : i32
    %and3A_36 = vector.broadcast %and3A_35 : i32 to vector<16xi32>
    %and3A_37 = arith.andi %get3A_13, %and3A_36 : vector<16xi32>
    %shift_right_arithmetic3A_38 = arith.constant 2 : i32
    %shift_right_arithmetic3A_39 = vector.broadcast %shift_right_arithmetic3A_38 : i32 to vector<16xi32>
    %shift_right_arithmetic3A_40 = arith.shrsi %shift_right_arithmetic3A_15, %shift_right_arithmetic3A_39 : vector<16xi32>
    %mul3A_41 = arith.constant 2 : i32
    %mul3A_42 = vector.broadcast %mul3A_41 : i32 to vector<16xi32>
    %mul3A_43 = arith.muli %shift_right_arithmetic3A_40, %mul3A_42 : vector<16xi32>
    %sub3A = arith.constant 3 : i32
    %sub3A_44 = vector.broadcast %sub3A : i32 to vector<16xi32>
    %sub3A_45 = arith.subi %mul3A_43, %sub3A_44 : vector<16xi32>
    %convert_element_type3A = arith.sitofp %sub3A_45 : vector<16xi32> to vector<16xf32>
    %mul3A_46 = arith.constant 0.316227764 : f32
    %mul3A_47 = vector.broadcast %mul3A_46 : f32 to vector<16xf32>
    %mul3A_48 = arith.mulf %convert_element_type3A, %mul3A_47 : vector<16xf32>
    %swap3A = arith.constant 0 : i32
    %swap3A_49 = arith.index_cast %swap3A : i32 to index
    %swap3A_50 = arith.constant 0 : index
    %swap3A_51 = tpu.vector_load %arg12[%swap3A_49, %swap3A_50] {strides = array<i32>} : memref<10x256xf32, #tpu.memory_space<vmem>>, vector<1x16xf32>,
    %swap3A_52 = vector.shape_cast %swap3A_51 : vector<1x16xf32> to vector<16xf32>
    %swap3A_53 = vector.shape_cast %mul3A_48 : vector<16xf32> to vector<1x16xf32>
    tpu.vector_store %arg12[%swap3A_49, %swap3A_50], %swap3A_53 {strides = array<i32>} : memref<10x256xf32, #tpu.memory_space<vmem>>, vector<1x16xf32>,
    %and3A_54 = arith.constant 3 : i32
    %and3A_55 = vector.broadcast %and3A_54 : i32 to vector<16xi32>
    %and3A_56 = arith.andi %shift_right_arithmetic3A_15, %and3A_55 : vector<16xi32>
    %mul3A_57 = arith.constant 2 : i32
    %mul3A_58 = vector.broadcast %mul3A_57 : i32 to vector<16xi32>
    %mul3A_59 = arith.muli %and3A_56, %mul3A_58 : vector<16xi32>
    %sub3A_60 = arith.constant 3 : i32
    %sub3A_61 = vector.broadcast %sub3A_60 : i32 to vector<16xi32>
    %sub3A_62 = arith.subi %mul3A_59, %sub3A_61 : vector<16xi32>
    %convert_element_type3A_63 = arith.sitofp %sub3A_62 : vector<16xi32> to vector<16xf32>
    %mul3A_64 = arith.constant 0.316227764 : f32
    %mul3A_65 = vector.broadcast %mul3A_64 : f32 to vector<16xf32>
    %mul3A_66 = arith.mulf %convert_element_type3A_63, %mul3A_65 : vector<16xf32>
    %swap3A_67 = arith.constant 1 : i32
    %swap3A_68 = arith.index_cast %swap3A_67 : i32 to index
    %swap3A_69 = arith.constant 0 : index
    %swap3A_70 = tpu.vector_load %arg12[%swap3A_68, %swap3A_69] {strides = array<i32>} : memref<10x256xf32, #tpu.memory_space<vmem>>, vector<1x16xf32>,
    %swap3A_71 = vector.shape_cast %swap3A_70 : vector<1x16xf32> to vector<16xf32>
    %swap3A_72 = vector.shape_cast %mul3A_66 : vector<16xf32> to vector<1x16xf32>
    tpu.vector_store %arg12[%swap3A_68, %swap3A_69], %swap3A_72 {strides = array<i32>} : memref<10x256xf32, #tpu.memory_space<vmem>>, vector<1x16xf32>,
    %shift_right_arithmetic3A_73 = arith.constant 2 : i32
    %shift_right_arithmetic3A_74 = vector.broadcast %shift_right_arithmetic3A_73 : i32 to vector<16xi32>
    %shift_right_arithmetic3A_75 = arith.shrsi %and3A_20, %shift_right_arithmetic3A_74 : vector<16xi32>
    %mul3A_76 = arith.constant 2 : i32
    %mul3A_77 = vector.broadcast %mul3A_76 : i32 to vector<16xi32>
    %mul3A_78 = arith.muli %shift_right_arithmetic3A_75, %mul3A_77 : vector<16xi32>
    %sub3A_79 = arith.constant 3 : i32
    %sub3A_80 = vector.broadcast %sub3A_79 : i32 to vector<16xi32>
    %sub3A_81 = arith.subi %mul3A_78, %sub3A_80 : vector<16xi32>
    %convert_element_type3A_82 = arith.sitofp %sub3A_81 : vector<16xi32> to vector<16xf32>
    %mul3A_83 = arith.constant 0.316227764 : f32
    %mul3A_84 = vector.broadcast %mul3A_83 : f32 to vector<16xf32>
    %mul3A_85 = arith.mulf %convert_element_type3A_82, %mul3A_84 : vector<16xf32>
    %swap3A_86 = arith.constant 2 : i32
    %swap3A_87 = arith.index_cast %swap3A_86 : i32 to index
    %swap3A_88 = arith.constant 0 : index
    %swap3A_89 = tpu.vector_load %arg12[%swap3A_87, %swap3A_88] {strides = array<i32>} : memref<10x256xf32, #tpu.memory_space<vmem>>, vector<1x16xf32>,
    %swap3A_90 = vector.shape_cast %swap3A_89 : vector<1x16xf32> to vector<16xf32>
    %swap3A_91 = vector.shape_cast %mul3A_85 : vector<16xf32> to vector<1x16xf32>
    tpu.vector_store %arg12[%swap3A_87, %swap3A_88], %swap3A_91 {strides = array<i32>} : memref<10x256xf32, #tpu.memory_space<vmem>>, vector<1x16xf32>,
    %and3A_92 = arith.constant 3 : i32
    %and3A_93 = vector.broadcast %and3A_92 : i32 to vector<16xi32>
    %and3A_94 = arith.andi %and3A_20, %and3A_93 : vector<16xi32>
    %mul3A_95 = arith.constant 2 : i32
    %mul3A_96 = vector.broadcast %mul3A_95 : i32 to vector<16xi32>
    %mul3A_97 = arith.muli %and3A_94, %mul3A_96 : vector<16xi32>
    %sub3A_98 = arith.constant 3 : i32
    %sub3A_99 = vector.broadcast %sub3A_98 : i32 to vector<16xi32>
    %sub3A_100 = arith.subi %mul3A_97, %sub3A_99 : vector<16xi32>
    %convert_element_type3A_101 = arith.sitofp %sub3A_100 : vector<16xi32> to vector<16xf32>
    %mul3A_102 = arith.constant 0.316227764 : f32
    %mul3A_103 = vector.broadcast %mul3A_102 : f32 to vector<16xf32>
    %mul3A_104 = arith.mulf %convert_element_type3A_101, %mul3A_103 : vector<16xf32>
    %swap3A_105 = arith.constant 3 : i32
    %swap3A_106 = arith.index_cast %swap3A_105 : i32 to index
    %swap3A_107 = arith.constant 0 : index
    %swap3A_108 = tpu.vector_load %arg12[%swap3A_106, %swap3A_107] {strides = array<i32>} : memref<10x256xf32, #tpu.memory_space<vmem>>, vector<1x16xf32>,
    %swap3A_109 = vector.shape_cast %swap3A_108 : vector<1x16xf32> to vector<16xf32>
    %swap3A_110 = vector.shape_cast %mul3A_104 : vector<16xf32> to vector<1x16xf32>
    tpu.vector_store %arg12[%swap3A_106, %swap3A_107], %swap3A_110 {strides = array<i32>} : memref<10x256xf32, #tpu.memory_space<vmem>>, vector<1x16xf32>,
    %shift_right_arithmetic3A_111 = arith.constant 2 : i32
    %shift_right_arithmetic3A_112 = vector.broadcast %shift_right_arithmetic3A_111 : i32 to vector<16xi32>
    %shift_right_arithmetic3A_113 = arith.shrsi %or3A, %shift_right_arithmetic3A_112 : vector<16xi32>
    %mul3A_114 = arith.constant 2 : i32
    %mul3A_115 = vector.broadcast %mul3A_114 : i32 to vector<16xi32>
    %mul3A_116 = arith.muli %shift_right_arithmetic3A_113, %mul3A_115 : vector<16xi32>
    %sub3A_117 = arith.constant 3 : i32
    %sub3A_118 = vector.broadcast %sub3A_117 : i32 to vector<16xi32>
    %sub3A_119 = arith.subi %mul3A_116, %sub3A_118 : vector<16xi32>
    %convert_element_type3A_120 = arith.sitofp %sub3A_119 : vector<16xi32> to vector<16xf32>
    %mul3A_121 = arith.constant 0.316227764 : f32
    %mul3A_122 = vector.broadcast %mul3A_121 : f32 to vector<16xf32>
    %mul3A_123 = arith.mulf %convert_element_type3A_120, %mul3A_122 : vector<16xf32>
    %swap3A_124 = arith.constant 4 : i32
    %swap3A_125 = arith.index_cast %swap3A_124 : i32 to index
    %swap3A_126 = arith.constant 0 : index
    %swap3A_127 = tpu.vector_load %arg12[%swap3A_125, %swap3A_126] {strides = array<i32>} : memref<10x256xf32, #tpu.memory_space<vmem>>, vector<1x16xf32>,
    %swap3A_128 = vector.shape_cast %swap3A_127 : vector<1x16xf32> to vector<16xf32>
    %swap3A_129 = vector.shape_cast %mul3A_123 : vector<16xf32> to vector<1x16xf32>
    tpu.vector_store %arg12[%swap3A_125, %swap3A_126], %swap3A_129 {strides = array<i32>} : memref<10x256xf32, #tpu.memory_space<vmem>>, vector<1x16xf32>,
    %and3A_130 = arith.constant 3 : i32
    %and3A_131 = vector.broadcast %and3A_130 : i32 to vector<16xi32>
    %and3A_132 = arith.andi %or3A, %and3A_131 : vector<16xi32>
    %mul3A_133 = arith.constant 2 : i32
    %mul3A_134 = vector.broadcast %mul3A_133 : i32 to vector<16xi32>
    %mul3A_135 = arith.muli %and3A_132, %mul3A_134 : vector<16xi32>
    %sub3A_136 = arith.constant 3 : i32
    %sub3A_137 = vector.broadcast %sub3A_136 : i32 to vector<16xi32>
    %sub3A_138 = arith.subi %mul3A_135, %sub3A_137 : vector<16xi32>
    %convert_element_type3A_139 = arith.sitofp %sub3A_138 : vector<16xi32> to vector<16xf32>
    %mul3A_140 = arith.constant 0.316227764 : f32
    %mul3A_141 = vector.broadcast %mul3A_140 : f32 to vector<16xf32>
    %mul3A_142 = arith.mulf %convert_element_type3A_139, %mul3A_141 : vector<16xf32>
    %swap3A_143 = arith.constant 5 : i32
    %swap3A_144 = arith.index_cast %swap3A_143 : i32 to index
    %swap3A_145 = arith.constant 0 : index
    %swap3A_146 = tpu.vector_load %arg12[%swap3A_144, %swap3A_145] {strides = array<i32>} : memref<10x256xf32, #tpu.memory_space<vmem>>, vector<1x16xf32>,
    %swap3A_147 = vector.shape_cast %swap3A_146 : vector<1x16xf32> to vector<16xf32>
    %swap3A_148 = vector.shape_cast %mul3A_142 : vector<16xf32> to vector<1x16xf32>
    tpu.vector_store %arg12[%swap3A_144, %swap3A_145], %swap3A_148 {strides = array<i32>} : memref<10x256xf32, #tpu.memory_space<vmem>>, vector<1x16xf32>,
    %shift_right_arithmetic3A_149 = arith.constant 2 : i32
    %shift_right_arithmetic3A_150 = vector.broadcast %shift_right_arithmetic3A_149 : i32 to vector<16xi32>
    %shift_right_arithmetic3A_151 = arith.shrsi %and3A_34, %shift_right_arithmetic3A_150 : vector<16xi32>
    %mul3A_152 = arith.constant 2 : i32
    %mul3A_153 = vector.broadcast %mul3A_152 : i32 to vector<16xi32>
    %mul3A_154 = arith.muli %shift_right_arithmetic3A_151, %mul3A_153 : vector<16xi32>
    %sub3A_155 = arith.constant 3 : i32
    %sub3A_156 = vector.broadcast %sub3A_155 : i32 to vector<16xi32>
    %sub3A_157 = arith.subi %mul3A_154, %sub3A_156 : vector<16xi32>
    %convert_element_type3A_158 = arith.sitofp %sub3A_157 : vector<16xi32> to vector<16xf32>
    %mul3A_159 = arith.constant 0.316227764 : f32
    %mul3A_160 = vector.broadcast %mul3A_159 : f32 to vector<16xf32>
    %mul3A_161 = arith.mulf %convert_element_type3A_158, %mul3A_160 : vector<16xf32>
    %swap3A_162 = arith.constant 6 : i32
    %swap3A_163 = arith.index_cast %swap3A_162 : i32 to index
    %swap3A_164 = arith.constant 0 : index
    %swap3A_165 = tpu.vector_load %arg12[%swap3A_163, %swap3A_164] {strides = array<i32>} : memref<10x256xf32, #tpu.memory_space<vmem>>, vector<1x16xf32>,
    %swap3A_166 = vector.shape_cast %swap3A_165 : vector<1x16xf32> to vector<16xf32>
    %swap3A_167 = vector.shape_cast %mul3A_161 : vector<16xf32> to vector<1x16xf32>
    tpu.vector_store %arg12[%swap3A_163, %swap3A_164], %swap3A_167 {strides = array<i32>} : memref<10x256xf32, #tpu.memory_space<vmem>>, vector<1x16xf32>,
    %and3A_168 = arith.constant 3 : i32
    %and3A_169 = vector.broadcast %and3A_168 : i32 to vector<16xi32>
    %and3A_170 = arith.andi %and3A_34, %and3A_169 : vector<16xi32>
    %mul3A_171 = arith.constant 2 : i32
    %mul3A_172 = vector.broadcast %mul3A_171 : i32 to vector<16xi32>
    %mul3A_173 = arith.muli %and3A_170, %mul3A_172 : vector<16xi32>
    %sub3A_174 = arith.constant 3 : i32
    %sub3A_175 = vector.broadcast %sub3A_174 : i32 to vector<16xi32>
    %sub3A_176 = arith.subi %mul3A_173, %sub3A_175 : vector<16xi32>
    %convert_element_type3A_177 = arith.sitofp %sub3A_176 : vector<16xi32> to vector<16xf32>
    %mul3A_178 = arith.constant 0.316227764 : f32
    %mul3A_179 = vector.broadcast %mul3A_178 : f32 to vector<16xf32>
    %mul3A_180 = arith.mulf %convert_element_type3A_177, %mul3A_179 : vector<16xf32>
    %swap3A_181 = arith.constant 7 : i32
    %swap3A_182 = arith.index_cast %swap3A_181 : i32 to index
    %swap3A_183 = arith.constant 0 : index
    %swap3A_184 = tpu.vector_load %arg12[%swap3A_182, %swap3A_183] {strides = array<i32>} : memref<10x256xf32, #tpu.memory_space<vmem>>, vector<1x16xf32>,
    %swap3A_185 = vector.shape_cast %swap3A_184 : vector<1x16xf32> to vector<16xf32>
    %swap3A_186 = vector.shape_cast %mul3A_180 : vector<16xf32> to vector<1x16xf32>
    tpu.vector_store %arg12[%swap3A_182, %swap3A_183], %swap3A_186 {strides = array<i32>} : memref<10x256xf32, #tpu.memory_space<vmem>>, vector<1x16xf32>,
    %shift_right_arithmetic3A_187 = arith.constant 2 : i32
    %shift_right_arithmetic3A_188 = vector.broadcast %shift_right_arithmetic3A_187 : i32 to vector<16xi32>
    %shift_right_arithmetic3A_189 = arith.shrsi %and3A_37, %shift_right_arithmetic3A_188 : vector<16xi32>
    %mul3A_190 = arith.constant 2 : i32
    %mul3A_191 = vector.broadcast %mul3A_190 : i32 to vector<16xi32>
    %mul3A_192 = arith.muli %shift_right_arithmetic3A_189, %mul3A_191 : vector<16xi32>
    %sub3A_193 = arith.constant 3 : i32
    %sub3A_194 = vector.broadcast %sub3A_193 : i32 to vector<16xi32>
    %sub3A_195 = arith.subi %mul3A_192, %sub3A_194 : vector<16xi32>
    %convert_element_type3A_196 = arith.sitofp %sub3A_195 : vector<16xi32> to vector<16xf32>
    %mul3A_197 = arith.constant 0.316227764 : f32
    %mul3A_198 = vector.broadcast %mul3A_197 : f32 to vector<16xf32>
    %mul3A_199 = arith.mulf %convert_element_type3A_196, %mul3A_198 : vector<16xf32>
    %swap3A_200 = arith.constant 8 : i32
    %swap3A_201 = arith.index_cast %swap3A_200 : i32 to index
    %swap3A_202 = arith.constant 0 : index
    %swap3A_203 = tpu.vector_load %arg12[%swap3A_201, %swap3A_202] {strides = array<i32>} : memref<10x256xf32, #tpu.memory_space<vmem>>, vector<1x16xf32>,
    %swap3A_204 = vector.shape_cast %swap3A_203 : vector<1x16xf32> to vector<16xf32>
    %swap3A_205 = vector.shape_cast %mul3A_199 : vector<16xf32> to vector<1x16xf32>
    tpu.vector_store %arg12[%swap3A_201, %swap3A_202], %swap3A_205 {strides = array<i32>} : memref<10x256xf32, #tpu.memory_space<vmem>>, vector<1x16xf32>,
    %and3A_206 = arith.constant 3 : i32
    %and3A_207 = vector.broadcast %and3A_206 : i32 to vector<16xi32>
    %and3A_208 = arith.andi %and3A_37, %and3A_207 : vector<16xi32>
    %mul3A_209 = arith.constant 2 : i32
    %mul3A_210 = vector.broadcast %mul3A_209 : i32 to vector<16xi32>
    %mul3A_211 = arith.muli %and3A_208, %mul3A_210 : vector<16xi32>
    %sub3A_212 = arith.constant 3 : i32
    %sub3A_213 = vector.broadcast %sub3A_212 : i32 to vector<16xi32>
    %sub3A_214 = arith.subi %mul3A_211, %sub3A_213 : vector<16xi32>
    %convert_element_type3A_215 = arith.sitofp %sub3A_214 : vector<16xi32> to vector<16xf32>
    %mul3A_216 = arith.constant 0.316227764 : f32
    %mul3A_217 = vector.broadcast %mul3A_216 : f32 to vector<16xf32>
    %mul3A_218 = arith.mulf %convert_element_type3A_215, %mul3A_217 : vector<16xf32>
    %swap3A_219 = arith.constant 9 : i32
    %swap3A_220 = arith.index_cast %swap3A_219 : i32 to index
    %swap3A_221 = arith.constant 0 : index
    %swap3A_222 = tpu.vector_load %arg12[%swap3A_220, %swap3A_221] {strides = array<i32>} : memref<10x256xf32, #tpu.memory_space<vmem>>, vector<1x16xf32>,
    %swap3A_223 = vector.shape_cast %swap3A_222 : vector<1x16xf32> to vector<16xf32>
    %swap3A_224 = vector.shape_cast %mul3A_218 : vector<16xf32> to vector<1x16xf32>
    tpu.vector_store %arg12[%swap3A_220, %swap3A_221], %swap3A_224 {strides = array<i32>} : memref<10x256xf32, #tpu.memory_space<vmem>>, vector<1x16xf32>,
    %get3A_225 = arith.constant 16 : index
    %get3A_226 = tpu.vector_load %arg10[%get3A_225] {strides = array<i32>} : memref<256xi32, #tpu.memory_space<vmem>>, vector<16xi32>,
    %get3A_227 = vector.shape_cast %get3A_226 : vector<16xi32> to vector<16xi32>
    %get3A_228 = arith.constant 16 : index
    %get3A_229 = tpu.vector_load %arg11[%get3A_228] {strides = array<i32>} : memref<256xi32, #tpu.memory_space<vmem>>, vector<16xi32>,
    %get3A_230 = vector.shape_cast %get3A_229 : vector<16xi32> to vector<16xi32>
    %shift_right_arithmetic3A_231 = arith.constant 6 : i32
    %shift_right_arithmetic3A_232 = vector.broadcast %shift_right_arithmetic3A_231 : i32 to vector<16xi32>
    %shift_right_arithmetic3A_233 = arith.shrsi %get3A_227, %shift_right_arithmetic3A_232 : vector<16xi32>
    %shift_right_arithmetic3A_234 = arith.constant 2 : i32
    %shift_right_arithmetic3A_235 = vector.broadcast %shift_right_arithmetic3A_234 : i32 to vector<16xi32>
    %shift_right_arithmetic3A_236 = arith.shrsi %get3A_227, %shift_right_arithmetic3A_235 : vector<16xi32>
    %and3A_237 = arith.constant 15 : i32
    %and3A_238 = vector.broadcast %and3A_237 : i32 to vector<16xi32>
    %and3A_239 = arith.andi %shift_right_arithmetic3A_236, %and3A_238 : vector<16xi32>
    %and3A_240 = arith.constant 3 : i32
    %and3A_241 = vector.broadcast %and3A_240 : i32 to vector<16xi32>
    %and3A_242 = arith.andi %get3A_227, %and3A_241 : vector<16xi32>
    %shift_left3A_243 = arith.constant 2 : i32
    %shift_left3A_244 = vector.broadcast %shift_left3A_243 : i32 to vector<16xi32>
    %shift_left3A_245 = arith.shli %and3A_242, %shift_left3A_244 : vector<16xi32>
    %shift_right_arithmetic3A_246 = arith.constant 8 : i32
    %shift_right_arithmetic3A_247 = vector.broadcast %shift_right_arithmetic3A_246 : i32 to vector<16xi32>
    %shift_right_arithmetic3A_248 = arith.shrsi %get3A_230, %shift_right_arithmetic3A_247 : vector<16xi32>
    %or3A_249 = arith.ori %shift_left3A_245, %shift_right_arithmetic3A_248 : vector<16xi32>
    %shift_right_arithmetic3A_250 = arith.constant 4 : i32
    %shift_right_arithmetic3A_251 = vector.broadcast %shift_right_arithmetic3A_250 : i32 to vector<16xi32>
    %shift_right_arithmetic3A_252 = arith.shrsi %get3A_230, %shift_right_arithmetic3A_251 : vector<16xi32>
    %and3A_253 = arith.constant 15 : i32
    %and3A_254 = vector.broadcast %and3A_253 : i32 to vector<16xi32>
    %and3A_255 = arith.andi %shift_right_arithmetic3A_252, %and3A_254 : vector<16xi32>
    %and3A_256 = arith.constant 15 : i32
    %and3A_257 = vector.broadcast %and3A_256 : i32 to vector<16xi32>
    %and3A_258 = arith.andi %get3A_230, %and3A_257 : vector<16xi32>
    %shift_right_arithmetic3A_259 = arith.constant 2 : i32
    %shift_right_arithmetic3A_260 = vector.broadcast %shift_right_arithmetic3A_259 : i32 to vector<16xi32>
    %shift_right_arithmetic3A_261 = arith.shrsi %shift_right_arithmetic3A_233, %shift_right_arithmetic3A_260 : vector<16xi32>
    %mul3A_262 = arith.constant 2 : i32
    %mul3A_263 = vector.broadcast %mul3A_262 : i32 to vector<16xi32>
    %mul3A_264 = arith.muli %shift_right_arithmetic3A_261, %mul3A_263 : vector<16xi32>
    %sub3A_265 = arith.constant 3 : i32
    %sub3A_266 = vector.broadcast %sub3A_265 : i32 to vector<16xi32>
    %sub3A_267 = arith.subi %mul3A_264, %sub3A_266 : vector<16xi32>
    %convert_element_type3A_268 = arith.sitofp %sub3A_267 : vector<16xi32> to vector<16xf32>
    %mul3A_269 = arith.constant 0.316227764 : f32
    %mul3A_270 = vector.broadcast %mul3A_269 : f32 to vector<16xf32>
    %mul3A_271 = arith.mulf %convert_element_type3A_268, %mul3A_270 : vector<16xf32>
    %swap3A_272 = arith.constant 0 : i32
    %swap3A_273 = arith.index_cast %swap3A_272 : i32 to index
    %swap3A_274 = arith.constant 16 : index
    %swap3A_275 = tpu.vector_load %arg12[%swap3A_273, %swap3A_274] {strides = array<i32>} : memref<10x256xf32, #tpu.memory_space<vmem>>, vector<1x16xf32>,
    %swap3A_276 = vector.shape_cast %swap3A_275 : vector<1x16xf32> to vector<16xf32>
    %swap3A_277 = vector.shape_cast %mul3A_271 : vector<16xf32> to vector<1x16xf32>
    tpu.vector_store %arg12[%swap3A_273, %swap3A_274], %swap3A_277 {strides = array<i32>} : memref<10x256xf32, #tpu.memory_space<vmem>>, vector<1x16xf32>,
    %and3A_278 = arith.constant 3 : i32
    %and3A_279 = vector.broadcast %and3A_278 : i32 to vector<16xi32>
    %and3A_280 = arith.andi %shift_right_arithmetic3A_233, %and3A_279 : vector<16xi32>
    %mul3A_281 = arith.constant 2 : i32
    %mul3A_282 = vector.broadcast %mul3A_281 : i32 to vector<16xi32>
    %mul3A_283 = arith.muli %and3A_280, %mul3A_282 : vector<16xi32>
    %sub3A_284 = arith.constant 3 : i32
    %sub3A_285 = vector.broadcast %sub3A_284 : i32 to vector<16xi32>
    %sub3A_286 = arith.subi %mul3A_283, %sub3A_285 : vector<16xi32>
    %convert_element_type3A_287 = arith.sitofp %sub3A_286 : vector<16xi32> to vector<16xf32>
    %mul3A_288 = arith.constant 0.316227764 : f32
    %mul3A_289 = vector.broadcast %mul3A_288 : f32 to vector<16xf32>
    %mul3A_290 = arith.mulf %convert_element_type3A_287, %mul3A_289 : vector<16xf32>
    %swap3A_291 = arith.constant 1 : i32
    %swap3A_292 = arith.index_cast %swap3A_291 : i32 to index
    %swap3A_293 = arith.constant 16 : index
    %swap3A_294 = tpu.vector_load %arg12[%swap3A_292, %swap3A_293] {strides = array<i32>} : memref<10x256xf32, #tpu.memory_space<vmem>>, vector<1x16xf32>,
    %swap3A_295 = vector.shape_cast %swap3A_294 : vector<1x16xf32> to vector<16xf32>
    %swap3A_296 = vector.shape_cast %mul3A_290 : vector<16xf32> to vector<1x16xf32>
    tpu.vector_store %arg12[%swap3A_292, %swap3A_293], %swap3A_296 {strides = array<i32>} : memref<10x256xf32, #tpu.memory_space<vmem>>, vector<1x16xf32>,
    %shift_right_arithmetic3A_297 = arith.constant 2 : i32
    %shift_right_arithmetic3A_298 = vector.broadcast %shift_right_arithmetic3A_297 : i32 to vector<16xi32>
    %shift_right_arithmetic3A_299 = arith.shrsi %and3A_239, %shift_right_arithmetic3A_298 : vector<16xi32>
    %mul3A_300 = arith.constant 2 : i32
    %mul3A_301 = vector.broadcast %mul3A_300 : i32 to vector<16xi32>
    %mul3A_302 = arith.muli %shift_right_arithmetic3A_299, %mul3A_301 : vector<16xi32>
    %sub3A_303 = arith.constant 3 : i32
    %sub3A_304 = vector.broadcast %sub3A_303 : i32 to vector<16xi32>
    %sub3A_305 = arith.subi %mul3A_302, %sub3A_304 : vector<16xi32>
    %convert_element_type3A_306 = arith.sitofp %sub3A_305 : vector<16xi32> to vector<16xf32>
    %mul3A_307 = arith.constant 0.316227764 : f32
    %mul3A_308 = vector.broadcast %mul3A_307 : f32 to vector<16xf32>
    %mul3A_309 = arith.mulf %convert_element_type3A_306, %mul3A_308 : vector<16xf32>
    %swap3A_310 = arith.constant 2 : i32
    %swap3A_311 = arith.index_cast %swap3A_310 : i32 to index
    %swap3A_312 = arith.constant 16 : index
    %swap3A_313 = tpu.vector_load %arg12[%swap3A_311, %swap3A_312] {strides = array<i32>} : memref<10x256xf32, #tpu.memory_space<vmem>>, vector<1x16xf32>,
    %swap3A_314 = vector.shape_cast %swap3A_313 : vector<1x16xf32> to vector<16xf32>
    %swap3A_315 = vector.shape_cast %mul3A_309 : vector<16xf32> to vector<1x16xf32>
    tpu.vector_store %arg12[%swap3A_311, %swap3A_312], %swap3A_315 {strides = array<i32>} : memref<10x256xf32, #tpu.memory_space<vmem>>, vector<1x16xf32>,
    %and3A_316 = arith.constant 3 : i32
    %and3A_317 = vector.broadcast %and3A_316 : i32 to vector<16xi32>
    %and3A_318 = arith.andi %and3A_239, %and3A_317 : vector<16xi32>
    %mul3A_319 = arith.constant 2 : i32
    %mul3A_320 = vector.broadcast %mul3A_319 : i32 to vector<16xi32>
    %mul3A_321 = arith.muli %and3A_318, %mul3A_320 : vector<16xi32>
    %sub3A_322 = arith.constant 3 : i32
    %sub3A_323 = vector.broadcast %sub3A_322 : i32 to vector<16xi32>
    %sub3A_324 = arith.subi %mul3A_321, %sub3A_323 : vector<16xi32>
    %convert_element_type3A_325 = arith.sitofp %sub3A_324 : vector<16xi32> to vector<16xf32>
    %mul3A_326 = arith.constant 0.316227764 : f32
    %mul3A_327 = vector.broadcast %mul3A_326 : f32 to vector<16xf32>
    %mul3A_328 = arith.mulf %convert_element_type3A_325, %mul3A_327 : vector<16xf32>
    %swap3A_329 = arith.constant 3 : i32
    %swap3A_330 = arith.index_cast %swap3A_329 : i32 to index
    %swap3A_331 = arith.constant 16 : index
    %swap3A_332 = tpu.vector_load %arg12[%swap3A_330, %swap3A_331] {strides = array<i32>} : memref<10x256xf32, #tpu.memory_space<vmem>>, vector<1x16xf32>,
    %swap3A_333 = vector.shape_cast %swap3A_332 : vector<1x16xf32> to vector<16xf32>
    %swap3A_334 = vector.shape_cast %mul3A_328 : vector<16xf32> to vector<1x16xf32>
    tpu.vector_store %arg12[%swap3A_330, %swap3A_331], %swap3A_334 {strides = array<i32>} : memref<10x256xf32, #tpu.memory_space<vmem>>, vector<1x16xf32>,
    %shift_right_arithmetic3A_335 = arith.constant 2 : i32
    %shift_right_arithmetic3A_336 = vector.broadcast %shift_right_arithmetic3A_335 : i32 to vector<16xi32>
    %shift_right_arithmetic3A_337 = arith.shrsi %or3A_249, %shift_right_arithmetic3A_336 : vector<16xi32>
    %mul3A_338 = arith.constant 2 : i32
    %mul3A_339 = vector.broadcast %mul3A_338 : i32 to vector<16xi32>
    %mul3A_340 = arith.muli %shift_right_arithmetic3A_337, %mul3A_339 : vector<16xi32>
    %sub3A_341 = arith.constant 3 : i32
    %sub3A_342 = vector.broadcast %sub3A_341 : i32 to vector<16xi32>
    %sub3A_343 = arith.subi %mul3A_340, %sub3A_342 : vector<16xi32>
    %convert_element_type3A_344 = arith.sitofp %sub3A_343 : vector<16xi32> to vector<16xf32>
    %mul3A_345 = arith.constant 0.316227764 : f32
    %mul3A_346 = vector.broadcast %mul3A_345 : f32 to vector<16xf32>
    %mul3A_347 = arith.mulf %convert_element_type3A_344, %mul3A_346 : vector<16xf32>
    %swap3A_348 = arith.constant 4 : i32
    %swap3A_349 = arith.index_cast %swap3A_348 : i32 to index
    %swap3A_350 = arith.constant 16 : index
    %swap3A_351 = tpu.vector_load %arg12[%swap3A_349, %swap3A_350] {strides = array<i32>} : memref<10x256xf32, #tpu.memory_space<vmem>>, vector<1x16xf32>,
    %swap3A_352 = vector.shape_cast %swap3A_351 : vector<1x16xf32> to vector<16xf32>
    %swap3A_353 = vector.shape_cast %mul3A_347 : vector<16xf32> to vector<1x16xf32>
    tpu.vector_store %arg12[%swap3A_349, %swap3A_350], %swap3A_353 {strides = array<i32>} : memref<10x256xf32, #tpu.memory_space<vmem>>, vector<1x16xf32>,
    %and3A_354 = arith.constant 3 : i32
    %and3A_355 = vector.broadcast %and3A_354 : i32 to vector<16xi32>
    %and3A_356 = arith.andi %or3A_249, %and3A_355 : vector<16xi32>
    %mul3A_357 = arith.constant 2 : i32
    %mul3A_358 = vector.broadcast %mul3A_357 : i32 to vector<16xi32>
    %mul3A_359 = arith.muli %and3A_356, %mul3A_358 : vector<16xi32>
    %sub3A_360 = arith.constant 3 : i32
    %sub3A_361 = vector.broadcast %sub3A_360 : i32 to vector<16xi32>
    %sub3A_362 = arith.subi %mul3A_359, %sub3A_361 : vector<16xi32>
    %convert_element_type3A_363 = arith.sitofp %sub3A_362 : vector<16xi32> to vector<16xf32>
    %mul3A_364 = arith.constant 0.316227764 : f32
    %mul3A_365 = vector.broadcast %mul3A_364 : f32 to vector<16xf32>
    %mul3A_366 = arith.mulf %convert_element_type3A_363, %mul3A_365 : vector<16xf32>
    %swap3A_367 = arith.constant 5 : i32
    %swap3A_368 = arith.index_cast %swap3A_367 : i32 to index
    %swap3A_369 = arith.constant 16 : index
    %swap3A_370 = tpu.vector_load %arg12[%swap3A_368, %swap3A_369] {strides = array<i32>} : memref<10x256xf32, #tpu.memory_space<vmem>>, vector<1x16xf32>,
    %swap3A_371 = vector.shape_cast %swap3A_370 : vector<1x16xf32> to vector<16xf32>
    %swap3A_372 = vector.shape_cast %mul3A_366 : vector<16xf32> to vector<1x16xf32>
    tpu.vector_store %arg12[%swap3A_368, %swap3A_369], %swap3A_372 {strides = array<i32>} : memref<10x256xf32, #tpu.memory_space<vmem>>, vector<1x16xf32>,
    %shift_right_arithmetic3A_373 = arith.constant 2 : i32
    %shift_right_arithmetic3A_374 = vector.broadcast %shift_right_arithmetic3A_373 : i32 to vector<16xi32>
    %shift_right_arithmetic3A_375 = arith.shrsi %and3A_255, %shift_right_arithmetic3A_374 : vector<16xi32>
    %mul3A_376 = arith.constant 2 : i32
    %mul3A_377 = vector.broadcast %mul3A_376 : i32 to vector<16xi32>
    %mul3A_378 = arith.muli %shift_right_arithmetic3A_375, %mul3A_377 : vector<16xi32>
    %sub3A_379 = arith.constant 3 : i32
    %sub3A_380 = vector.broadcast %sub3A_379 : i32 to vector<16xi32>
    %sub3A_381 = arith.subi %mul3A_378, %sub3A_380 : vector<16xi32>
    %convert_element_type3A_382 = arith.sitofp %sub3A_381 : vector<16xi32> to vector<16xf32>
    %mul3A_383 = arith.constant 0.316227764 : f32
    %mul3A_384 = vector.broadcast %mul3A_383 : f32 to vector<16xf32>
    %mul3A_385 = arith.mulf %convert_element_type3A_382, %mul3A_384 : vector<16xf32>
    %swap3A_386 = arith.constant 6 : i32
    %swap3A_387 = arith.index_cast %swap3A_386 : i32 to index
    %swap3A_388 = arith.constant 16 : index
    %swap3A_389 = tpu.vector_load %arg12[%swap3A_387, %swap3A_388] {strides = array<i32>} : memref<10x256xf32, #tpu.memory_space<vmem>>, vector<1x16xf32>,
    %swap3A_390 = vector.shape_cast %swap3A_389 : vector<1x16xf32> to vector<16xf32>
    %swap3A_391 = vector.shape_cast %mul3A_385 : vector<16xf32> to vector<1x16xf32>
    tpu.vector_store %arg12[%swap3A_387, %swap3A_388], %swap3A_391 {strides = array<i32>} : memref<10x256xf32, #tpu.memory_space<vmem>>, vector<1x16xf32>,
    %and3A_392 = arith.constant 3 : i32
    %and3A_393 = vector.broadcast %and3A_392 : i32 to vector<16xi32>
    %and3A_394 = arith.andi %and3A_255, %and3A_393 : vector<16xi32>
    %mul3A_395 = arith.constant 2 : i32
    %mul3A_396 = vector.broadcast %mul3A_395 : i32 to vector<16xi32>
    %mul3A_397 = arith.muli %and3A_394, %mul3A_396 : vector<16xi32>
    %sub3A_398 = arith.constant 3 : i32
    %sub3A_399 = vector.broadcast %sub3A_398 : i32 to vector<16xi32>
    %sub3A_400 = arith.subi %mul3A_397, %sub3A_399 : vector<16xi32>
    %convert_element_type3A_401 = arith.sitofp %sub3A_400 : vector<16xi32> to vector<16xf32>
    %mul3A_402 = arith.constant 0.316227764 : f32
    %mul3A_403 = vector.broadcast %mul3A_402 : f32 to vector<16xf32>
    %mul3A_404 = arith.mulf %convert_element_type3A_401, %mul3A_403 : vector<16xf32>
    %swap3A_405 = arith.constant 7 : i32
    %swap3A_406 = arith.index_cast %swap3A_405 : i32 to index
    %swap3A_407 = arith.constant 16 : index
    %swap3A_408 = tpu.vector_load %arg12[%swap3A_406, %swap3A_407] {strides = array<i32>} : memref<10x256xf32, #tpu.memory_space<vmem>>, vector<1x16xf32>,
    %swap3A_409 = vector.shape_cast %swap3A_408 : vector<1x16xf32> to vector<16xf32>
    %swap3A_410 = vector.shape_cast %mul3A_404 : vector<16xf32> to vector<1x16xf32>
    tpu.vector_store %arg12[%swap3A_406, %swap3A_407], %swap3A_410 {strides = array<i32>} : memref<10x256xf32, #tpu.memory_space<vmem>>, vector<1x16xf32>,
    %shift_right_arithmetic3A_411 = arith.constant 2 : i32
    %shift_right_arithmetic3A_412 = vector.broadcast %shift_right_arithmetic3A_411 : i32 to vector<16xi32>
    %shift_right_arithmetic3A_413 = arith.shrsi %and3A_258, %shift_right_arithmetic3A_412 : vector<16xi32>
    %mul3A_414 = arith.constant 2 : i32
    %mul3A_415 = vector.broadcast %mul3A_414 : i32 to vector<16xi32>
    %mul3A_416 = arith.muli %shift_right_arithmetic3A_413, %mul3A_415 : vector<16xi32>
    %sub3A_417 = arith.constant 3 : i32
    %sub3A_418 = vector.broadcast %sub3A_417 : i32 to vector<16xi32>
    %sub3A_419 = arith.subi %mul3A_416, %sub3A_418 : vector<16xi32>
    %convert_element_type3A_420 = arith.sitofp %sub3A_419 : vector<16xi32> to vector<16xf32>
    %mul3A_421 = arith.constant 0.316227764 : f32
    %mul3A_422 = vector.broadcast %mul3A_421 : f32 to vector<16xf32>
    %mul3A_423 = arith.mulf %convert_element_type3A_420, %mul3A_422 : vector<16xf32>
    %swap3A_424 = arith.constant 8 : i32
    %swap3A_425 = arith.index_cast %swap3A_424 : i32 to index
    %swap3A_426 = arith.constant 16 : index
    %swap3A_427 = tpu.vector_load %arg12[%swap3A_425, %swap3A_426] {strides = array<i32>} : memref<10x256xf32, #tpu.memory_space<vmem>>, vector<1x16xf32>,
    %swap3A_428 = vector.shape_cast %swap3A_427 : vector<1x16xf32> to vector<16xf32>
    %swap3A_429 = vector.shape_cast %mul3A_423 : vector<16xf32> to vector<1x16xf32>
    tpu.vector_store %arg12[%swap3A_425, %swap3A_426], %swap3A_429 {strides = array<i32>} : memref<10x256xf32, #tpu.memory_space<vmem>>, vector<1x16xf32>,
    %and3A_430 = arith.constant 3 : i32
    %and3A_431 = vector.broadcast %and3A_430 : i32 to vector<16xi32>
    %and3A_432 = arith.andi %and3A_258, %and3A_431 : vector<16xi32>
    %mul3A_433 = arith.constant 2 : i32
    %mul3A_434 = vector.broadcast %mul3A_433 : i32 to vector<16xi32>
    %mul3A_435 = arith.muli %and3A_432, %mul3A_434 : vector<16xi32>
    %sub3A_436 = arith.constant 3 : i32
    %sub3A_437 = vector.broadcast %sub3A_436 : i32 to vector<16xi32>
    %sub3A_438 = arith.subi %mul3A_435, %sub3A_437 : vector<16xi32>
    %convert_element_type3A_439 = arith.sitofp %sub3A_438 : vector<16xi32> to vector<16xf32>
    %mul3A_440 = arith.constant 0.316227764 : f32
    %mul3A_441 = vector.broadcast %mul3A_440 : f32 to vector<16xf32>
    %mul3A_442 = arith.mulf %convert_element_type3A_439, %mul3A_441 : vector<16xf32>
    %swap3A_443 = arith.constant 9 : i32
    %swap3A_444 = arith.index_cast %swap3A_443 : i32 to index
    %swap3A_445 = arith.constant 16 : index
    %swap3A_446 = tpu.vector_load %arg12[%swap3A_444, %swap3A_445] {strides = array<i32>} : memref<10x256xf32, #tpu.memory_space<vmem>>, vector<1x16xf32>,
    %swap3A_447 = vector.shape_cast %swap3A_446 : vector<1x16xf32> to vector<16xf32>
    %swap3A_448 = vector.shape_cast %mul3A_442 : vector<16xf32> to vector<1x16xf32>
    tpu.vector_store %arg12[%swap3A_444, %swap3A_445], %swap3A_448 {strides = array<i32>} : memref<10x256xf32, #tpu.memory_space<vmem>>, vector<1x16xf32>,
    %get3A_449 = arith.constant 32 : index
    %get3A_450 = tpu.vector_load %arg10[%get3A_449] {strides = array<i32>} : memref<256xi32, #tpu.memory_space<vmem>>, vector<16xi32>,
    %get3A_451 = vector.shape_cast %get3A_450 : vector<16xi32> to vector<16xi32>
    %get3A_452 = arith.constant 32 : index
    %get3A_453 = tpu.vector_load %arg11[%get3A_452] {strides = array<i32>} : memref<256xi32, #tpu.memory_space<vmem>>, vector<16xi32>,
    %get3A_454 = vector.shape_cast %get3A_453 : vector<16xi32> to vector<16xi32>
    %shift_right_arithmetic3A_455 = arith.constant 6 : i32
    %shift_right_arithmetic3A_456 = vector.broadcast %shift_right_arithmetic3A_455 : i32 to vector<16xi32>
    %shift_right_arithmetic3A_457 = arith.shrsi %get3A_451, %shift_right_arithmetic3A_456 : vector<16xi32>
    %shift_right_arithmetic3A_458 = arith.constant 2 : i32
    %shift_right_arithmetic3A_459 = vector.broadcast %shift_right_arithmetic3A_458 : i32 to vector<16xi32>
    %shift_right_arithmetic3A_460 = arith.shrsi %get3A_451, %shift_right_arithmetic3A_459 : vector<16xi32>
    %and3A_461 = arith.constant 15 : i32
    %and3A_462 = vector.broadcast %and3A_461 : i32 to vector<16xi32>
    %and3A_463 = arith.andi %shift_right_arithmetic3A_460, %and3A_462 : vector<16xi32>
    %and3A_464 = arith.constant 3 : i32
    %and3A_465 = vector.broadcast %and3A_464 : i32 to vector<16xi32>
    %and3A_466 = arith.andi %get3A_451, %and3A_465 : vector<16xi32>
    %shift_left3A_467 = arith.constant 2 : i32
    %shift_left3A_468 = vector.broadcast %shift_left3A_467 : i32 to vector<16xi32>
    %shift_left3A_469 = arith.shli %and3A_466, %shift_left3A_468 : vector<16xi32>
    %shift_right_arithmetic3A_470 = arith.constant 8 : i32
    %shift_right_arithmetic3A_471 = vector.broadcast %shift_right_arithmetic3A_470 : i32 to vector<16xi32>
    %shift_right_arithmetic3A_472 = arith.shrsi %get3A_454, %shift_right_arithmetic3A_471 : vector<16xi32>
    %or3A_473 = arith.ori %shift_left3A_469, %shift_right_arithmetic3A_472 : vector<16xi32>
    %shift_right_arithmetic3A_474 = arith.constant 4 : i32
    %shift_right_arithmetic3A_475 = vector.broadcast %shift_right_arithmetic3A_474 : i32 to vector<16xi32>
    %shift_right_arithmetic3A_476 = arith.shrsi %get3A_454, %shift_right_arithmetic3A_475 : vector<16xi32>
    %and3A_477 = arith.constant 15 : i32
    %and3A_478 = vector.broadcast %and3A_477 : i32 to vector<16xi32>
    %and3A_479 = arith.andi %shift_right_arithmetic3A_476, %and3A_478 : vector<16xi32>
    %and3A_480 = arith.constant 15 : i32
    %and3A_481 = vector.broadcast %and3A_480 : i32 to vector<16xi32>
    %and3A_482 = arith.andi %get3A_454, %and3A_481 : vector<16xi32>
    %shift_right_arithmetic3A_483 = arith.constant 2 : i32
    %shift_right_arithmetic3A_484 = vector.broadcast %shift_right_arithmetic3A_483 : i32 to vector<16xi32>
    %shift_right_arithmetic3A_485 = arith.shrsi %shift_right_arithmetic3A_457, %shift_right_arithmetic3A_484 : vector<16xi32>
    %mul3A_486 = arith.constant 2 : i32
    %mul3A_487 = vector.broadcast %mul3A_486 : i32 to vector<16xi32>
    %mul3A_488 = arith.muli %shift_right_arithmetic3A_485, %mul3A_487 : vector<16xi32>
    %sub3A_489 = arith.constant 3 : i32
    %sub3A_490 = vector.broadcast %sub3A_489 : i32 to vector<16xi32>
    %sub3A_491 = arith.subi %mul3A_488, %sub3A_490 : vector<16xi32>
    %convert_element_type3A_492 = arith.sitofp %sub3A_491 : vector<16xi32> to vector<16xf32>
    %mul3A_493 = arith.constant 0.316227764 : f32
    %mul3A_494 = vector.broadcast %mul3A_493 : f32 to vector<16xf32>
    %mul3A_495 = arith.mulf %convert_element_type3A_492, %mul3A_494 : vector<16xf32>
    %swap3A_496 = arith.constant 0 : i32
    %swap3A_497 = arith.index_cast %swap3A_496 : i32 to index
    %swap3A_498 = arith.constant 32 : index
    %swap3A_499 = tpu.vector_load %arg12[%swap3A_497, %swap3A_498] {strides = array<i32>} : memref<10x256xf32, #tpu.memory_space<vmem>>, vector<1x16xf32>,
    %swap3A_500 = vector.shape_cast %swap3A_499 : vector<1x16xf32> to vector<16xf32>
    %swap3A_501 = vector.shape_cast %mul3A_495 : vector<16xf32> to vector<1x16xf32>
    tpu.vector_store %arg12[%swap3A_497, %swap3A_498], %swap3A_501 {strides = array<i32>} : memref<10x256xf32, #tpu.memory_space<vmem>>, vector<1x16xf32>,
    %and3A_502 = arith.constant 3 : i32
    %and3A_503 = vector.broadcast %and3A_502 : i32 to vector<16xi32>
    %and3A_504 = arith.andi %shift_right_arithmetic3A_457, %and3A_503 : vector<16xi32>
    %mul3A_505 = arith.constant 2 : i32
    %mul3A_506 = vector.broadcast %mul3A_505 : i32 to vector<16xi32>
    %mul3A_507 = arith.muli %and3A_504, %mul3A_506 : vector<16xi32>
    %sub3A_508 = arith.constant 3 : i32
    %sub3A_509 = vector.broadcast %sub3A_508 : i32 to vector<16xi32>
    %sub3A_510 = arith.subi %mul3A_507, %sub3A_509 : vector<16xi32>
    %convert_element_type3A_511 = arith.sitofp %sub3A_510 : vector<16xi32> to vector<16xf32>
    %mul3A_512 = arith.constant 0.316227764 : f32
    %mul3A_513 = vector.broadcast %mul3A_512 : f32 to vector<16xf32>
    %mul3A_514 = arith.mulf %convert_element_type3A_511, %mul3A_513 : vector<16xf32>
    %swap3A_515 = arith.constant 1 : i32
    %swap3A_516 = arith.index_cast %swap3A_515 : i32 to index
    %swap3A_517 = arith.constant 32 : index
    %swap3A_518 = tpu.vector_load %arg12[%swap3A_516, %swap3A_517] {strides = array<i32>} : memref<10x256xf32, #tpu.memory_space<vmem>>, vector<1x16xf32>,
    %swap3A_519 = vector.shape_cast %swap3A_518 : vector<1x16xf32> to vector<16xf32>
    %swap3A_520 = vector.shape_cast %mul3A_514 : vector<16xf32> to vector<1x16xf32>
    tpu.vector_store %arg12[%swap3A_516, %swap3A_517], %swap3A_520 {strides = array<i32>} : memref<10x256xf32, #tpu.memory_space<vmem>>, vector<1x16xf32>,
    %shift_right_arithmetic3A_521 = arith.constant 2 : i32
    %shift_right_arithmetic3A_522 = vector.broadcast %shift_right_arithmetic3A_521 : i32 to vector<16xi32>
    %shift_right_arithmetic3A_523 = arith.shrsi %and3A_463, %shift_right_arithmetic3A_522 : vector<16xi32>
    %mul3A_524 = arith.constant 2 : i32
    %mul3A_525 = vector.broadcast %mul3A_524 : i32 to vector<16xi32>
    %mul3A_526 = arith.muli %shift_right_arithmetic3A_523, %mul3A_525 : vector<16xi32>
    %sub3A_527 = arith.constant 3 : i32
    %sub3A_528 = vector.broadcast %sub3A_527 : i32 to vector<16xi32>
    %sub3A_529 = arith.subi %mul3A_526, %sub3A_528 : vector<16xi32>
    %convert_element_type3A_530 = arith.sitofp %sub3A_529 : vector<16xi32> to vector<16xf32>
    %mul3A_531 = arith.constant 0.316227764 : f32
    %mul3A_532 = vector.broadcast %mul3A_531 : f32 to vector<16xf32>
    %mul3A_533 = arith.mulf %convert_element_type3A_530, %mul3A_532 : vector<16xf32>
    %swap3A_534 = arith.constant 2 : i32
    %swap3A_535 = arith.index_cast %swap3A_534 : i32 to index
    %swap3A_536 = arith.constant 32 : index
    %swap3A_537 = tpu.vector_load %arg12[%swap3A_535, %swap3A_536] {strides = array<i32>} : memref<10x256xf32, #tpu.memory_space<vmem>>, vector<1x16xf32>,
    %swap3A_538 = vector.shape_cast %swap3A_537 : vector<1x16xf32> to vector<16xf32>
    %swap3A_539 = vector.shape_cast %mul3A_533 : vector<16xf32> to vector<1x16xf32>
    tpu.vector_store %arg12[%swap3A_535, %swap3A_536], %swap3A_539 {strides = array<i32>} : memref<10x256xf32, #tpu.memory_space<vmem>>, vector<1x16xf32>,
    %and3A_540 = arith.constant 3 : i32
    %and3A_541 = vector.broadcast %and3A_540 : i32 to vector<16xi32>
    %and3A_542 = arith.andi %and3A_463, %and3A_541 : vector<16xi32>
    %mul3A_543 = arith.constant 2 : i32
    %mul3A_544 = vector.broadcast %mul3A_543 : i32 to vector<16xi32>
    %mul3A_545 = arith.muli %and3A_542, %mul3A_544 : vector<16xi32>
    %sub3A_546 = arith.constant 3 : i32
    %sub3A_547 = vector.broadcast %sub3A_546 : i32 to vector<16xi32>
    %sub3A_548 = arith.subi %mul3A_545, %sub3A_547 : vector<16xi32>
    %convert_element_type3A_549 = arith.sitofp %sub3A_548 : vector<16xi32> to vector<16xf32>
    %mul3A_550 = arith.constant 0.316227764 : f32
    %mul3A_551 = vector.broadcast %mul3A_550 : f32 to vector<16xf32>
    %mul3A_552 = arith.mulf %convert_element_type3A_549, %mul3A_551 : vector<16xf32>
    %swap3A_553 = arith.constant 3 : i32
    %swap3A_554 = arith.index_cast %swap3A_553 : i32 to index
    %swap3A_555 = arith.constant 32 : index
    %swap3A_556 = tpu.vector_load %arg12[%swap3A_554, %swap3A_555] {strides = array<i32>} : memref<10x256xf32, #tpu.memory_space<vmem>>, vector<1x16xf32>,
    %swap3A_557 = vector.shape_cast %swap3A_556 : vector<1x16xf32> to vector<16xf32>
    %swap3A_558 = vector.shape_cast %mul3A_552 : vector<16xf32> to vector<1x16xf32>
    tpu.vector_store %arg12[%swap3A_554, %swap3A_555], %swap3A_558 {strides = array<i32>} : memref<10x256xf32, #tpu.memory_space<vmem>>, vector<1x16xf32>,
    %shift_right_arithmetic3A_559 = arith.constant 2 : i32
    %shift_right_arithmetic3A_560 = vector.broadcast %shift_right_arithmetic3A_559 : i32 to vector<16xi32>
    %shift_right_arithmetic3A_561 = arith.shrsi %or3A_473, %shift_right_arithmetic3A_560 : vector<16xi32>
    %mul3A_562 = arith.constant 2 : i32
    %mul3A_563 = vector.broadcast %mul3A_562 : i32 to vector<16xi32>
    %mul3A_564 = arith.muli %shift_right_arithmetic3A_561, %mul3A_563 : vector<16xi32>
    %sub3A_565 = arith.constant 3 : i32
    %sub3A_566 = vector.broadcast %sub3A_565 : i32 to vector<16xi32>
    %sub3A_567 = arith.subi %mul3A_564, %sub3A_566 : vector<16xi32>
    %convert_element_type3A_568 = arith.sitofp %sub3A_567 : vector<16xi32> to vector<16xf32>
    %mul3A_569 = arith.constant 0.316227764 : f32
    %mul3A_570 = vector.broadcast %mul3A_569 : f32 to vector<16xf32>
    %mul3A_571 = arith.mulf %convert_element_type3A_568, %mul3A_570 : vector<16xf32>
    %swap3A_572 = arith.constant 4 : i32
    %swap3A_573 = arith.index_cast %swap3A_572 : i32 to index
    %swap3A_574 = arith.constant 32 : index
    %swap3A_575 = tpu.vector_load %arg12[%swap3A_573, %swap3A_574] {strides = array<i32>} : memref<10x256xf32, #tpu.memory_space<vmem>>, vector<1x16xf32>,
    %swap3A_576 = vector.shape_cast %swap3A_575 : vector<1x16xf32> to vector<16xf32>
    %swap3A_577 = vector.shape_cast %mul3A_571 : vector<16xf32> to vector<1x16xf32>
    tpu.vector_store %arg12[%swap3A_573, %swap3A_574], %swap3A_577 {strides = array<i32>} : memref<10x256xf32, #tpu.memory_space<vmem>>, vector<1x16xf32>,
    %and3A_578 = arith.constant 3 : i32
    %and3A_579 = vector.broadcast %and3A_578 : i32 to vector<16xi32>
    %and3A_580 = arith.andi %or3A_473, %and3A_579 : vector<16xi32>
    %mul3A_581 = arith.constant 2 : i32
    %mul3A_582 = vector.broadcast %mul3A_581 : i32 to vector<16xi32>
    %mul3A_583 = arith.muli %and3A_580, %mul3A_582 : vector<16xi32>
    %sub3A_584 = arith.constant 3 : i32
    %sub3A_585 = vector.broadcast %sub3A_584 : i32 to vector<16xi32>
    %sub3A_586 = arith.subi %mul3A_583, %sub3A_585 : vector<16xi32>
    %convert_element_type3A_587 = arith.sitofp %sub3A_586 : vector<16xi32> to vector<16xf32>
    %mul3A_588 = arith.constant 0.316227764 : f32
    %mul3A_589 = vector.broadcast %mul3A_588 : f32 to vector<16xf32>
    %mul3A_590 = arith.mulf %convert_element_type3A_587, %mul3A_589 : vector<16xf32>
    %swap3A_591 = arith.constant 5 : i32
    %swap3A_592 = arith.index_cast %swap3A_591 : i32 to index
    %swap3A_593 = arith.constant 32 : index
    %swap3A_594 = tpu.vector_load %arg12[%swap3A_592, %swap3A_593] {strides = array<i32>} : memref<10x256xf32, #tpu.memory_space<vmem>>, vector<1x16xf32>,
    %swap3A_595 = vector.shape_cast %swap3A_594 : vector<1x16xf32> to vector<16xf32>
    %swap3A_596 = vector.shape_cast %mul3A_590 : vector<16xf32> to vector<1x16xf32>
    tpu.vector_store %arg12[%swap3A_592, %swap3A_593], %swap3A_596 {strides = array<i32>} : memref<10x256xf32, #tpu.memory_space<vmem>>, vector<1x16xf32>,
    %shift_right_arithmetic3A_597 = arith.constant 2 : i32
    %shift_right_arithmetic3A_598 = vector.broadcast %shift_right_arithmetic3A_597 : i32 to vector<16xi32>
    %shift_right_arithmetic3A_599 = arith.shrsi %and3A_479, %shift_right_arithmetic3A_598 : vector<16xi32>
    %mul3A_600 = arith.constant 2 : i32
    %mul3A_601 = vector.broadcast %mul3A_600 : i32 to vector<16xi32>
    %mul3A_602 = arith.muli %shift_right_arithmetic3A_599, %mul3A_601 : vector<16xi32>
    %sub3A_603 = arith.constant 3 : i32
    %sub3A_604 = vector.broadcast %sub3A_603 : i32 to vector<16xi32>
    %sub3A_605 = arith.subi %mul3A_602, %sub3A_604 : vector<16xi32>
    %convert_element_type3A_606 = arith.sitofp %sub3A_605 : vector<16xi32> to vector<16xf32>
    %mul3A_607 = arith.constant 0.316227764 : f32
    %mul3A_608 = vector.broadcast %mul3A_607 : f32 to vector<16xf32>
    %mul3A_609 = arith.mulf %convert_element_type3A_606, %mul3A_608 : vector<16xf32>
    %swap3A_610 = arith.constant 6 : i32
    %swap3A_611 = arith.index_cast %swap3A_610 : i32 to index
    %swap3A_612 = arith.constant 32 : index
    %swap3A_613 = tpu.vector_load %arg12[%swap3A_611, %swap3A_612] {strides = array<i32>} : memref<10x256xf32, #tpu.memory_space<vmem>>, vector<1x16xf32>,
    %swap3A_614 = vector.shape_cast %swap3A_613 : vector<1x16xf32> to vector<16xf32>
    %swap3A_615 = vector.shape_cast %mul3A_609 : vector<16xf32> to vector<1x16xf32>
    tpu.vector_store %arg12[%swap3A_611, %swap3A_612], %swap3A_615 {strides = array<i32>} : memref<10x256xf32, #tpu.memory_space<vmem>>, vector<1x16xf32>,
    %and3A_616 = arith.constant 3 : i32
    %and3A_617 = vector.broadcast %and3A_616 : i32 to vector<16xi32>
    %and3A_618 = arith.andi %and3A_479, %and3A_617 : vector<16xi32>
    %mul3A_619 = arith.constant 2 : i32
    %mul3A_620 = vector.broadcast %mul3A_619 : i32 to vector<16xi32>
    %mul3A_621 = arith.muli %and3A_618, %mul3A_620 : vector<16xi32>
    %sub3A_622 = arith.constant 3 : i32
    %sub3A_623 = vector.broadcast %sub3A_622 : i32 to vector<16xi32>
    %sub3A_624 = arith.subi %mul3A_621, %sub3A_623 : vector<16xi32>
    %convert_element_type3A_625 = arith.sitofp %sub3A_624 : vector<16xi32> to vector<16xf32>
    %mul3A_626 = arith.constant 0.316227764 : f32
    %mul3A_627 = vector.broadcast %mul3A_626 : f32 to vector<16xf32>
    %mul3A_628 = arith.mulf %convert_element_type3A_625, %mul3A_627 : vector<16xf32>
    %swap3A_629 = arith.constant 7 : i32
    %swap3A_630 = arith.index_cast %swap3A_629 : i32 to index
    %swap3A_631 = arith.constant 32 : index
    %swap3A_632 = tpu.vector_load %arg12[%swap3A_630, %swap3A_631] {strides = array<i32>} : memref<10x256xf32, #tpu.memory_space<vmem>>, vector<1x16xf32>,
    %swap3A_633 = vector.shape_cast %swap3A_632 : vector<1x16xf32> to vector<16xf32>
    %swap3A_634 = vector.shape_cast %mul3A_628 : vector<16xf32> to vector<1x16xf32>
    tpu.vector_store %arg12[%swap3A_630, %swap3A_631], %swap3A_634 {strides = array<i32>} : memref<10x256xf32, #tpu.memory_space<vmem>>, vector<1x16xf32>,
    %shift_right_arithmetic3A_635 = arith.constant 2 : i32
    %shift_right_arithmetic3A_636 = vector.broadcast %shift_right_arithmetic3A_635 : i32 to vector<16xi32>
    %shift_right_arithmetic3A_637 = arith.shrsi %and3A_482, %shift_right_arithmetic3A_636 : vector<16xi32>
    %mul3A_638 = arith.constant 2 : i32
    %mul3A_639 = vector.broadcast %mul3A_638 : i32 to vector<16xi32>
    %mul3A_640 = arith.muli %shift_right_arithmetic3A_637, %mul3A_639 : vector<16xi32>
    %sub3A_641 = arith.constant 3 : i32
    %sub3A_642 = vector.broadcast %sub3A_641 : i32 to vector<16xi32>
    %sub3A_643 = arith.subi %mul3A_640, %sub3A_642 : vector<16xi32>
    %convert_element_type3A_644 = arith.sitofp %sub3A_643 : vector<16xi32> to vector<16xf32>
    %mul3A_645 = arith.constant 0.316227764 : f32
    %mul3A_646 = vector.broadcast %mul3A_645 : f32 to vector<16xf32>
    %mul3A_647 = arith.mulf %convert_element_type3A_644, %mul3A_646 : vector<16xf32>
    %swap3A_648 = arith.constant 8 : i32
    %swap3A_649 = arith.index_cast %swap3A_648 : i32 to index
    %swap3A_650 = arith.constant 32 : index
    %swap3A_651 = tpu.vector_load %arg12[%swap3A_649, %swap3A_650] {strides = array<i32>} : memref<10x256xf32, #tpu.memory_space<vmem>>, vector<1x16xf32>,
    %swap3A_652 = vector.shape_cast %swap3A_651 : vector<1x16xf32> to vector<16xf32>
    %swap3A_653 = vector.shape_cast %mul3A_647 : vector<16xf32> to vector<1x16xf32>
    tpu.vector_store %arg12[%swap3A_649, %swap3A_650], %swap3A_653 {strides = array<i32>} : memref<10x256xf32, #tpu.memory_space<vmem>>, vector<1x16xf32>,
    %and3A_654 = arith.constant 3 : i32
    %and3A_655 = vector.broadcast %and3A_654 : i32 to vector<16xi32>
    %and3A_656 = arith.andi %and3A_482, %and3A_655 : vector<16xi32>
    %mul3A_657 = arith.constant 2 : i32
    %mul3A_658 = vector.broadcast %mul3A_657 : i32 to vector<16xi32>
    %mul3A_659 = arith.muli %and3A_656, %mul3A_658 : vector<16xi32>
    %sub3A_660 = arith.constant 3 : i32
    %sub3A_661 = vector.broadcast %sub3A_660 : i32 to vector<16xi32>
    %sub3A_662 = arith.subi %mul3A_659, %sub3A_661 : vector<16xi32>
    %convert_element_type3A_663 = arith.sitofp %sub3A_662 : vector<16xi32> to vector<16xf32>
    %mul3A_664 = arith.constant 0.316227764 : f32
    %mul3A_665 = vector.broadcast %mul3A_664 : f32 to vector<16xf32>
    %mul3A_666 = arith.mulf %convert_element_type3A_663, %mul3A_665 : vector<16xf32>
    %swap3A_667 = arith.constant 9 : i32
    %swap3A_668 = arith.index_cast %swap3A_667 : i32 to index
    %swap3A_669 = arith.constant 32 : index
    %swap3A_670 = tpu.vector_load %arg12[%swap3A_668, %swap3A_669] {strides = array<i32>} : memref<10x256xf32, #tpu.memory_space<vmem>>, vector<1x16xf32>,
    %swap3A_671 = vector.shape_cast %swap3A_670 : vector<1x16xf32> to vector<16xf32>
    %swap3A_672 = vector.shape_cast %mul3A_666 : vector<16xf32> to vector<1x16xf32>
    tpu.vector_store %arg12[%swap3A_668, %swap3A_669], %swap3A_672 {strides = array<i32>} : memref<10x256xf32, #tpu.memory_space<vmem>>, vector<1x16xf32>,
    %get3A_673 = arith.constant 48 : index
    %get3A_674 = tpu.vector_load %arg10[%get3A_673] {strides = array<i32>} : memref<256xi32, #tpu.memory_space<vmem>>, vector<16xi32>,
    %get3A_675 = vector.shape_cast %get3A_674 : vector<16xi32> to vector<16xi32>
    %get3A_676 = arith.constant 48 : index
    %get3A_677 = tpu.vector_load %arg11[%get3A_676] {strides = array<i32>} : memref<256xi32, #tpu.memory_space<vmem>>, vector<16xi32>,
    %get3A_678 = vector.shape_cast %get3A_677 : vector<16xi32> to vector<16xi32>
    %shift_right_arithmetic3A_679 = arith.constant 6 : i32
    %shift_right_arithmetic3A_680 = vector.broadcast %shift_right_arithmetic3A_679 : i32 to vector<16xi32>
    %shift_right_arithmetic3A_681 = arith.shrsi %get3A_675, %shift_right_arithmetic3A_680 : vector<16xi32>
    %shift_right_arithmetic3A_682 = arith.constant 2 : i32
    %shift_right_arithmetic3A_683 = vector.broadcast %shift_right_arithmetic3A_682 : i32 to vector<16xi32>
    %shift_right_arithmetic3A_684 = arith.shrsi %get3A_675, %shift_right_arithmetic3A_683 : vector<16xi32>
    %and3A_685 = arith.constant 15 : i32
    %and3A_686 = vector.broadcast %and3A_685 : i32 to vector<16xi32>
    %and3A_687 = arith.andi %shift_right_arithmetic3A_684, %and3A_686 : vector<16xi32>
    %and3A_688 = arith.constant 3 : i32
    %and3A_689 = vector.broadcast %and3A_688 : i32 to vector<16xi32>
    %and3A_690 = arith.andi %get3A_675, %and3A_689 : vector<16xi32>
    %shift_left3A_691 = arith.constant 2 : i32
    %shift_left3A_692 = vector.broadcast %shift_left3A_691 : i32 to vector<16xi32>
    %shift_left3A_693 = arith.shli %and3A_690, %shift_left3A_692 : vector<16xi32>
    %shift_right_arithmetic3A_694 = arith.constant 8 : i32
    %shift_right_arithmetic3A_695 = vector.broadcast %shift_right_arithmetic3A_694 : i32 to vector<16xi32>
    %shift_right_arithmetic3A_696 = arith.shrsi %get3A_678, %shift_right_arithmetic3A_695 : vector<16xi32>
    %or3A_697 = arith.ori %shift_left3A_693, %shift_right_arithmetic3A_696 : vector<16xi32>
    %shift_right_arithmetic3A_698 = arith.constant 4 : i32
    %shift_right_arithmetic3A_699 = vector.broadcast %shift_right_arithmetic3A_698 : i32 to vector<16xi32>
    %shift_right_arithmetic3A_700 = arith.shrsi %get3A_678, %shift_right_arithmetic3A_699 : vector<16xi32>
    %and3A_701 = arith.constant 15 : i32
    %and3A_702 = vector.broadcast %and3A_701 : i32 to vector<16xi32>
    %and3A_703 = arith.andi %shift_right_arithmetic3A_700, %and3A_702 : vector<16xi32>
    %and3A_704 = arith.constant 15 : i32
    %and3A_705 = vector.broadcast %and3A_704 : i32 to vector<16xi32>
    %and3A_706 = arith.andi %get3A_678, %and3A_705 : vector<16xi32>
    %shift_right_arithmetic3A_707 = arith.constant 2 : i32
    %shift_right_arithmetic3A_708 = vector.broadcast %shift_right_arithmetic3A_707 : i32 to vector<16xi32>
    %shift_right_arithmetic3A_709 = arith.shrsi %shift_right_arithmetic3A_681, %shift_right_arithmetic3A_708 : vector<16xi32>
    %mul3A_710 = arith.constant 2 : i32
    %mul3A_711 = vector.broadcast %mul3A_710 : i32 to vector<16xi32>
    %mul3A_712 = arith.muli %shift_right_arithmetic3A_709, %mul3A_711 : vector<16xi32>
    %sub3A_713 = arith.constant 3 : i32
    %sub3A_714 = vector.broadcast %sub3A_713 : i32 to vector<16xi32>
    %sub3A_715 = arith.subi %mul3A_712, %sub3A_714 : vector<16xi32>
    %convert_element_type3A_716 = arith.sitofp %sub3A_715 : vector<16xi32> to vector<16xf32>
    %mul3A_717 = arith.constant 0.316227764 : f32
    %mul3A_718 = vector.broadcast %mul3A_717 : f32 to vector<16xf32>
    %mul3A_719 = arith.mulf %convert_element_type3A_716, %mul3A_718 : vector<16xf32>
    %swap3A_720 = arith.constant 0 : i32
    %swap3A_721 = arith.index_cast %swap3A_720 : i32 to index
    %swap3A_722 = arith.constant 48 : index
    %swap3A_723 = tpu.vector_load %arg12[%swap3A_721, %swap3A_722] {strides = array<i32>} : memref<10x256xf32, #tpu.memory_space<vmem>>, vector<1x16xf32>,
    %swap3A_724 = vector.shape_cast %swap3A_723 : vector<1x16xf32> to vector<16xf32>
    %swap3A_725 = vector.shape_cast %mul3A_719 : vector<16xf32> to vector<1x16xf32>
    tpu.vector_store %arg12[%swap3A_721, %swap3A_722], %swap3A_725 {strides = array<i32>} : memref<10x256xf32, #tpu.memory_space<vmem>>, vector<1x16xf32>,
    %and3A_726 = arith.constant 3 : i32
    %and3A_727 = vector.broadcast %and3A_726 : i32 to vector<16xi32>
    %and3A_728 = arith.andi %shift_right_arithmetic3A_681, %and3A_727 : vector<16xi32>
    %mul3A_729 = arith.constant 2 : i32
    %mul3A_730 = vector.broadcast %mul3A_729 : i32 to vector<16xi32>
    %mul3A_731 = arith.muli %and3A_728, %mul3A_730 : vector<16xi32>
    %sub3A_732 = arith.constant 3 : i32
    %sub3A_733 = vector.broadcast %sub3A_732 : i32 to vector<16xi32>
    %sub3A_734 = arith.subi %mul3A_731, %sub3A_733 : vector<16xi32>
    %convert_element_type3A_735 = arith.sitofp %sub3A_734 : vector<16xi32> to vector<16xf32>
    %mul3A_736 = arith.constant 0.316227764 : f32
    %mul3A_737 = vector.broadcast %mul3A_736 : f32 to vector<16xf32>
    %mul3A_738 = arith.mulf %convert_element_type3A_735, %mul3A_737 : vector<16xf32>
    %swap3A_739 = arith.constant 1 : i32
    %swap3A_740 = arith.index_cast %swap3A_739 : i32 to index
    %swap3A_741 = arith.constant 48 : index
    %swap3A_742 = tpu.vector_load %arg12[%swap3A_740, %swap3A_741] {strides = array<i32>} : memref<10x256xf32, #tpu.memory_space<vmem>>, vector<1x16xf32>,
    %swap3A_743 = vector.shape_cast %swap3A_742 : vector<1x16xf32> to vector<16xf32>
    %swap3A_744 = vector.shape_cast %mul3A_738 : vector<16xf32> to vector<1x16xf32>
    tpu.vector_store %arg12[%swap3A_740, %swap3A_741], %swap3A_744 {strides = array<i32>} : memref<10x256xf32, #tpu.memory_space<vmem>>, vector<1x16xf32>,
    %shift_right_arithmetic3A_745 = arith.constant 2 : i32
    %shift_right_arithmetic3A_746 = vector.broadcast %shift_right_arithmetic3A_745 : i32 to vector<16xi32>
    %shift_right_arithmetic3A_747 = arith.shrsi %and3A_687, %shift_right_arithmetic3A_746 : vector<16xi32>
    %mul3A_748 = arith.constant 2 : i32
    %mul3A_749 = vector.broadcast %mul3A_748 : i32 to vector<16xi32>
    %mul3A_750 = arith.muli %shift_right_arithmetic3A_747, %mul3A_749 : vector<16xi32>
    %sub3A_751 = arith.constant 3 : i32
    %sub3A_752 = vector.broadcast %sub3A_751 : i32 to vector<16xi32>
    %sub3A_753 = arith.subi %mul3A_750, %sub3A_752 : vector<16xi32>
    %convert_element_type3A_754 = arith.sitofp %sub3A_753 : vector<16xi32> to vector<16xf32>
    %mul3A_755 = arith.constant 0.316227764 : f32
    %mul3A_756 = vector.broadcast %mul3A_755 : f32 to vector<16xf32>
    %mul3A_757 = arith.mulf %convert_element_type3A_754, %mul3A_756 : vector<16xf32>
    %swap3A_758 = arith.constant 2 : i32
    %swap3A_759 = arith.index_cast %swap3A_758 : i32 to index
    %swap3A_760 = arith.constant 48 : index
    %swap3A_761 = tpu.vector_load %arg12[%swap3A_759, %swap3A_760] {strides = array<i32>} : memref<10x256xf32, #tpu.memory_space<vmem>>, vector<1x16xf32>,
    %swap3A_762 = vector.shape_cast %swap3A_761 : vector<1x16xf32> to vector<16xf32>
    %swap3A_763 = vector.shape_cast %mul3A_757 : vector<16xf32> to vector<1x16xf32>
    tpu.vector_store %arg12[%swap3A_759, %swap3A_760], %swap3A_763 {strides = array<i32>} : memref<10x256xf32, #tpu.memory_space<vmem>>, vector<1x16xf32>,
    %and3A_764 = arith.constant 3 : i32
    %and3A_765 = vector.broadcast %and3A_764 : i32 to vector<16xi32>
    %and3A_766 = arith.andi %and3A_687, %and3A_765 : vector<16xi32>
    %mul3A_767 = arith.constant 2 : i32
    %mul3A_768 = vector.broadcast %mul3A_767 : i32 to vector<16xi32>
    %mul3A_769 = arith.muli %and3A_766, %mul3A_768 : vector<16xi32>
    %sub3A_770 = arith.constant 3 : i32
    %sub3A_771 = vector.broadcast %sub3A_770 : i32 to vector<16xi32>
    %sub3A_772 = arith.subi %mul3A_769, %sub3A_771 : vector<16xi32>
    %convert_element_type3A_773 = arith.sitofp %sub3A_772 : vector<16xi32> to vector<16xf32>
    %mul3A_774 = arith.constant 0.316227764 : f32
    %mul3A_775 = vector.broadcast %mul3A_774 : f32 to vector<16xf32>
    %mul3A_776 = arith.mulf %convert_element_type3A_773, %mul3A_775 : vector<16xf32>
    %swap3A_777 = arith.constant 3 : i32
    %swap3A_778 = arith.index_cast %swap3A_777 : i32 to index
    %swap3A_779 = arith.constant 48 : index
    %swap3A_780 = tpu.vector_load %arg12[%swap3A_778, %swap3A_779] {strides = array<i32>} : memref<10x256xf32, #tpu.memory_space<vmem>>, vector<1x16xf32>,
    %swap3A_781 = vector.shape_cast %swap3A_780 : vector<1x16xf32> to vector<16xf32>
    %swap3A_782 = vector.shape_cast %mul3A_776 : vector<16xf32> to vector<1x16xf32>
    tpu.vector_store %arg12[%swap3A_778, %swap3A_779], %swap3A_782 {strides = array<i32>} : memref<10x256xf32, #tpu.memory_space<vmem>>, vector<1x16xf32>,
    %shift_right_arithmetic3A_783 = arith.constant 2 : i32
    %shift_right_arithmetic3A_784 = vector.broadcast %shift_right_arithmetic3A_783 : i32 to vector<16xi32>
    %shift_right_arithmetic3A_785 = arith.shrsi %or3A_697, %shift_right_arithmetic3A_784 : vector<16xi32>
    %mul3A_786 = arith.constant 2 : i32
    %mul3A_787 = vector.broadcast %mul3A_786 : i32 to vector<16xi32>
    %mul3A_788 = arith.muli %shift_right_arithmetic3A_785, %mul3A_787 : vector<16xi32>
    %sub3A_789 = arith.constant 3 : i32
    %sub3A_790 = vector.broadcast %sub3A_789 : i32 to vector<16xi32>
    %sub3A_791 = arith.subi %mul3A_788, %sub3A_790 : vector<16xi32>
    %convert_element_type3A_792 = arith.sitofp %sub3A_791 : vector<16xi32> to vector<16xf32>
    %mul3A_793 = arith.constant 0.316227764 : f32
    %mul3A_794 = vector.broadcast %mul3A_793 : f32 to vector<16xf32>
    %mul3A_795 = arith.mulf %convert_element_type3A_792, %mul3A_794 : vector<16xf32>
    %swap3A_796 = arith.constant 4 : i32
    %swap3A_797 = arith.index_cast %swap3A_796 : i32 to index
    %swap3A_798 = arith.constant 48 : index
    %swap3A_799 = tpu.vector_load %arg12[%swap3A_797, %swap3A_798] {strides = array<i32>} : memref<10x256xf32, #tpu.memory_space<vmem>>, vector<1x16xf32>,
    %swap3A_800 = vector.shape_cast %swap3A_799 : vector<1x16xf32> to vector<16xf32>
    %swap3A_801 = vector.shape_cast %mul3A_795 : vector<16xf32> to vector<1x16xf32>
    tpu.vector_store %arg12[%swap3A_797, %swap3A_798], %swap3A_801 {strides = array<i32>} : memref<10x256xf32, #tpu.memory_space<vmem>>, vector<1x16xf32>,
    %and3A_802 = arith.constant 3 : i32
    %and3A_803 = vector.broadcast %and3A_802 : i32 to vector<16xi32>
    %and3A_804 = arith.andi %or3A_697, %and3A_803 : vector<16xi32>
    %mul3A_805 = arith.constant 2 : i32
    %mul3A_806 = vector.broadcast %mul3A_805 : i32 to vector<16xi32>
    %mul3A_807 = arith.muli %and3A_804, %mul3A_806 : vector<16xi32>
    %sub3A_808 = arith.constant 3 : i32
    %sub3A_809 = vector.broadcast %sub3A_808 : i32 to vector<16xi32>
    %sub3A_810 = arith.subi %mul3A_807, %sub3A_809 : vector<16xi32>
    %convert_element_type3A_811 = arith.sitofp %sub3A_810 : vector<16xi32> to vector<16xf32>
    %mul3A_812 = arith.constant 0.316227764 : f32
    %mul3A_813 = vector.broadcast %mul3A_812 : f32 to vector<16xf32>
    %mul3A_814 = arith.mulf %convert_element_type3A_811, %mul3A_813 : vector<16xf32>
    %swap3A_815 = arith.constant 5 : i32
    %swap3A_816 = arith.index_cast %swap3A_815 : i32 to index
    %swap3A_817 = arith.constant 48 : index
    %swap3A_818 = tpu.vector_load %arg12[%swap3A_816, %swap3A_817] {strides = array<i32>} : memref<10x256xf32, #tpu.memory_space<vmem>>, vector<1x16xf32>,
    %swap3A_819 = vector.shape_cast %swap3A_818 : vector<1x16xf32> to vector<16xf32>
    %swap3A_820 = vector.shape_cast %mul3A_814 : vector<16xf32> to vector<1x16xf32>
    tpu.vector_store %arg12[%swap3A_816, %swap3A_817], %swap3A_820 {strides = array<i32>} : memref<10x256xf32, #tpu.memory_space<vmem>>, vector<1x16xf32>,
    %shift_right_arithmetic3A_821 = arith.constant 2 : i32
    %shift_right_arithmetic3A_822 = vector.broadcast %shift_right_arithmetic3A_821 : i32 to vector<16xi32>
    %shift_right_arithmetic3A_823 = arith.shrsi %and3A_703, %shift_right_arithmetic3A_822 : vector<16xi32>
    %mul3A_824 = arith.constant 2 : i32
    %mul3A_825 = vector.broadcast %mul3A_824 : i32 to vector<16xi32>
    %mul3A_826 = arith.muli %shift_right_arithmetic3A_823, %mul3A_825 : vector<16xi32>
    %sub3A_827 = arith.constant 3 : i32
    %sub3A_828 = vector.broadcast %sub3A_827 : i32 to vector<16xi32>
    %sub3A_829 = arith.subi %mul3A_826, %sub3A_828 : vector<16xi32>
    %convert_element_type3A_830 = arith.sitofp %sub3A_829 : vector<16xi32> to vector<16xf32>
    %mul3A_831 = arith.constant 0.316227764 : f32
    %mul3A_832 = vector.broadcast %mul3A_831 : f32 to vector<16xf32>
    %mul3A_833 = arith.mulf %convert_element_type3A_830, %mul3A_832 : vector<16xf32>
    %swap3A_834 = arith.constant 6 : i32
    %swap3A_835 = arith.index_cast %swap3A_834 : i32 to index
    %swap3A_836 = arith.constant 48 : index
    %swap3A_837 = tpu.vector_load %arg12[%swap3A_835, %swap3A_836] {strides = array<i32>} : memref<10x256xf32, #tpu.memory_space<vmem>>, vector<1x16xf32>,
    %swap3A_838 = vector.shape_cast %swap3A_837 : vector<1x16xf32> to vector<16xf32>
    %swap3A_839 = vector.shape_cast %mul3A_833 : vector<16xf32> to vector<1x16xf32>
    tpu.vector_store %arg12[%swap3A_835, %swap3A_836], %swap3A_839 {strides = array<i32>} : memref<10x256xf32, #tpu.memory_space<vmem>>, vector<1x16xf32>,
    %and3A_840 = arith.constant 3 : i32
    %and3A_841 = vector.broadcast %and3A_840 : i32 to vector<16xi32>
    %and3A_842 = arith.andi %and3A_703, %and3A_841 : vector<16xi32>
    %mul3A_843 = arith.constant 2 : i32
    %mul3A_844 = vector.broadcast %mul3A_843 : i32 to vector<16xi32>
    %mul3A_845 = arith.muli %and3A_842, %mul3A_844 : vector<16xi32>
    %sub3A_846 = arith.constant 3 : i32
    %sub3A_847 = vector.broadcast %sub3A_846 : i32 to vector<16xi32>
    %sub3A_848 = arith.subi %mul3A_845, %sub3A_847 : vector<16xi32>
    %convert_element_type3A_849 = arith.sitofp %sub3A_848 : vector<16xi32> to vector<16xf32>
    %mul3A_850 = arith.constant 0.316227764 : f32
    %mul3A_851 = vector.broadcast %mul3A_850 : f32 to vector<16xf32>
    %mul3A_852 = arith.mulf %convert_element_type3A_849, %mul3A_851 : vector<16xf32>
    %swap3A_853 = arith.constant 7 : i32
    %swap3A_854 = arith.index_cast %swap3A_853 : i32 to index
    %swap3A_855 = arith.constant 48 : index
    %swap3A_856 = tpu.vector_load %arg12[%swap3A_854, %swap3A_855] {strides = array<i32>} : memref<10x256xf32, #tpu.memory_space<vmem>>, vector<1x16xf32>,
    %swap3A_857 = vector.shape_cast %swap3A_856 : vector<1x16xf32> to vector<16xf32>
    %swap3A_858 = vector.shape_cast %mul3A_852 : vector<16xf32> to vector<1x16xf32>
    tpu.vector_store %arg12[%swap3A_854, %swap3A_855], %swap3A_858 {strides = array<i32>} : memref<10x256xf32, #tpu.memory_space<vmem>>, vector<1x16xf32>,
    %shift_right_arithmetic3A_859 = arith.constant 2 : i32
    %shift_right_arithmetic3A_860 = vector.broadcast %shift_right_arithmetic3A_859 : i32 to vector<16xi32>
    %shift_right_arithmetic3A_861 = arith.shrsi %and3A_706, %shift_right_arithmetic3A_860 : vector<16xi32>
    %mul3A_862 = arith.constant 2 : i32
    %mul3A_863 = vector.broadcast %mul3A_862 : i32 to vector<16xi32>
    %mul3A_864 = arith.muli %shift_right_arithmetic3A_861, %mul3A_863 : vector<16xi32>
    %sub3A_865 = arith.constant 3 : i32
    %sub3A_866 = vector.broadcast %sub3A_865 : i32 to vector<16xi32>
    %sub3A_867 = arith.subi %mul3A_864, %sub3A_866 : vector<16xi32>
    %convert_element_type3A_868 = arith.sitofp %sub3A_867 : vector<16xi32> to vector<16xf32>
    %mul3A_869 = arith.constant 0.316227764 : f32
    %mul3A_870 = vector.broadcast %mul3A_869 : f32 to vector<16xf32>
    %mul3A_871 = arith.mulf %convert_element_type3A_868, %mul3A_870 : vector<16xf32>
    %swap3A_872 = arith.constant 8 : i32
    %swap3A_873 = arith.index_cast %swap3A_872 : i32 to index
    %swap3A_874 = arith.constant 48 : index
    %swap3A_875 = tpu.vector_load %arg12[%swap3A_873, %swap3A_874] {strides = array<i32>} : memref<10x256xf32, #tpu.memory_space<vmem>>, vector<1x16xf32>,
    %swap3A_876 = vector.shape_cast %swap3A_875 : vector<1x16xf32> to vector<16xf32>
    %swap3A_877 = vector.shape_cast %mul3A_871 : vector<16xf32> to vector<1x16xf32>
    tpu.vector_store %arg12[%swap3A_873, %swap3A_874], %swap3A_877 {strides = array<i32>} : memref<10x256xf32, #tpu.memory_space<vmem>>, vector<1x16xf32>,
    %and3A_878 = arith.constant 3 : i32
    %and3A_879 = vector.broadcast %and3A_878 : i32 to vector<16xi32>
    %and3A_880 = arith.andi %and3A_706, %and3A_879 : vector<16xi32>
    %mul3A_881 = arith.constant 2 : i32
    %mul3A_882 = vector.broadcast %mul3A_881 : i32 to vector<16xi32>
    %mul3A_883 = arith.muli %and3A_880, %mul3A_882 : vector<16xi32>
    %sub3A_884 = arith.constant 3 : i32
    %sub3A_885 = vector.broadcast %sub3A_884 : i32 to vector<16xi32>
    %sub3A_886 = arith.subi %mul3A_883, %sub3A_885 : vector<16xi32>
    %convert_element_type3A_887 = arith.sitofp %sub3A_886 : vector<16xi32> to vector<16xf32>
    %mul3A_888 = arith.constant 0.316227764 : f32
    %mul3A_889 = vector.broadcast %mul3A_888 : f32 to vector<16xf32>
    %mul3A_890 = arith.mulf %convert_element_type3A_887, %mul3A_889 : vector<16xf32>
    %swap3A_891 = arith.constant 9 : i32
    %swap3A_892 = arith.index_cast %swap3A_891 : i32 to index
    %swap3A_893 = arith.constant 48 : index
    %swap3A_894 = tpu.vector_load %arg12[%swap3A_892, %swap3A_893] {strides = array<i32>} : memref<10x256xf32, #tpu.memory_space<vmem>>, vector<1x16xf32>,
    %swap3A_895 = vector.shape_cast %swap3A_894 : vector<1x16xf32> to vector<16xf32>
    %swap3A_896 = vector.shape_cast %mul3A_890 : vector<16xf32> to vector<1x16xf32>
    tpu.vector_store %arg12[%swap3A_892, %swap3A_893], %swap3A_896 {strides = array<i32>} : memref<10x256xf32, #tpu.memory_space<vmem>>, vector<1x16xf32>,
    %get3A_897 = arith.constant 64 : index
    %get3A_898 = tpu.vector_load %arg10[%get3A_897] {strides = array<i32>} : memref<256xi32, #tpu.memory_space<vmem>>, vector<16xi32>,
    %get3A_899 = vector.shape_cast %get3A_898 : vector<16xi32> to vector<16xi32>
    %get3A_900 = arith.constant 64 : index
    %get3A_901 = tpu.vector_load %arg11[%get3A_900] {strides = array<i32>} : memref<256xi32, #tpu.memory_space<vmem>>, vector<16xi32>,
    %get3A_902 = vector.shape_cast %get3A_901 : vector<16xi32> to vector<16xi32>
    %shift_right_arithmetic3A_903 = arith.constant 6 : i32
    %shift_right_arithmetic3A_904 = vector.broadcast %shift_right_arithmetic3A_903 : i32 to vector<16xi32>
    %shift_right_arithmetic3A_905 = arith.shrsi %get3A_899, %shift_right_arithmetic3A_904 : vector<16xi32>
    %shift_right_arithmetic3A_906 = arith.constant 2 : i32
    %shift_right_arithmetic3A_907 = vector.broadcast %shift_right_arithmetic3A_906 : i32 to vector<16xi32>
    %shift_right_arithmetic3A_908 = arith.shrsi %get3A_899, %shift_right_arithmetic3A_907 : vector<16xi32>
    %and3A_909 = arith.constant 15 : i32
    %and3A_910 = vector.broadcast %and3A_909 : i32 to vector<16xi32>
    %and3A_911 = arith.andi %shift_right_arithmetic3A_908, %and3A_910 : vector<16xi32>
    %and3A_912 = arith.constant 3 : i32
    %and3A_913 = vector.broadcast %and3A_912 : i32 to vector<16xi32>
    %and3A_914 = arith.andi %get3A_899, %and3A_913 : vector<16xi32>
    %shift_left3A_915 = arith.constant 2 : i32
    %shift_left3A_916 = vector.broadcast %shift_left3A_915 : i32 to vector<16xi32>
    %shift_left3A_917 = arith.shli %and3A_914, %shift_left3A_916 : vector<16xi32>
    %shift_right_arithmetic3A_918 = arith.constant 8 : i32
    %shift_right_arithmetic3A_919 = vector.broadcast %shift_right_arithmetic3A_918 : i32 to vector<16xi32>
    %shift_right_arithmetic3A_920 = arith.shrsi %get3A_902, %shift_right_arithmetic3A_919 : vector<16xi32>
    %or3A_921 = arith.ori %shift_left3A_917, %shift_right_arithmetic3A_920 : vector<16xi32>
    %shift_right_arithmetic3A_922 = arith.constant 4 : i32
    %shift_right_arithmetic3A_923 = vector.broadcast %shift_right_arithmetic3A_922 : i32 to vector<16xi32>
    %shift_right_arithmetic3A_924 = arith.shrsi %get3A_902, %shift_right_arithmetic3A_923 : vector<16xi32>
    %and3A_925 = arith.constant 15 : i32
    %and3A_926 = vector.broadcast %and3A_925 : i32 to vector<16xi32>
    %and3A_927 = arith.andi %shift_right_arithmetic3A_924, %and3A_926 : vector<16xi32>
    %and3A_928 = arith.constant 15 : i32
    %and3A_929 = vector.broadcast %and3A_928 : i32 to vector<16xi32>
    %and3A_930 = arith.andi %get3A_902, %and3A_929 : vector<16xi32>
    %shift_right_arithmetic3A_931 = arith.constant 2 : i32
    %shift_right_arithmetic3A_932 = vector.broadcast %shift_right_arithmetic3A_931 : i32 to vector<16xi32>
    %shift_right_arithmetic3A_933 = arith.shrsi %shift_right_arithmetic3A_905, %shift_right_arithmetic3A_932 : vector<16xi32>
    %mul3A_934 = arith.constant 2 : i32
    %mul3A_935 = vector.broadcast %mul3A_934 : i32 to vector<16xi32>
    %mul3A_936 = arith.muli %shift_right_arithmetic3A_933, %mul3A_935 : vector<16xi32>
    %sub3A_937 = arith.constant 3 : i32
    %sub3A_938 = vector.broadcast %sub3A_937 : i32 to vector<16xi32>
    %sub3A_939 = arith.subi %mul3A_936, %sub3A_938 : vector<16xi32>
    %convert_element_type3A_940 = arith.sitofp %sub3A_939 : vector<16xi32> to vector<16xf32>
    %mul3A_941 = arith.constant 0.316227764 : f32
    %mul3A_942 = vector.broadcast %mul3A_941 : f32 to vector<16xf32>
    %mul3A_943 = arith.mulf %convert_element_type3A_940, %mul3A_942 : vector<16xf32>
    %swap3A_944 = arith.constant 0 : i32
    %swap3A_945 = arith.index_cast %swap3A_944 : i32 to index
    %swap3A_946 = arith.constant 64 : index
    %swap3A_947 = tpu.vector_load %arg12[%swap3A_945, %swap3A_946] {strides = array<i32>} : memref<10x256xf32, #tpu.memory_space<vmem>>, vector<1x16xf32>,
    %swap3A_948 = vector.shape_cast %swap3A_947 : vector<1x16xf32> to vector<16xf32>
    %swap3A_949 = vector.shape_cast %mul3A_943 : vector<16xf32> to vector<1x16xf32>
    tpu.vector_store %arg12[%swap3A_945, %swap3A_946], %swap3A_949 {strides = array<i32>} : memref<10x256xf32, #tpu.memory_space<vmem>>, vector<1x16xf32>,
    %and3A_950 = arith.constant 3 : i32
    %and3A_951 = vector.broadcast %and3A_950 : i32 to vector<16xi32>
    %and3A_952 = arith.andi %shift_right_arithmetic3A_905, %and3A_951 : vector<16xi32>
    %mul3A_953 = arith.constant 2 : i32
    %mul3A_954 = vector.broadcast %mul3A_953 : i32 to vector<16xi32>
    %mul3A_955 = arith.muli %and3A_952, %mul3A_954 : vector<16xi32>
    %sub3A_956 = arith.constant 3 : i32
    %sub3A_957 = vector.broadcast %sub3A_956 : i32 to vector<16xi32>
    %sub3A_958 = arith.subi %mul3A_955, %sub3A_957 : vector<16xi32>
    %convert_element_type3A_959 = arith.sitofp %sub3A_958 : vector<16xi32> to vector<16xf32>
    %mul3A_960 = arith.constant 0.316227764 : f32
    %mul3A_961 = vector.broadcast %mul3A_960 : f32 to vector<16xf32>
    %mul3A_962 = arith.mulf %convert_element_type3A_959, %mul3A_961 : vector<16xf32>
    %swap3A_963 = arith.constant 1 : i32
    %swap3A_964 = arith.index_cast %swap3A_963 : i32 to index
    %swap3A_965 = arith.constant 64 : index
    %swap3A_966 = tpu.vector_load %arg12[%swap3A_964, %swap3A_965] {strides = array<i32>} : memref<10x256xf32, #tpu.memory_space<vmem>>, vector<1x16xf32>,
    %swap3A_967 = vector.shape_cast %swap3A_966 : vector<1x16xf32> to vector<16xf32>
    %swap3A_968 = vector.shape_cast %mul3A_962 : vector<16xf32> to vector<1x16xf32>
    tpu.vector_store %arg12[%swap3A_964, %swap3A_965], %swap3A_968 {strides = array<i32>} : memref<10x256xf32, #tpu.memory_space<vmem>>, vector<1x16xf32>,
    %shift_right_arithmetic3A_969 = arith.constant 2 : i32
    %shift_right_arithmetic3A_970 = vector.broadcast %shift_right_arithmetic3A_969 : i32 to vector<16xi32>
    %shift_right_arithmetic3A_971 = arith.shrsi %and3A_911, %shift_right_arithmetic3A_970 : vector<16xi32>
    %mul3A_972 = arith.constant 2 : i32
    %mul3A_973 = vector.broadcast %mul3A_972 : i32 to vector<16xi32>
    %mul3A_974 = arith.muli %shift_right_arithmetic3A_971, %mul3A_973 : vector<16xi32>
    %sub3A_975 = arith.constant 3 : i32
    %sub3A_976 = vector.broadcast %sub3A_975 : i32 to vector<16xi32>
    %sub3A_977 = arith.subi %mul3A_974, %sub3A_976 : vector<16xi32>
    %convert_element_type3A_978 = arith.sitofp %sub3A_977 : vector<16xi32> to vector<16xf32>
    %mul3A_979 = arith.constant 0.316227764 : f32
    %mul3A_980 = vector.broadcast %mul3A_979 : f32 to vector<16xf32>
    %mul3A_981 = arith.mulf %convert_element_type3A_978, %mul3A_980 : vector<16xf32>
    %swap3A_982 = arith.constant 2 : i32
    %swap3A_983 = arith.index_cast %swap3A_982 : i32 to index
    %swap3A_984 = arith.constant 64 : index
    %swap3A_985 = tpu.vector_load %arg12[%swap3A_983, %swap3A_984] {strides = array<i32>} : memref<10x256xf32, #tpu.memory_space<vmem>>, vector<1x16xf32>,
    %swap3A_986 = vector.shape_cast %swap3A_985 : vector<1x16xf32> to vector<16xf32>
    %swap3A_987 = vector.shape_cast %mul3A_981 : vector<16xf32> to vector<1x16xf32>
    tpu.vector_store %arg12[%swap3A_983, %swap3A_984], %swap3A_987 {strides = array<i32>} : memref<10x256xf32, #tpu.memory_space<vmem>>, vector<1x16xf32>,
    %and3A_988 = arith.constant 3 : i32
    %and3A_989 = vector.broadcast %and3A_988 : i32 to vector<16xi32>
    %and3A_990 = arith.andi %and3A_911, %and3A_989 : vector<16xi32>
    %mul3A_991 = arith.constant 2 : i32
    %mul3A_992 = vector.broadcast %mul3A_991 : i32 to vector<16xi32>
    %mul3A_993 = arith.muli %and3A_990, %mul3A_992 : vector<16xi32>
    %sub3A_994 = arith.constant 3 : i32
    %sub3A_995 = vector.broadcast %sub3A_994 : i32 to vector<16xi32>
    %sub3A_996 = arith.subi %mul3A_993, %sub3A_995 : vector<16xi32>
    %convert_element_type3A_997 = arith.sitofp %sub3A_996 : vector<16xi32> to vector<16xf32>
    %mul3A_998 = arith.constant 0.316227764 : f32
    %mul3A_999 = vector.broadcast %mul3A_998 : f32 to vector<16xf32>
    %mul3A_1000 = arith.mulf %convert_element_type3A_997, %mul3A_999 : vector<16xf32>
    %swap3A_1001 = arith.constant 3 : i32
    %swap3A_1002 = arith.index_cast %swap3A_1001 : i32 to index
    %swap3A_1003 = arith.constant 64 : index
    %swap3A_1004 = tpu.vector_load %arg12[%swap3A_1002, %swap3A_1003] {strides = array<i32>} : memref<10x256xf32, #tpu.memory_space<vmem>>, vector<1x16xf32>,
    %swap3A_1005 = vector.shape_cast %swap3A_1004 : vector<1x16xf32> to vector<16xf32>
    %swap3A_1006 = vector.shape_cast %mul3A_1000 : vector<16xf32> to vector<1x16xf32>
    tpu.vector_store %arg12[%swap3A_1002, %swap3A_1003], %swap3A_1006 {strides = array<i32>} : memref<10x256xf32, #tpu.memory_space<vmem>>, vector<1x16xf32>,
    %shift_right_arithmetic3A_1007 = arith.constant 2 : i32
    %shift_right_arithmetic3A_1008 = vector.broadcast %shift_right_arithmetic3A_1007 : i32 to vector<16xi32>
    %shift_right_arithmetic3A_1009 = arith.shrsi %or3A_921, %shift_right_arithmetic3A_1008 : vector<16xi32>
    %mul3A_1010 = arith.constant 2 : i32
    %mul3A_1011 = vector.broadcast %mul3A_1010 : i32 to vector<16xi32>
    %mul3A_1012 = arith.muli %shift_right_arithmetic3A_1009, %mul3A_1011 : vector<16xi32>
    %sub3A_1013 = arith.constant 3 : i32
    %sub3A_1014 = vector.broadcast %sub3A_1013 : i32 to vector<16xi32>
    %sub3A_1015 = arith.subi %mul3A_1012, %sub3A_1014 : vector<16xi32>
    %convert_element_type3A_1016 = arith.sitofp %sub3A_1015 : vector<16xi32> to vector<16xf32>
    %mul3A_1017 = arith.constant 0.316227764 : f32
    %mul3A_1018 = vector.broadcast %mul3A_1017 : f32 to vector<16xf32>
    %mul3A_1019 = arith.mulf %convert_element_type3A_1016, %mul3A_1018 : vector<16xf32>
    %swap3A_1020 = arith.constant 4 : i32
    %swap3A_1021 = arith.index_cast %swap3A_1020 : i32 to index
    %swap3A_1022 = arith.constant 64 : index
    %swap3A_1023 = tpu.vector_load %arg12[%swap3A_1021, %swap3A_1022] {strides = array<i32>} : memref<10x256xf32, #tpu.memory_space<vmem>>, vector<1x16xf32>,
    %swap3A_1024 = vector.shape_cast %swap3A_1023 : vector<1x16xf32> to vector<16xf32>
    %swap3A_1025 = vector.shape_cast %mul3A_1019 : vector<16xf32> to vector<1x16xf32>
    tpu.vector_store %arg12[%swap3A_1021, %swap3A_1022], %swap3A_1025 {strides = array<i32>} : memref<10x256xf32, #tpu.memory_space<vmem>>, vector<1x16xf32>,
    %and3A_1026 = arith.constant 3 : i32
    %and3A_1027 = vector.broadcast %and3A_1026 : i32 to vector<16xi32>
    %and3A_1028 = arith.andi %or3A_921, %and3A_1027 : vector<16xi32>
    %mul3A_1029 = arith.constant 2 : i32
    %mul3A_1030 = vector.broadcast %mul3A_1029 : i32 to vector<16xi32>
    %mul3A_1031 = arith.muli %and3A_1028, %mul3A_1030 : vector<16xi32>
    %sub3A_1032 = arith.constant 3 : i32
    %sub3A_1033 = vector.broadcast %sub3A_1032 : i32 to vector<16xi32>
    %sub3A_1034 = arith.subi %mul3A_1031, %sub3A_1033 : vector<16xi32>
    %convert_element_type3A_1035 = arith.sitofp %sub3A_1034 : vector<16xi32> to vector<16xf32>
    %mul3A_1036 = arith.constant 0.316227764 : f32
    %mul3A_1037 = vector.broadcast %mul3A_1036 : f32 to vector<16xf32>
    %mul3A_1038 = arith.mulf %convert_element_type3A_1035, %mul3A_1037 : vector<16xf32>
    %swap3A_1039 = arith.constant 5 : i32
    %swap3A_1040 = arith.index_cast %swap3A_1039 : i32 to index
    %swap3A_1041 = arith.constant 64 : index
    %swap3A_1042 = tpu.vector_load %arg12[%swap3A_1040, %swap3A_1041] {strides = array<i32>} : memref<10x256xf32, #tpu.memory_space<vmem>>, vector<1x16xf32>,
    %swap3A_1043 = vector.shape_cast %swap3A_1042 : vector<1x16xf32> to vector<16xf32>
    %swap3A_1044 = vector.shape_cast %mul3A_1038 : vector<16xf32> to vector<1x16xf32>
    tpu.vector_store %arg12[%swap3A_1040, %swap3A_1041], %swap3A_1044 {strides = array<i32>} : memref<10x256xf32, #tpu.memory_space<vmem>>, vector<1x16xf32>,
    %shift_right_arithmetic3A_1045 = arith.constant 2 : i32
    %shift_right_arithmetic3A_1046 = vector.broadcast %shift_right_arithmetic3A_1045 : i32 to vector<16xi32>
    %shift_right_arithmetic3A_1047 = arith.shrsi %and3A_927, %shift_right_arithmetic3A_1046 : vector<16xi32>
    %mul3A_1048 = arith.constant 2 : i32
    %mul3A_1049 = vector.broadcast %mul3A_1048 : i32 to vector<16xi32>
    %mul3A_1050 = arith.muli %shift_right_arithmetic3A_1047, %mul3A_1049 : vector<16xi32>
    %sub3A_1051 = arith.constant 3 : i32
    %sub3A_1052 = vector.broadcast %sub3A_1051 : i32 to vector<16xi32>
    %sub3A_1053 = arith.subi %mul3A_1050, %sub3A_1052 : vector<16xi32>
    %convert_element_type3A_1054 = arith.sitofp %sub3A_1053 : vector<16xi32> to vector<16xf32>
    %mul3A_1055 = arith.constant 0.316227764 : f32
    %mul3A_1056 = vector.broadcast %mul3A_1055 : f32 to vector<16xf32>
    %mul3A_1057 = arith.mulf %convert_element_type3A_1054, %mul3A_1056 : vector<16xf32>
    %swap3A_1058 = arith.constant 6 : i32
    %swap3A_1059 = arith.index_cast %swap3A_1058 : i32 to index
    %swap3A_1060 = arith.constant 64 : index
    %swap3A_1061 = tpu.vector_load %arg12[%swap3A_1059, %swap3A_1060] {strides = array<i32>} : memref<10x256xf32, #tpu.memory_space<vmem>>, vector<1x16xf32>,
    %swap3A_1062 = vector.shape_cast %swap3A_1061 : vector<1x16xf32> to vector<16xf32>
    %swap3A_1063 = vector.shape_cast %mul3A_1057 : vector<16xf32> to vector<1x16xf32>
    tpu.vector_store %arg12[%swap3A_1059, %swap3A_1060], %swap3A_1063 {strides = array<i32>} : memref<10x256xf32, #tpu.memory_space<vmem>>, vector<1x16xf32>,
    %and3A_1064 = arith.constant 3 : i32
    %and3A_1065 = vector.broadcast %and3A_1064 : i32 to vector<16xi32>
    %and3A_1066 = arith.andi %and3A_927, %and3A_1065 : vector<16xi32>
    %mul3A_1067 = arith.constant 2 : i32
    %mul3A_1068 = vector.broadcast %mul3A_1067 : i32 to vector<16xi32>
    %mul3A_1069 = arith.muli %and3A_1066, %mul3A_1068 : vector<16xi32>
    %sub3A_1070 = arith.constant 3 : i32
    %sub3A_1071 = vector.broadcast %sub3A_1070 : i32 to vector<16xi32>
    %sub3A_1072 = arith.subi %mul3A_1069, %sub3A_1071 : vector<16xi32>
    %convert_element_type3A_1073 = arith.sitofp %sub3A_1072 : vector<16xi32> to vector<16xf32>
    %mul3A_1074 = arith.constant 0.316227764 : f32
    %mul3A_1075 = vector.broadcast %mul3A_1074 : f32 to vector<16xf32>
    %mul3A_1076 = arith.mulf %convert_element_type3A_1073, %mul3A_1075 : vector<16xf32>
    %swap3A_1077 = arith.constant 7 : i32
    %swap3A_1078 = arith.index_cast %swap3A_1077 : i32 to index
    %swap3A_1079 = arith.constant 64 : index
    %swap3A_1080 = tpu.vector_load %arg12[%swap3A_1078, %swap3A_1079] {strides = array<i32>} : memref<10x256xf32, #tpu.memory_space<vmem>>, vector<1x16xf32>,
    %swap3A_1081 = vector.shape_cast %swap3A_1080 : vector<1x16xf32> to vector<16xf32>
    %swap3A_1082 = vector.shape_cast %mul3A_1076 : vector<16xf32> to vector<1x16xf32>
    tpu.vector_store %arg12[%swap3A_1078, %swap3A_1079], %swap3A_1082 {strides = array<i32>} : memref<10x256xf32, #tpu.memory_space<vmem>>, vector<1x16xf32>,
    %shift_right_arithmetic3A_1083 = arith.constant 2 : i32
    %shift_right_arithmetic3A_1084 = vector.broadcast %shift_right_arithmetic3A_1083 : i32 to vector<16xi32>
    %shift_right_arithmetic3A_1085 = arith.shrsi %and3A_930, %shift_right_arithmetic3A_1084 : vector<16xi32>
    %mul3A_1086 = arith.constant 2 : i32
    %mul3A_1087 = vector.broadcast %mul3A_1086 : i32 to vector<16xi32>
    %mul3A_1088 = arith.muli %shift_right_arithmetic3A_1085, %mul3A_1087 : vector<16xi32>
    %sub3A_1089 = arith.constant 3 : i32
    %sub3A_1090 = vector.broadcast %sub3A_1089 : i32 to vector<16xi32>
    %sub3A_1091 = arith.subi %mul3A_1088, %sub3A_1090 : vector<16xi32>
    %convert_element_type3A_1092 = arith.sitofp %sub3A_1091 : vector<16xi32> to vector<16xf32>
    %mul3A_1093 = arith.constant 0.316227764 : f32
    %mul3A_1094 = vector.broadcast %mul3A_1093 : f32 to vector<16xf32>
    %mul3A_1095 = arith.mulf %convert_element_type3A_1092, %mul3A_1094 : vector<16xf32>
    %swap3A_1096 = arith.constant 8 : i32
    %swap3A_1097 = arith.index_cast %swap3A_1096 : i32 to index
    %swap3A_1098 = arith.constant 64 : index
    %swap3A_1099 = tpu.vector_load %arg12[%swap3A_1097, %swap3A_1098] {strides = array<i32>} : memref<10x256xf32, #tpu.memory_space<vmem>>, vector<1x16xf32>,
    %swap3A_1100 = vector.shape_cast %swap3A_1099 : vector<1x16xf32> to vector<16xf32>
    %swap3A_1101 = vector.shape_cast %mul3A_1095 : vector<16xf32> to vector<1x16xf32>
    tpu.vector_store %arg12[%swap3A_1097, %swap3A_1098], %swap3A_1101 {strides = array<i32>} : memref<10x256xf32, #tpu.memory_space<vmem>>, vector<1x16xf32>,
    %and3A_1102 = arith.constant 3 : i32
    %and3A_1103 = vector.broadcast %and3A_1102 : i32 to vector<16xi32>
    %and3A_1104 = arith.andi %and3A_930, %and3A_1103 : vector<16xi32>
    %mul3A_1105 = arith.constant 2 : i32
    %mul3A_1106 = vector.broadcast %mul3A_1105 : i32 to vector<16xi32>
    %mul3A_1107 = arith.muli %and3A_1104, %mul3A_1106 : vector<16xi32>
    %sub3A_1108 = arith.constant 3 : i32
    %sub3A_1109 = vector.broadcast %sub3A_1108 : i32 to vector<16xi32>
    %sub3A_1110 = arith.subi %mul3A_1107, %sub3A_1109 : vector<16xi32>
    %convert_element_type3A_1111 = arith.sitofp %sub3A_1110 : vector<16xi32> to vector<16xf32>
    %mul3A_1112 = arith.constant 0.316227764 : f32
    %mul3A_1113 = vector.broadcast %mul3A_1112 : f32 to vector<16xf32>
    %mul3A_1114 = arith.mulf %convert_element_type3A_1111, %mul3A_1113 : vector<16xf32>
    %swap3A_1115 = arith.constant 9 : i32
    %swap3A_1116 = arith.index_cast %swap3A_1115 : i32 to index
    %swap3A_1117 = arith.constant 64 : index
    %swap3A_1118 = tpu.vector_load %arg12[%swap3A_1116, %swap3A_1117] {strides = array<i32>} : memref<10x256xf32, #tpu.memory_space<vmem>>, vector<1x16xf32>,
    %swap3A_1119 = vector.shape_cast %swap3A_1118 : vector<1x16xf32> to vector<16xf32>
    %swap3A_1120 = vector.shape_cast %mul3A_1114 : vector<16xf32> to vector<1x16xf32>
    tpu.vector_store %arg12[%swap3A_1116, %swap3A_1117], %swap3A_1120 {strides = array<i32>} : memref<10x256xf32, #tpu.memory_space<vmem>>, vector<1x16xf32>,
    %get3A_1121 = arith.constant 80 : index
    %get3A_1122 = tpu.vector_load %arg10[%get3A_1121] {strides = array<i32>} : memref<256xi32, #tpu.memory_space<vmem>>, vector<16xi32>,
    %get3A_1123 = vector.shape_cast %get3A_1122 : vector<16xi32> to vector<16xi32>
    %get3A_1124 = arith.constant 80 : index
    %get3A_1125 = tpu.vector_load %arg11[%get3A_1124] {strides = array<i32>} : memref<256xi32, #tpu.memory_space<vmem>>, vector<16xi32>,
    %get3A_1126 = vector.shape_cast %get3A_1125 : vector<16xi32> to vector<16xi32>
    %shift_right_arithmetic3A_1127 = arith.constant 6 : i32
    %shift_right_arithmetic3A_1128 = vector.broadcast %shift_right_arithmetic3A_1127 : i32 to vector<16xi32>
    %shift_right_arithmetic3A_1129 = arith.shrsi %get3A_1123, %shift_right_arithmetic3A_1128 : vector<16xi32>
    %shift_right_arithmetic3A_1130 = arith.constant 2 : i32
    %shift_right_arithmetic3A_1131 = vector.broadcast %shift_right_arithmetic3A_1130 : i32 to vector<16xi32>
    %shift_right_arithmetic3A_1132 = arith.shrsi %get3A_1123, %shift_right_arithmetic3A_1131 : vector<16xi32>
    %and3A_1133 = arith.constant 15 : i32
    %and3A_1134 = vector.broadcast %and3A_1133 : i32 to vector<16xi32>
    %and3A_1135 = arith.andi %shift_right_arithmetic3A_1132, %and3A_1134 : vector<16xi32>
    %and3A_1136 = arith.constant 3 : i32
    %and3A_1137 = vector.broadcast %and3A_1136 : i32 to vector<16xi32>
    %and3A_1138 = arith.andi %get3A_1123, %and3A_1137 : vector<16xi32>
    %shift_left3A_1139 = arith.constant 2 : i32
    %shift_left3A_1140 = vector.broadcast %shift_left3A_1139 : i32 to vector<16xi32>
    %shift_left3A_1141 = arith.shli %and3A_1138, %shift_left3A_1140 : vector<16xi32>
    %shift_right_arithmetic3A_1142 = arith.constant 8 : i32
    %shift_right_arithmetic3A_1143 = vector.broadcast %shift_right_arithmetic3A_1142 : i32 to vector<16xi32>
    %shift_right_arithmetic3A_1144 = arith.shrsi %get3A_1126, %shift_right_arithmetic3A_1143 : vector<16xi32>
    %or3A_1145 = arith.ori %shift_left3A_1141, %shift_right_arithmetic3A_1144 : vector<16xi32>
    %shift_right_arithmetic3A_1146 = arith.constant 4 : i32
    %shift_right_arithmetic3A_1147 = vector.broadcast %shift_right_arithmetic3A_1146 : i32 to vector<16xi32>
    %shift_right_arithmetic3A_1148 = arith.shrsi %get3A_1126, %shift_right_arithmetic3A_1147 : vector<16xi32>
    %and3A_1149 = arith.constant 15 : i32
    %and3A_1150 = vector.broadcast %and3A_1149 : i32 to vector<16xi32>
    %and3A_1151 = arith.andi %shift_right_arithmetic3A_1148, %and3A_1150 : vector<16xi32>
    %and3A_1152 = arith.constant 15 : i32
    %and3A_1153 = vector.broadcast %and3A_1152 : i32 to vector<16xi32>
    %and3A_1154 = arith.andi %get3A_1126, %and3A_1153 : vector<16xi32>
    %shift_right_arithmetic3A_1155 = arith.constant 2 : i32
    %shift_right_arithmetic3A_1156 = vector.broadcast %shift_right_arithmetic3A_1155 : i32 to vector<16xi32>
    %shift_right_arithmetic3A_1157 = arith.shrsi %shift_right_arithmetic3A_1129, %shift_right_arithmetic3A_1156 : vector<16xi32>
    %mul3A_1158 = arith.constant 2 : i32
    %mul3A_1159 = vector.broadcast %mul3A_1158 : i32 to vector<16xi32>
    %mul3A_1160 = arith.muli %shift_right_arithmetic3A_1157, %mul3A_1159 : vector<16xi32>
    %sub3A_1161 = arith.constant 3 : i32
    %sub3A_1162 = vector.broadcast %sub3A_1161 : i32 to vector<16xi32>
    %sub3A_1163 = arith.subi %mul3A_1160, %sub3A_1162 : vector<16xi32>
    %convert_element_type3A_1164 = arith.sitofp %sub3A_1163 : vector<16xi32> to vector<16xf32>
    %mul3A_1165 = arith.constant 0.316227764 : f32
    %mul3A_1166 = vector.broadcast %mul3A_1165 : f32 to vector<16xf32>
    %mul3A_1167 = arith.mulf %convert_element_type3A_1164, %mul3A_1166 : vector<16xf32>
    %swap3A_1168 = arith.constant 0 : i32
    %swap3A_1169 = arith.index_cast %swap3A_1168 : i32 to index
    %swap3A_1170 = arith.constant 80 : index
    %swap3A_1171 = tpu.vector_load %arg12[%swap3A_1169, %swap3A_1170] {strides = array<i32>} : memref<10x256xf32, #tpu.memory_space<vmem>>, vector<1x16xf32>,
    %swap3A_1172 = vector.shape_cast %swap3A_1171 : vector<1x16xf32> to vector<16xf32>
    %swap3A_1173 = vector.shape_cast %mul3A_1167 : vector<16xf32> to vector<1x16xf32>
    tpu.vector_store %arg12[%swap3A_1169, %swap3A_1170], %swap3A_1173 {strides = array<i32>} : memref<10x256xf32, #tpu.memory_space<vmem>>, vector<1x16xf32>,
    %and3A_1174 = arith.constant 3 : i32
    %and3A_1175 = vector.broadcast %and3A_1174 : i32 to vector<16xi32>
    %and3A_1176 = arith.andi %shift_right_arithmetic3A_1129, %and3A_1175 : vector<16xi32>
    %mul3A_1177 = arith.constant 2 : i32
    %mul3A_1178 = vector.broadcast %mul3A_1177 : i32 to vector<16xi32>
    %mul3A_1179 = arith.muli %and3A_1176, %mul3A_1178 : vector<16xi32>
    %sub3A_1180 = arith.constant 3 : i32
    %sub3A_1181 = vector.broadcast %sub3A_1180 : i32 to vector<16xi32>
    %sub3A_1182 = arith.subi %mul3A_1179, %sub3A_1181 : vector<16xi32>
    %convert_element_type3A_1183 = arith.sitofp %sub3A_1182 : vector<16xi32> to vector<16xf32>
    %mul3A_1184 = arith.constant 0.316227764 : f32
    %mul3A_1185 = vector.broadcast %mul3A_1184 : f32 to vector<16xf32>
    %mul3A_1186 = arith.mulf %convert_element_type3A_1183, %mul3A_1185 : vector<16xf32>
    %swap3A_1187 = arith.constant 1 : i32
    %swap3A_1188 = arith.index_cast %swap3A_1187 : i32 to index
    %swap3A_1189 = arith.constant 80 : index
    %swap3A_1190 = tpu.vector_load %arg12[%swap3A_1188, %swap3A_1189] {strides = array<i32>} : memref<10x256xf32, #tpu.memory_space<vmem>>, vector<1x16xf32>,
    %swap3A_1191 = vector.shape_cast %swap3A_1190 : vector<1x16xf32> to vector<16xf32>
    %swap3A_1192 = vector.shape_cast %mul3A_1186 : vector<16xf32> to vector<1x16xf32>
    tpu.vector_store %arg12[%swap3A_1188, %swap3A_1189], %swap3A_1192 {strides = array<i32>} : memref<10x256xf32, #tpu.memory_space<vmem>>, vector<1x16xf32>,
    %shift_right_arithmetic3A_1193 = arith.constant 2 : i32
    %shift_right_arithmetic3A_1194 = vector.broadcast %shift_right_arithmetic3A_1193 : i32 to vector<16xi32>
    %shift_right_arithmetic3A_1195 = arith.shrsi %and3A_1135, %shift_right_arithmetic3A_1194 : vector<16xi32>
    %mul3A_1196 = arith.constant 2 : i32
    %mul3A_1197 = vector.broadcast %mul3A_1196 : i32 to vector<16xi32>
    %mul3A_1198 = arith.muli %shift_right_arithmetic3A_1195, %mul3A_1197 : vector<16xi32>
    %sub3A_1199 = arith.constant 3 : i32
    %sub3A_1200 = vector.broadcast %sub3A_1199 : i32 to vector<16xi32>
    %sub3A_1201 = arith.subi %mul3A_1198, %sub3A_1200 : vector<16xi32>
    %convert_element_type3A_1202 = arith.sitofp %sub3A_1201 : vector<16xi32> to vector<16xf32>
    %mul3A_1203 = arith.constant 0.316227764 : f32
    %mul3A_1204 = vector.broadcast %mul3A_1203 : f32 to vector<16xf32>
    %mul3A_1205 = arith.mulf %convert_element_type3A_1202, %mul3A_1204 : vector<16xf32>
    %swap3A_1206 = arith.constant 2 : i32
    %swap3A_1207 = arith.index_cast %swap3A_1206 : i32 to index
    %swap3A_1208 = arith.constant 80 : index
    %swap3A_1209 = tpu.vector_load %arg12[%swap3A_1207, %swap3A_1208] {strides = array<i32>} : memref<10x256xf32, #tpu.memory_space<vmem>>, vector<1x16xf32>,
    %swap3A_1210 = vector.shape_cast %swap3A_1209 : vector<1x16xf32> to vector<16xf32>
    %swap3A_1211 = vector.shape_cast %mul3A_1205 : vector<16xf32> to vector<1x16xf32>
    tpu.vector_store %arg12[%swap3A_1207, %swap3A_1208], %swap3A_1211 {strides = array<i32>} : memref<10x256xf32, #tpu.memory_space<vmem>>, vector<1x16xf32>,
    %and3A_1212 = arith.constant 3 : i32
    %and3A_1213 = vector.broadcast %and3A_1212 : i32 to vector<16xi32>
    %and3A_1214 = arith.andi %and3A_1135, %and3A_1213 : vector<16xi32>
    %mul3A_1215 = arith.constant 2 : i32
    %mul3A_1216 = vector.broadcast %mul3A_1215 : i32 to vector<16xi32>
    %mul3A_1217 = arith.muli %and3A_1214, %mul3A_1216 : vector<16xi32>
    %sub3A_1218 = arith.constant 3 : i32
    %sub3A_1219 = vector.broadcast %sub3A_1218 : i32 to vector<16xi32>
    %sub3A_1220 = arith.subi %mul3A_1217, %sub3A_1219 : vector<16xi32>
    %convert_element_type3A_1221 = arith.sitofp %sub3A_1220 : vector<16xi32> to vector<16xf32>
    %mul3A_1222 = arith.constant 0.316227764 : f32
    %mul3A_1223 = vector.broadcast %mul3A_1222 : f32 to vector<16xf32>
    %mul3A_1224 = arith.mulf %convert_element_type3A_1221, %mul3A_1223 : vector<16xf32>
    %swap3A_1225 = arith.constant 3 : i32
    %swap3A_1226 = arith.index_cast %swap3A_1225 : i32 to index
    %swap3A_1227 = arith.constant 80 : index
    %swap3A_1228 = tpu.vector_load %arg12[%swap3A_1226, %swap3A_1227] {strides = array<i32>} : memref<10x256xf32, #tpu.memory_space<vmem>>, vector<1x16xf32>,
    %swap3A_1229 = vector.shape_cast %swap3A_1228 : vector<1x16xf32> to vector<16xf32>
    %swap3A_1230 = vector.shape_cast %mul3A_1224 : vector<16xf32> to vector<1x16xf32>
    tpu.vector_store %arg12[%swap3A_1226, %swap3A_1227], %swap3A_1230 {strides = array<i32>} : memref<10x256xf32, #tpu.memory_space<vmem>>, vector<1x16xf32>,
    %shift_right_arithmetic3A_1231 = arith.constant 2 : i32
    %shift_right_arithmetic3A_1232 = vector.broadcast %shift_right_arithmetic3A_1231 : i32 to vector<16xi32>
    %shift_right_arithmetic3A_1233 = arith.shrsi %or3A_1145, %shift_right_arithmetic3A_1232 : vector<16xi32>
    %mul3A_1234 = arith.constant 2 : i32
    %mul3A_1235 = vector.broadcast %mul3A_1234 : i32 to vector<16xi32>
    %mul3A_1236 = arith.muli %shift_right_arithmetic3A_1233, %mul3A_1235 : vector<16xi32>
    %sub3A_1237 = arith.constant 3 : i32
    %sub3A_1238 = vector.broadcast %sub3A_1237 : i32 to vector<16xi32>
    %sub3A_1239 = arith.subi %mul3A_1236, %sub3A_1238 : vector<16xi32>
    %convert_element_type3A_1240 = arith.sitofp %sub3A_1239 : vector<16xi32> to vector<16xf32>
    %mul3A_1241 = arith.constant 0.316227764 : f32
    %mul3A_1242 = vector.broadcast %mul3A_1241 : f32 to vector<16xf32>
    %mul3A_1243 = arith.mulf %convert_element_type3A_1240, %mul3A_1242 : vector<16xf32>
    %swap3A_1244 = arith.constant 4 : i32
    %swap3A_1245 = arith.index_cast %swap3A_1244 : i32 to index
    %swap3A_1246 = arith.constant 80 : index
    %swap3A_1247 = tpu.vector_load %arg12[%swap3A_1245, %swap3A_1246] {strides = array<i32>} : memref<10x256xf32, #tpu.memory_space<vmem>>, vector<1x16xf32>,
    %swap3A_1248 = vector.shape_cast %swap3A_1247 : vector<1x16xf32> to vector<16xf32>
    %swap3A_1249 = vector.shape_cast %mul3A_1243 : vector<16xf32> to vector<1x16xf32>
    tpu.vector_store %arg12[%swap3A_1245, %swap3A_1246], %swap3A_1249 {strides = array<i32>} : memref<10x256xf32, #tpu.memory_space<vmem>>, vector<1x16xf32>,
    %and3A_1250 = arith.constant 3 : i32
    %and3A_1251 = vector.broadcast %and3A_1250 : i32 to vector<16xi32>
    %and3A_1252 = arith.andi %or3A_1145, %and3A_1251 : vector<16xi32>
    %mul3A_1253 = arith.constant 2 : i32
    %mul3A_1254 = vector.broadcast %mul3A_1253 : i32 to vector<16xi32>
    %mul3A_1255 = arith.muli %and3A_1252, %mul3A_1254 : vector<16xi32>
    %sub3A_1256 = arith.constant 3 : i32
    %sub3A_1257 = vector.broadcast %sub3A_1256 : i32 to vector<16xi32>
    %sub3A_1258 = arith.subi %mul3A_1255, %sub3A_1257 : vector<16xi32>
    %convert_element_type3A_1259 = arith.sitofp %sub3A_1258 : vector<16xi32> to vector<16xf32>
    %mul3A_1260 = arith.constant 0.316227764 : f32
    %mul3A_1261 = vector.broadcast %mul3A_1260 : f32 to vector<16xf32>
    %mul3A_1262 = arith.mulf %convert_element_type3A_1259, %mul3A_1261 : vector<16xf32>
    %swap3A_1263 = arith.constant 5 : i32
    %swap3A_1264 = arith.index_cast %swap3A_1263 : i32 to index
    %swap3A_1265 = arith.constant 80 : index
    %swap3A_1266 = tpu.vector_load %arg12[%swap3A_1264, %swap3A_1265] {strides = array<i32>} : memref<10x256xf32, #tpu.memory_space<vmem>>, vector<1x16xf32>,
    %swap3A_1267 = vector.shape_cast %swap3A_1266 : vector<1x16xf32> to vector<16xf32>
    %swap3A_1268 = vector.shape_cast %mul3A_1262 : vector<16xf32> to vector<1x16xf32>
    tpu.vector_store %arg12[%swap3A_1264, %swap3A_1265], %swap3A_1268 {strides = array<i32>} : memref<10x256xf32, #tpu.memory_space<vmem>>, vector<1x16xf32>,
    %shift_right_arithmetic3A_1269 = arith.constant 2 : i32
    %shift_right_arithmetic3A_1270 = vector.broadcast %shift_right_arithmetic3A_1269 : i32 to vector<16xi32>
    %shift_right_arithmetic3A_1271 = arith.shrsi %and3A_1151, %shift_right_arithmetic3A_1270 : vector<16xi32>
    %mul3A_1272 = arith.constant 2 : i32
    %mul3A_1273 = vector.broadcast %mul3A_1272 : i32 to vector<16xi32>
    %mul3A_1274 = arith.muli %shift_right_arithmetic3A_1271, %mul3A_1273 : vector<16xi32>
    %sub3A_1275 = arith.constant 3 : i32
    %sub3A_1276 = vector.broadcast %sub3A_1275 : i32 to vector<16xi32>
    %sub3A_1277 = arith.subi %mul3A_1274, %sub3A_1276 : vector<16xi32>
    %convert_element_type3A_1278 = arith.sitofp %sub3A_1277 : vector<16xi32> to vector<16xf32>
    %mul3A_1279 = arith.constant 0.316227764 : f32
    %mul3A_1280 = vector.broadcast %mul3A_1279 : f32 to vector<16xf32>
    %mul3A_1281 = arith.mulf %convert_element_type3A_1278, %mul3A_1280 : vector<16xf32>
    %swap3A_1282 = arith.constant 6 : i32
    %swap3A_1283 = arith.index_cast %swap3A_1282 : i32 to index
    %swap3A_1284 = arith.constant 80 : index
    %swap3A_1285 = tpu.vector_load %arg12[%swap3A_1283, %swap3A_1284] {strides = array<i32>} : memref<10x256xf32, #tpu.memory_space<vmem>>, vector<1x16xf32>,
    %swap3A_1286 = vector.shape_cast %swap3A_1285 : vector<1x16xf32> to vector<16xf32>
    %swap3A_1287 = vector.shape_cast %mul3A_1281 : vector<16xf32> to vector<1x16xf32>
    tpu.vector_store %arg12[%swap3A_1283, %swap3A_1284], %swap3A_1287 {strides = array<i32>} : memref<10x256xf32, #tpu.memory_space<vmem>>, vector<1x16xf32>,
    %and3A_1288 = arith.constant 3 : i32
    %and3A_1289 = vector.broadcast %and3A_1288 : i32 to vector<16xi32>
    %and3A_1290 = arith.andi %and3A_1151, %and3A_1289 : vector<16xi32>
    %mul3A_1291 = arith.constant 2 : i32
    %mul3A_1292 = vector.broadcast %mul3A_1291 : i32 to vector<16xi32>
    %mul3A_1293 = arith.muli %and3A_1290, %mul3A_1292 : vector<16xi32>
    %sub3A_1294 = arith.constant 3 : i32
    %sub3A_1295 = vector.broadcast %sub3A_1294 : i32 to vector<16xi32>
    %sub3A_1296 = arith.subi %mul3A_1293, %sub3A_1295 : vector<16xi32>
    %convert_element_type3A_1297 = arith.sitofp %sub3A_1296 : vector<16xi32> to vector<16xf32>
    %mul3A_1298 = arith.constant 0.316227764 : f32
    %mul3A_1299 = vector.broadcast %mul3A_1298 : f32 to vector<16xf32>
    %mul3A_1300 = arith.mulf %convert_element_type3A_1297, %mul3A_1299 : vector<16xf32>
    %swap3A_1301 = arith.constant 7 : i32
    %swap3A_1302 = arith.index_cast %swap3A_1301 : i32 to index
    %swap3A_1303 = arith.constant 80 : index
    %swap3A_1304 = tpu.vector_load %arg12[%swap3A_1302, %swap3A_1303] {strides = array<i32>} : memref<10x256xf32, #tpu.memory_space<vmem>>, vector<1x16xf32>,
    %swap3A_1305 = vector.shape_cast %swap3A_1304 : vector<1x16xf32> to vector<16xf32>
    %swap3A_1306 = vector.shape_cast %mul3A_1300 : vector<16xf32> to vector<1x16xf32>
    tpu.vector_store %arg12[%swap3A_1302, %swap3A_1303], %swap3A_1306 {strides = array<i32>} : memref<10x256xf32, #tpu.memory_space<vmem>>, vector<1x16xf32>,
    %shift_right_arithmetic3A_1307 = arith.constant 2 : i32
    %shift_right_arithmetic3A_1308 = vector.broadcast %shift_right_arithmetic3A_1307 : i32 to vector<16xi32>
    %shift_right_arithmetic3A_1309 = arith.shrsi %and3A_1154, %shift_right_arithmetic3A_1308 : vector<16xi32>
    %mul3A_1310 = arith.constant 2 : i32
    %mul3A_1311 = vector.broadcast %mul3A_1310 : i32 to vector<16xi32>
    %mul3A_1312 = arith.muli %shift_right_arithmetic3A_1309, %mul3A_1311 : vector<16xi32>
    %sub3A_1313 = arith.constant 3 : i32
    %sub3A_1314 = vector.broadcast %sub3A_1313 : i32 to vector<16xi32>
    %sub3A_1315 = arith.subi %mul3A_1312, %sub3A_1314 : vector<16xi32>
    %convert_element_type3A_1316 = arith.sitofp %sub3A_1315 : vector<16xi32> to vector<16xf32>
    %mul3A_1317 = arith.constant 0.316227764 : f32
    %mul3A_1318 = vector.broadcast %mul3A_1317 : f32 to vector<16xf32>
    %mul3A_1319 = arith.mulf %convert_element_type3A_1316, %mul3A_1318 : vector<16xf32>
    %swap3A_1320 = arith.constant 8 : i32
    %swap3A_1321 = arith.index_cast %swap3A_1320 : i32 to index
    %swap3A_1322 = arith.constant 80 : index
    %swap3A_1323 = tpu.vector_load %arg12[%swap3A_1321, %swap3A_1322] {strides = array<i32>} : memref<10x256xf32, #tpu.memory_space<vmem>>, vector<1x16xf32>,
    %swap3A_1324 = vector.shape_cast %swap3A_1323 : vector<1x16xf32> to vector<16xf32>
    %swap3A_1325 = vector.shape_cast %mul3A_1319 : vector<16xf32> to vector<1x16xf32>
    tpu.vector_store %arg12[%swap3A_1321, %swap3A_1322], %swap3A_1325 {strides = array<i32>} : memref<10x256xf32, #tpu.memory_space<vmem>>, vector<1x16xf32>,
    %and3A_1326 = arith.constant 3 : i32
    %and3A_1327 = vector.broadcast %and3A_1326 : i32 to vector<16xi32>
    %and3A_1328 = arith.andi %and3A_1154, %and3A_1327 : vector<16xi32>
    %mul3A_1329 = arith.constant 2 : i32
    %mul3A_1330 = vector.broadcast %mul3A_1329 : i32 to vector<16xi32>
    %mul3A_1331 = arith.muli %and3A_1328, %mul3A_1330 : vector<16xi32>
    %sub3A_1332 = arith.constant 3 : i32
    %sub3A_1333 = vector.broadcast %sub3A_1332 : i32 to vector<16xi32>
    %sub3A_1334 = arith.subi %mul3A_1331, %sub3A_1333 : vector<16xi32>
    %convert_element_type3A_1335 = arith.sitofp %sub3A_1334 : vector<16xi32> to vector<16xf32>
    %mul3A_1336 = arith.constant 0.316227764 : f32
    %mul3A_1337 = vector.broadcast %mul3A_1336 : f32 to vector<16xf32>
    %mul3A_1338 = arith.mulf %convert_element_type3A_1335, %mul3A_1337 : vector<16xf32>
    %swap3A_1339 = arith.constant 9 : i32
    %swap3A_1340 = arith.index_cast %swap3A_1339 : i32 to index
    %swap3A_1341 = arith.constant 80 : index
    %swap3A_1342 = tpu.vector_load %arg12[%swap3A_1340, %swap3A_1341] {strides = array<i32>} : memref<10x256xf32, #tpu.memory_space<vmem>>, vector<1x16xf32>,
    %swap3A_1343 = vector.shape_cast %swap3A_1342 : vector<1x16xf32> to vector<16xf32>
    %swap3A_1344 = vector.shape_cast %mul3A_1338 : vector<16xf32> to vector<1x16xf32>
    tpu.vector_store %arg12[%swap3A_1340, %swap3A_1341], %swap3A_1344 {strides = array<i32>} : memref<10x256xf32, #tpu.memory_space<vmem>>, vector<1x16xf32>,
    %get3A_1345 = arith.constant 96 : index
    %get3A_1346 = tpu.vector_load %arg10[%get3A_1345] {strides = array<i32>} : memref<256xi32, #tpu.memory_space<vmem>>, vector<16xi32>,
    %get3A_1347 = vector.shape_cast %get3A_1346 : vector<16xi32> to vector<16xi32>
    %get3A_1348 = arith.constant 96 : index
    %get3A_1349 = tpu.vector_load %arg11[%get3A_1348] {strides = array<i32>} : memref<256xi32, #tpu.memory_space<vmem>>, vector<16xi32>,
    %get3A_1350 = vector.shape_cast %get3A_1349 : vector<16xi32> to vector<16xi32>
    %shift_right_arithmetic3A_1351 = arith.constant 6 : i32
    %shift_right_arithmetic3A_1352 = vector.broadcast %shift_right_arithmetic3A_1351 : i32 to vector<16xi32>
    %shift_right_arithmetic3A_1353 = arith.shrsi %get3A_1347, %shift_right_arithmetic3A_1352 : vector<16xi32>
    %shift_right_arithmetic3A_1354 = arith.constant 2 : i32
    %shift_right_arithmetic3A_1355 = vector.broadcast %shift_right_arithmetic3A_1354 : i32 to vector<16xi32>
    %shift_right_arithmetic3A_1356 = arith.shrsi %get3A_1347, %shift_right_arithmetic3A_1355 : vector<16xi32>
    %and3A_1357 = arith.constant 15 : i32
    %and3A_1358 = vector.broadcast %and3A_1357 : i32 to vector<16xi32>
    %and3A_1359 = arith.andi %shift_right_arithmetic3A_1356, %and3A_1358 : vector<16xi32>
    %and3A_1360 = arith.constant 3 : i32
    %and3A_1361 = vector.broadcast %and3A_1360 : i32 to vector<16xi32>
    %and3A_1362 = arith.andi %get3A_1347, %and3A_1361 : vector<16xi32>
    %shift_left3A_1363 = arith.constant 2 : i32
    %shift_left3A_1364 = vector.broadcast %shift_left3A_1363 : i32 to vector<16xi32>
    %shift_left3A_1365 = arith.shli %and3A_1362, %shift_left3A_1364 : vector<16xi32>
    %shift_right_arithmetic3A_1366 = arith.constant 8 : i32
    %shift_right_arithmetic3A_1367 = vector.broadcast %shift_right_arithmetic3A_1366 : i32 to vector<16xi32>
    %shift_right_arithmetic3A_1368 = arith.shrsi %get3A_1350, %shift_right_arithmetic3A_1367 : vector<16xi32>
    %or3A_1369 = arith.ori %shift_left3A_1365, %shift_right_arithmetic3A_1368 : vector<16xi32>
    %shift_right_arithmetic3A_1370 = arith.constant 4 : i32
    %shift_right_arithmetic3A_1371 = vector.broadcast %shift_right_arithmetic3A_1370 : i32 to vector<16xi32>
    %shift_right_arithmetic3A_1372 = arith.shrsi %get3A_1350, %shift_right_arithmetic3A_1371 : vector<16xi32>
    %and3A_1373 = arith.constant 15 : i32
    %and3A_1374 = vector.broadcast %and3A_1373 : i32 to vector<16xi32>
    %and3A_1375 = arith.andi %shift_right_arithmetic3A_1372, %and3A_1374 : vector<16xi32>
    %and3A_1376 = arith.constant 15 : i32
    %and3A_1377 = vector.broadcast %and3A_1376 : i32 to vector<16xi32>
    %and3A_1378 = arith.andi %get3A_1350, %and3A_1377 : vector<16xi32>
    %shift_right_arithmetic3A_1379 = arith.constant 2 : i32
    %shift_right_arithmetic3A_1380 = vector.broadcast %shift_right_arithmetic3A_1379 : i32 to vector<16xi32>
    %shift_right_arithmetic3A_1381 = arith.shrsi %shift_right_arithmetic3A_1353, %shift_right_arithmetic3A_1380 : vector<16xi32>
    %mul3A_1382 = arith.constant 2 : i32
    %mul3A_1383 = vector.broadcast %mul3A_1382 : i32 to vector<16xi32>
    %mul3A_1384 = arith.muli %shift_right_arithmetic3A_1381, %mul3A_1383 : vector<16xi32>
    %sub3A_1385 = arith.constant 3 : i32
    %sub3A_1386 = vector.broadcast %sub3A_1385 : i32 to vector<16xi32>
    %sub3A_1387 = arith.subi %mul3A_1384, %sub3A_1386 : vector<16xi32>
    %convert_element_type3A_1388 = arith.sitofp %sub3A_1387 : vector<16xi32> to vector<16xf32>
    %mul3A_1389 = arith.constant 0.316227764 : f32
    %mul3A_1390 = vector.broadcast %mul3A_1389 : f32 to vector<16xf32>
    %mul3A_1391 = arith.mulf %convert_element_type3A_1388, %mul3A_1390 : vector<16xf32>
    %swap3A_1392 = arith.constant 0 : i32
    %swap3A_1393 = arith.index_cast %swap3A_1392 : i32 to index
    %swap3A_1394 = arith.constant 96 : index
    %swap3A_1395 = tpu.vector_load %arg12[%swap3A_1393, %swap3A_1394] {strides = array<i32>} : memref<10x256xf32, #tpu.memory_space<vmem>>, vector<1x16xf32>,
    %swap3A_1396 = vector.shape_cast %swap3A_1395 : vector<1x16xf32> to vector<16xf32>
    %swap3A_1397 = vector.shape_cast %mul3A_1391 : vector<16xf32> to vector<1x16xf32>
    tpu.vector_store %arg12[%swap3A_1393, %swap3A_1394], %swap3A_1397 {strides = array<i32>} : memref<10x256xf32, #tpu.memory_space<vmem>>, vector<1x16xf32>,
    %and3A_1398 = arith.constant 3 : i32
    %and3A_1399 = vector.broadcast %and3A_1398 : i32 to vector<16xi32>
    %and3A_1400 = arith.andi %shift_right_arithmetic3A_1353, %and3A_1399 : vector<16xi32>
    %mul3A_1401 = arith.constant 2 : i32
    %mul3A_1402 = vector.broadcast %mul3A_1401 : i32 to vector<16xi32>
    %mul3A_1403 = arith.muli %and3A_1400, %mul3A_1402 : vector<16xi32>
    %sub3A_1404 = arith.constant 3 : i32
    %sub3A_1405 = vector.broadcast %sub3A_1404 : i32 to vector<16xi32>
    %sub3A_1406 = arith.subi %mul3A_1403, %sub3A_1405 : vector<16xi32>
    %convert_element_type3A_1407 = arith.sitofp %sub3A_1406 : vector<16xi32> to vector<16xf32>
    %mul3A_1408 = arith.constant 0.316227764 : f32
    %mul3A_1409 = vector.broadcast %mul3A_1408 : f32 to vector<16xf32>
    %mul3A_1410 = arith.mulf %convert_element_type3A_1407, %mul3A_1409 : vector<16xf32>
    %swap3A_1411 = arith.constant 1 : i32
    %swap3A_1412 = arith.index_cast %swap3A_1411 : i32 to index
    %swap3A_1413 = arith.constant 96 : index
    %swap3A_1414 = tpu.vector_load %arg12[%swap3A_1412, %swap3A_1413] {strides = array<i32>} : memref<10x256xf32, #tpu.memory_space<vmem>>, vector<1x16xf32>,
    %swap3A_1415 = vector.shape_cast %swap3A_1414 : vector<1x16xf32> to vector<16xf32>
    %swap3A_1416 = vector.shape_cast %mul3A_1410 : vector<16xf32> to vector<1x16xf32>
    tpu.vector_store %arg12[%swap3A_1412, %swap3A_1413], %swap3A_1416 {strides = array<i32>} : memref<10x256xf32, #tpu.memory_space<vmem>>, vector<1x16xf32>,
    %shift_right_arithmetic3A_1417 = arith.constant 2 : i32
    %shift_right_arithmetic3A_1418 = vector.broadcast %shift_right_arithmetic3A_1417 : i32 to vector<16xi32>
    %shift_right_arithmetic3A_1419 = arith.shrsi %and3A_1359, %shift_right_arithmetic3A_1418 : vector<16xi32>
    %mul3A_1420 = arith.constant 2 : i32
    %mul3A_1421 = vector.broadcast %mul3A_1420 : i32 to vector<16xi32>
    %mul3A_1422 = arith.muli %shift_right_arithmetic3A_1419, %mul3A_1421 : vector<16xi32>
    %sub3A_1423 = arith.constant 3 : i32
    %sub3A_1424 = vector.broadcast %sub3A_1423 : i32 to vector<16xi32>
    %sub3A_1425 = arith.subi %mul3A_1422, %sub3A_1424 : vector<16xi32>
    %convert_element_type3A_1426 = arith.sitofp %sub3A_1425 : vector<16xi32> to vector<16xf32>
    %mul3A_1427 = arith.constant 0.316227764 : f32
    %mul3A_1428 = vector.broadcast %mul3A_1427 : f32 to vector<16xf32>
    %mul3A_1429 = arith.mulf %convert_element_type3A_1426, %mul3A_1428 : vector<16xf32>
    %swap3A_1430 = arith.constant 2 : i32
    %swap3A_1431 = arith.index_cast %swap3A_1430 : i32 to index
    %swap3A_1432 = arith.constant 96 : index
    %swap3A_1433 = tpu.vector_load %arg12[%swap3A_1431, %swap3A_1432] {strides = array<i32>} : memref<10x256xf32, #tpu.memory_space<vmem>>, vector<1x16xf32>,
    %swap3A_1434 = vector.shape_cast %swap3A_1433 : vector<1x16xf32> to vector<16xf32>
    %swap3A_1435 = vector.shape_cast %mul3A_1429 : vector<16xf32> to vector<1x16xf32>
    tpu.vector_store %arg12[%swap3A_1431, %swap3A_1432], %swap3A_1435 {strides = array<i32>} : memref<10x256xf32, #tpu.memory_space<vmem>>, vector<1x16xf32>,
    %and3A_1436 = arith.constant 3 : i32
    %and3A_1437 = vector.broadcast %and3A_1436 : i32 to vector<16xi32>
    %and3A_1438 = arith.andi %and3A_1359, %and3A_1437 : vector<16xi32>
    %mul3A_1439 = arith.constant 2 : i32
    %mul3A_1440 = vector.broadcast %mul3A_1439 : i32 to vector<16xi32>
    %mul3A_1441 = arith.muli %and3A_1438, %mul3A_1440 : vector<16xi32>
    %sub3A_1442 = arith.constant 3 : i32
    %sub3A_1443 = vector.broadcast %sub3A_1442 : i32 to vector<16xi32>
    %sub3A_1444 = arith.subi %mul3A_1441, %sub3A_1443 : vector<16xi32>
    %convert_element_type3A_1445 = arith.sitofp %sub3A_1444 : vector<16xi32> to vector<16xf32>
    %mul3A_1446 = arith.constant 0.316227764 : f32
    %mul3A_1447 = vector.broadcast %mul3A_1446 : f32 to vector<16xf32>
    %mul3A_1448 = arith.mulf %convert_element_type3A_1445, %mul3A_1447 : vector<16xf32>
    %swap3A_1449 = arith.constant 3 : i32
    %swap3A_1450 = arith.index_cast %swap3A_1449 : i32 to index
    %swap3A_1451 = arith.constant 96 : index
    %swap3A_1452 = tpu.vector_load %arg12[%swap3A_1450, %swap3A_1451] {strides = array<i32>} : memref<10x256xf32, #tpu.memory_space<vmem>>, vector<1x16xf32>,
    %swap3A_1453 = vector.shape_cast %swap3A_1452 : vector<1x16xf32> to vector<16xf32>
    %swap3A_1454 = vector.shape_cast %mul3A_1448 : vector<16xf32> to vector<1x16xf32>
    tpu.vector_store %arg12[%swap3A_1450, %swap3A_1451], %swap3A_1454 {strides = array<i32>} : memref<10x256xf32, #tpu.memory_space<vmem>>, vector<1x16xf32>,
    %shift_right_arithmetic3A_1455 = arith.constant 2 : i32
    %shift_right_arithmetic3A_1456 = vector.broadcast %shift_right_arithmetic3A_1455 : i32 to vector<16xi32>
    %shift_right_arithmetic3A_1457 = arith.shrsi %or3A_1369, %shift_right_arithmetic3A_1456 : vector<16xi32>
    %mul3A_1458 = arith.constant 2 : i32
    %mul3A_1459 = vector.broadcast %mul3A_1458 : i32 to vector<16xi32>
    %mul3A_1460 = arith.muli %shift_right_arithmetic3A_1457, %mul3A_1459 : vector<16xi32>
    %sub3A_1461 = arith.constant 3 : i32
    %sub3A_1462 = vector.broadcast %sub3A_1461 : i32 to vector<16xi32>
    %sub3A_1463 = arith.subi %mul3A_1460, %sub3A_1462 : vector<16xi32>
    %convert_element_type3A_1464 = arith.sitofp %sub3A_1463 : vector<16xi32> to vector<16xf32>
    %mul3A_1465 = arith.constant 0.316227764 : f32
    %mul3A_1466 = vector.broadcast %mul3A_1465 : f32 to vector<16xf32>
    %mul3A_1467 = arith.mulf %convert_element_type3A_1464, %mul3A_1466 : vector<16xf32>
    %swap3A_1468 = arith.constant 4 : i32
    %swap3A_1469 = arith.index_cast %swap3A_1468 : i32 to index
    %swap3A_1470 = arith.constant 96 : index
    %swap3A_1471 = tpu.vector_load %arg12[%swap3A_1469, %swap3A_1470] {strides = array<i32>} : memref<10x256xf32, #tpu.memory_space<vmem>>, vector<1x16xf32>,
    %swap3A_1472 = vector.shape_cast %swap3A_1471 : vector<1x16xf32> to vector<16xf32>
    %swap3A_1473 = vector.shape_cast %mul3A_1467 : vector<16xf32> to vector<1x16xf32>
    tpu.vector_store %arg12[%swap3A_1469, %swap3A_1470], %swap3A_1473 {strides = array<i32>} : memref<10x256xf32, #tpu.memory_space<vmem>>, vector<1x16xf32>,
    %and3A_1474 = arith.constant 3 : i32
    %and3A_1475 = vector.broadcast %and3A_1474 : i32 to vector<16xi32>
    %and3A_1476 = arith.andi %or3A_1369, %and3A_1475 : vector<16xi32>
    %mul3A_1477 = arith.constant 2 : i32
    %mul3A_1478 = vector.broadcast %mul3A_1477 : i32 to vector<16xi32>
    %mul3A_1479 = arith.muli %and3A_1476, %mul3A_1478 : vector<16xi32>
    %sub3A_1480 = arith.constant 3 : i32
    %sub3A_1481 = vector.broadcast %sub3A_1480 : i32 to vector<16xi32>
    %sub3A_1482 = arith.subi %mul3A_1479, %sub3A_1481 : vector<16xi32>
    %convert_element_type3A_1483 = arith.sitofp %sub3A_1482 : vector<16xi32> to vector<16xf32>
    %mul3A_1484 = arith.constant 0.316227764 : f32
    %mul3A_1485 = vector.broadcast %mul3A_1484 : f32 to vector<16xf32>
    %mul3A_1486 = arith.mulf %convert_element_type3A_1483, %mul3A_1485 : vector<16xf32>
    %swap3A_1487 = arith.constant 5 : i32
    %swap3A_1488 = arith.index_cast %swap3A_1487 : i32 to index
    %swap3A_1489 = arith.constant 96 : index
    %swap3A_1490 = tpu.vector_load %arg12[%swap3A_1488, %swap3A_1489] {strides = array<i32>} : memref<10x256xf32, #tpu.memory_space<vmem>>, vector<1x16xf32>,
    %swap3A_1491 = vector.shape_cast %swap3A_1490 : vector<1x16xf32> to vector<16xf32>
    %swap3A_1492 = vector.shape_cast %mul3A_1486 : vector<16xf32> to vector<1x16xf32>
    tpu.vector_store %arg12[%swap3A_1488, %swap3A_1489], %swap3A_1492 {strides = array<i32>} : memref<10x256xf32, #tpu.memory_space<vmem>>, vector<1x16xf32>,
    %shift_right_arithmetic3A_1493 = arith.constant 2 : i32
    %shift_right_arithmetic3A_1494 = vector.broadcast %shift_right_arithmetic3A_1493 : i32 to vector<16xi32>
    %shift_right_arithmetic3A_1495 = arith.shrsi %and3A_1375, %shift_right_arithmetic3A_1494 : vector<16xi32>
    %mul3A_1496 = arith.constant 2 : i32
    %mul3A_1497 = vector.broadcast %mul3A_1496 : i32 to vector<16xi32>
    %mul3A_1498 = arith.muli %shift_right_arithmetic3A_1495, %mul3A_1497 : vector<16xi32>
    %sub3A_1499 = arith.constant 3 : i32
    %sub3A_1500 = vector.broadcast %sub3A_1499 : i32 to vector<16xi32>
    %sub3A_1501 = arith.subi %mul3A_1498, %sub3A_1500 : vector<16xi32>
    %convert_element_type3A_1502 = arith.sitofp %sub3A_1501 : vector<16xi32> to vector<16xf32>
    %mul3A_1503 = arith.constant 0.316227764 : f32
    %mul3A_1504 = vector.broadcast %mul3A_1503 : f32 to vector<16xf32>
    %mul3A_1505 = arith.mulf %convert_element_type3A_1502, %mul3A_1504 : vector<16xf32>
    %swap3A_1506 = arith.constant 6 : i32
    %swap3A_1507 = arith.index_cast %swap3A_1506 : i32 to index
    %swap3A_1508 = arith.constant 96 : index
    %swap3A_1509 = tpu.vector_load %arg12[%swap3A_1507, %swap3A_1508] {strides = array<i32>} : memref<10x256xf32, #tpu.memory_space<vmem>>, vector<1x16xf32>,
    %swap3A_1510 = vector.shape_cast %swap3A_1509 : vector<1x16xf32> to vector<16xf32>
    %swap3A_1511 = vector.shape_cast %mul3A_1505 : vector<16xf32> to vector<1x16xf32>
    tpu.vector_store %arg12[%swap3A_1507, %swap3A_1508], %swap3A_1511 {strides = array<i32>} : memref<10x256xf32, #tpu.memory_space<vmem>>, vector<1x16xf32>,
    %and3A_1512 = arith.constant 3 : i32
    %and3A_1513 = vector.broadcast %and3A_1512 : i32 to vector<16xi32>
    %and3A_1514 = arith.andi %and3A_1375, %and3A_1513 : vector<16xi32>
    %mul3A_1515 = arith.constant 2 : i32
    %mul3A_1516 = vector.broadcast %mul3A_1515 : i32 to vector<16xi32>
    %mul3A_1517 = arith.muli %and3A_1514, %mul3A_1516 : vector<16xi32>
    %sub3A_1518 = arith.constant 3 : i32
    %sub3A_1519 = vector.broadcast %sub3A_1518 : i32 to vector<16xi32>
    %sub3A_1520 = arith.subi %mul3A_1517, %sub3A_1519 : vector<16xi32>
    %convert_element_type3A_1521 = arith.sitofp %sub3A_1520 : vector<16xi32> to vector<16xf32>
    %mul3A_1522 = arith.constant 0.316227764 : f32
    %mul3A_1523 = vector.broadcast %mul3A_1522 : f32 to vector<16xf32>
    %mul3A_1524 = arith.mulf %convert_element_type3A_1521, %mul3A_1523 : vector<16xf32>
    %swap3A_1525 = arith.constant 7 : i32
    %swap3A_1526 = arith.index_cast %swap3A_1525 : i32 to index
    %swap3A_1527 = arith.constant 96 : index
    %swap3A_1528 = tpu.vector_load %arg12[%swap3A_1526, %swap3A_1527] {strides = array<i32>} : memref<10x256xf32, #tpu.memory_space<vmem>>, vector<1x16xf32>,
    %swap3A_1529 = vector.shape_cast %swap3A_1528 : vector<1x16xf32> to vector<16xf32>
    %swap3A_1530 = vector.shape_cast %mul3A_1524 : vector<16xf32> to vector<1x16xf32>
    tpu.vector_store %arg12[%swap3A_1526, %swap3A_1527], %swap3A_1530 {strides = array<i32>} : memref<10x256xf32, #tpu.memory_space<vmem>>, vector<1x16xf32>,
    %shift_right_arithmetic3A_1531 = arith.constant 2 : i32
    %shift_right_arithmetic3A_1532 = vector.broadcast %shift_right_arithmetic3A_1531 : i32 to vector<16xi32>
    %shift_right_arithmetic3A_1533 = arith.shrsi %and3A_1378, %shift_right_arithmetic3A_1532 : vector<16xi32>
    %mul3A_1534 = arith.constant 2 : i32
    %mul3A_1535 = vector.broadcast %mul3A_1534 : i32 to vector<16xi32>
    %mul3A_1536 = arith.muli %shift_right_arithmetic3A_1533, %mul3A_1535 : vector<16xi32>
    %sub3A_1537 = arith.constant 3 : i32
    %sub3A_1538 = vector.broadcast %sub3A_1537 : i32 to vector<16xi32>
    %sub3A_1539 = arith.subi %mul3A_1536, %sub3A_1538 : vector<16xi32>
    %convert_element_type3A_1540 = arith.sitofp %sub3A_1539 : vector<16xi32> to vector<16xf32>
    %mul3A_1541 = arith.constant 0.316227764 : f32
    %mul3A_1542 = vector.broadcast %mul3A_1541 : f32 to vector<16xf32>
    %mul3A_1543 = arith.mulf %convert_element_type3A_1540, %mul3A_1542 : vector<16xf32>
    %swap3A_1544 = arith.constant 8 : i32
    %swap3A_1545 = arith.index_cast %swap3A_1544 : i32 to index
    %swap3A_1546 = arith.constant 96 : index
    %swap3A_1547 = tpu.vector_load %arg12[%swap3A_1545, %swap3A_1546] {strides = array<i32>} : memref<10x256xf32, #tpu.memory_space<vmem>>, vector<1x16xf32>,
    %swap3A_1548 = vector.shape_cast %swap3A_1547 : vector<1x16xf32> to vector<16xf32>
    %swap3A_1549 = vector.shape_cast %mul3A_1543 : vector<16xf32> to vector<1x16xf32>
    tpu.vector_store %arg12[%swap3A_1545, %swap3A_1546], %swap3A_1549 {strides = array<i32>} : memref<10x256xf32, #tpu.memory_space<vmem>>, vector<1x16xf32>,
    %and3A_1550 = arith.constant 3 : i32
    %and3A_1551 = vector.broadcast %and3A_1550 : i32 to vector<16xi32>
    %and3A_1552 = arith.andi %and3A_1378, %and3A_1551 : vector<16xi32>
    %mul3A_1553 = arith.constant 2 : i32
    %mul3A_1554 = vector.broadcast %mul3A_1553 : i32 to vector<16xi32>
    %mul3A_1555 = arith.muli %and3A_1552, %mul3A_1554 : vector<16xi32>
    %sub3A_1556 = arith.constant 3 : i32
    %sub3A_1557 = vector.broadcast %sub3A_1556 : i32 to vector<16xi32>
    %sub3A_1558 = arith.subi %mul3A_1555, %sub3A_1557 : vector<16xi32>
    %convert_element_type3A_1559 = arith.sitofp %sub3A_1558 : vector<16xi32> to vector<16xf32>
    %mul3A_1560 = arith.constant 0.316227764 : f32
    %mul3A_1561 = vector.broadcast %mul3A_1560 : f32 to vector<16xf32>
    %mul3A_1562 = arith.mulf %convert_element_type3A_1559, %mul3A_1561 : vector<16xf32>
    %swap3A_1563 = arith.constant 9 : i32
    %swap3A_1564 = arith.index_cast %swap3A_1563 : i32 to index
    %swap3A_1565 = arith.constant 96 : index
    %swap3A_1566 = tpu.vector_load %arg12[%swap3A_1564, %swap3A_1565] {strides = array<i32>} : memref<10x256xf32, #tpu.memory_space<vmem>>, vector<1x16xf32>,
    %swap3A_1567 = vector.shape_cast %swap3A_1566 : vector<1x16xf32> to vector<16xf32>
    %swap3A_1568 = vector.shape_cast %mul3A_1562 : vector<16xf32> to vector<1x16xf32>
    tpu.vector_store %arg12[%swap3A_1564, %swap3A_1565], %swap3A_1568 {strides = array<i32>} : memref<10x256xf32, #tpu.memory_space<vmem>>, vector<1x16xf32>,
    %get3A_1569 = arith.constant 112 : index
    %get3A_1570 = tpu.vector_load %arg10[%get3A_1569] {strides = array<i32>} : memref<256xi32, #tpu.memory_space<vmem>>, vector<16xi32>,
    %get3A_1571 = vector.shape_cast %get3A_1570 : vector<16xi32> to vector<16xi32>
    %get3A_1572 = arith.constant 112 : index
    %get3A_1573 = tpu.vector_load %arg11[%get3A_1572] {strides = array<i32>} : memref<256xi32, #tpu.memory_space<vmem>>, vector<16xi32>,
    %get3A_1574 = vector.shape_cast %get3A_1573 : vector<16xi32> to vector<16xi32>
    %shift_right_arithmetic3A_1575 = arith.constant 6 : i32
    %shift_right_arithmetic3A_1576 = vector.broadcast %shift_right_arithmetic3A_1575 : i32 to vector<16xi32>
    %shift_right_arithmetic3A_1577 = arith.shrsi %get3A_1571, %shift_right_arithmetic3A_1576 : vector<16xi32>
    %shift_right_arithmetic3A_1578 = arith.constant 2 : i32
    %shift_right_arithmetic3A_1579 = vector.broadcast %shift_right_arithmetic3A_1578 : i32 to vector<16xi32>
    %shift_right_arithmetic3A_1580 = arith.shrsi %get3A_1571, %shift_right_arithmetic3A_1579 : vector<16xi32>
    %and3A_1581 = arith.constant 15 : i32
    %and3A_1582 = vector.broadcast %and3A_1581 : i32 to vector<16xi32>
    %and3A_1583 = arith.andi %shift_right_arithmetic3A_1580, %and3A_1582 : vector<16xi32>
    %and3A_1584 = arith.constant 3 : i32
    %and3A_1585 = vector.broadcast %and3A_1584 : i32 to vector<16xi32>
    %and3A_1586 = arith.andi %get3A_1571, %and3A_1585 : vector<16xi32>
    %shift_left3A_1587 = arith.constant 2 : i32
    %shift_left3A_1588 = vector.broadcast %shift_left3A_1587 : i32 to vector<16xi32>
    %shift_left3A_1589 = arith.shli %and3A_1586, %shift_left3A_1588 : vector<16xi32>
    %shift_right_arithmetic3A_1590 = arith.constant 8 : i32
    %shift_right_arithmetic3A_1591 = vector.broadcast %shift_right_arithmetic3A_1590 : i32 to vector<16xi32>
    %shift_right_arithmetic3A_1592 = arith.shrsi %get3A_1574, %shift_right_arithmetic3A_1591 : vector<16xi32>
    %or3A_1593 = arith.ori %shift_left3A_1589, %shift_right_arithmetic3A_1592 : vector<16xi32>
    %shift_right_arithmetic3A_1594 = arith.constant 4 : i32
    %shift_right_arithmetic3A_1595 = vector.broadcast %shift_right_arithmetic3A_1594 : i32 to vector<16xi32>
    %shift_right_arithmetic3A_1596 = arith.shrsi %get3A_1574, %shift_right_arithmetic3A_1595 : vector<16xi32>
    %and3A_1597 = arith.constant 15 : i32
    %and3A_1598 = vector.broadcast %and3A_1597 : i32 to vector<16xi32>
    %and3A_1599 = arith.andi %shift_right_arithmetic3A_1596, %and3A_1598 : vector<16xi32>
    %and3A_1600 = arith.constant 15 : i32
    %and3A_1601 = vector.broadcast %and3A_1600 : i32 to vector<16xi32>
    %and3A_1602 = arith.andi %get3A_1574, %and3A_1601 : vector<16xi32>
    %shift_right_arithmetic3A_1603 = arith.constant 2 : i32
    %shift_right_arithmetic3A_1604 = vector.broadcast %shift_right_arithmetic3A_1603 : i32 to vector<16xi32>
    %shift_right_arithmetic3A_1605 = arith.shrsi %shift_right_arithmetic3A_1577, %shift_right_arithmetic3A_1604 : vector<16xi32>
    %mul3A_1606 = arith.constant 2 : i32
    %mul3A_1607 = vector.broadcast %mul3A_1606 : i32 to vector<16xi32>
    %mul3A_1608 = arith.muli %shift_right_arithmetic3A_1605, %mul3A_1607 : vector<16xi32>
    %sub3A_1609 = arith.constant 3 : i32
    %sub3A_1610 = vector.broadcast %sub3A_1609 : i32 to vector<16xi32>
    %sub3A_1611 = arith.subi %mul3A_1608, %sub3A_1610 : vector<16xi32>
    %convert_element_type3A_1612 = arith.sitofp %sub3A_1611 : vector<16xi32> to vector<16xf32>
    %mul3A_1613 = arith.constant 0.316227764 : f32
    %mul3A_1614 = vector.broadcast %mul3A_1613 : f32 to vector<16xf32>
    %mul3A_1615 = arith.mulf %convert_element_type3A_1612, %mul3A_1614 : vector<16xf32>
    %swap3A_1616 = arith.constant 0 : i32
    %swap3A_1617 = arith.index_cast %swap3A_1616 : i32 to index
    %swap3A_1618 = arith.constant 112 : index
    %swap3A_1619 = tpu.vector_load %arg12[%swap3A_1617, %swap3A_1618] {strides = array<i32>} : memref<10x256xf32, #tpu.memory_space<vmem>>, vector<1x16xf32>,
    %swap3A_1620 = vector.shape_cast %swap3A_1619 : vector<1x16xf32> to vector<16xf32>
    %swap3A_1621 = vector.shape_cast %mul3A_1615 : vector<16xf32> to vector<1x16xf32>
    tpu.vector_store %arg12[%swap3A_1617, %swap3A_1618], %swap3A_1621 {strides = array<i32>} : memref<10x256xf32, #tpu.memory_space<vmem>>, vector<1x16xf32>,
    %and3A_1622 = arith.constant 3 : i32
    %and3A_1623 = vector.broadcast %and3A_1622 : i32 to vector<16xi32>
    %and3A_1624 = arith.andi %shift_right_arithmetic3A_1577, %and3A_1623 : vector<16xi32>
    %mul3A_1625 = arith.constant 2 : i32
    %mul3A_1626 = vector.broadcast %mul3A_1625 : i32 to vector<16xi32>
    %mul3A_1627 = arith.muli %and3A_1624, %mul3A_1626 : vector<16xi32>
    %sub3A_1628 = arith.constant 3 : i32
    %sub3A_1629 = vector.broadcast %sub3A_1628 : i32 to vector<16xi32>
    %sub3A_1630 = arith.subi %mul3A_1627, %sub3A_1629 : vector<16xi32>
    %convert_element_type3A_1631 = arith.sitofp %sub3A_1630 : vector<16xi32> to vector<16xf32>
    %mul3A_1632 = arith.constant 0.316227764 : f32
    %mul3A_1633 = vector.broadcast %mul3A_1632 : f32 to vector<16xf32>
    %mul3A_1634 = arith.mulf %convert_element_type3A_1631, %mul3A_1633 : vector<16xf32>
    %swap3A_1635 = arith.constant 1 : i32
    %swap3A_1636 = arith.index_cast %swap3A_1635 : i32 to index
    %swap3A_1637 = arith.constant 112 : index
    %swap3A_1638 = tpu.vector_load %arg12[%swap3A_1636, %swap3A_1637] {strides = array<i32>} : memref<10x256xf32, #tpu.memory_space<vmem>>, vector<1x16xf32>,
    %swap3A_1639 = vector.shape_cast %swap3A_1638 : vector<1x16xf32> to vector<16xf32>
    %swap3A_1640 = vector.shape_cast %mul3A_1634 : vector<16xf32> to vector<1x16xf32>
    tpu.vector_store %arg12[%swap3A_1636, %swap3A_1637], %swap3A_1640 {strides = array<i32>} : memref<10x256xf32, #tpu.memory_space<vmem>>, vector<1x16xf32>,
    %shift_right_arithmetic3A_1641 = arith.constant 2 : i32
    %shift_right_arithmetic3A_1642 = vector.broadcast %shift_right_arithmetic3A_1641 : i32 to vector<16xi32>
    %shift_right_arithmetic3A_1643 = arith.shrsi %and3A_1583, %shift_right_arithmetic3A_1642 : vector<16xi32>
    %mul3A_1644 = arith.constant 2 : i32
    %mul3A_1645 = vector.broadcast %mul3A_1644 : i32 to vector<16xi32>
    %mul3A_1646 = arith.muli %shift_right_arithmetic3A_1643, %mul3A_1645 : vector<16xi32>
    %sub3A_1647 = arith.constant 3 : i32
    %sub3A_1648 = vector.broadcast %sub3A_1647 : i32 to vector<16xi32>
    %sub3A_1649 = arith.subi %mul3A_1646, %sub3A_1648 : vector<16xi32>
    %convert_element_type3A_1650 = arith.sitofp %sub3A_1649 : vector<16xi32> to vector<16xf32>
    %mul3A_1651 = arith.constant 0.316227764 : f32
    %mul3A_1652 = vector.broadcast %mul3A_1651 : f32 to vector<16xf32>
    %mul3A_1653 = arith.mulf %convert_element_type3A_1650, %mul3A_1652 : vector<16xf32>
    %swap3A_1654 = arith.constant 2 : i32
    %swap3A_1655 = arith.index_cast %swap3A_1654 : i32 to index
    %swap3A_1656 = arith.constant 112 : index
    %swap3A_1657 = tpu.vector_load %arg12[%swap3A_1655, %swap3A_1656] {strides = array<i32>} : memref<10x256xf32, #tpu.memory_space<vmem>>, vector<1x16xf32>,
    %swap3A_1658 = vector.shape_cast %swap3A_1657 : vector<1x16xf32> to vector<16xf32>
    %swap3A_1659 = vector.shape_cast %mul3A_1653 : vector<16xf32> to vector<1x16xf32>
    tpu.vector_store %arg12[%swap3A_1655, %swap3A_1656], %swap3A_1659 {strides = array<i32>} : memref<10x256xf32, #tpu.memory_space<vmem>>, vector<1x16xf32>,
    %and3A_1660 = arith.constant 3 : i32
    %and3A_1661 = vector.broadcast %and3A_1660 : i32 to vector<16xi32>
    %and3A_1662 = arith.andi %and3A_1583, %and3A_1661 : vector<16xi32>
    %mul3A_1663 = arith.constant 2 : i32
    %mul3A_1664 = vector.broadcast %mul3A_1663 : i32 to vector<16xi32>
    %mul3A_1665 = arith.muli %and3A_1662, %mul3A_1664 : vector<16xi32>
    %sub3A_1666 = arith.constant 3 : i32
    %sub3A_1667 = vector.broadcast %sub3A_1666 : i32 to vector<16xi32>
    %sub3A_1668 = arith.subi %mul3A_1665, %sub3A_1667 : vector<16xi32>
    %convert_element_type3A_1669 = arith.sitofp %sub3A_1668 : vector<16xi32> to vector<16xf32>
    %mul3A_1670 = arith.constant 0.316227764 : f32
    %mul3A_1671 = vector.broadcast %mul3A_1670 : f32 to vector<16xf32>
    %mul3A_1672 = arith.mulf %convert_element_type3A_1669, %mul3A_1671 : vector<16xf32>
    %swap3A_1673 = arith.constant 3 : i32
    %swap3A_1674 = arith.index_cast %swap3A_1673 : i32 to index
    %swap3A_1675 = arith.constant 112 : index
    %swap3A_1676 = tpu.vector_load %arg12[%swap3A_1674, %swap3A_1675] {strides = array<i32>} : memref<10x256xf32, #tpu.memory_space<vmem>>, vector<1x16xf32>,
    %swap3A_1677 = vector.shape_cast %swap3A_1676 : vector<1x16xf32> to vector<16xf32>
    %swap3A_1678 = vector.shape_cast %mul3A_1672 : vector<16xf32> to vector<1x16xf32>
    tpu.vector_store %arg12[%swap3A_1674, %swap3A_1675], %swap3A_1678 {strides = array<i32>} : memref<10x256xf32, #tpu.memory_space<vmem>>, vector<1x16xf32>,
    %shift_right_arithmetic3A_1679 = arith.constant 2 : i32
    %shift_right_arithmetic3A_1680 = vector.broadcast %shift_right_arithmetic3A_1679 : i32 to vector<16xi32>
    %shift_right_arithmetic3A_1681 = arith.shrsi %or3A_1593, %shift_right_arithmetic3A_1680 : vector<16xi32>
    %mul3A_1682 = arith.constant 2 : i32
    %mul3A_1683 = vector.broadcast %mul3A_1682 : i32 to vector<16xi32>
    %mul3A_1684 = arith.muli %shift_right_arithmetic3A_1681, %mul3A_1683 : vector<16xi32>
    %sub3A_1685 = arith.constant 3 : i32
    %sub3A_1686 = vector.broadcast %sub3A_1685 : i32 to vector<16xi32>
    %sub3A_1687 = arith.subi %mul3A_1684, %sub3A_1686 : vector<16xi32>
    %convert_element_type3A_1688 = arith.sitofp %sub3A_1687 : vector<16xi32> to vector<16xf32>
    %mul3A_1689 = arith.constant 0.316227764 : f32
    %mul3A_1690 = vector.broadcast %mul3A_1689 : f32 to vector<16xf32>
    %mul3A_1691 = arith.mulf %convert_element_type3A_1688, %mul3A_1690 : vector<16xf32>
    %swap3A_1692 = arith.constant 4 : i32
    %swap3A_1693 = arith.index_cast %swap3A_1692 : i32 to index
    %swap3A_1694 = arith.constant 112 : index
    %swap3A_1695 = tpu.vector_load %arg12[%swap3A_1693, %swap3A_1694] {strides = array<i32>} : memref<10x256xf32, #tpu.memory_space<vmem>>, vector<1x16xf32>,
    %swap3A_1696 = vector.shape_cast %swap3A_1695 : vector<1x16xf32> to vector<16xf32>
    %swap3A_1697 = vector.shape_cast %mul3A_1691 : vector<16xf32> to vector<1x16xf32>
    tpu.vector_store %arg12[%swap3A_1693, %swap3A_1694], %swap3A_1697 {strides = array<i32>} : memref<10x256xf32, #tpu.memory_space<vmem>>, vector<1x16xf32>,
    %and3A_1698 = arith.constant 3 : i32
    %and3A_1699 = vector.broadcast %and3A_1698 : i32 to vector<16xi32>
    %and3A_1700 = arith.andi %or3A_1593, %and3A_1699 : vector<16xi32>
    %mul3A_1701 = arith.constant 2 : i32
    %mul3A_1702 = vector.broadcast %mul3A_1701 : i32 to vector<16xi32>
    %mul3A_1703 = arith.muli %and3A_1700, %mul3A_1702 : vector<16xi32>
    %sub3A_1704 = arith.constant 3 : i32
    %sub3A_1705 = vector.broadcast %sub3A_1704 : i32 to vector<16xi32>
    %sub3A_1706 = arith.subi %mul3A_1703, %sub3A_1705 : vector<16xi32>
    %convert_element_type3A_1707 = arith.sitofp %sub3A_1706 : vector<16xi32> to vector<16xf32>
    %mul3A_1708 = arith.constant 0.316227764 : f32
    %mul3A_1709 = vector.broadcast %mul3A_1708 : f32 to vector<16xf32>
    %mul3A_1710 = arith.mulf %convert_element_type3A_1707, %mul3A_1709 : vector<16xf32>
    %swap3A_1711 = arith.constant 5 : i32
    %swap3A_1712 = arith.index_cast %swap3A_1711 : i32 to index
    %swap3A_1713 = arith.constant 112 : index
    %swap3A_1714 = tpu.vector_load %arg12[%swap3A_1712, %swap3A_1713] {strides = array<i32>} : memref<10x256xf32, #tpu.memory_space<vmem>>, vector<1x16xf32>,
    %swap3A_1715 = vector.shape_cast %swap3A_1714 : vector<1x16xf32> to vector<16xf32>
    %swap3A_1716 = vector.shape_cast %mul3A_1710 : vector<16xf32> to vector<1x16xf32>
    tpu.vector_store %arg12[%swap3A_1712, %swap3A_1713], %swap3A_1716 {strides = array<i32>} : memref<10x256xf32, #tpu.memory_space<vmem>>, vector<1x16xf32>,
    %shift_right_arithmetic3A_1717 = arith.constant 2 : i32
    %shift_right_arithmetic3A_1718 = vector.broadcast %shift_right_arithmetic3A_1717 : i32 to vector<16xi32>
    %shift_right_arithmetic3A_1719 = arith.shrsi %and3A_1599, %shift_right_arithmetic3A_1718 : vector<16xi32>
    %mul3A_1720 = arith.constant 2 : i32
    %mul3A_1721 = vector.broadcast %mul3A_1720 : i32 to vector<16xi32>
    %mul3A_1722 = arith.muli %shift_right_arithmetic3A_1719, %mul3A_1721 : vector<16xi32>
    %sub3A_1723 = arith.constant 3 : i32
    %sub3A_1724 = vector.broadcast %sub3A_1723 : i32 to vector<16xi32>
    %sub3A_1725 = arith.subi %mul3A_1722, %sub3A_1724 : vector<16xi32>
    %convert_element_type3A_1726 = arith.sitofp %sub3A_1725 : vector<16xi32> to vector<16xf32>
    %mul3A_1727 = arith.constant 0.316227764 : f32
    %mul3A_1728 = vector.broadcast %mul3A_1727 : f32 to vector<16xf32>
    %mul3A_1729 = arith.mulf %convert_element_type3A_1726, %mul3A_1728 : vector<16xf32>
    %swap3A_1730 = arith.constant 6 : i32
    %swap3A_1731 = arith.index_cast %swap3A_1730 : i32 to index
    %swap3A_1732 = arith.constant 112 : index
    %swap3A_1733 = tpu.vector_load %arg12[%swap3A_1731, %swap3A_1732] {strides = array<i32>} : memref<10x256xf32, #tpu.memory_space<vmem>>, vector<1x16xf32>,
    %swap3A_1734 = vector.shape_cast %swap3A_1733 : vector<1x16xf32> to vector<16xf32>
    %swap3A_1735 = vector.shape_cast %mul3A_1729 : vector<16xf32> to vector<1x16xf32>
    tpu.vector_store %arg12[%swap3A_1731, %swap3A_1732], %swap3A_1735 {strides = array<i32>} : memref<10x256xf32, #tpu.memory_space<vmem>>, vector<1x16xf32>,
    %and3A_1736 = arith.constant 3 : i32
    %and3A_1737 = vector.broadcast %and3A_1736 : i32 to vector<16xi32>
    %and3A_1738 = arith.andi %and3A_1599, %and3A_1737 : vector<16xi32>
    %mul3A_1739 = arith.constant 2 : i32
    %mul3A_1740 = vector.broadcast %mul3A_1739 : i32 to vector<16xi32>
    %mul3A_1741 = arith.muli %and3A_1738, %mul3A_1740 : vector<16xi32>
    %sub3A_1742 = arith.constant 3 : i32
    %sub3A_1743 = vector.broadcast %sub3A_1742 : i32 to vector<16xi32>
    %sub3A_1744 = arith.subi %mul3A_1741, %sub3A_1743 : vector<16xi32>
    %convert_element_type3A_1745 = arith.sitofp %sub3A_1744 : vector<16xi32> to vector<16xf32>
    %mul3A_1746 = arith.constant 0.316227764 : f32
    %mul3A_1747 = vector.broadcast %mul3A_1746 : f32 to vector<16xf32>
    %mul3A_1748 = arith.mulf %convert_element_type3A_1745, %mul3A_1747 : vector<16xf32>
    %swap3A_1749 = arith.constant 7 : i32
    %swap3A_1750 = arith.index_cast %swap3A_1749 : i32 to index
    %swap3A_1751 = arith.constant 112 : index
    %swap3A_1752 = tpu.vector_load %arg12[%swap3A_1750, %swap3A_1751] {strides = array<i32>} : memref<10x256xf32, #tpu.memory_space<vmem>>, vector<1x16xf32>,
    %swap3A_1753 = vector.shape_cast %swap3A_1752 : vector<1x16xf32> to vector<16xf32>
    %swap3A_1754 = vector.shape_cast %mul3A_1748 : vector<16xf32> to vector<1x16xf32>
    tpu.vector_store %arg12[%swap3A_1750, %swap3A_1751], %swap3A_1754 {strides = array<i32>} : memref<10x256xf32, #tpu.memory_space<vmem>>, vector<1x16xf32>,
    %shift_right_arithmetic3A_1755 = arith.constant 2 : i32
    %shift_right_arithmetic3A_1756 = vector.broadcast %shift_right_arithmetic3A_1755 : i32 to vector<16xi32>
    %shift_right_arithmetic3A_1757 = arith.shrsi %and3A_1602, %shift_right_arithmetic3A_1756 : vector<16xi32>
    %mul3A_1758 = arith.constant 2 : i32
    %mul3A_1759 = vector.broadcast %mul3A_1758 : i32 to vector<16xi32>
    %mul3A_1760 = arith.muli %shift_right_arithmetic3A_1757, %mul3A_1759 : vector<16xi32>
    %sub3A_1761 = arith.constant 3 : i32
    %sub3A_1762 = vector.broadcast %sub3A_1761 : i32 to vector<16xi32>
    %sub3A_1763 = arith.subi %mul3A_1760, %sub3A_1762 : vector<16xi32>
    %convert_element_type3A_1764 = arith.sitofp %sub3A_1763 : vector<16xi32> to vector<16xf32>
    %mul3A_1765 = arith.constant 0.316227764 : f32
    %mul3A_1766 = vector.broadcast %mul3A_1765 : f32 to vector<16xf32>
    %mul3A_1767 = arith.mulf %convert_element_type3A_1764, %mul3A_1766 : vector<16xf32>
    %swap3A_1768 = arith.constant 8 : i32
    %swap3A_1769 = arith.index_cast %swap3A_1768 : i32 to index
    %swap3A_1770 = arith.constant 112 : index
    %swap3A_1771 = tpu.vector_load %arg12[%swap3A_1769, %swap3A_1770] {strides = array<i32>} : memref<10x256xf32, #tpu.memory_space<vmem>>, vector<1x16xf32>,
    %swap3A_1772 = vector.shape_cast %swap3A_1771 : vector<1x16xf32> to vector<16xf32>
    %swap3A_1773 = vector.shape_cast %mul3A_1767 : vector<16xf32> to vector<1x16xf32>
    tpu.vector_store %arg12[%swap3A_1769, %swap3A_1770], %swap3A_1773 {strides = array<i32>} : memref<10x256xf32, #tpu.memory_space<vmem>>, vector<1x16xf32>,
    %and3A_1774 = arith.constant 3 : i32
    %and3A_1775 = vector.broadcast %and3A_1774 : i32 to vector<16xi32>
    %and3A_1776 = arith.andi %and3A_1602, %and3A_1775 : vector<16xi32>
    %mul3A_1777 = arith.constant 2 : i32
    %mul3A_1778 = vector.broadcast %mul3A_1777 : i32 to vector<16xi32>
    %mul3A_1779 = arith.muli %and3A_1776, %mul3A_1778 : vector<16xi32>
    %sub3A_1780 = arith.constant 3 : i32
    %sub3A_1781 = vector.broadcast %sub3A_1780 : i32 to vector<16xi32>
    %sub3A_1782 = arith.subi %mul3A_1779, %sub3A_1781 : vector<16xi32>
    %convert_element_type3A_1783 = arith.sitofp %sub3A_1782 : vector<16xi32> to vector<16xf32>
    %mul3A_1784 = arith.constant 0.316227764 : f32
    %mul3A_1785 = vector.broadcast %mul3A_1784 : f32 to vector<16xf32>
    %mul3A_1786 = arith.mulf %convert_element_type3A_1783, %mul3A_1785 : vector<16xf32>
    %swap3A_1787 = arith.constant 9 : i32
    %swap3A_1788 = arith.index_cast %swap3A_1787 : i32 to index
    %swap3A_1789 = arith.constant 112 : index
    %swap3A_1790 = tpu.vector_load %arg12[%swap3A_1788, %swap3A_1789] {strides = array<i32>} : memref<10x256xf32, #tpu.memory_space<vmem>>, vector<1x16xf32>,
    %swap3A_1791 = vector.shape_cast %swap3A_1790 : vector<1x16xf32> to vector<16xf32>
    %swap3A_1792 = vector.shape_cast %mul3A_1786 : vector<16xf32> to vector<1x16xf32>
    tpu.vector_store %arg12[%swap3A_1788, %swap3A_1789], %swap3A_1792 {strides = array<i32>} : memref<10x256xf32, #tpu.memory_space<vmem>>, vector<1x16xf32>,
    %get3A_1793 = arith.constant 128 : index
    %get3A_1794 = tpu.vector_load %arg10[%get3A_1793] {strides = array<i32>} : memref<256xi32, #tpu.memory_space<vmem>>, vector<16xi32>,
    %get3A_1795 = vector.shape_cast %get3A_1794 : vector<16xi32> to vector<16xi32>
    %get3A_1796 = arith.constant 128 : index
    %get3A_1797 = tpu.vector_load %arg11[%get3A_1796] {strides = array<i32>} : memref<256xi32, #tpu.memory_space<vmem>>, vector<16xi32>,
    %get3A_1798 = vector.shape_cast %get3A_1797 : vector<16xi32> to vector<16xi32>
    %shift_right_arithmetic3A_1799 = arith.constant 6 : i32
    %shift_right_arithmetic3A_1800 = vector.broadcast %shift_right_arithmetic3A_1799 : i32 to vector<16xi32>
    %shift_right_arithmetic3A_1801 = arith.shrsi %get3A_1795, %shift_right_arithmetic3A_1800 : vector<16xi32>
    %shift_right_arithmetic3A_1802 = arith.constant 2 : i32
    %shift_right_arithmetic3A_1803 = vector.broadcast %shift_right_arithmetic3A_1802 : i32 to vector<16xi32>
    %shift_right_arithmetic3A_1804 = arith.shrsi %get3A_1795, %shift_right_arithmetic3A_1803 : vector<16xi32>
    %and3A_1805 = arith.constant 15 : i32
    %and3A_1806 = vector.broadcast %and3A_1805 : i32 to vector<16xi32>
    %and3A_1807 = arith.andi %shift_right_arithmetic3A_1804, %and3A_1806 : vector<16xi32>
    %and3A_1808 = arith.constant 3 : i32
    %and3A_1809 = vector.broadcast %and3A_1808 : i32 to vector<16xi32>
    %and3A_1810 = arith.andi %get3A_1795, %and3A_1809 : vector<16xi32>
    %shift_left3A_1811 = arith.constant 2 : i32
    %shift_left3A_1812 = vector.broadcast %shift_left3A_1811 : i32 to vector<16xi32>
    %shift_left3A_1813 = arith.shli %and3A_1810, %shift_left3A_1812 : vector<16xi32>
    %shift_right_arithmetic3A_1814 = arith.constant 8 : i32
    %shift_right_arithmetic3A_1815 = vector.broadcast %shift_right_arithmetic3A_1814 : i32 to vector<16xi32>
    %shift_right_arithmetic3A_1816 = arith.shrsi %get3A_1798, %shift_right_arithmetic3A_1815 : vector<16xi32>
    %or3A_1817 = arith.ori %shift_left3A_1813, %shift_right_arithmetic3A_1816 : vector<16xi32>
    %shift_right_arithmetic3A_1818 = arith.constant 4 : i32
    %shift_right_arithmetic3A_1819 = vector.broadcast %shift_right_arithmetic3A_1818 : i32 to vector<16xi32>
    %shift_right_arithmetic3A_1820 = arith.shrsi %get3A_1798, %shift_right_arithmetic3A_1819 : vector<16xi32>
    %and3A_1821 = arith.constant 15 : i32
    %and3A_1822 = vector.broadcast %and3A_1821 : i32 to vector<16xi32>
    %and3A_1823 = arith.andi %shift_right_arithmetic3A_1820, %and3A_1822 : vector<16xi32>
    %and3A_1824 = arith.constant 15 : i32
    %and3A_1825 = vector.broadcast %and3A_1824 : i32 to vector<16xi32>
    %and3A_1826 = arith.andi %get3A_1798, %and3A_1825 : vector<16xi32>
    %shift_right_arithmetic3A_1827 = arith.constant 2 : i32
    %shift_right_arithmetic3A_1828 = vector.broadcast %shift_right_arithmetic3A_1827 : i32 to vector<16xi32>
    %shift_right_arithmetic3A_1829 = arith.shrsi %shift_right_arithmetic3A_1801, %shift_right_arithmetic3A_1828 : vector<16xi32>
    %mul3A_1830 = arith.constant 2 : i32
    %mul3A_1831 = vector.broadcast %mul3A_1830 : i32 to vector<16xi32>
    %mul3A_1832 = arith.muli %shift_right_arithmetic3A_1829, %mul3A_1831 : vector<16xi32>
    %sub3A_1833 = arith.constant 3 : i32
    %sub3A_1834 = vector.broadcast %sub3A_1833 : i32 to vector<16xi32>
    %sub3A_1835 = arith.subi %mul3A_1832, %sub3A_1834 : vector<16xi32>
    %convert_element_type3A_1836 = arith.sitofp %sub3A_1835 : vector<16xi32> to vector<16xf32>
    %mul3A_1837 = arith.constant 0.316227764 : f32
    %mul3A_1838 = vector.broadcast %mul3A_1837 : f32 to vector<16xf32>
    %mul3A_1839 = arith.mulf %convert_element_type3A_1836, %mul3A_1838 : vector<16xf32>
    %swap3A_1840 = arith.constant 0 : i32
    %swap3A_1841 = arith.index_cast %swap3A_1840 : i32 to index
    %swap3A_1842 = arith.constant 128 : index
    %swap3A_1843 = tpu.vector_load %arg12[%swap3A_1841, %swap3A_1842] {strides = array<i32>} : memref<10x256xf32, #tpu.memory_space<vmem>>, vector<1x16xf32>,
    %swap3A_1844 = vector.shape_cast %swap3A_1843 : vector<1x16xf32> to vector<16xf32>
    %swap3A_1845 = vector.shape_cast %mul3A_1839 : vector<16xf32> to vector<1x16xf32>
    tpu.vector_store %arg12[%swap3A_1841, %swap3A_1842], %swap3A_1845 {strides = array<i32>} : memref<10x256xf32, #tpu.memory_space<vmem>>, vector<1x16xf32>,
    %and3A_1846 = arith.constant 3 : i32
    %and3A_1847 = vector.broadcast %and3A_1846 : i32 to vector<16xi32>
    %and3A_1848 = arith.andi %shift_right_arithmetic3A_1801, %and3A_1847 : vector<16xi32>
    %mul3A_1849 = arith.constant 2 : i32
    %mul3A_1850 = vector.broadcast %mul3A_1849 : i32 to vector<16xi32>
    %mul3A_1851 = arith.muli %and3A_1848, %mul3A_1850 : vector<16xi32>
    %sub3A_1852 = arith.constant 3 : i32
    %sub3A_1853 = vector.broadcast %sub3A_1852 : i32 to vector<16xi32>
    %sub3A_1854 = arith.subi %mul3A_1851, %sub3A_1853 : vector<16xi32>
    %convert_element_type3A_1855 = arith.sitofp %sub3A_1854 : vector<16xi32> to vector<16xf32>
    %mul3A_1856 = arith.constant 0.316227764 : f32
    %mul3A_1857 = vector.broadcast %mul3A_1856 : f32 to vector<16xf32>
    %mul3A_1858 = arith.mulf %convert_element_type3A_1855, %mul3A_1857 : vector<16xf32>
    %swap3A_1859 = arith.constant 1 : i32
    %swap3A_1860 = arith.index_cast %swap3A_1859 : i32 to index
    %swap3A_1861 = arith.constant 128 : index
    %swap3A_1862 = tpu.vector_load %arg12[%swap3A_1860, %swap3A_1861] {strides = array<i32>} : memref<10x256xf32, #tpu.memory_space<vmem>>, vector<1x16xf32>,
    %swap3A_1863 = vector.shape_cast %swap3A_1862 : vector<1x16xf32> to vector<16xf32>
    %swap3A_1864 = vector.shape_cast %mul3A_1858 : vector<16xf32> to vector<1x16xf32>
    tpu.vector_store %arg12[%swap3A_1860, %swap3A_1861], %swap3A_1864 {strides = array<i32>} : memref<10x256xf32, #tpu.memory_space<vmem>>, vector<1x16xf32>,
    %shift_right_arithmetic3A_1865 = arith.constant 2 : i32
    %shift_right_arithmetic3A_1866 = vector.broadcast %shift_right_arithmetic3A_1865 : i32 to vector<16xi32>
    %shift_right_arithmetic3A_1867 = arith.shrsi %and3A_1807, %shift_right_arithmetic3A_1866 : vector<16xi32>
    %mul3A_1868 = arith.constant 2 : i32
    %mul3A_1869 = vector.broadcast %mul3A_1868 : i32 to vector<16xi32>
    %mul3A_1870 = arith.muli %shift_right_arithmetic3A_1867, %mul3A_1869 : vector<16xi32>
    %sub3A_1871 = arith.constant 3 : i32
    %sub3A_1872 = vector.broadcast %sub3A_1871 : i32 to vector<16xi32>
    %sub3A_1873 = arith.subi %mul3A_1870, %sub3A_1872 : vector<16xi32>
    %convert_element_type3A_1874 = arith.sitofp %sub3A_1873 : vector<16xi32> to vector<16xf32>
    %mul3A_1875 = arith.constant 0.316227764 : f32
    %mul3A_1876 = vector.broadcast %mul3A_1875 : f32 to vector<16xf32>
    %mul3A_1877 = arith.mulf %convert_element_type3A_1874, %mul3A_1876 : vector<16xf32>
    %swap3A_1878 = arith.constant 2 : i32
    %swap3A_1879 = arith.index_cast %swap3A_1878 : i32 to index
    %swap3A_1880 = arith.constant 128 : index
    %swap3A_1881 = tpu.vector_load %arg12[%swap3A_1879, %swap3A_1880] {strides = array<i32>} : memref<10x256xf32, #tpu.memory_space<vmem>>, vector<1x16xf32>,
    %swap3A_1882 = vector.shape_cast %swap3A_1881 : vector<1x16xf32> to vector<16xf32>
    %swap3A_1883 = vector.shape_cast %mul3A_1877 : vector<16xf32> to vector<1x16xf32>
    tpu.vector_store %arg12[%swap3A_1879, %swap3A_1880], %swap3A_1883 {strides = array<i32>} : memref<10x256xf32, #tpu.memory_space<vmem>>, vector<1x16xf32>,
    %and3A_1884 = arith.constant 3 : i32
    %and3A_1885 = vector.broadcast %and3A_1884 : i32 to vector<16xi32>
    %and3A_1886 = arith.andi %and3A_1807, %and3A_1885 : vector<16xi32>
    %mul3A_1887 = arith.constant 2 : i32
    %mul3A_1888 = vector.broadcast %mul3A_1887 : i32 to vector<16xi32>
    %mul3A_1889 = arith.muli %and3A_1886, %mul3A_1888 : vector<16xi32>
    %sub3A_1890 = arith.constant 3 : i32
    %sub3A_1891 = vector.broadcast %sub3A_1890 : i32 to vector<16xi32>
    %sub3A_1892 = arith.subi %mul3A_1889, %sub3A_1891 : vector<16xi32>
    %convert_element_type3A_1893 = arith.sitofp %sub3A_1892 : vector<16xi32> to vector<16xf32>
    %mul3A_1894 = arith.constant 0.316227764 : f32
    %mul3A_1895 = vector.broadcast %mul3A_1894 : f32 to vector<16xf32>
    %mul3A_1896 = arith.mulf %convert_element_type3A_1893, %mul3A_1895 : vector<16xf32>
    %swap3A_1897 = arith.constant 3 : i32
    %swap3A_1898 = arith.index_cast %swap3A_1897 : i32 to index
    %swap3A_1899 = arith.constant 128 : index
    %swap3A_1900 = tpu.vector_load %arg12[%swap3A_1898, %swap3A_1899] {strides = array<i32>} : memref<10x256xf32, #tpu.memory_space<vmem>>, vector<1x16xf32>,
    %swap3A_1901 = vector.shape_cast %swap3A_1900 : vector<1x16xf32> to vector<16xf32>
    %swap3A_1902 = vector.shape_cast %mul3A_1896 : vector<16xf32> to vector<1x16xf32>
    tpu.vector_store %arg12[%swap3A_1898, %swap3A_1899], %swap3A_1902 {strides = array<i32>} : memref<10x256xf32, #tpu.memory_space<vmem>>, vector<1x16xf32>,
    %shift_right_arithmetic3A_1903 = arith.constant 2 : i32
    %shift_right_arithmetic3A_1904 = vector.broadcast %shift_right_arithmetic3A_1903 : i32 to vector<16xi32>
    %shift_right_arithmetic3A_1905 = arith.shrsi %or3A_1817, %shift_right_arithmetic3A_1904 : vector<16xi32>
    %mul3A_1906 = arith.constant 2 : i32
    %mul3A_1907 = vector.broadcast %mul3A_1906 : i32 to vector<16xi32>
    %mul3A_1908 = arith.muli %shift_right_arithmetic3A_1905, %mul3A_1907 : vector<16xi32>
    %sub3A_1909 = arith.constant 3 : i32
    %sub3A_1910 = vector.broadcast %sub3A_1909 : i32 to vector<16xi32>
    %sub3A_1911 = arith.subi %mul3A_1908, %sub3A_1910 : vector<16xi32>
    %convert_element_type3A_1912 = arith.sitofp %sub3A_1911 : vector<16xi32> to vector<16xf32>
    %mul3A_1913 = arith.constant 0.316227764 : f32
    %mul3A_1914 = vector.broadcast %mul3A_1913 : f32 to vector<16xf32>
    %mul3A_1915 = arith.mulf %convert_element_type3A_1912, %mul3A_1914 : vector<16xf32>
    %swap3A_1916 = arith.constant 4 : i32
    %swap3A_1917 = arith.index_cast %swap3A_1916 : i32 to index
    %swap3A_1918 = arith.constant 128 : index
    %swap3A_1919 = tpu.vector_load %arg12[%swap3A_1917, %swap3A_1918] {strides = array<i32>} : memref<10x256xf32, #tpu.memory_space<vmem>>, vector<1x16xf32>,
    %swap3A_1920 = vector.shape_cast %swap3A_1919 : vector<1x16xf32> to vector<16xf32>
    %swap3A_1921 = vector.shape_cast %mul3A_1915 : vector<16xf32> to vector<1x16xf32>
    tpu.vector_store %arg12[%swap3A_1917, %swap3A_1918], %swap3A_1921 {strides = array<i32>} : memref<10x256xf32, #tpu.memory_space<vmem>>, vector<1x16xf32>,
    %and3A_1922 = arith.constant 3 : i32
    %and3A_1923 = vector.broadcast %and3A_1922 : i32 to vector<16xi32>
    %and3A_1924 = arith.andi %or3A_1817, %and3A_1923 : vector<16xi32>
    %mul3A_1925 = arith.constant 2 : i32
    %mul3A_1926 = vector.broadcast %mul3A_1925 : i32 to vector<16xi32>
    %mul3A_1927 = arith.muli %and3A_1924, %mul3A_1926 : vector<16xi32>
    %sub3A_1928 = arith.constant 3 : i32
    %sub3A_1929 = vector.broadcast %sub3A_1928 : i32 to vector<16xi32>
    %sub3A_1930 = arith.subi %mul3A_1927, %sub3A_1929 : vector<16xi32>
    %convert_element_type3A_1931 = arith.sitofp %sub3A_1930 : vector<16xi32> to vector<16xf32>
    %mul3A_1932 = arith.constant 0.316227764 : f32
    %mul3A_1933 = vector.broadcast %mul3A_1932 : f32 to vector<16xf32>
    %mul3A_1934 = arith.mulf %convert_element_type3A_1931, %mul3A_1933 : vector<16xf32>
    %swap3A_1935 = arith.constant 5 : i32
    %swap3A_1936 = arith.index_cast %swap3A_1935 : i32 to index
    %swap3A_1937 = arith.constant 128 : index
    %swap3A_1938 = tpu.vector_load %arg12[%swap3A_1936, %swap3A_1937] {strides = array<i32>} : memref<10x256xf32, #tpu.memory_space<vmem>>, vector<1x16xf32>,
    %swap3A_1939 = vector.shape_cast %swap3A_1938 : vector<1x16xf32> to vector<16xf32>
    %swap3A_1940 = vector.shape_cast %mul3A_1934 : vector<16xf32> to vector<1x16xf32>
    tpu.vector_store %arg12[%swap3A_1936, %swap3A_1937], %swap3A_1940 {strides = array<i32>} : memref<10x256xf32, #tpu.memory_space<vmem>>, vector<1x16xf32>,
    %shift_right_arithmetic3A_1941 = arith.constant 2 : i32
    %shift_right_arithmetic3A_1942 = vector.broadcast %shift_right_arithmetic3A_1941 : i32 to vector<16xi32>
    %shift_right_arithmetic3A_1943 = arith.shrsi %and3A_1823, %shift_right_arithmetic3A_1942 : vector<16xi32>
    %mul3A_1944 = arith.constant 2 : i32
    %mul3A_1945 = vector.broadcast %mul3A_1944 : i32 to vector<16xi32>
    %mul3A_1946 = arith.muli %shift_right_arithmetic3A_1943, %mul3A_1945 : vector<16xi32>
    %sub3A_1947 = arith.constant 3 : i32
    %sub3A_1948 = vector.broadcast %sub3A_1947 : i32 to vector<16xi32>
    %sub3A_1949 = arith.subi %mul3A_1946, %sub3A_1948 : vector<16xi32>
    %convert_element_type3A_1950 = arith.sitofp %sub3A_1949 : vector<16xi32> to vector<16xf32>
    %mul3A_1951 = arith.constant 0.316227764 : f32
    %mul3A_1952 = vector.broadcast %mul3A_1951 : f32 to vector<16xf32>
    %mul3A_1953 = arith.mulf %convert_element_type3A_1950, %mul3A_1952 : vector<16xf32>
    %swap3A_1954 = arith.constant 6 : i32
    %swap3A_1955 = arith.index_cast %swap3A_1954 : i32 to index
    %swap3A_1956 = arith.constant 128 : index
    %swap3A_1957 = tpu.vector_load %arg12[%swap3A_1955, %swap3A_1956] {strides = array<i32>} : memref<10x256xf32, #tpu.memory_space<vmem>>, vector<1x16xf32>,
    %swap3A_1958 = vector.shape_cast %swap3A_1957 : vector<1x16xf32> to vector<16xf32>
    %swap3A_1959 = vector.shape_cast %mul3A_1953 : vector<16xf32> to vector<1x16xf32>
    tpu.vector_store %arg12[%swap3A_1955, %swap3A_1956], %swap3A_1959 {strides = array<i32>} : memref<10x256xf32, #tpu.memory_space<vmem>>, vector<1x16xf32>,
    %and3A_1960 = arith.constant 3 : i32
    %and3A_1961 = vector.broadcast %and3A_1960 : i32 to vector<16xi32>
    %and3A_1962 = arith.andi %and3A_1823, %and3A_1961 : vector<16xi32>
    %mul3A_1963 = arith.constant 2 : i32
    %mul3A_1964 = vector.broadcast %mul3A_1963 : i32 to vector<16xi32>
    %mul3A_1965 = arith.muli %and3A_1962, %mul3A_1964 : vector<16xi32>
    %sub3A_1966 = arith.constant 3 : i32
    %sub3A_1967 = vector.broadcast %sub3A_1966 : i32 to vector<16xi32>
    %sub3A_1968 = arith.subi %mul3A_1965, %sub3A_1967 : vector<16xi32>
    %convert_element_type3A_1969 = arith.sitofp %sub3A_1968 : vector<16xi32> to vector<16xf32>
    %mul3A_1970 = arith.constant 0.316227764 : f32
    %mul3A_1971 = vector.broadcast %mul3A_1970 : f32 to vector<16xf32>
    %mul3A_1972 = arith.mulf %convert_element_type3A_1969, %mul3A_1971 : vector<16xf32>
    %swap3A_1973 = arith.constant 7 : i32
    %swap3A_1974 = arith.index_cast %swap3A_1973 : i32 to index
    %swap3A_1975 = arith.constant 128 : index
    %swap3A_1976 = tpu.vector_load %arg12[%swap3A_1974, %swap3A_1975] {strides = array<i32>} : memref<10x256xf32, #tpu.memory_space<vmem>>, vector<1x16xf32>,
    %swap3A_1977 = vector.shape_cast %swap3A_1976 : vector<1x16xf32> to vector<16xf32>
    %swap3A_1978 = vector.shape_cast %mul3A_1972 : vector<16xf32> to vector<1x16xf32>
    tpu.vector_store %arg12[%swap3A_1974, %swap3A_1975], %swap3A_1978 {strides = array<i32>} : memref<10x256xf32, #tpu.memory_space<vmem>>, vector<1x16xf32>,
    %shift_right_arithmetic3A_1979 = arith.constant 2 : i32
    %shift_right_arithmetic3A_1980 = vector.broadcast %shift_right_arithmetic3A_1979 : i32 to vector<16xi32>
    %shift_right_arithmetic3A_1981 = arith.shrsi %and3A_1826, %shift_right_arithmetic3A_1980 : vector<16xi32>
    %mul3A_1982 = arith.constant 2 : i32
    %mul3A_1983 = vector.broadcast %mul3A_1982 : i32 to vector<16xi32>
    %mul3A_1984 = arith.muli %shift_right_arithmetic3A_1981, %mul3A_1983 : vector<16xi32>
    %sub3A_1985 = arith.constant 3 : i32
    %sub3A_1986 = vector.broadcast %sub3A_1985 : i32 to vector<16xi32>
    %sub3A_1987 = arith.subi %mul3A_1984, %sub3A_1986 : vector<16xi32>
    %convert_element_type3A_1988 = arith.sitofp %sub3A_1987 : vector<16xi32> to vector<16xf32>
    %mul3A_1989 = arith.constant 0.316227764 : f32
    %mul3A_1990 = vector.broadcast %mul3A_1989 : f32 to vector<16xf32>
    %mul3A_1991 = arith.mulf %convert_element_type3A_1988, %mul3A_1990 : vector<16xf32>
    %swap3A_1992 = arith.constant 8 : i32
    %swap3A_1993 = arith.index_cast %swap3A_1992 : i32 to index
    %swap3A_1994 = arith.constant 128 : index
    %swap3A_1995 = tpu.vector_load %arg12[%swap3A_1993, %swap3A_1994] {strides = array<i32>} : memref<10x256xf32, #tpu.memory_space<vmem>>, vector<1x16xf32>,
    %swap3A_1996 = vector.shape_cast %swap3A_1995 : vector<1x16xf32> to vector<16xf32>
    %swap3A_1997 = vector.shape_cast %mul3A_1991 : vector<16xf32> to vector<1x16xf32>
    tpu.vector_store %arg12[%swap3A_1993, %swap3A_1994], %swap3A_1997 {strides = array<i32>} : memref<10x256xf32, #tpu.memory_space<vmem>>, vector<1x16xf32>,
    %and3A_1998 = arith.constant 3 : i32
    %and3A_1999 = vector.broadcast %and3A_1998 : i32 to vector<16xi32>
    %and3A_2000 = arith.andi %and3A_1826, %and3A_1999 : vector<16xi32>
    %mul3A_2001 = arith.constant 2 : i32
    %mul3A_2002 = vector.broadcast %mul3A_2001 : i32 to vector<16xi32>
    %mul3A_2003 = arith.muli %and3A_2000, %mul3A_2002 : vector<16xi32>
    %sub3A_2004 = arith.constant 3 : i32
    %sub3A_2005 = vector.broadcast %sub3A_2004 : i32 to vector<16xi32>
    %sub3A_2006 = arith.subi %mul3A_2003, %sub3A_2005 : vector<16xi32>
    %convert_element_type3A_2007 = arith.sitofp %sub3A_2006 : vector<16xi32> to vector<16xf32>
    %mul3A_2008 = arith.constant 0.316227764 : f32
    %mul3A_2009 = vector.broadcast %mul3A_2008 : f32 to vector<16xf32>
    %mul3A_2010 = arith.mulf %convert_element_type3A_2007, %mul3A_2009 : vector<16xf32>
    %swap3A_2011 = arith.constant 9 : i32
    %swap3A_2012 = arith.index_cast %swap3A_2011 : i32 to index
    %swap3A_2013 = arith.constant 128 : index
    %swap3A_2014 = tpu.vector_load %arg12[%swap3A_2012, %swap3A_2013] {strides = array<i32>} : memref<10x256xf32, #tpu.memory_space<vmem>>, vector<1x16xf32>,
    %swap3A_2015 = vector.shape_cast %swap3A_2014 : vector<1x16xf32> to vector<16xf32>
    %swap3A_2016 = vector.shape_cast %mul3A_2010 : vector<16xf32> to vector<1x16xf32>
    tpu.vector_store %arg12[%swap3A_2012, %swap3A_2013], %swap3A_2016 {strides = array<i32>} : memref<10x256xf32, #tpu.memory_space<vmem>>, vector<1x16xf32>,
    %get3A_2017 = arith.constant 144 : index
    %get3A_2018 = tpu.vector_load %arg10[%get3A_2017] {strides = array<i32>} : memref<256xi32, #tpu.memory_space<vmem>>, vector<16xi32>,
    %get3A_2019 = vector.shape_cast %get3A_2018 : vector<16xi32> to vector<16xi32>
    %get3A_2020 = arith.constant 144 : index
    %get3A_2021 = tpu.vector_load %arg11[%get3A_2020] {strides = array<i32>} : memref<256xi32, #tpu.memory_space<vmem>>, vector<16xi32>,
    %get3A_2022 = vector.shape_cast %get3A_2021 : vector<16xi32> to vector<16xi32>
    %shift_right_arithmetic3A_2023 = arith.constant 6 : i32
    %shift_right_arithmetic3A_2024 = vector.broadcast %shift_right_arithmetic3A_2023 : i32 to vector<16xi32>
    %shift_right_arithmetic3A_2025 = arith.shrsi %get3A_2019, %shift_right_arithmetic3A_2024 : vector<16xi32>
    %shift_right_arithmetic3A_2026 = arith.constant 2 : i32
    %shift_right_arithmetic3A_2027 = vector.broadcast %shift_right_arithmetic3A_2026 : i32 to vector<16xi32>
    %shift_right_arithmetic3A_2028 = arith.shrsi %get3A_2019, %shift_right_arithmetic3A_2027 : vector<16xi32>
    %and3A_2029 = arith.constant 15 : i32
    %and3A_2030 = vector.broadcast %and3A_2029 : i32 to vector<16xi32>
    %and3A_2031 = arith.andi %shift_right_arithmetic3A_2028, %and3A_2030 : vector<16xi32>
    %and3A_2032 = arith.constant 3 : i32
    %and3A_2033 = vector.broadcast %and3A_2032 : i32 to vector<16xi32>
    %and3A_2034 = arith.andi %get3A_2019, %and3A_2033 : vector<16xi32>
    %shift_left3A_2035 = arith.constant 2 : i32
    %shift_left3A_2036 = vector.broadcast %shift_left3A_2035 : i32 to vector<16xi32>
    %shift_left3A_2037 = arith.shli %and3A_2034, %shift_left3A_2036 : vector<16xi32>
    %shift_right_arithmetic3A_2038 = arith.constant 8 : i32
    %shift_right_arithmetic3A_2039 = vector.broadcast %shift_right_arithmetic3A_2038 : i32 to vector<16xi32>
    %shift_right_arithmetic3A_2040 = arith.shrsi %get3A_2022, %shift_right_arithmetic3A_2039 : vector<16xi32>
    %or3A_2041 = arith.ori %shift_left3A_2037, %shift_right_arithmetic3A_2040 : vector<16xi32>
    %shift_right_arithmetic3A_2042 = arith.constant 4 : i32
    %shift_right_arithmetic3A_2043 = vector.broadcast %shift_right_arithmetic3A_2042 : i32 to vector<16xi32>
    %shift_right_arithmetic3A_2044 = arith.shrsi %get3A_2022, %shift_right_arithmetic3A_2043 : vector<16xi32>
    %and3A_2045 = arith.constant 15 : i32
    %and3A_2046 = vector.broadcast %and3A_2045 : i32 to vector<16xi32>
    %and3A_2047 = arith.andi %shift_right_arithmetic3A_2044, %and3A_2046 : vector<16xi32>
    %and3A_2048 = arith.constant 15 : i32
    %and3A_2049 = vector.broadcast %and3A_2048 : i32 to vector<16xi32>
    %and3A_2050 = arith.andi %get3A_2022, %and3A_2049 : vector<16xi32>
    %shift_right_arithmetic3A_2051 = arith.constant 2 : i32
    %shift_right_arithmetic3A_2052 = vector.broadcast %shift_right_arithmetic3A_2051 : i32 to vector<16xi32>
    %shift_right_arithmetic3A_2053 = arith.shrsi %shift_right_arithmetic3A_2025, %shift_right_arithmetic3A_2052 : vector<16xi32>
    %mul3A_2054 = arith.constant 2 : i32
    %mul3A_2055 = vector.broadcast %mul3A_2054 : i32 to vector<16xi32>
    %mul3A_2056 = arith.muli %shift_right_arithmetic3A_2053, %mul3A_2055 : vector<16xi32>
    %sub3A_2057 = arith.constant 3 : i32
    %sub3A_2058 = vector.broadcast %sub3A_2057 : i32 to vector<16xi32>
    %sub3A_2059 = arith.subi %mul3A_2056, %sub3A_2058 : vector<16xi32>
    %convert_element_type3A_2060 = arith.sitofp %sub3A_2059 : vector<16xi32> to vector<16xf32>
    %mul3A_2061 = arith.constant 0.316227764 : f32
    %mul3A_2062 = vector.broadcast %mul3A_2061 : f32 to vector<16xf32>
    %mul3A_2063 = arith.mulf %convert_element_type3A_2060, %mul3A_2062 : vector<16xf32>
    %swap3A_2064 = arith.constant 0 : i32
    %swap3A_2065 = arith.index_cast %swap3A_2064 : i32 to index
    %swap3A_2066 = arith.constant 144 : index
    %swap3A_2067 = tpu.vector_load %arg12[%swap3A_2065, %swap3A_2066] {strides = array<i32>} : memref<10x256xf32, #tpu.memory_space<vmem>>, vector<1x16xf32>,
    %swap3A_2068 = vector.shape_cast %swap3A_2067 : vector<1x16xf32> to vector<16xf32>
    %swap3A_2069 = vector.shape_cast %mul3A_2063 : vector<16xf32> to vector<1x16xf32>
    tpu.vector_store %arg12[%swap3A_2065, %swap3A_2066], %swap3A_2069 {strides = array<i32>} : memref<10x256xf32, #tpu.memory_space<vmem>>, vector<1x16xf32>,
    %and3A_2070 = arith.constant 3 : i32
    %and3A_2071 = vector.broadcast %and3A_2070 : i32 to vector<16xi32>
    %and3A_2072 = arith.andi %shift_right_arithmetic3A_2025, %and3A_2071 : vector<16xi32>
    %mul3A_2073 = arith.constant 2 : i32
    %mul3A_2074 = vector.broadcast %mul3A_2073 : i32 to vector<16xi32>
    %mul3A_2075 = arith.muli %and3A_2072, %mul3A_2074 : vector<16xi32>
    %sub3A_2076 = arith.constant 3 : i32
    %sub3A_2077 = vector.broadcast %sub3A_2076 : i32 to vector<16xi32>
    %sub3A_2078 = arith.subi %mul3A_2075, %sub3A_2077 : vector<16xi32>
    %convert_element_type3A_2079 = arith.sitofp %sub3A_2078 : vector<16xi32> to vector<16xf32>
    %mul3A_2080 = arith.constant 0.316227764 : f32
    %mul3A_2081 = vector.broadcast %mul3A_2080 : f32 to vector<16xf32>
    %mul3A_2082 = arith.mulf %convert_element_type3A_2079, %mul3A_2081 : vector<16xf32>
    %swap3A_2083 = arith.constant 1 : i32
    %swap3A_2084 = arith.index_cast %swap3A_2083 : i32 to index
    %swap3A_2085 = arith.constant 144 : index
    %swap3A_2086 = tpu.vector_load %arg12[%swap3A_2084, %swap3A_2085] {strides = array<i32>} : memref<10x256xf32, #tpu.memory_space<vmem>>, vector<1x16xf32>,
    %swap3A_2087 = vector.shape_cast %swap3A_2086 : vector<1x16xf32> to vector<16xf32>
    %swap3A_2088 = vector.shape_cast %mul3A_2082 : vector<16xf32> to vector<1x16xf32>
    tpu.vector_store %arg12[%swap3A_2084, %swap3A_2085], %swap3A_2088 {strides = array<i32>} : memref<10x256xf32, #tpu.memory_space<vmem>>, vector<1x16xf32>,
    %shift_right_arithmetic3A_2089 = arith.constant 2 : i32
    %shift_right_arithmetic3A_2090 = vector.broadcast %shift_right_arithmetic3A_2089 : i32 to vector<16xi32>
    %shift_right_arithmetic3A_2091 = arith.shrsi %and3A_2031, %shift_right_arithmetic3A_2090 : vector<16xi32>
    %mul3A_2092 = arith.constant 2 : i32
    %mul3A_2093 = vector.broadcast %mul3A_2092 : i32 to vector<16xi32>
    %mul3A_2094 = arith.muli %shift_right_arithmetic3A_2091, %mul3A_2093 : vector<16xi32>
    %sub3A_2095 = arith.constant 3 : i32
    %sub3A_2096 = vector.broadcast %sub3A_2095 : i32 to vector<16xi32>
    %sub3A_2097 = arith.subi %mul3A_2094, %sub3A_2096 : vector<16xi32>
    %convert_element_type3A_2098 = arith.sitofp %sub3A_2097 : vector<16xi32> to vector<16xf32>
    %mul3A_2099 = arith.constant 0.316227764 : f32
    %mul3A_2100 = vector.broadcast %mul3A_2099 : f32 to vector<16xf32>
    %mul3A_2101 = arith.mulf %convert_element_type3A_2098, %mul3A_2100 : vector<16xf32>
    %swap3A_2102 = arith.constant 2 : i32
    %swap3A_2103 = arith.index_cast %swap3A_2102 : i32 to index
    %swap3A_2104 = arith.constant 144 : index
    %swap3A_2105 = tpu.vector_load %arg12[%swap3A_2103, %swap3A_2104] {strides = array<i32>} : memref<10x256xf32, #tpu.memory_space<vmem>>, vector<1x16xf32>,
    %swap3A_2106 = vector.shape_cast %swap3A_2105 : vector<1x16xf32> to vector<16xf32>
    %swap3A_2107 = vector.shape_cast %mul3A_2101 : vector<16xf32> to vector<1x16xf32>
    tpu.vector_store %arg12[%swap3A_2103, %swap3A_2104], %swap3A_2107 {strides = array<i32>} : memref<10x256xf32, #tpu.memory_space<vmem>>, vector<1x16xf32>,
    %and3A_2108 = arith.constant 3 : i32
    %and3A_2109 = vector.broadcast %and3A_2108 : i32 to vector<16xi32>
    %and3A_2110 = arith.andi %and3A_2031, %and3A_2109 : vector<16xi32>
    %mul3A_2111 = arith.constant 2 : i32
    %mul3A_2112 = vector.broadcast %mul3A_2111 : i32 to vector<16xi32>
    %mul3A_2113 = arith.muli %and3A_2110, %mul3A_2112 : vector<16xi32>
    %sub3A_2114 = arith.constant 3 : i32
    %sub3A_2115 = vector.broadcast %sub3A_2114 : i32 to vector<16xi32>
    %sub3A_2116 = arith.subi %mul3A_2113, %sub3A_2115 : vector<16xi32>
    %convert_element_type3A_2117 = arith.sitofp %sub3A_2116 : vector<16xi32> to vector<16xf32>
    %mul3A_2118 = arith.constant 0.316227764 : f32
    %mul3A_2119 = vector.broadcast %mul3A_2118 : f32 to vector<16xf32>
    %mul3A_2120 = arith.mulf %convert_element_type3A_2117, %mul3A_2119 : vector<16xf32>
    %swap3A_2121 = arith.constant 3 : i32
    %swap3A_2122 = arith.index_cast %swap3A_2121 : i32 to index
    %swap3A_2123 = arith.constant 144 : index
    %swap3A_2124 = tpu.vector_load %arg12[%swap3A_2122, %swap3A_2123] {strides = array<i32>} : memref<10x256xf32, #tpu.memory_space<vmem>>, vector<1x16xf32>,
    %swap3A_2125 = vector.shape_cast %swap3A_2124 : vector<1x16xf32> to vector<16xf32>
    %swap3A_2126 = vector.shape_cast %mul3A_2120 : vector<16xf32> to vector<1x16xf32>
    tpu.vector_store %arg12[%swap3A_2122, %swap3A_2123], %swap3A_2126 {strides = array<i32>} : memref<10x256xf32, #tpu.memory_space<vmem>>, vector<1x16xf32>,
    %shift_right_arithmetic3A_2127 = arith.constant 2 : i32
    %shift_right_arithmetic3A_2128 = vector.broadcast %shift_right_arithmetic3A_2127 : i32 to vector<16xi32>
    %shift_right_arithmetic3A_2129 = arith.shrsi %or3A_2041, %shift_right_arithmetic3A_2128 : vector<16xi32>
    %mul3A_2130 = arith.constant 2 : i32
    %mul3A_2131 = vector.broadcast %mul3A_2130 : i32 to vector<16xi32>
    %mul3A_2132 = arith.muli %shift_right_arithmetic3A_2129, %mul3A_2131 : vector<16xi32>
    %sub3A_2133 = arith.constant 3 : i32
    %sub3A_2134 = vector.broadcast %sub3A_2133 : i32 to vector<16xi32>
    %sub3A_2135 = arith.subi %mul3A_2132, %sub3A_2134 : vector<16xi32>
    %convert_element_type3A_2136 = arith.sitofp %sub3A_2135 : vector<16xi32> to vector<16xf32>
    %mul3A_2137 = arith.constant 0.316227764 : f32
    %mul3A_2138 = vector.broadcast %mul3A_2137 : f32 to vector<16xf32>
    %mul3A_2139 = arith.mulf %convert_element_type3A_2136, %mul3A_2138 : vector<16xf32>
    %swap3A_2140 = arith.constant 4 : i32
    %swap3A_2141 = arith.index_cast %swap3A_2140 : i32 to index
    %swap3A_2142 = arith.constant 144 : index
    %swap3A_2143 = tpu.vector_load %arg12[%swap3A_2141, %swap3A_2142] {strides = array<i32>} : memref<10x256xf32, #tpu.memory_space<vmem>>, vector<1x16xf32>,
    %swap3A_2144 = vector.shape_cast %swap3A_2143 : vector<1x16xf32> to vector<16xf32>
    %swap3A_2145 = vector.shape_cast %mul3A_2139 : vector<16xf32> to vector<1x16xf32>
    tpu.vector_store %arg12[%swap3A_2141, %swap3A_2142], %swap3A_2145 {strides = array<i32>} : memref<10x256xf32, #tpu.memory_space<vmem>>, vector<1x16xf32>,
    %and3A_2146 = arith.constant 3 : i32
    %and3A_2147 = vector.broadcast %and3A_2146 : i32 to vector<16xi32>
    %and3A_2148 = arith.andi %or3A_2041, %and3A_2147 : vector<16xi32>
    %mul3A_2149 = arith.constant 2 : i32
    %mul3A_2150 = vector.broadcast %mul3A_2149 : i32 to vector<16xi32>
    %mul3A_2151 = arith.muli %and3A_2148, %mul3A_2150 : vector<16xi32>
    %sub3A_2152 = arith.constant 3 : i32
    %sub3A_2153 = vector.broadcast %sub3A_2152 : i32 to vector<16xi32>
    %sub3A_2154 = arith.subi %mul3A_2151, %sub3A_2153 : vector<16xi32>
    %convert_element_type3A_2155 = arith.sitofp %sub3A_2154 : vector<16xi32> to vector<16xf32>
    %mul3A_2156 = arith.constant 0.316227764 : f32
    %mul3A_2157 = vector.broadcast %mul3A_2156 : f32 to vector<16xf32>
    %mul3A_2158 = arith.mulf %convert_element_type3A_2155, %mul3A_2157 : vector<16xf32>
    %swap3A_2159 = arith.constant 5 : i32
    %swap3A_2160 = arith.index_cast %swap3A_2159 : i32 to index
    %swap3A_2161 = arith.constant 144 : index
    %swap3A_2162 = tpu.vector_load %arg12[%swap3A_2160, %swap3A_2161] {strides = array<i32>} : memref<10x256xf32, #tpu.memory_space<vmem>>, vector<1x16xf32>,
    %swap3A_2163 = vector.shape_cast %swap3A_2162 : vector<1x16xf32> to vector<16xf32>
    %swap3A_2164 = vector.shape_cast %mul3A_2158 : vector<16xf32> to vector<1x16xf32>
    tpu.vector_store %arg12[%swap3A_2160, %swap3A_2161], %swap3A_2164 {strides = array<i32>} : memref<10x256xf32, #tpu.memory_space<vmem>>, vector<1x16xf32>,
    %shift_right_arithmetic3A_2165 = arith.constant 2 : i32
    %shift_right_arithmetic3A_2166 = vector.broadcast %shift_right_arithmetic3A_2165 : i32 to vector<16xi32>
    %shift_right_arithmetic3A_2167 = arith.shrsi %and3A_2047, %shift_right_arithmetic3A_2166 : vector<16xi32>
    %mul3A_2168 = arith.constant 2 : i32
    %mul3A_2169 = vector.broadcast %mul3A_2168 : i32 to vector<16xi32>
    %mul3A_2170 = arith.muli %shift_right_arithmetic3A_2167, %mul3A_2169 : vector<16xi32>
    %sub3A_2171 = arith.constant 3 : i32
    %sub3A_2172 = vector.broadcast %sub3A_2171 : i32 to vector<16xi32>
    %sub3A_2173 = arith.subi %mul3A_2170, %sub3A_2172 : vector<16xi32>
    %convert_element_type3A_2174 = arith.sitofp %sub3A_2173 : vector<16xi32> to vector<16xf32>
    %mul3A_2175 = arith.constant 0.316227764 : f32
    %mul3A_2176 = vector.broadcast %mul3A_2175 : f32 to vector<16xf32>
    %mul3A_2177 = arith.mulf %convert_element_type3A_2174, %mul3A_2176 : vector<16xf32>
    %swap3A_2178 = arith.constant 6 : i32
    %swap3A_2179 = arith.index_cast %swap3A_2178 : i32 to index
    %swap3A_2180 = arith.constant 144 : index
    %swap3A_2181 = tpu.vector_load %arg12[%swap3A_2179, %swap3A_2180] {strides = array<i32>} : memref<10x256xf32, #tpu.memory_space<vmem>>, vector<1x16xf32>,
    %swap3A_2182 = vector.shape_cast %swap3A_2181 : vector<1x16xf32> to vector<16xf32>
    %swap3A_2183 = vector.shape_cast %mul3A_2177 : vector<16xf32> to vector<1x16xf32>
    tpu.vector_store %arg12[%swap3A_2179, %swap3A_2180], %swap3A_2183 {strides = array<i32>} : memref<10x256xf32, #tpu.memory_space<vmem>>, vector<1x16xf32>,
    %and3A_2184 = arith.constant 3 : i32
    %and3A_2185 = vector.broadcast %and3A_2184 : i32 to vector<16xi32>
    %and3A_2186 = arith.andi %and3A_2047, %and3A_2185 : vector<16xi32>
    %mul3A_2187 = arith.constant 2 : i32
    %mul3A_2188 = vector.broadcast %mul3A_2187 : i32 to vector<16xi32>
    %mul3A_2189 = arith.muli %and3A_2186, %mul3A_2188 : vector<16xi32>
    %sub3A_2190 = arith.constant 3 : i32
    %sub3A_2191 = vector.broadcast %sub3A_2190 : i32 to vector<16xi32>
    %sub3A_2192 = arith.subi %mul3A_2189, %sub3A_2191 : vector<16xi32>
    %convert_element_type3A_2193 = arith.sitofp %sub3A_2192 : vector<16xi32> to vector<16xf32>
    %mul3A_2194 = arith.constant 0.316227764 : f32
    %mul3A_2195 = vector.broadcast %mul3A_2194 : f32 to vector<16xf32>
    %mul3A_2196 = arith.mulf %convert_element_type3A_2193, %mul3A_2195 : vector<16xf32>
    %swap3A_2197 = arith.constant 7 : i32
    %swap3A_2198 = arith.index_cast %swap3A_2197 : i32 to index
    %swap3A_2199 = arith.constant 144 : index
    %swap3A_2200 = tpu.vector_load %arg12[%swap3A_2198, %swap3A_2199] {strides = array<i32>} : memref<10x256xf32, #tpu.memory_space<vmem>>, vector<1x16xf32>,
    %swap3A_2201 = vector.shape_cast %swap3A_2200 : vector<1x16xf32> to vector<16xf32>
    %swap3A_2202 = vector.shape_cast %mul3A_2196 : vector<16xf32> to vector<1x16xf32>
    tpu.vector_store %arg12[%swap3A_2198, %swap3A_2199], %swap3A_2202 {strides = array<i32>} : memref<10x256xf32, #tpu.memory_space<vmem>>, vector<1x16xf32>,
    %shift_right_arithmetic3A_2203 = arith.constant 2 : i32
    %shift_right_arithmetic3A_2204 = vector.broadcast %shift_right_arithmetic3A_2203 : i32 to vector<16xi32>
    %shift_right_arithmetic3A_2205 = arith.shrsi %and3A_2050, %shift_right_arithmetic3A_2204 : vector<16xi32>
    %mul3A_2206 = arith.constant 2 : i32
    %mul3A_2207 = vector.broadcast %mul3A_2206 : i32 to vector<16xi32>
    %mul3A_2208 = arith.muli %shift_right_arithmetic3A_2205, %mul3A_2207 : vector<16xi32>
    %sub3A_2209 = arith.constant 3 : i32
    %sub3A_2210 = vector.broadcast %sub3A_2209 : i32 to vector<16xi32>
    %sub3A_2211 = arith.subi %mul3A_2208, %sub3A_2210 : vector<16xi32>
    %convert_element_type3A_2212 = arith.sitofp %sub3A_2211 : vector<16xi32> to vector<16xf32>
    %mul3A_2213 = arith.constant 0.316227764 : f32
    %mul3A_2214 = vector.broadcast %mul3A_2213 : f32 to vector<16xf32>
    %mul3A_2215 = arith.mulf %convert_element_type3A_2212, %mul3A_2214 : vector<16xf32>
    %swap3A_2216 = arith.constant 8 : i32
    %swap3A_2217 = arith.index_cast %swap3A_2216 : i32 to index
    %swap3A_2218 = arith.constant 144 : index
    %swap3A_2219 = tpu.vector_load %arg12[%swap3A_2217, %swap3A_2218] {strides = array<i32>} : memref<10x256xf32, #tpu.memory_space<vmem>>, vector<1x16xf32>,
    %swap3A_2220 = vector.shape_cast %swap3A_2219 : vector<1x16xf32> to vector<16xf32>
    %swap3A_2221 = vector.shape_cast %mul3A_2215 : vector<16xf32> to vector<1x16xf32>
    tpu.vector_store %arg12[%swap3A_2217, %swap3A_2218], %swap3A_2221 {strides = array<i32>} : memref<10x256xf32, #tpu.memory_space<vmem>>, vector<1x16xf32>,
    %and3A_2222 = arith.constant 3 : i32
    %and3A_2223 = vector.broadcast %and3A_2222 : i32 to vector<16xi32>
    %and3A_2224 = arith.andi %and3A_2050, %and3A_2223 : vector<16xi32>
    %mul3A_2225 = arith.constant 2 : i32
    %mul3A_2226 = vector.broadcast %mul3A_2225 : i32 to vector<16xi32>
    %mul3A_2227 = arith.muli %and3A_2224, %mul3A_2226 : vector<16xi32>
    %sub3A_2228 = arith.constant 3 : i32
    %sub3A_2229 = vector.broadcast %sub3A_2228 : i32 to vector<16xi32>
    %sub3A_2230 = arith.subi %mul3A_2227, %sub3A_2229 : vector<16xi32>
    %convert_element_type3A_2231 = arith.sitofp %sub3A_2230 : vector<16xi32> to vector<16xf32>
    %mul3A_2232 = arith.constant 0.316227764 : f32
    %mul3A_2233 = vector.broadcast %mul3A_2232 : f32 to vector<16xf32>
    %mul3A_2234 = arith.mulf %convert_element_type3A_2231, %mul3A_2233 : vector<16xf32>
    %swap3A_2235 = arith.constant 9 : i32
    %swap3A_2236 = arith.index_cast %swap3A_2235 : i32 to index
    %swap3A_2237 = arith.constant 144 : index
    %swap3A_2238 = tpu.vector_load %arg12[%swap3A_2236, %swap3A_2237] {strides = array<i32>} : memref<10x256xf32, #tpu.memory_space<vmem>>, vector<1x16xf32>,
    %swap3A_2239 = vector.shape_cast %swap3A_2238 : vector<1x16xf32> to vector<16xf32>
    %swap3A_2240 = vector.shape_cast %mul3A_2234 : vector<16xf32> to vector<1x16xf32>
    tpu.vector_store %arg12[%swap3A_2236, %swap3A_2237], %swap3A_2240 {strides = array<i32>} : memref<10x256xf32, #tpu.memory_space<vmem>>, vector<1x16xf32>,
    %get3A_2241 = arith.constant 160 : index
    %get3A_2242 = tpu.vector_load %arg10[%get3A_2241] {strides = array<i32>} : memref<256xi32, #tpu.memory_space<vmem>>, vector<16xi32>,
    %get3A_2243 = vector.shape_cast %get3A_2242 : vector<16xi32> to vector<16xi32>
    %get3A_2244 = arith.constant 160 : index
    %get3A_2245 = tpu.vector_load %arg11[%get3A_2244] {strides = array<i32>} : memref<256xi32, #tpu.memory_space<vmem>>, vector<16xi32>,
    %get3A_2246 = vector.shape_cast %get3A_2245 : vector<16xi32> to vector<16xi32>
    %shift_right_arithmetic3A_2247 = arith.constant 6 : i32
    %shift_right_arithmetic3A_2248 = vector.broadcast %shift_right_arithmetic3A_2247 : i32 to vector<16xi32>
    %shift_right_arithmetic3A_2249 = arith.shrsi %get3A_2243, %shift_right_arithmetic3A_2248 : vector<16xi32>
    %shift_right_arithmetic3A_2250 = arith.constant 2 : i32
    %shift_right_arithmetic3A_2251 = vector.broadcast %shift_right_arithmetic3A_2250 : i32 to vector<16xi32>
    %shift_right_arithmetic3A_2252 = arith.shrsi %get3A_2243, %shift_right_arithmetic3A_2251 : vector<16xi32>
    %and3A_2253 = arith.constant 15 : i32
    %and3A_2254 = vector.broadcast %and3A_2253 : i32 to vector<16xi32>
    %and3A_2255 = arith.andi %shift_right_arithmetic3A_2252, %and3A_2254 : vector<16xi32>
    %and3A_2256 = arith.constant 3 : i32
    %and3A_2257 = vector.broadcast %and3A_2256 : i32 to vector<16xi32>
    %and3A_2258 = arith.andi %get3A_2243, %and3A_2257 : vector<16xi32>
    %shift_left3A_2259 = arith.constant 2 : i32
    %shift_left3A_2260 = vector.broadcast %shift_left3A_2259 : i32 to vector<16xi32>
    %shift_left3A_2261 = arith.shli %and3A_2258, %shift_left3A_2260 : vector<16xi32>
    %shift_right_arithmetic3A_2262 = arith.constant 8 : i32
    %shift_right_arithmetic3A_2263 = vector.broadcast %shift_right_arithmetic3A_2262 : i32 to vector<16xi32>
    %shift_right_arithmetic3A_2264 = arith.shrsi %get3A_2246, %shift_right_arithmetic3A_2263 : vector<16xi32>
    %or3A_2265 = arith.ori %shift_left3A_2261, %shift_right_arithmetic3A_2264 : vector<16xi32>
    %shift_right_arithmetic3A_2266 = arith.constant 4 : i32
    %shift_right_arithmetic3A_2267 = vector.broadcast %shift_right_arithmetic3A_2266 : i32 to vector<16xi32>
    %shift_right_arithmetic3A_2268 = arith.shrsi %get3A_2246, %shift_right_arithmetic3A_2267 : vector<16xi32>
    %and3A_2269 = arith.constant 15 : i32
    %and3A_2270 = vector.broadcast %and3A_2269 : i32 to vector<16xi32>
    %and3A_2271 = arith.andi %shift_right_arithmetic3A_2268, %and3A_2270 : vector<16xi32>
    %and3A_2272 = arith.constant 15 : i32
    %and3A_2273 = vector.broadcast %and3A_2272 : i32 to vector<16xi32>
    %and3A_2274 = arith.andi %get3A_2246, %and3A_2273 : vector<16xi32>
    %shift_right_arithmetic3A_2275 = arith.constant 2 : i32
    %shift_right_arithmetic3A_2276 = vector.broadcast %shift_right_arithmetic3A_2275 : i32 to vector<16xi32>
    %shift_right_arithmetic3A_2277 = arith.shrsi %shift_right_arithmetic3A_2249, %shift_right_arithmetic3A_2276 : vector<16xi32>
    %mul3A_2278 = arith.constant 2 : i32
    %mul3A_2279 = vector.broadcast %mul3A_2278 : i32 to vector<16xi32>
    %mul3A_2280 = arith.muli %shift_right_arithmetic3A_2277, %mul3A_2279 : vector<16xi32>
    %sub3A_2281 = arith.constant 3 : i32
    %sub3A_2282 = vector.broadcast %sub3A_2281 : i32 to vector<16xi32>
    %sub3A_2283 = arith.subi %mul3A_2280, %sub3A_2282 : vector<16xi32>
    %convert_element_type3A_2284 = arith.sitofp %sub3A_2283 : vector<16xi32> to vector<16xf32>
    %mul3A_2285 = arith.constant 0.316227764 : f32
    %mul3A_2286 = vector.broadcast %mul3A_2285 : f32 to vector<16xf32>
    %mul3A_2287 = arith.mulf %convert_element_type3A_2284, %mul3A_2286 : vector<16xf32>
    %swap3A_2288 = arith.constant 0 : i32
    %swap3A_2289 = arith.index_cast %swap3A_2288 : i32 to index
    %swap3A_2290 = arith.constant 160 : index
    %swap3A_2291 = tpu.vector_load %arg12[%swap3A_2289, %swap3A_2290] {strides = array<i32>} : memref<10x256xf32, #tpu.memory_space<vmem>>, vector<1x16xf32>,
    %swap3A_2292 = vector.shape_cast %swap3A_2291 : vector<1x16xf32> to vector<16xf32>
    %swap3A_2293 = vector.shape_cast %mul3A_2287 : vector<16xf32> to vector<1x16xf32>
    tpu.vector_store %arg12[%swap3A_2289, %swap3A_2290], %swap3A_2293 {strides = array<i32>} : memref<10x256xf32, #tpu.memory_space<vmem>>, vector<1x16xf32>,
    %and3A_2294 = arith.constant 3 : i32
    %and3A_2295 = vector.broadcast %and3A_2294 : i32 to vector<16xi32>
    %and3A_2296 = arith.andi %shift_right_arithmetic3A_2249, %and3A_2295 : vector<16xi32>
    %mul3A_2297 = arith.constant 2 : i32
    %mul3A_2298 = vector.broadcast %mul3A_2297 : i32 to vector<16xi32>
    %mul3A_2299 = arith.muli %and3A_2296, %mul3A_2298 : vector<16xi32>
    %sub3A_2300 = arith.constant 3 : i32
    %sub3A_2301 = vector.broadcast %sub3A_2300 : i32 to vector<16xi32>
    %sub3A_2302 = arith.subi %mul3A_2299, %sub3A_2301 : vector<16xi32>
    %convert_element_type3A_2303 = arith.sitofp %sub3A_2302 : vector<16xi32> to vector<16xf32>
    %mul3A_2304 = arith.constant 0.316227764 : f32
    %mul3A_2305 = vector.broadcast %mul3A_2304 : f32 to vector<16xf32>
    %mul3A_2306 = arith.mulf %convert_element_type3A_2303, %mul3A_2305 : vector<16xf32>
    %swap3A_2307 = arith.constant 1 : i32
    %swap3A_2308 = arith.index_cast %swap3A_2307 : i32 to index
    %swap3A_2309 = arith.constant 160 : index
    %swap3A_2310 = tpu.vector_load %arg12[%swap3A_2308, %swap3A_2309] {strides = array<i32>} : memref<10x256xf32, #tpu.memory_space<vmem>>, vector<1x16xf32>,
    %swap3A_2311 = vector.shape_cast %swap3A_2310 : vector<1x16xf32> to vector<16xf32>
    %swap3A_2312 = vector.shape_cast %mul3A_2306 : vector<16xf32> to vector<1x16xf32>
    tpu.vector_store %arg12[%swap3A_2308, %swap3A_2309], %swap3A_2312 {strides = array<i32>} : memref<10x256xf32, #tpu.memory_space<vmem>>, vector<1x16xf32>,
    %shift_right_arithmetic3A_2313 = arith.constant 2 : i32
    %shift_right_arithmetic3A_2314 = vector.broadcast %shift_right_arithmetic3A_2313 : i32 to vector<16xi32>
    %shift_right_arithmetic3A_2315 = arith.shrsi %and3A_2255, %shift_right_arithmetic3A_2314 : vector<16xi32>
    %mul3A_2316 = arith.constant 2 : i32
    %mul3A_2317 = vector.broadcast %mul3A_2316 : i32 to vector<16xi32>
    %mul3A_2318 = arith.muli %shift_right_arithmetic3A_2315, %mul3A_2317 : vector<16xi32>
    %sub3A_2319 = arith.constant 3 : i32
    %sub3A_2320 = vector.broadcast %sub3A_2319 : i32 to vector<16xi32>
    %sub3A_2321 = arith.subi %mul3A_2318, %sub3A_2320 : vector<16xi32>
    %convert_element_type3A_2322 = arith.sitofp %sub3A_2321 : vector<16xi32> to vector<16xf32>
    %mul3A_2323 = arith.constant 0.316227764 : f32
    %mul3A_2324 = vector.broadcast %mul3A_2323 : f32 to vector<16xf32>
    %mul3A_2325 = arith.mulf %convert_element_type3A_2322, %mul3A_2324 : vector<16xf32>
    %swap3A_2326 = arith.constant 2 : i32
    %swap3A_2327 = arith.index_cast %swap3A_2326 : i32 to index
    %swap3A_2328 = arith.constant 160 : index
    %swap3A_2329 = tpu.vector_load %arg12[%swap3A_2327, %swap3A_2328] {strides = array<i32>} : memref<10x256xf32, #tpu.memory_space<vmem>>, vector<1x16xf32>,
    %swap3A_2330 = vector.shape_cast %swap3A_2329 : vector<1x16xf32> to vector<16xf32>
    %swap3A_2331 = vector.shape_cast %mul3A_2325 : vector<16xf32> to vector<1x16xf32>
    tpu.vector_store %arg12[%swap3A_2327, %swap3A_2328], %swap3A_2331 {strides = array<i32>} : memref<10x256xf32, #tpu.memory_space<vmem>>, vector<1x16xf32>,
    %and3A_2332 = arith.constant 3 : i32
    %and3A_2333 = vector.broadcast %and3A_2332 : i32 to vector<16xi32>
    %and3A_2334 = arith.andi %and3A_2255, %and3A_2333 : vector<16xi32>
    %mul3A_2335 = arith.constant 2 : i32
    %mul3A_2336 = vector.broadcast %mul3A_2335 : i32 to vector<16xi32>
    %mul3A_2337 = arith.muli %and3A_2334, %mul3A_2336 : vector<16xi32>
    %sub3A_2338 = arith.constant 3 : i32
    %sub3A_2339 = vector.broadcast %sub3A_2338 : i32 to vector<16xi32>
    %sub3A_2340 = arith.subi %mul3A_2337, %sub3A_2339 : vector<16xi32>
    %convert_element_type3A_2341 = arith.sitofp %sub3A_2340 : vector<16xi32> to vector<16xf32>
    %mul3A_2342 = arith.constant 0.316227764 : f32
    %mul3A_2343 = vector.broadcast %mul3A_2342 : f32 to vector<16xf32>
    %mul3A_2344 = arith.mulf %convert_element_type3A_2341, %mul3A_2343 : vector<16xf32>
    %swap3A_2345 = arith.constant 3 : i32
    %swap3A_2346 = arith.index_cast %swap3A_2345 : i32 to index
    %swap3A_2347 = arith.constant 160 : index
    %swap3A_2348 = tpu.vector_load %arg12[%swap3A_2346, %swap3A_2347] {strides = array<i32>} : memref<10x256xf32, #tpu.memory_space<vmem>>, vector<1x16xf32>,
    %swap3A_2349 = vector.shape_cast %swap3A_2348 : vector<1x16xf32> to vector<16xf32>
    %swap3A_2350 = vector.shape_cast %mul3A_2344 : vector<16xf32> to vector<1x16xf32>
    tpu.vector_store %arg12[%swap3A_2346, %swap3A_2347], %swap3A_2350 {strides = array<i32>} : memref<10x256xf32, #tpu.memory_space<vmem>>, vector<1x16xf32>,
    %shift_right_arithmetic3A_2351 = arith.constant 2 : i32
    %shift_right_arithmetic3A_2352 = vector.broadcast %shift_right_arithmetic3A_2351 : i32 to vector<16xi32>
    %shift_right_arithmetic3A_2353 = arith.shrsi %or3A_2265, %shift_right_arithmetic3A_2352 : vector<16xi32>
    %mul3A_2354 = arith.constant 2 : i32
    %mul3A_2355 = vector.broadcast %mul3A_2354 : i32 to vector<16xi32>
    %mul3A_2356 = arith.muli %shift_right_arithmetic3A_2353, %mul3A_2355 : vector<16xi32>
    %sub3A_2357 = arith.constant 3 : i32
    %sub3A_2358 = vector.broadcast %sub3A_2357 : i32 to vector<16xi32>
    %sub3A_2359 = arith.subi %mul3A_2356, %sub3A_2358 : vector<16xi32>
    %convert_element_type3A_2360 = arith.sitofp %sub3A_2359 : vector<16xi32> to vector<16xf32>
    %mul3A_2361 = arith.constant 0.316227764 : f32
    %mul3A_2362 = vector.broadcast %mul3A_2361 : f32 to vector<16xf32>
    %mul3A_2363 = arith.mulf %convert_element_type3A_2360, %mul3A_2362 : vector<16xf32>
    %swap3A_2364 = arith.constant 4 : i32
    %swap3A_2365 = arith.index_cast %swap3A_2364 : i32 to index
    %swap3A_2366 = arith.constant 160 : index
    %swap3A_2367 = tpu.vector_load %arg12[%swap3A_2365, %swap3A_2366] {strides = array<i32>} : memref<10x256xf32, #tpu.memory_space<vmem>>, vector<1x16xf32>,
    %swap3A_2368 = vector.shape_cast %swap3A_2367 : vector<1x16xf32> to vector<16xf32>
    %swap3A_2369 = vector.shape_cast %mul3A_2363 : vector<16xf32> to vector<1x16xf32>
    tpu.vector_store %arg12[%swap3A_2365, %swap3A_2366], %swap3A_2369 {strides = array<i32>} : memref<10x256xf32, #tpu.memory_space<vmem>>, vector<1x16xf32>,
    %and3A_2370 = arith.constant 3 : i32
    %and3A_2371 = vector.broadcast %and3A_2370 : i32 to vector<16xi32>
    %and3A_2372 = arith.andi %or3A_2265, %and3A_2371 : vector<16xi32>
    %mul3A_2373 = arith.constant 2 : i32
    %mul3A_2374 = vector.broadcast %mul3A_2373 : i32 to vector<16xi32>
    %mul3A_2375 = arith.muli %and3A_2372, %mul3A_2374 : vector<16xi32>
    %sub3A_2376 = arith.constant 3 : i32
    %sub3A_2377 = vector.broadcast %sub3A_2376 : i32 to vector<16xi32>
    %sub3A_2378 = arith.subi %mul3A_2375, %sub3A_2377 : vector<16xi32>
    %convert_element_type3A_2379 = arith.sitofp %sub3A_2378 : vector<16xi32> to vector<16xf32>
    %mul3A_2380 = arith.constant 0.316227764 : f32
    %mul3A_2381 = vector.broadcast %mul3A_2380 : f32 to vector<16xf32>
    %mul3A_2382 = arith.mulf %convert_element_type3A_2379, %mul3A_2381 : vector<16xf32>
    %swap3A_2383 = arith.constant 5 : i32
    %swap3A_2384 = arith.index_cast %swap3A_2383 : i32 to index
    %swap3A_2385 = arith.constant 160 : index
    %swap3A_2386 = tpu.vector_load %arg12[%swap3A_2384, %swap3A_2385] {strides = array<i32>} : memref<10x256xf32, #tpu.memory_space<vmem>>, vector<1x16xf32>,
    %swap3A_2387 = vector.shape_cast %swap3A_2386 : vector<1x16xf32> to vector<16xf32>
    %swap3A_2388 = vector.shape_cast %mul3A_2382 : vector<16xf32> to vector<1x16xf32>
    tpu.vector_store %arg12[%swap3A_2384, %swap3A_2385], %swap3A_2388 {strides = array<i32>} : memref<10x256xf32, #tpu.memory_space<vmem>>, vector<1x16xf32>,
    %shift_right_arithmetic3A_2389 = arith.constant 2 : i32
    %shift_right_arithmetic3A_2390 = vector.broadcast %shift_right_arithmetic3A_2389 : i32 to vector<16xi32>
    %shift_right_arithmetic3A_2391 = arith.shrsi %and3A_2271, %shift_right_arithmetic3A_2390 : vector<16xi32>
    %mul3A_2392 = arith.constant 2 : i32
    %mul3A_2393 = vector.broadcast %mul3A_2392 : i32 to vector<16xi32>
    %mul3A_2394 = arith.muli %shift_right_arithmetic3A_2391, %mul3A_2393 : vector<16xi32>
    %sub3A_2395 = arith.constant 3 : i32
    %sub3A_2396 = vector.broadcast %sub3A_2395 : i32 to vector<16xi32>
    %sub3A_2397 = arith.subi %mul3A_2394, %sub3A_2396 : vector<16xi32>
    %convert_element_type3A_2398 = arith.sitofp %sub3A_2397 : vector<16xi32> to vector<16xf32>
    %mul3A_2399 = arith.constant 0.316227764 : f32
    %mul3A_2400 = vector.broadcast %mul3A_2399 : f32 to vector<16xf32>
    %mul3A_2401 = arith.mulf %convert_element_type3A_2398, %mul3A_2400 : vector<16xf32>
    %swap3A_2402 = arith.constant 6 : i32
    %swap3A_2403 = arith.index_cast %swap3A_2402 : i32 to index
    %swap3A_2404 = arith.constant 160 : index
    %swap3A_2405 = tpu.vector_load %arg12[%swap3A_2403, %swap3A_2404] {strides = array<i32>} : memref<10x256xf32, #tpu.memory_space<vmem>>, vector<1x16xf32>,
    %swap3A_2406 = vector.shape_cast %swap3A_2405 : vector<1x16xf32> to vector<16xf32>
    %swap3A_2407 = vector.shape_cast %mul3A_2401 : vector<16xf32> to vector<1x16xf32>
    tpu.vector_store %arg12[%swap3A_2403, %swap3A_2404], %swap3A_2407 {strides = array<i32>} : memref<10x256xf32, #tpu.memory_space<vmem>>, vector<1x16xf32>,
    %and3A_2408 = arith.constant 3 : i32
    %and3A_2409 = vector.broadcast %and3A_2408 : i32 to vector<16xi32>
    %and3A_2410 = arith.andi %and3A_2271, %and3A_2409 : vector<16xi32>
    %mul3A_2411 = arith.constant 2 : i32
    %mul3A_2412 = vector.broadcast %mul3A_2411 : i32 to vector<16xi32>
    %mul3A_2413 = arith.muli %and3A_2410, %mul3A_2412 : vector<16xi32>
    %sub3A_2414 = arith.constant 3 : i32
    %sub3A_2415 = vector.broadcast %sub3A_2414 : i32 to vector<16xi32>
    %sub3A_2416 = arith.subi %mul3A_2413, %sub3A_2415 : vector<16xi32>
    %convert_element_type3A_2417 = arith.sitofp %sub3A_2416 : vector<16xi32> to vector<16xf32>
    %mul3A_2418 = arith.constant 0.316227764 : f32
    %mul3A_2419 = vector.broadcast %mul3A_2418 : f32 to vector<16xf32>
    %mul3A_2420 = arith.mulf %convert_element_type3A_2417, %mul3A_2419 : vector<16xf32>
    %swap3A_2421 = arith.constant 7 : i32
    %swap3A_2422 = arith.index_cast %swap3A_2421 : i32 to index
    %swap3A_2423 = arith.constant 160 : index
    %swap3A_2424 = tpu.vector_load %arg12[%swap3A_2422, %swap3A_2423] {strides = array<i32>} : memref<10x256xf32, #tpu.memory_space<vmem>>, vector<1x16xf32>,
    %swap3A_2425 = vector.shape_cast %swap3A_2424 : vector<1x16xf32> to vector<16xf32>
    %swap3A_2426 = vector.shape_cast %mul3A_2420 : vector<16xf32> to vector<1x16xf32>
    tpu.vector_store %arg12[%swap3A_2422, %swap3A_2423], %swap3A_2426 {strides = array<i32>} : memref<10x256xf32, #tpu.memory_space<vmem>>, vector<1x16xf32>,
    %shift_right_arithmetic3A_2427 = arith.constant 2 : i32
    %shift_right_arithmetic3A_2428 = vector.broadcast %shift_right_arithmetic3A_2427 : i32 to vector<16xi32>
    %shift_right_arithmetic3A_2429 = arith.shrsi %and3A_2274, %shift_right_arithmetic3A_2428 : vector<16xi32>
    %mul3A_2430 = arith.constant 2 : i32
    %mul3A_2431 = vector.broadcast %mul3A_2430 : i32 to vector<16xi32>
    %mul3A_2432 = arith.muli %shift_right_arithmetic3A_2429, %mul3A_2431 : vector<16xi32>
    %sub3A_2433 = arith.constant 3 : i32
    %sub3A_2434 = vector.broadcast %sub3A_2433 : i32 to vector<16xi32>
    %sub3A_2435 = arith.subi %mul3A_2432, %sub3A_2434 : vector<16xi32>
    %convert_element_type3A_2436 = arith.sitofp %sub3A_2435 : vector<16xi32> to vector<16xf32>
    %mul3A_2437 = arith.constant 0.316227764 : f32
    %mul3A_2438 = vector.broadcast %mul3A_2437 : f32 to vector<16xf32>
    %mul3A_2439 = arith.mulf %convert_element_type3A_2436, %mul3A_2438 : vector<16xf32>
    %swap3A_2440 = arith.constant 8 : i32
    %swap3A_2441 = arith.index_cast %swap3A_2440 : i32 to index
    %swap3A_2442 = arith.constant 160 : index
    %swap3A_2443 = tpu.vector_load %arg12[%swap3A_2441, %swap3A_2442] {strides = array<i32>} : memref<10x256xf32, #tpu.memory_space<vmem>>, vector<1x16xf32>,
    %swap3A_2444 = vector.shape_cast %swap3A_2443 : vector<1x16xf32> to vector<16xf32>
    %swap3A_2445 = vector.shape_cast %mul3A_2439 : vector<16xf32> to vector<1x16xf32>
    tpu.vector_store %arg12[%swap3A_2441, %swap3A_2442], %swap3A_2445 {strides = array<i32>} : memref<10x256xf32, #tpu.memory_space<vmem>>, vector<1x16xf32>,
    %and3A_2446 = arith.constant 3 : i32
    %and3A_2447 = vector.broadcast %and3A_2446 : i32 to vector<16xi32>
    %and3A_2448 = arith.andi %and3A_2274, %and3A_2447 : vector<16xi32>
    %mul3A_2449 = arith.constant 2 : i32
    %mul3A_2450 = vector.broadcast %mul3A_2449 : i32 to vector<16xi32>
    %mul3A_2451 = arith.muli %and3A_2448, %mul3A_2450 : vector<16xi32>
    %sub3A_2452 = arith.constant 3 : i32
    %sub3A_2453 = vector.broadcast %sub3A_2452 : i32 to vector<16xi32>
    %sub3A_2454 = arith.subi %mul3A_2451, %sub3A_2453 : vector<16xi32>
    %convert_element_type3A_2455 = arith.sitofp %sub3A_2454 : vector<16xi32> to vector<16xf32>
    %mul3A_2456 = arith.constant 0.316227764 : f32
    %mul3A_2457 = vector.broadcast %mul3A_2456 : f32 to vector<16xf32>
    %mul3A_2458 = arith.mulf %convert_element_type3A_2455, %mul3A_2457 : vector<16xf32>
    %swap3A_2459 = arith.constant 9 : i32
    %swap3A_2460 = arith.index_cast %swap3A_2459 : i32 to index
    %swap3A_2461 = arith.constant 160 : index
    %swap3A_2462 = tpu.vector_load %arg12[%swap3A_2460, %swap3A_2461] {strides = array<i32>} : memref<10x256xf32, #tpu.memory_space<vmem>>, vector<1x16xf32>,
    %swap3A_2463 = vector.shape_cast %swap3A_2462 : vector<1x16xf32> to vector<16xf32>
    %swap3A_2464 = vector.shape_cast %mul3A_2458 : vector<16xf32> to vector<1x16xf32>
    tpu.vector_store %arg12[%swap3A_2460, %swap3A_2461], %swap3A_2464 {strides = array<i32>} : memref<10x256xf32, #tpu.memory_space<vmem>>, vector<1x16xf32>,
    %get3A_2465 = arith.constant 176 : index
    %get3A_2466 = tpu.vector_load %arg10[%get3A_2465] {strides = array<i32>} : memref<256xi32, #tpu.memory_space<vmem>>, vector<16xi32>,
    %get3A_2467 = vector.shape_cast %get3A_2466 : vector<16xi32> to vector<16xi32>
    %get3A_2468 = arith.constant 176 : index
    %get3A_2469 = tpu.vector_load %arg11[%get3A_2468] {strides = array<i32>} : memref<256xi32, #tpu.memory_space<vmem>>, vector<16xi32>,
    %get3A_2470 = vector.shape_cast %get3A_2469 : vector<16xi32> to vector<16xi32>
    %shift_right_arithmetic3A_2471 = arith.constant 6 : i32
    %shift_right_arithmetic3A_2472 = vector.broadcast %shift_right_arithmetic3A_2471 : i32 to vector<16xi32>
    %shift_right_arithmetic3A_2473 = arith.shrsi %get3A_2467, %shift_right_arithmetic3A_2472 : vector<16xi32>
    %shift_right_arithmetic3A_2474 = arith.constant 2 : i32
    %shift_right_arithmetic3A_2475 = vector.broadcast %shift_right_arithmetic3A_2474 : i32 to vector<16xi32>
    %shift_right_arithmetic3A_2476 = arith.shrsi %get3A_2467, %shift_right_arithmetic3A_2475 : vector<16xi32>
    %and3A_2477 = arith.constant 15 : i32
    %and3A_2478 = vector.broadcast %and3A_2477 : i32 to vector<16xi32>
    %and3A_2479 = arith.andi %shift_right_arithmetic3A_2476, %and3A_2478 : vector<16xi32>
    %and3A_2480 = arith.constant 3 : i32
    %and3A_2481 = vector.broadcast %and3A_2480 : i32 to vector<16xi32>
    %and3A_2482 = arith.andi %get3A_2467, %and3A_2481 : vector<16xi32>
    %shift_left3A_2483 = arith.constant 2 : i32
    %shift_left3A_2484 = vector.broadcast %shift_left3A_2483 : i32 to vector<16xi32>
    %shift_left3A_2485 = arith.shli %and3A_2482, %shift_left3A_2484 : vector<16xi32>
    %shift_right_arithmetic3A_2486 = arith.constant 8 : i32
    %shift_right_arithmetic3A_2487 = vector.broadcast %shift_right_arithmetic3A_2486 : i32 to vector<16xi32>
    %shift_right_arithmetic3A_2488 = arith.shrsi %get3A_2470, %shift_right_arithmetic3A_2487 : vector<16xi32>
    %or3A_2489 = arith.ori %shift_left3A_2485, %shift_right_arithmetic3A_2488 : vector<16xi32>
    %shift_right_arithmetic3A_2490 = arith.constant 4 : i32
    %shift_right_arithmetic3A_2491 = vector.broadcast %shift_right_arithmetic3A_2490 : i32 to vector<16xi32>
    %shift_right_arithmetic3A_2492 = arith.shrsi %get3A_2470, %shift_right_arithmetic3A_2491 : vector<16xi32>
    %and3A_2493 = arith.constant 15 : i32
    %and3A_2494 = vector.broadcast %and3A_2493 : i32 to vector<16xi32>
    %and3A_2495 = arith.andi %shift_right_arithmetic3A_2492, %and3A_2494 : vector<16xi32>
    %and3A_2496 = arith.constant 15 : i32
    %and3A_2497 = vector.broadcast %and3A_2496 : i32 to vector<16xi32>
    %and3A_2498 = arith.andi %get3A_2470, %and3A_2497 : vector<16xi32>
    %shift_right_arithmetic3A_2499 = arith.constant 2 : i32
    %shift_right_arithmetic3A_2500 = vector.broadcast %shift_right_arithmetic3A_2499 : i32 to vector<16xi32>
    %shift_right_arithmetic3A_2501 = arith.shrsi %shift_right_arithmetic3A_2473, %shift_right_arithmetic3A_2500 : vector<16xi32>
    %mul3A_2502 = arith.constant 2 : i32
    %mul3A_2503 = vector.broadcast %mul3A_2502 : i32 to vector<16xi32>
    %mul3A_2504 = arith.muli %shift_right_arithmetic3A_2501, %mul3A_2503 : vector<16xi32>
    %sub3A_2505 = arith.constant 3 : i32
    %sub3A_2506 = vector.broadcast %sub3A_2505 : i32 to vector<16xi32>
    %sub3A_2507 = arith.subi %mul3A_2504, %sub3A_2506 : vector<16xi32>
    %convert_element_type3A_2508 = arith.sitofp %sub3A_2507 : vector<16xi32> to vector<16xf32>
    %mul3A_2509 = arith.constant 0.316227764 : f32
    %mul3A_2510 = vector.broadcast %mul3A_2509 : f32 to vector<16xf32>
    %mul3A_2511 = arith.mulf %convert_element_type3A_2508, %mul3A_2510 : vector<16xf32>
    %swap3A_2512 = arith.constant 0 : i32
    %swap3A_2513 = arith.index_cast %swap3A_2512 : i32 to index
    %swap3A_2514 = arith.constant 176 : index
    %swap3A_2515 = tpu.vector_load %arg12[%swap3A_2513, %swap3A_2514] {strides = array<i32>} : memref<10x256xf32, #tpu.memory_space<vmem>>, vector<1x16xf32>,
    %swap3A_2516 = vector.shape_cast %swap3A_2515 : vector<1x16xf32> to vector<16xf32>
    %swap3A_2517 = vector.shape_cast %mul3A_2511 : vector<16xf32> to vector<1x16xf32>
    tpu.vector_store %arg12[%swap3A_2513, %swap3A_2514], %swap3A_2517 {strides = array<i32>} : memref<10x256xf32, #tpu.memory_space<vmem>>, vector<1x16xf32>,
    %and3A_2518 = arith.constant 3 : i32
    %and3A_2519 = vector.broadcast %and3A_2518 : i32 to vector<16xi32>
    %and3A_2520 = arith.andi %shift_right_arithmetic3A_2473, %and3A_2519 : vector<16xi32>
    %mul3A_2521 = arith.constant 2 : i32
    %mul3A_2522 = vector.broadcast %mul3A_2521 : i32 to vector<16xi32>
    %mul3A_2523 = arith.muli %and3A_2520, %mul3A_2522 : vector<16xi32>
    %sub3A_2524 = arith.constant 3 : i32
    %sub3A_2525 = vector.broadcast %sub3A_2524 : i32 to vector<16xi32>
    %sub3A_2526 = arith.subi %mul3A_2523, %sub3A_2525 : vector<16xi32>
    %convert_element_type3A_2527 = arith.sitofp %sub3A_2526 : vector<16xi32> to vector<16xf32>
    %mul3A_2528 = arith.constant 0.316227764 : f32
    %mul3A_2529 = vector.broadcast %mul3A_2528 : f32 to vector<16xf32>
    %mul3A_2530 = arith.mulf %convert_element_type3A_2527, %mul3A_2529 : vector<16xf32>
    %swap3A_2531 = arith.constant 1 : i32
    %swap3A_2532 = arith.index_cast %swap3A_2531 : i32 to index
    %swap3A_2533 = arith.constant 176 : index
    %swap3A_2534 = tpu.vector_load %arg12[%swap3A_2532, %swap3A_2533] {strides = array<i32>} : memref<10x256xf32, #tpu.memory_space<vmem>>, vector<1x16xf32>,
    %swap3A_2535 = vector.shape_cast %swap3A_2534 : vector<1x16xf32> to vector<16xf32>
    %swap3A_2536 = vector.shape_cast %mul3A_2530 : vector<16xf32> to vector<1x16xf32>
    tpu.vector_store %arg12[%swap3A_2532, %swap3A_2533], %swap3A_2536 {strides = array<i32>} : memref<10x256xf32, #tpu.memory_space<vmem>>, vector<1x16xf32>,
    %shift_right_arithmetic3A_2537 = arith.constant 2 : i32
    %shift_right_arithmetic3A_2538 = vector.broadcast %shift_right_arithmetic3A_2537 : i32 to vector<16xi32>
    %shift_right_arithmetic3A_2539 = arith.shrsi %and3A_2479, %shift_right_arithmetic3A_2538 : vector<16xi32>
    %mul3A_2540 = arith.constant 2 : i32
    %mul3A_2541 = vector.broadcast %mul3A_2540 : i32 to vector<16xi32>
    %mul3A_2542 = arith.muli %shift_right_arithmetic3A_2539, %mul3A_2541 : vector<16xi32>
    %sub3A_2543 = arith.constant 3 : i32
    %sub3A_2544 = vector.broadcast %sub3A_2543 : i32 to vector<16xi32>
    %sub3A_2545 = arith.subi %mul3A_2542, %sub3A_2544 : vector<16xi32>
    %convert_element_type3A_2546 = arith.sitofp %sub3A_2545 : vector<16xi32> to vector<16xf32>
    %mul3A_2547 = arith.constant 0.316227764 : f32
    %mul3A_2548 = vector.broadcast %mul3A_2547 : f32 to vector<16xf32>
    %mul3A_2549 = arith.mulf %convert_element_type3A_2546, %mul3A_2548 : vector<16xf32>
    %swap3A_2550 = arith.constant 2 : i32
    %swap3A_2551 = arith.index_cast %swap3A_2550 : i32 to index
    %swap3A_2552 = arith.constant 176 : index
    %swap3A_2553 = tpu.vector_load %arg12[%swap3A_2551, %swap3A_2552] {strides = array<i32>} : memref<10x256xf32, #tpu.memory_space<vmem>>, vector<1x16xf32>,
    %swap3A_2554 = vector.shape_cast %swap3A_2553 : vector<1x16xf32> to vector<16xf32>
    %swap3A_2555 = vector.shape_cast %mul3A_2549 : vector<16xf32> to vector<1x16xf32>
    tpu.vector_store %arg12[%swap3A_2551, %swap3A_2552], %swap3A_2555 {strides = array<i32>} : memref<10x256xf32, #tpu.memory_space<vmem>>, vector<1x16xf32>,
    %and3A_2556 = arith.constant 3 : i32
    %and3A_2557 = vector.broadcast %and3A_2556 : i32 to vector<16xi32>
    %and3A_2558 = arith.andi %and3A_2479, %and3A_2557 : vector<16xi32>
    %mul3A_2559 = arith.constant 2 : i32
    %mul3A_2560 = vector.broadcast %mul3A_2559 : i32 to vector<16xi32>
    %mul3A_2561 = arith.muli %and3A_2558, %mul3A_2560 : vector<16xi32>
    %sub3A_2562 = arith.constant 3 : i32
    %sub3A_2563 = vector.broadcast %sub3A_2562 : i32 to vector<16xi32>
    %sub3A_2564 = arith.subi %mul3A_2561, %sub3A_2563 : vector<16xi32>
    %convert_element_type3A_2565 = arith.sitofp %sub3A_2564 : vector<16xi32> to vector<16xf32>
    %mul3A_2566 = arith.constant 0.316227764 : f32
    %mul3A_2567 = vector.broadcast %mul3A_2566 : f32 to vector<16xf32>
    %mul3A_2568 = arith.mulf %convert_element_type3A_2565, %mul3A_2567 : vector<16xf32>
    %swap3A_2569 = arith.constant 3 : i32
    %swap3A_2570 = arith.index_cast %swap3A_2569 : i32 to index
    %swap3A_2571 = arith.constant 176 : index
    %swap3A_2572 = tpu.vector_load %arg12[%swap3A_2570, %swap3A_2571] {strides = array<i32>} : memref<10x256xf32, #tpu.memory_space<vmem>>, vector<1x16xf32>,
    %swap3A_2573 = vector.shape_cast %swap3A_2572 : vector<1x16xf32> to vector<16xf32>
    %swap3A_2574 = vector.shape_cast %mul3A_2568 : vector<16xf32> to vector<1x16xf32>
    tpu.vector_store %arg12[%swap3A_2570, %swap3A_2571], %swap3A_2574 {strides = array<i32>} : memref<10x256xf32, #tpu.memory_space<vmem>>, vector<1x16xf32>,
    %shift_right_arithmetic3A_2575 = arith.constant 2 : i32
    %shift_right_arithmetic3A_2576 = vector.broadcast %shift_right_arithmetic3A_2575 : i32 to vector<16xi32>
    %shift_right_arithmetic3A_2577 = arith.shrsi %or3A_2489, %shift_right_arithmetic3A_2576 : vector<16xi32>
    %mul3A_2578 = arith.constant 2 : i32
    %mul3A_2579 = vector.broadcast %mul3A_2578 : i32 to vector<16xi32>
    %mul3A_2580 = arith.muli %shift_right_arithmetic3A_2577, %mul3A_2579 : vector<16xi32>
    %sub3A_2581 = arith.constant 3 : i32
    %sub3A_2582 = vector.broadcast %sub3A_2581 : i32 to vector<16xi32>
    %sub3A_2583 = arith.subi %mul3A_2580, %sub3A_2582 : vector<16xi32>
    %convert_element_type3A_2584 = arith.sitofp %sub3A_2583 : vector<16xi32> to vector<16xf32>
    %mul3A_2585 = arith.constant 0.316227764 : f32
    %mul3A_2586 = vector.broadcast %mul3A_2585 : f32 to vector<16xf32>
    %mul3A_2587 = arith.mulf %convert_element_type3A_2584, %mul3A_2586 : vector<16xf32>
    %swap3A_2588 = arith.constant 4 : i32
    %swap3A_2589 = arith.index_cast %swap3A_2588 : i32 to index
    %swap3A_2590 = arith.constant 176 : index
    %swap3A_2591 = tpu.vector_load %arg12[%swap3A_2589, %swap3A_2590] {strides = array<i32>} : memref<10x256xf32, #tpu.memory_space<vmem>>, vector<1x16xf32>,
    %swap3A_2592 = vector.shape_cast %swap3A_2591 : vector<1x16xf32> to vector<16xf32>
    %swap3A_2593 = vector.shape_cast %mul3A_2587 : vector<16xf32> to vector<1x16xf32>
    tpu.vector_store %arg12[%swap3A_2589, %swap3A_2590], %swap3A_2593 {strides = array<i32>} : memref<10x256xf32, #tpu.memory_space<vmem>>, vector<1x16xf32>,
    %and3A_2594 = arith.constant 3 : i32
    %and3A_2595 = vector.broadcast %and3A_2594 : i32 to vector<16xi32>
    %and3A_2596 = arith.andi %or3A_2489, %and3A_2595 : vector<16xi32>
    %mul3A_2597 = arith.constant 2 : i32
    %mul3A_2598 = vector.broadcast %mul3A_2597 : i32 to vector<16xi32>
    %mul3A_2599 = arith.muli %and3A_2596, %mul3A_2598 : vector<16xi32>
    %sub3A_2600 = arith.constant 3 : i32
    %sub3A_2601 = vector.broadcast %sub3A_2600 : i32 to vector<16xi32>
    %sub3A_2602 = arith.subi %mul3A_2599, %sub3A_2601 : vector<16xi32>
    %convert_element_type3A_2603 = arith.sitofp %sub3A_2602 : vector<16xi32> to vector<16xf32>
    %mul3A_2604 = arith.constant 0.316227764 : f32
    %mul3A_2605 = vector.broadcast %mul3A_2604 : f32 to vector<16xf32>
    %mul3A_2606 = arith.mulf %convert_element_type3A_2603, %mul3A_2605 : vector<16xf32>
    %swap3A_2607 = arith.constant 5 : i32
    %swap3A_2608 = arith.index_cast %swap3A_2607 : i32 to index
    %swap3A_2609 = arith.constant 176 : index
    %swap3A_2610 = tpu.vector_load %arg12[%swap3A_2608, %swap3A_2609] {strides = array<i32>} : memref<10x256xf32, #tpu.memory_space<vmem>>, vector<1x16xf32>,
    %swap3A_2611 = vector.shape_cast %swap3A_2610 : vector<1x16xf32> to vector<16xf32>
    %swap3A_2612 = vector.shape_cast %mul3A_2606 : vector<16xf32> to vector<1x16xf32>
    tpu.vector_store %arg12[%swap3A_2608, %swap3A_2609], %swap3A_2612 {strides = array<i32>} : memref<10x256xf32, #tpu.memory_space<vmem>>, vector<1x16xf32>,
    %shift_right_arithmetic3A_2613 = arith.constant 2 : i32
    %shift_right_arithmetic3A_2614 = vector.broadcast %shift_right_arithmetic3A_2613 : i32 to vector<16xi32>
    %shift_right_arithmetic3A_2615 = arith.shrsi %and3A_2495, %shift_right_arithmetic3A_2614 : vector<16xi32>
    %mul3A_2616 = arith.constant 2 : i32
    %mul3A_2617 = vector.broadcast %mul3A_2616 : i32 to vector<16xi32>
    %mul3A_2618 = arith.muli %shift_right_arithmetic3A_2615, %mul3A_2617 : vector<16xi32>
    %sub3A_2619 = arith.constant 3 : i32
    %sub3A_2620 = vector.broadcast %sub3A_2619 : i32 to vector<16xi32>
    %sub3A_2621 = arith.subi %mul3A_2618, %sub3A_2620 : vector<16xi32>
    %convert_element_type3A_2622 = arith.sitofp %sub3A_2621 : vector<16xi32> to vector<16xf32>
    %mul3A_2623 = arith.constant 0.316227764 : f32
    %mul3A_2624 = vector.broadcast %mul3A_2623 : f32 to vector<16xf32>
    %mul3A_2625 = arith.mulf %convert_element_type3A_2622, %mul3A_2624 : vector<16xf32>
    %swap3A_2626 = arith.constant 6 : i32
    %swap3A_2627 = arith.index_cast %swap3A_2626 : i32 to index
    %swap3A_2628 = arith.constant 176 : index
    %swap3A_2629 = tpu.vector_load %arg12[%swap3A_2627, %swap3A_2628] {strides = array<i32>} : memref<10x256xf32, #tpu.memory_space<vmem>>, vector<1x16xf32>,
    %swap3A_2630 = vector.shape_cast %swap3A_2629 : vector<1x16xf32> to vector<16xf32>
    %swap3A_2631 = vector.shape_cast %mul3A_2625 : vector<16xf32> to vector<1x16xf32>
    tpu.vector_store %arg12[%swap3A_2627, %swap3A_2628], %swap3A_2631 {strides = array<i32>} : memref<10x256xf32, #tpu.memory_space<vmem>>, vector<1x16xf32>,
    %and3A_2632 = arith.constant 3 : i32
    %and3A_2633 = vector.broadcast %and3A_2632 : i32 to vector<16xi32>
    %and3A_2634 = arith.andi %and3A_2495, %and3A_2633 : vector<16xi32>
    %mul3A_2635 = arith.constant 2 : i32
    %mul3A_2636 = vector.broadcast %mul3A_2635 : i32 to vector<16xi32>
    %mul3A_2637 = arith.muli %and3A_2634, %mul3A_2636 : vector<16xi32>
    %sub3A_2638 = arith.constant 3 : i32
    %sub3A_2639 = vector.broadcast %sub3A_2638 : i32 to vector<16xi32>
    %sub3A_2640 = arith.subi %mul3A_2637, %sub3A_2639 : vector<16xi32>
    %convert_element_type3A_2641 = arith.sitofp %sub3A_2640 : vector<16xi32> to vector<16xf32>
    %mul3A_2642 = arith.constant 0.316227764 : f32
    %mul3A_2643 = vector.broadcast %mul3A_2642 : f32 to vector<16xf32>
    %mul3A_2644 = arith.mulf %convert_element_type3A_2641, %mul3A_2643 : vector<16xf32>
    %swap3A_2645 = arith.constant 7 : i32
    %swap3A_2646 = arith.index_cast %swap3A_2645 : i32 to index
    %swap3A_2647 = arith.constant 176 : index
    %swap3A_2648 = tpu.vector_load %arg12[%swap3A_2646, %swap3A_2647] {strides = array<i32>} : memref<10x256xf32, #tpu.memory_space<vmem>>, vector<1x16xf32>,
    %swap3A_2649 = vector.shape_cast %swap3A_2648 : vector<1x16xf32> to vector<16xf32>
    %swap3A_2650 = vector.shape_cast %mul3A_2644 : vector<16xf32> to vector<1x16xf32>
    tpu.vector_store %arg12[%swap3A_2646, %swap3A_2647], %swap3A_2650 {strides = array<i32>} : memref<10x256xf32, #tpu.memory_space<vmem>>, vector<1x16xf32>,
    %shift_right_arithmetic3A_2651 = arith.constant 2 : i32
    %shift_right_arithmetic3A_2652 = vector.broadcast %shift_right_arithmetic3A_2651 : i32 to vector<16xi32>
    %shift_right_arithmetic3A_2653 = arith.shrsi %and3A_2498, %shift_right_arithmetic3A_2652 : vector<16xi32>
    %mul3A_2654 = arith.constant 2 : i32
    %mul3A_2655 = vector.broadcast %mul3A_2654 : i32 to vector<16xi32>
    %mul3A_2656 = arith.muli %shift_right_arithmetic3A_2653, %mul3A_2655 : vector<16xi32>
    %sub3A_2657 = arith.constant 3 : i32
    %sub3A_2658 = vector.broadcast %sub3A_2657 : i32 to vector<16xi32>
    %sub3A_2659 = arith.subi %mul3A_2656, %sub3A_2658 : vector<16xi32>
    %convert_element_type3A_2660 = arith.sitofp %sub3A_2659 : vector<16xi32> to vector<16xf32>
    %mul3A_2661 = arith.constant 0.316227764 : f32
    %mul3A_2662 = vector.broadcast %mul3A_2661 : f32 to vector<16xf32>
    %mul3A_2663 = arith.mulf %convert_element_type3A_2660, %mul3A_2662 : vector<16xf32>
    %swap3A_2664 = arith.constant 8 : i32
    %swap3A_2665 = arith.index_cast %swap3A_2664 : i32 to index
    %swap3A_2666 = arith.constant 176 : index
    %swap3A_2667 = tpu.vector_load %arg12[%swap3A_2665, %swap3A_2666] {strides = array<i32>} : memref<10x256xf32, #tpu.memory_space<vmem>>, vector<1x16xf32>,
    %swap3A_2668 = vector.shape_cast %swap3A_2667 : vector<1x16xf32> to vector<16xf32>
    %swap3A_2669 = vector.shape_cast %mul3A_2663 : vector<16xf32> to vector<1x16xf32>
    tpu.vector_store %arg12[%swap3A_2665, %swap3A_2666], %swap3A_2669 {strides = array<i32>} : memref<10x256xf32, #tpu.memory_space<vmem>>, vector<1x16xf32>,
    %and3A_2670 = arith.constant 3 : i32
    %and3A_2671 = vector.broadcast %and3A_2670 : i32 to vector<16xi32>
    %and3A_2672 = arith.andi %and3A_2498, %and3A_2671 : vector<16xi32>
    %mul3A_2673 = arith.constant 2 : i32
    %mul3A_2674 = vector.broadcast %mul3A_2673 : i32 to vector<16xi32>
    %mul3A_2675 = arith.muli %and3A_2672, %mul3A_2674 : vector<16xi32>
    %sub3A_2676 = arith.constant 3 : i32
    %sub3A_2677 = vector.broadcast %sub3A_2676 : i32 to vector<16xi32>
    %sub3A_2678 = arith.subi %mul3A_2675, %sub3A_2677 : vector<16xi32>
    %convert_element_type3A_2679 = arith.sitofp %sub3A_2678 : vector<16xi32> to vector<16xf32>
    %mul3A_2680 = arith.constant 0.316227764 : f32
    %mul3A_2681 = vector.broadcast %mul3A_2680 : f32 to vector<16xf32>
    %mul3A_2682 = arith.mulf %convert_element_type3A_2679, %mul3A_2681 : vector<16xf32>
    %swap3A_2683 = arith.constant 9 : i32
    %swap3A_2684 = arith.index_cast %swap3A_2683 : i32 to index
    %swap3A_2685 = arith.constant 176 : index
    %swap3A_2686 = tpu.vector_load %arg12[%swap3A_2684, %swap3A_2685] {strides = array<i32>} : memref<10x256xf32, #tpu.memory_space<vmem>>, vector<1x16xf32>,
    %swap3A_2687 = vector.shape_cast %swap3A_2686 : vector<1x16xf32> to vector<16xf32>
    %swap3A_2688 = vector.shape_cast %mul3A_2682 : vector<16xf32> to vector<1x16xf32>
    tpu.vector_store %arg12[%swap3A_2684, %swap3A_2685], %swap3A_2688 {strides = array<i32>} : memref<10x256xf32, #tpu.memory_space<vmem>>, vector<1x16xf32>,
    %get3A_2689 = arith.constant 192 : index
    %get3A_2690 = tpu.vector_load %arg10[%get3A_2689] {strides = array<i32>} : memref<256xi32, #tpu.memory_space<vmem>>, vector<16xi32>,
    %get3A_2691 = vector.shape_cast %get3A_2690 : vector<16xi32> to vector<16xi32>
    %get3A_2692 = arith.constant 192 : index
    %get3A_2693 = tpu.vector_load %arg11[%get3A_2692] {strides = array<i32>} : memref<256xi32, #tpu.memory_space<vmem>>, vector<16xi32>,
    %get3A_2694 = vector.shape_cast %get3A_2693 : vector<16xi32> to vector<16xi32>
    %shift_right_arithmetic3A_2695 = arith.constant 6 : i32
    %shift_right_arithmetic3A_2696 = vector.broadcast %shift_right_arithmetic3A_2695 : i32 to vector<16xi32>
    %shift_right_arithmetic3A_2697 = arith.shrsi %get3A_2691, %shift_right_arithmetic3A_2696 : vector<16xi32>
    %shift_right_arithmetic3A_2698 = arith.constant 2 : i32
    %shift_right_arithmetic3A_2699 = vector.broadcast %shift_right_arithmetic3A_2698 : i32 to vector<16xi32>
    %shift_right_arithmetic3A_2700 = arith.shrsi %get3A_2691, %shift_right_arithmetic3A_2699 : vector<16xi32>
    %and3A_2701 = arith.constant 15 : i32
    %and3A_2702 = vector.broadcast %and3A_2701 : i32 to vector<16xi32>
    %and3A_2703 = arith.andi %shift_right_arithmetic3A_2700, %and3A_2702 : vector<16xi32>
    %and3A_2704 = arith.constant 3 : i32
    %and3A_2705 = vector.broadcast %and3A_2704 : i32 to vector<16xi32>
    %and3A_2706 = arith.andi %get3A_2691, %and3A_2705 : vector<16xi32>
    %shift_left3A_2707 = arith.constant 2 : i32
    %shift_left3A_2708 = vector.broadcast %shift_left3A_2707 : i32 to vector<16xi32>
    %shift_left3A_2709 = arith.shli %and3A_2706, %shift_left3A_2708 : vector<16xi32>
    %shift_right_arithmetic3A_2710 = arith.constant 8 : i32
    %shift_right_arithmetic3A_2711 = vector.broadcast %shift_right_arithmetic3A_2710 : i32 to vector<16xi32>
    %shift_right_arithmetic3A_2712 = arith.shrsi %get3A_2694, %shift_right_arithmetic3A_2711 : vector<16xi32>
    %or3A_2713 = arith.ori %shift_left3A_2709, %shift_right_arithmetic3A_2712 : vector<16xi32>
    %shift_right_arithmetic3A_2714 = arith.constant 4 : i32
    %shift_right_arithmetic3A_2715 = vector.broadcast %shift_right_arithmetic3A_2714 : i32 to vector<16xi32>
    %shift_right_arithmetic3A_2716 = arith.shrsi %get3A_2694, %shift_right_arithmetic3A_2715 : vector<16xi32>
    %and3A_2717 = arith.constant 15 : i32
    %and3A_2718 = vector.broadcast %and3A_2717 : i32 to vector<16xi32>
    %and3A_2719 = arith.andi %shift_right_arithmetic3A_2716, %and3A_2718 : vector<16xi32>
    %and3A_2720 = arith.constant 15 : i32
    %and3A_2721 = vector.broadcast %and3A_2720 : i32 to vector<16xi32>
    %and3A_2722 = arith.andi %get3A_2694, %and3A_2721 : vector<16xi32>
    %shift_right_arithmetic3A_2723 = arith.constant 2 : i32
    %shift_right_arithmetic3A_2724 = vector.broadcast %shift_right_arithmetic3A_2723 : i32 to vector<16xi32>
    %shift_right_arithmetic3A_2725 = arith.shrsi %shift_right_arithmetic3A_2697, %shift_right_arithmetic3A_2724 : vector<16xi32>
    %mul3A_2726 = arith.constant 2 : i32
    %mul3A_2727 = vector.broadcast %mul3A_2726 : i32 to vector<16xi32>
    %mul3A_2728 = arith.muli %shift_right_arithmetic3A_2725, %mul3A_2727 : vector<16xi32>
    %sub3A_2729 = arith.constant 3 : i32
    %sub3A_2730 = vector.broadcast %sub3A_2729 : i32 to vector<16xi32>
    %sub3A_2731 = arith.subi %mul3A_2728, %sub3A_2730 : vector<16xi32>
    %convert_element_type3A_2732 = arith.sitofp %sub3A_2731 : vector<16xi32> to vector<16xf32>
    %mul3A_2733 = arith.constant 0.316227764 : f32
    %mul3A_2734 = vector.broadcast %mul3A_2733 : f32 to vector<16xf32>
    %mul3A_2735 = arith.mulf %convert_element_type3A_2732, %mul3A_2734 : vector<16xf32>
    %swap3A_2736 = arith.constant 0 : i32
    %swap3A_2737 = arith.index_cast %swap3A_2736 : i32 to index
    %swap3A_2738 = arith.constant 192 : index
    %swap3A_2739 = tpu.vector_load %arg12[%swap3A_2737, %swap3A_2738] {strides = array<i32>} : memref<10x256xf32, #tpu.memory_space<vmem>>, vector<1x16xf32>,
    %swap3A_2740 = vector.shape_cast %swap3A_2739 : vector<1x16xf32> to vector<16xf32>
    %swap3A_2741 = vector.shape_cast %mul3A_2735 : vector<16xf32> to vector<1x16xf32>
    tpu.vector_store %arg12[%swap3A_2737, %swap3A_2738], %swap3A_2741 {strides = array<i32>} : memref<10x256xf32, #tpu.memory_space<vmem>>, vector<1x16xf32>,
    %and3A_2742 = arith.constant 3 : i32
    %and3A_2743 = vector.broadcast %and3A_2742 : i32 to vector<16xi32>
    %and3A_2744 = arith.andi %shift_right_arithmetic3A_2697, %and3A_2743 : vector<16xi32>
    %mul3A_2745 = arith.constant 2 : i32
    %mul3A_2746 = vector.broadcast %mul3A_2745 : i32 to vector<16xi32>
    %mul3A_2747 = arith.muli %and3A_2744, %mul3A_2746 : vector<16xi32>
    %sub3A_2748 = arith.constant 3 : i32
    %sub3A_2749 = vector.broadcast %sub3A_2748 : i32 to vector<16xi32>
    %sub3A_2750 = arith.subi %mul3A_2747, %sub3A_2749 : vector<16xi32>
    %convert_element_type3A_2751 = arith.sitofp %sub3A_2750 : vector<16xi32> to vector<16xf32>
    %mul3A_2752 = arith.constant 0.316227764 : f32
    %mul3A_2753 = vector.broadcast %mul3A_2752 : f32 to vector<16xf32>
    %mul3A_2754 = arith.mulf %convert_element_type3A_2751, %mul3A_2753 : vector<16xf32>
    %swap3A_2755 = arith.constant 1 : i32
    %swap3A_2756 = arith.index_cast %swap3A_2755 : i32 to index
    %swap3A_2757 = arith.constant 192 : index
    %swap3A_2758 = tpu.vector_load %arg12[%swap3A_2756, %swap3A_2757] {strides = array<i32>} : memref<10x256xf32, #tpu.memory_space<vmem>>, vector<1x16xf32>,
    %swap3A_2759 = vector.shape_cast %swap3A_2758 : vector<1x16xf32> to vector<16xf32>
    %swap3A_2760 = vector.shape_cast %mul3A_2754 : vector<16xf32> to vector<1x16xf32>
    tpu.vector_store %arg12[%swap3A_2756, %swap3A_2757], %swap3A_2760 {strides = array<i32>} : memref<10x256xf32, #tpu.memory_space<vmem>>, vector<1x16xf32>,
    %shift_right_arithmetic3A_2761 = arith.constant 2 : i32
    %shift_right_arithmetic3A_2762 = vector.broadcast %shift_right_arithmetic3A_2761 : i32 to vector<16xi32>
    %shift_right_arithmetic3A_2763 = arith.shrsi %and3A_2703, %shift_right_arithmetic3A_2762 : vector<16xi32>
    %mul3A_2764 = arith.constant 2 : i32
    %mul3A_2765 = vector.broadcast %mul3A_2764 : i32 to vector<16xi32>
    %mul3A_2766 = arith.muli %shift_right_arithmetic3A_2763, %mul3A_2765 : vector<16xi32>
    %sub3A_2767 = arith.constant 3 : i32
    %sub3A_2768 = vector.broadcast %sub3A_2767 : i32 to vector<16xi32>
    %sub3A_2769 = arith.subi %mul3A_2766, %sub3A_2768 : vector<16xi32>
    %convert_element_type3A_2770 = arith.sitofp %sub3A_2769 : vector<16xi32> to vector<16xf32>
    %mul3A_2771 = arith.constant 0.316227764 : f32
    %mul3A_2772 = vector.broadcast %mul3A_2771 : f32 to vector<16xf32>
    %mul3A_2773 = arith.mulf %convert_element_type3A_2770, %mul3A_2772 : vector<16xf32>
    %swap3A_2774 = arith.constant 2 : i32
    %swap3A_2775 = arith.index_cast %swap3A_2774 : i32 to index
    %swap3A_2776 = arith.constant 192 : index
    %swap3A_2777 = tpu.vector_load %arg12[%swap3A_2775, %swap3A_2776] {strides = array<i32>} : memref<10x256xf32, #tpu.memory_space<vmem>>, vector<1x16xf32>,
    %swap3A_2778 = vector.shape_cast %swap3A_2777 : vector<1x16xf32> to vector<16xf32>
    %swap3A_2779 = vector.shape_cast %mul3A_2773 : vector<16xf32> to vector<1x16xf32>
    tpu.vector_store %arg12[%swap3A_2775, %swap3A_2776], %swap3A_2779 {strides = array<i32>} : memref<10x256xf32, #tpu.memory_space<vmem>>, vector<1x16xf32>,
    %and3A_2780 = arith.constant 3 : i32
    %and3A_2781 = vector.broadcast %and3A_2780 : i32 to vector<16xi32>
    %and3A_2782 = arith.andi %and3A_2703, %and3A_2781 : vector<16xi32>
    %mul3A_2783 = arith.constant 2 : i32
    %mul3A_2784 = vector.broadcast %mul3A_2783 : i32 to vector<16xi32>
    %mul3A_2785 = arith.muli %and3A_2782, %mul3A_2784 : vector<16xi32>
    %sub3A_2786 = arith.constant 3 : i32
    %sub3A_2787 = vector.broadcast %sub3A_2786 : i32 to vector<16xi32>
    %sub3A_2788 = arith.subi %mul3A_2785, %sub3A_2787 : vector<16xi32>
    %convert_element_type3A_2789 = arith.sitofp %sub3A_2788 : vector<16xi32> to vector<16xf32>
    %mul3A_2790 = arith.constant 0.316227764 : f32
    %mul3A_2791 = vector.broadcast %mul3A_2790 : f32 to vector<16xf32>
    %mul3A_2792 = arith.mulf %convert_element_type3A_2789, %mul3A_2791 : vector<16xf32>
    %swap3A_2793 = arith.constant 3 : i32
    %swap3A_2794 = arith.index_cast %swap3A_2793 : i32 to index
    %swap3A_2795 = arith.constant 192 : index
    %swap3A_2796 = tpu.vector_load %arg12[%swap3A_2794, %swap3A_2795] {strides = array<i32>} : memref<10x256xf32, #tpu.memory_space<vmem>>, vector<1x16xf32>,
    %swap3A_2797 = vector.shape_cast %swap3A_2796 : vector<1x16xf32> to vector<16xf32>
    %swap3A_2798 = vector.shape_cast %mul3A_2792 : vector<16xf32> to vector<1x16xf32>
    tpu.vector_store %arg12[%swap3A_2794, %swap3A_2795], %swap3A_2798 {strides = array<i32>} : memref<10x256xf32, #tpu.memory_space<vmem>>, vector<1x16xf32>,
    %shift_right_arithmetic3A_2799 = arith.constant 2 : i32
    %shift_right_arithmetic3A_2800 = vector.broadcast %shift_right_arithmetic3A_2799 : i32 to vector<16xi32>
    %shift_right_arithmetic3A_2801 = arith.shrsi %or3A_2713, %shift_right_arithmetic3A_2800 : vector<16xi32>
    %mul3A_2802 = arith.constant 2 : i32
    %mul3A_2803 = vector.broadcast %mul3A_2802 : i32 to vector<16xi32>
    %mul3A_2804 = arith.muli %shift_right_arithmetic3A_2801, %mul3A_2803 : vector<16xi32>
    %sub3A_2805 = arith.constant 3 : i32
    %sub3A_2806 = vector.broadcast %sub3A_2805 : i32 to vector<16xi32>
    %sub3A_2807 = arith.subi %mul3A_2804, %sub3A_2806 : vector<16xi32>
    %convert_element_type3A_2808 = arith.sitofp %sub3A_2807 : vector<16xi32> to vector<16xf32>
    %mul3A_2809 = arith.constant 0.316227764 : f32
    %mul3A_2810 = vector.broadcast %mul3A_2809 : f32 to vector<16xf32>
    %mul3A_2811 = arith.mulf %convert_element_type3A_2808, %mul3A_2810 : vector<16xf32>
    %swap3A_2812 = arith.constant 4 : i32
    %swap3A_2813 = arith.index_cast %swap3A_2812 : i32 to index
    %swap3A_2814 = arith.constant 192 : index
    %swap3A_2815 = tpu.vector_load %arg12[%swap3A_2813, %swap3A_2814] {strides = array<i32>} : memref<10x256xf32, #tpu.memory_space<vmem>>, vector<1x16xf32>,
    %swap3A_2816 = vector.shape_cast %swap3A_2815 : vector<1x16xf32> to vector<16xf32>
    %swap3A_2817 = vector.shape_cast %mul3A_2811 : vector<16xf32> to vector<1x16xf32>
    tpu.vector_store %arg12[%swap3A_2813, %swap3A_2814], %swap3A_2817 {strides = array<i32>} : memref<10x256xf32, #tpu.memory_space<vmem>>, vector<1x16xf32>,
    %and3A_2818 = arith.constant 3 : i32
    %and3A_2819 = vector.broadcast %and3A_2818 : i32 to vector<16xi32>
    %and3A_2820 = arith.andi %or3A_2713, %and3A_2819 : vector<16xi32>
    %mul3A_2821 = arith.constant 2 : i32
    %mul3A_2822 = vector.broadcast %mul3A_2821 : i32 to vector<16xi32>
    %mul3A_2823 = arith.muli %and3A_2820, %mul3A_2822 : vector<16xi32>
    %sub3A_2824 = arith.constant 3 : i32
    %sub3A_2825 = vector.broadcast %sub3A_2824 : i32 to vector<16xi32>
    %sub3A_2826 = arith.subi %mul3A_2823, %sub3A_2825 : vector<16xi32>
    %convert_element_type3A_2827 = arith.sitofp %sub3A_2826 : vector<16xi32> to vector<16xf32>
    %mul3A_2828 = arith.constant 0.316227764 : f32
    %mul3A_2829 = vector.broadcast %mul3A_2828 : f32 to vector<16xf32>
    %mul3A_2830 = arith.mulf %convert_element_type3A_2827, %mul3A_2829 : vector<16xf32>
    %swap3A_2831 = arith.constant 5 : i32
    %swap3A_2832 = arith.index_cast %swap3A_2831 : i32 to index
    %swap3A_2833 = arith.constant 192 : index
    %swap3A_2834 = tpu.vector_load %arg12[%swap3A_2832, %swap3A_2833] {strides = array<i32>} : memref<10x256xf32, #tpu.memory_space<vmem>>, vector<1x16xf32>,
    %swap3A_2835 = vector.shape_cast %swap3A_2834 : vector<1x16xf32> to vector<16xf32>
    %swap3A_2836 = vector.shape_cast %mul3A_2830 : vector<16xf32> to vector<1x16xf32>
    tpu.vector_store %arg12[%swap3A_2832, %swap3A_2833], %swap3A_2836 {strides = array<i32>} : memref<10x256xf32, #tpu.memory_space<vmem>>, vector<1x16xf32>,
    %shift_right_arithmetic3A_2837 = arith.constant 2 : i32
    %shift_right_arithmetic3A_2838 = vector.broadcast %shift_right_arithmetic3A_2837 : i32 to vector<16xi32>
    %shift_right_arithmetic3A_2839 = arith.shrsi %and3A_2719, %shift_right_arithmetic3A_2838 : vector<16xi32>
    %mul3A_2840 = arith.constant 2 : i32
    %mul3A_2841 = vector.broadcast %mul3A_2840 : i32 to vector<16xi32>
    %mul3A_2842 = arith.muli %shift_right_arithmetic3A_2839, %mul3A_2841 : vector<16xi32>
    %sub3A_2843 = arith.constant 3 : i32
    %sub3A_2844 = vector.broadcast %sub3A_2843 : i32 to vector<16xi32>
    %sub3A_2845 = arith.subi %mul3A_2842, %sub3A_2844 : vector<16xi32>
    %convert_element_type3A_2846 = arith.sitofp %sub3A_2845 : vector<16xi32> to vector<16xf32>
    %mul3A_2847 = arith.constant 0.316227764 : f32
    %mul3A_2848 = vector.broadcast %mul3A_2847 : f32 to vector<16xf32>
    %mul3A_2849 = arith.mulf %convert_element_type3A_2846, %mul3A_2848 : vector<16xf32>
    %swap3A_2850 = arith.constant 6 : i32
    %swap3A_2851 = arith.index_cast %swap3A_2850 : i32 to index
    %swap3A_2852 = arith.constant 192 : index
    %swap3A_2853 = tpu.vector_load %arg12[%swap3A_2851, %swap3A_2852] {strides = array<i32>} : memref<10x256xf32, #tpu.memory_space<vmem>>, vector<1x16xf32>,
    %swap3A_2854 = vector.shape_cast %swap3A_2853 : vector<1x16xf32> to vector<16xf32>
    %swap3A_2855 = vector.shape_cast %mul3A_2849 : vector<16xf32> to vector<1x16xf32>
    tpu.vector_store %arg12[%swap3A_2851, %swap3A_2852], %swap3A_2855 {strides = array<i32>} : memref<10x256xf32, #tpu.memory_space<vmem>>, vector<1x16xf32>,
    %and3A_2856 = arith.constant 3 : i32
    %and3A_2857 = vector.broadcast %and3A_2856 : i32 to vector<16xi32>
    %and3A_2858 = arith.andi %and3A_2719, %and3A_2857 : vector<16xi32>
    %mul3A_2859 = arith.constant 2 : i32
    %mul3A_2860 = vector.broadcast %mul3A_2859 : i32 to vector<16xi32>
    %mul3A_2861 = arith.muli %and3A_2858, %mul3A_2860 : vector<16xi32>
    %sub3A_2862 = arith.constant 3 : i32
    %sub3A_2863 = vector.broadcast %sub3A_2862 : i32 to vector<16xi32>
    %sub3A_2864 = arith.subi %mul3A_2861, %sub3A_2863 : vector<16xi32>
    %convert_element_type3A_2865 = arith.sitofp %sub3A_2864 : vector<16xi32> to vector<16xf32>
    %mul3A_2866 = arith.constant 0.316227764 : f32
    %mul3A_2867 = vector.broadcast %mul3A_2866 : f32 to vector<16xf32>
    %mul3A_2868 = arith.mulf %convert_element_type3A_2865, %mul3A_2867 : vector<16xf32>
    %swap3A_2869 = arith.constant 7 : i32
    %swap3A_2870 = arith.index_cast %swap3A_2869 : i32 to index
    %swap3A_2871 = arith.constant 192 : index
    %swap3A_2872 = tpu.vector_load %arg12[%swap3A_2870, %swap3A_2871] {strides = array<i32>} : memref<10x256xf32, #tpu.memory_space<vmem>>, vector<1x16xf32>,
    %swap3A_2873 = vector.shape_cast %swap3A_2872 : vector<1x16xf32> to vector<16xf32>
    %swap3A_2874 = vector.shape_cast %mul3A_2868 : vector<16xf32> to vector<1x16xf32>
    tpu.vector_store %arg12[%swap3A_2870, %swap3A_2871], %swap3A_2874 {strides = array<i32>} : memref<10x256xf32, #tpu.memory_space<vmem>>, vector<1x16xf32>,
    %shift_right_arithmetic3A_2875 = arith.constant 2 : i32
    %shift_right_arithmetic3A_2876 = vector.broadcast %shift_right_arithmetic3A_2875 : i32 to vector<16xi32>
    %shift_right_arithmetic3A_2877 = arith.shrsi %and3A_2722, %shift_right_arithmetic3A_2876 : vector<16xi32>
    %mul3A_2878 = arith.constant 2 : i32
    %mul3A_2879 = vector.broadcast %mul3A_2878 : i32 to vector<16xi32>
    %mul3A_2880 = arith.muli %shift_right_arithmetic3A_2877, %mul3A_2879 : vector<16xi32>
    %sub3A_2881 = arith.constant 3 : i32
    %sub3A_2882 = vector.broadcast %sub3A_2881 : i32 to vector<16xi32>
    %sub3A_2883 = arith.subi %mul3A_2880, %sub3A_2882 : vector<16xi32>
    %convert_element_type3A_2884 = arith.sitofp %sub3A_2883 : vector<16xi32> to vector<16xf32>
    %mul3A_2885 = arith.constant 0.316227764 : f32
    %mul3A_2886 = vector.broadcast %mul3A_2885 : f32 to vector<16xf32>
    %mul3A_2887 = arith.mulf %convert_element_type3A_2884, %mul3A_2886 : vector<16xf32>
    %swap3A_2888 = arith.constant 8 : i32
    %swap3A_2889 = arith.index_cast %swap3A_2888 : i32 to index
    %swap3A_2890 = arith.constant 192 : index
    %swap3A_2891 = tpu.vector_load %arg12[%swap3A_2889, %swap3A_2890] {strides = array<i32>} : memref<10x256xf32, #tpu.memory_space<vmem>>, vector<1x16xf32>,
    %swap3A_2892 = vector.shape_cast %swap3A_2891 : vector<1x16xf32> to vector<16xf32>
    %swap3A_2893 = vector.shape_cast %mul3A_2887 : vector<16xf32> to vector<1x16xf32>
    tpu.vector_store %arg12[%swap3A_2889, %swap3A_2890], %swap3A_2893 {strides = array<i32>} : memref<10x256xf32, #tpu.memory_space<vmem>>, vector<1x16xf32>,
    %and3A_2894 = arith.constant 3 : i32
    %and3A_2895 = vector.broadcast %and3A_2894 : i32 to vector<16xi32>
    %and3A_2896 = arith.andi %and3A_2722, %and3A_2895 : vector<16xi32>
    %mul3A_2897 = arith.constant 2 : i32
    %mul3A_2898 = vector.broadcast %mul3A_2897 : i32 to vector<16xi32>
    %mul3A_2899 = arith.muli %and3A_2896, %mul3A_2898 : vector<16xi32>
    %sub3A_2900 = arith.constant 3 : i32
    %sub3A_2901 = vector.broadcast %sub3A_2900 : i32 to vector<16xi32>
    %sub3A_2902 = arith.subi %mul3A_2899, %sub3A_2901 : vector<16xi32>
    %convert_element_type3A_2903 = arith.sitofp %sub3A_2902 : vector<16xi32> to vector<16xf32>
    %mul3A_2904 = arith.constant 0.316227764 : f32
    %mul3A_2905 = vector.broadcast %mul3A_2904 : f32 to vector<16xf32>
    %mul3A_2906 = arith.mulf %convert_element_type3A_2903, %mul3A_2905 : vector<16xf32>
    %swap3A_2907 = arith.constant 9 : i32
    %swap3A_2908 = arith.index_cast %swap3A_2907 : i32 to index
    %swap3A_2909 = arith.constant 192 : index
    %swap3A_2910 = tpu.vector_load %arg12[%swap3A_2908, %swap3A_2909] {strides = array<i32>} : memref<10x256xf32, #tpu.memory_space<vmem>>, vector<1x16xf32>,
    %swap3A_2911 = vector.shape_cast %swap3A_2910 : vector<1x16xf32> to vector<16xf32>
    %swap3A_2912 = vector.shape_cast %mul3A_2906 : vector<16xf32> to vector<1x16xf32>
    tpu.vector_store %arg12[%swap3A_2908, %swap3A_2909], %swap3A_2912 {strides = array<i32>} : memref<10x256xf32, #tpu.memory_space<vmem>>, vector<1x16xf32>,
    %get3A_2913 = arith.constant 208 : index
    %get3A_2914 = tpu.vector_load %arg10[%get3A_2913] {strides = array<i32>} : memref<256xi32, #tpu.memory_space<vmem>>, vector<16xi32>,
    %get3A_2915 = vector.shape_cast %get3A_2914 : vector<16xi32> to vector<16xi32>
    %get3A_2916 = arith.constant 208 : index
    %get3A_2917 = tpu.vector_load %arg11[%get3A_2916] {strides = array<i32>} : memref<256xi32, #tpu.memory_space<vmem>>, vector<16xi32>,
    %get3A_2918 = vector.shape_cast %get3A_2917 : vector<16xi32> to vector<16xi32>
    %shift_right_arithmetic3A_2919 = arith.constant 6 : i32
    %shift_right_arithmetic3A_2920 = vector.broadcast %shift_right_arithmetic3A_2919 : i32 to vector<16xi32>
    %shift_right_arithmetic3A_2921 = arith.shrsi %get3A_2915, %shift_right_arithmetic3A_2920 : vector<16xi32>
    %shift_right_arithmetic3A_2922 = arith.constant 2 : i32
    %shift_right_arithmetic3A_2923 = vector.broadcast %shift_right_arithmetic3A_2922 : i32 to vector<16xi32>
    %shift_right_arithmetic3A_2924 = arith.shrsi %get3A_2915, %shift_right_arithmetic3A_2923 : vector<16xi32>
    %and3A_2925 = arith.constant 15 : i32
    %and3A_2926 = vector.broadcast %and3A_2925 : i32 to vector<16xi32>
    %and3A_2927 = arith.andi %shift_right_arithmetic3A_2924, %and3A_2926 : vector<16xi32>
    %and3A_2928 = arith.constant 3 : i32
    %and3A_2929 = vector.broadcast %and3A_2928 : i32 to vector<16xi32>
    %and3A_2930 = arith.andi %get3A_2915, %and3A_2929 : vector<16xi32>
    %shift_left3A_2931 = arith.constant 2 : i32
    %shift_left3A_2932 = vector.broadcast %shift_left3A_2931 : i32 to vector<16xi32>
    %shift_left3A_2933 = arith.shli %and3A_2930, %shift_left3A_2932 : vector<16xi32>
    %shift_right_arithmetic3A_2934 = arith.constant 8 : i32
    %shift_right_arithmetic3A_2935 = vector.broadcast %shift_right_arithmetic3A_2934 : i32 to vector<16xi32>
    %shift_right_arithmetic3A_2936 = arith.shrsi %get3A_2918, %shift_right_arithmetic3A_2935 : vector<16xi32>
    %or3A_2937 = arith.ori %shift_left3A_2933, %shift_right_arithmetic3A_2936 : vector<16xi32>
    %shift_right_arithmetic3A_2938 = arith.constant 4 : i32
    %shift_right_arithmetic3A_2939 = vector.broadcast %shift_right_arithmetic3A_2938 : i32 to vector<16xi32>
    %shift_right_arithmetic3A_2940 = arith.shrsi %get3A_2918, %shift_right_arithmetic3A_2939 : vector<16xi32>
    %and3A_2941 = arith.constant 15 : i32
    %and3A_2942 = vector.broadcast %and3A_2941 : i32 to vector<16xi32>
    %and3A_2943 = arith.andi %shift_right_arithmetic3A_2940, %and3A_2942 : vector<16xi32>
    %and3A_2944 = arith.constant 15 : i32
    %and3A_2945 = vector.broadcast %and3A_2944 : i32 to vector<16xi32>
    %and3A_2946 = arith.andi %get3A_2918, %and3A_2945 : vector<16xi32>
    %shift_right_arithmetic3A_2947 = arith.constant 2 : i32
    %shift_right_arithmetic3A_2948 = vector.broadcast %shift_right_arithmetic3A_2947 : i32 to vector<16xi32>
    %shift_right_arithmetic3A_2949 = arith.shrsi %shift_right_arithmetic3A_2921, %shift_right_arithmetic3A_2948 : vector<16xi32>
    %mul3A_2950 = arith.constant 2 : i32
    %mul3A_2951 = vector.broadcast %mul3A_2950 : i32 to vector<16xi32>
    %mul3A_2952 = arith.muli %shift_right_arithmetic3A_2949, %mul3A_2951 : vector<16xi32>
    %sub3A_2953 = arith.constant 3 : i32
    %sub3A_2954 = vector.broadcast %sub3A_2953 : i32 to vector<16xi32>
    %sub3A_2955 = arith.subi %mul3A_2952, %sub3A_2954 : vector<16xi32>
    %convert_element_type3A_2956 = arith.sitofp %sub3A_2955 : vector<16xi32> to vector<16xf32>
    %mul3A_2957 = arith.constant 0.316227764 : f32
    %mul3A_2958 = vector.broadcast %mul3A_2957 : f32 to vector<16xf32>
    %mul3A_2959 = arith.mulf %convert_element_type3A_2956, %mul3A_2958 : vector<16xf32>
    %swap3A_2960 = arith.constant 0 : i32
    %swap3A_2961 = arith.index_cast %swap3A_2960 : i32 to index
    %swap3A_2962 = arith.constant 208 : index
    %swap3A_2963 = tpu.vector_load %arg12[%swap3A_2961, %swap3A_2962] {strides = array<i32>} : memref<10x256xf32, #tpu.memory_space<vmem>>, vector<1x16xf32>,
    %swap3A_2964 = vector.shape_cast %swap3A_2963 : vector<1x16xf32> to vector<16xf32>
    %swap3A_2965 = vector.shape_cast %mul3A_2959 : vector<16xf32> to vector<1x16xf32>
    tpu.vector_store %arg12[%swap3A_2961, %swap3A_2962], %swap3A_2965 {strides = array<i32>} : memref<10x256xf32, #tpu.memory_space<vmem>>, vector<1x16xf32>,
    %and3A_2966 = arith.constant 3 : i32
    %and3A_2967 = vector.broadcast %and3A_2966 : i32 to vector<16xi32>
    %and3A_2968 = arith.andi %shift_right_arithmetic3A_2921, %and3A_2967 : vector<16xi32>
    %mul3A_2969 = arith.constant 2 : i32
    %mul3A_2970 = vector.broadcast %mul3A_2969 : i32 to vector<16xi32>
    %mul3A_2971 = arith.muli %and3A_2968, %mul3A_2970 : vector<16xi32>
    %sub3A_2972 = arith.constant 3 : i32
    %sub3A_2973 = vector.broadcast %sub3A_2972 : i32 to vector<16xi32>
    %sub3A_2974 = arith.subi %mul3A_2971, %sub3A_2973 : vector<16xi32>
    %convert_element_type3A_2975 = arith.sitofp %sub3A_2974 : vector<16xi32> to vector<16xf32>
    %mul3A_2976 = arith.constant 0.316227764 : f32
    %mul3A_2977 = vector.broadcast %mul3A_2976 : f32 to vector<16xf32>
    %mul3A_2978 = arith.mulf %convert_element_type3A_2975, %mul3A_2977 : vector<16xf32>
    %swap3A_2979 = arith.constant 1 : i32
    %swap3A_2980 = arith.index_cast %swap3A_2979 : i32 to index
    %swap3A_2981 = arith.constant 208 : index
    %swap3A_2982 = tpu.vector_load %arg12[%swap3A_2980, %swap3A_2981] {strides = array<i32>} : memref<10x256xf32, #tpu.memory_space<vmem>>, vector<1x16xf32>,
    %swap3A_2983 = vector.shape_cast %swap3A_2982 : vector<1x16xf32> to vector<16xf32>
    %swap3A_2984 = vector.shape_cast %mul3A_2978 : vector<16xf32> to vector<1x16xf32>
    tpu.vector_store %arg12[%swap3A_2980, %swap3A_2981], %swap3A_2984 {strides = array<i32>} : memref<10x256xf32, #tpu.memory_space<vmem>>, vector<1x16xf32>,
    %shift_right_arithmetic3A_2985 = arith.constant 2 : i32
    %shift_right_arithmetic3A_2986 = vector.broadcast %shift_right_arithmetic3A_2985 : i32 to vector<16xi32>
    %shift_right_arithmetic3A_2987 = arith.shrsi %and3A_2927, %shift_right_arithmetic3A_2986 : vector<16xi32>
    %mul3A_2988 = arith.constant 2 : i32
    %mul3A_2989 = vector.broadcast %mul3A_2988 : i32 to vector<16xi32>
    %mul3A_2990 = arith.muli %shift_right_arithmetic3A_2987, %mul3A_2989 : vector<16xi32>
    %sub3A_2991 = arith.constant 3 : i32
    %sub3A_2992 = vector.broadcast %sub3A_2991 : i32 to vector<16xi32>
    %sub3A_2993 = arith.subi %mul3A_2990, %sub3A_2992 : vector<16xi32>
    %convert_element_type3A_2994 = arith.sitofp %sub3A_2993 : vector<16xi32> to vector<16xf32>
    %mul3A_2995 = arith.constant 0.316227764 : f32
    %mul3A_2996 = vector.broadcast %mul3A_2995 : f32 to vector<16xf32>
    %mul3A_2997 = arith.mulf %convert_element_type3A_2994, %mul3A_2996 : vector<16xf32>
    %swap3A_2998 = arith.constant 2 : i32
    %swap3A_2999 = arith.index_cast %swap3A_2998 : i32 to index
    %swap3A_3000 = arith.constant 208 : index
    %swap3A_3001 = tpu.vector_load %arg12[%swap3A_2999, %swap3A_3000] {strides = array<i32>} : memref<10x256xf32, #tpu.memory_space<vmem>>, vector<1x16xf32>,
    %swap3A_3002 = vector.shape_cast %swap3A_3001 : vector<1x16xf32> to vector<16xf32>
    %swap3A_3003 = vector.shape_cast %mul3A_2997 : vector<16xf32> to vector<1x16xf32>
    tpu.vector_store %arg12[%swap3A_2999, %swap3A_3000], %swap3A_3003 {strides = array<i32>} : memref<10x256xf32, #tpu.memory_space<vmem>>, vector<1x16xf32>,
    %and3A_3004 = arith.constant 3 : i32
    %and3A_3005 = vector.broadcast %and3A_3004 : i32 to vector<16xi32>
    %and3A_3006 = arith.andi %and3A_2927, %and3A_3005 : vector<16xi32>
    %mul3A_3007 = arith.constant 2 : i32
    %mul3A_3008 = vector.broadcast %mul3A_3007 : i32 to vector<16xi32>
    %mul3A_3009 = arith.muli %and3A_3006, %mul3A_3008 : vector<16xi32>
    %sub3A_3010 = arith.constant 3 : i32
    %sub3A_3011 = vector.broadcast %sub3A_3010 : i32 to vector<16xi32>
    %sub3A_3012 = arith.subi %mul3A_3009, %sub3A_3011 : vector<16xi32>
    %convert_element_type3A_3013 = arith.sitofp %sub3A_3012 : vector<16xi32> to vector<16xf32>
    %mul3A_3014 = arith.constant 0.316227764 : f32
    %mul3A_3015 = vector.broadcast %mul3A_3014 : f32 to vector<16xf32>
    %mul3A_3016 = arith.mulf %convert_element_type3A_3013, %mul3A_3015 : vector<16xf32>
    %swap3A_3017 = arith.constant 3 : i32
    %swap3A_3018 = arith.index_cast %swap3A_3017 : i32 to index
    %swap3A_3019 = arith.constant 208 : index
    %swap3A_3020 = tpu.vector_load %arg12[%swap3A_3018, %swap3A_3019] {strides = array<i32>} : memref<10x256xf32, #tpu.memory_space<vmem>>, vector<1x16xf32>,
    %swap3A_3021 = vector.shape_cast %swap3A_3020 : vector<1x16xf32> to vector<16xf32>
    %swap3A_3022 = vector.shape_cast %mul3A_3016 : vector<16xf32> to vector<1x16xf32>
    tpu.vector_store %arg12[%swap3A_3018, %swap3A_3019], %swap3A_3022 {strides = array<i32>} : memref<10x256xf32, #tpu.memory_space<vmem>>, vector<1x16xf32>,
    %shift_right_arithmetic3A_3023 = arith.constant 2 : i32
    %shift_right_arithmetic3A_3024 = vector.broadcast %shift_right_arithmetic3A_3023 : i32 to vector<16xi32>
    %shift_right_arithmetic3A_3025 = arith.shrsi %or3A_2937, %shift_right_arithmetic3A_3024 : vector<16xi32>
    %mul3A_3026 = arith.constant 2 : i32
    %mul3A_3027 = vector.broadcast %mul3A_3026 : i32 to vector<16xi32>
    %mul3A_3028 = arith.muli %shift_right_arithmetic3A_3025, %mul3A_3027 : vector<16xi32>
    %sub3A_3029 = arith.constant 3 : i32
    %sub3A_3030 = vector.broadcast %sub3A_3029 : i32 to vector<16xi32>
    %sub3A_3031 = arith.subi %mul3A_3028, %sub3A_3030 : vector<16xi32>
    %convert_element_type3A_3032 = arith.sitofp %sub3A_3031 : vector<16xi32> to vector<16xf32>
    %mul3A_3033 = arith.constant 0.316227764 : f32
    %mul3A_3034 = vector.broadcast %mul3A_3033 : f32 to vector<16xf32>
    %mul3A_3035 = arith.mulf %convert_element_type3A_3032, %mul3A_3034 : vector<16xf32>
    %swap3A_3036 = arith.constant 4 : i32
    %swap3A_3037 = arith.index_cast %swap3A_3036 : i32 to index
    %swap3A_3038 = arith.constant 208 : index
    %swap3A_3039 = tpu.vector_load %arg12[%swap3A_3037, %swap3A_3038] {strides = array<i32>} : memref<10x256xf32, #tpu.memory_space<vmem>>, vector<1x16xf32>,
    %swap3A_3040 = vector.shape_cast %swap3A_3039 : vector<1x16xf32> to vector<16xf32>
    %swap3A_3041 = vector.shape_cast %mul3A_3035 : vector<16xf32> to vector<1x16xf32>
    tpu.vector_store %arg12[%swap3A_3037, %swap3A_3038], %swap3A_3041 {strides = array<i32>} : memref<10x256xf32, #tpu.memory_space<vmem>>, vector<1x16xf32>,
    %and3A_3042 = arith.constant 3 : i32
    %and3A_3043 = vector.broadcast %and3A_3042 : i32 to vector<16xi32>
    %and3A_3044 = arith.andi %or3A_2937, %and3A_3043 : vector<16xi32>
    %mul3A_3045 = arith.constant 2 : i32
    %mul3A_3046 = vector.broadcast %mul3A_3045 : i32 to vector<16xi32>
    %mul3A_3047 = arith.muli %and3A_3044, %mul3A_3046 : vector<16xi32>
    %sub3A_3048 = arith.constant 3 : i32
    %sub3A_3049 = vector.broadcast %sub3A_3048 : i32 to vector<16xi32>
    %sub3A_3050 = arith.subi %mul3A_3047, %sub3A_3049 : vector<16xi32>
    %convert_element_type3A_3051 = arith.sitofp %sub3A_3050 : vector<16xi32> to vector<16xf32>
    %mul3A_3052 = arith.constant 0.316227764 : f32
    %mul3A_3053 = vector.broadcast %mul3A_3052 : f32 to vector<16xf32>
    %mul3A_3054 = arith.mulf %convert_element_type3A_3051, %mul3A_3053 : vector<16xf32>
    %swap3A_3055 = arith.constant 5 : i32
    %swap3A_3056 = arith.index_cast %swap3A_3055 : i32 to index
    %swap3A_3057 = arith.constant 208 : index
    %swap3A_3058 = tpu.vector_load %arg12[%swap3A_3056, %swap3A_3057] {strides = array<i32>} : memref<10x256xf32, #tpu.memory_space<vmem>>, vector<1x16xf32>,
    %swap3A_3059 = vector.shape_cast %swap3A_3058 : vector<1x16xf32> to vector<16xf32>
    %swap3A_3060 = vector.shape_cast %mul3A_3054 : vector<16xf32> to vector<1x16xf32>
    tpu.vector_store %arg12[%swap3A_3056, %swap3A_3057], %swap3A_3060 {strides = array<i32>} : memref<10x256xf32, #tpu.memory_space<vmem>>, vector<1x16xf32>,
    %shift_right_arithmetic3A_3061 = arith.constant 2 : i32
    %shift_right_arithmetic3A_3062 = vector.broadcast %shift_right_arithmetic3A_3061 : i32 to vector<16xi32>
    %shift_right_arithmetic3A_3063 = arith.shrsi %and3A_2943, %shift_right_arithmetic3A_3062 : vector<16xi32>
    %mul3A_3064 = arith.constant 2 : i32
    %mul3A_3065 = vector.broadcast %mul3A_3064 : i32 to vector<16xi32>
    %mul3A_3066 = arith.muli %shift_right_arithmetic3A_3063, %mul3A_3065 : vector<16xi32>
    %sub3A_3067 = arith.constant 3 : i32
    %sub3A_3068 = vector.broadcast %sub3A_3067 : i32 to vector<16xi32>
    %sub3A_3069 = arith.subi %mul3A_3066, %sub3A_3068 : vector<16xi32>
    %convert_element_type3A_3070 = arith.sitofp %sub3A_3069 : vector<16xi32> to vector<16xf32>
    %mul3A_3071 = arith.constant 0.316227764 : f32
    %mul3A_3072 = vector.broadcast %mul3A_3071 : f32 to vector<16xf32>
    %mul3A_3073 = arith.mulf %convert_element_type3A_3070, %mul3A_3072 : vector<16xf32>
    %swap3A_3074 = arith.constant 6 : i32
    %swap3A_3075 = arith.index_cast %swap3A_3074 : i32 to index
    %swap3A_3076 = arith.constant 208 : index
    %swap3A_3077 = tpu.vector_load %arg12[%swap3A_3075, %swap3A_3076] {strides = array<i32>} : memref<10x256xf32, #tpu.memory_space<vmem>>, vector<1x16xf32>,
    %swap3A_3078 = vector.shape_cast %swap3A_3077 : vector<1x16xf32> to vector<16xf32>
    %swap3A_3079 = vector.shape_cast %mul3A_3073 : vector<16xf32> to vector<1x16xf32>
    tpu.vector_store %arg12[%swap3A_3075, %swap3A_3076], %swap3A_3079 {strides = array<i32>} : memref<10x256xf32, #tpu.memory_space<vmem>>, vector<1x16xf32>,
    %and3A_3080 = arith.constant 3 : i32
    %and3A_3081 = vector.broadcast %and3A_3080 : i32 to vector<16xi32>
    %and3A_3082 = arith.andi %and3A_2943, %and3A_3081 : vector<16xi32>
    %mul3A_3083 = arith.constant 2 : i32
    %mul3A_3084 = vector.broadcast %mul3A_3083 : i32 to vector<16xi32>
    %mul3A_3085 = arith.muli %and3A_3082, %mul3A_3084 : vector<16xi32>
    %sub3A_3086 = arith.constant 3 : i32
    %sub3A_3087 = vector.broadcast %sub3A_3086 : i32 to vector<16xi32>
    %sub3A_3088 = arith.subi %mul3A_3085, %sub3A_3087 : vector<16xi32>
    %convert_element_type3A_3089 = arith.sitofp %sub3A_3088 : vector<16xi32> to vector<16xf32>
    %mul3A_3090 = arith.constant 0.316227764 : f32
    %mul3A_3091 = vector.broadcast %mul3A_3090 : f32 to vector<16xf32>
    %mul3A_3092 = arith.mulf %convert_element_type3A_3089, %mul3A_3091 : vector<16xf32>
    %swap3A_3093 = arith.constant 7 : i32
    %swap3A_3094 = arith.index_cast %swap3A_3093 : i32 to index
    %swap3A_3095 = arith.constant 208 : index
    %swap3A_3096 = tpu.vector_load %arg12[%swap3A_3094, %swap3A_3095] {strides = array<i32>} : memref<10x256xf32, #tpu.memory_space<vmem>>, vector<1x16xf32>,
    %swap3A_3097 = vector.shape_cast %swap3A_3096 : vector<1x16xf32> to vector<16xf32>
    %swap3A_3098 = vector.shape_cast %mul3A_3092 : vector<16xf32> to vector<1x16xf32>
    tpu.vector_store %arg12[%swap3A_3094, %swap3A_3095], %swap3A_3098 {strides = array<i32>} : memref<10x256xf32, #tpu.memory_space<vmem>>, vector<1x16xf32>,
    %shift_right_arithmetic3A_3099 = arith.constant 2 : i32
    %shift_right_arithmetic3A_3100 = vector.broadcast %shift_right_arithmetic3A_3099 : i32 to vector<16xi32>
    %shift_right_arithmetic3A_3101 = arith.shrsi %and3A_2946, %shift_right_arithmetic3A_3100 : vector<16xi32>
    %mul3A_3102 = arith.constant 2 : i32
    %mul3A_3103 = vector.broadcast %mul3A_3102 : i32 to vector<16xi32>
    %mul3A_3104 = arith.muli %shift_right_arithmetic3A_3101, %mul3A_3103 : vector<16xi32>
    %sub3A_3105 = arith.constant 3 : i32
    %sub3A_3106 = vector.broadcast %sub3A_3105 : i32 to vector<16xi32>
    %sub3A_3107 = arith.subi %mul3A_3104, %sub3A_3106 : vector<16xi32>
    %convert_element_type3A_3108 = arith.sitofp %sub3A_3107 : vector<16xi32> to vector<16xf32>
    %mul3A_3109 = arith.constant 0.316227764 : f32
    %mul3A_3110 = vector.broadcast %mul3A_3109 : f32 to vector<16xf32>
    %mul3A_3111 = arith.mulf %convert_element_type3A_3108, %mul3A_3110 : vector<16xf32>
    %swap3A_3112 = arith.constant 8 : i32
    %swap3A_3113 = arith.index_cast %swap3A_3112 : i32 to index
    %swap3A_3114 = arith.constant 208 : index
    %swap3A_3115 = tpu.vector_load %arg12[%swap3A_3113, %swap3A_3114] {strides = array<i32>} : memref<10x256xf32, #tpu.memory_space<vmem>>, vector<1x16xf32>,
    %swap3A_3116 = vector.shape_cast %swap3A_3115 : vector<1x16xf32> to vector<16xf32>
    %swap3A_3117 = vector.shape_cast %mul3A_3111 : vector<16xf32> to vector<1x16xf32>
    tpu.vector_store %arg12[%swap3A_3113, %swap3A_3114], %swap3A_3117 {strides = array<i32>} : memref<10x256xf32, #tpu.memory_space<vmem>>, vector<1x16xf32>,
    %and3A_3118 = arith.constant 3 : i32
    %and3A_3119 = vector.broadcast %and3A_3118 : i32 to vector<16xi32>
    %and3A_3120 = arith.andi %and3A_2946, %and3A_3119 : vector<16xi32>
    %mul3A_3121 = arith.constant 2 : i32
    %mul3A_3122 = vector.broadcast %mul3A_3121 : i32 to vector<16xi32>
    %mul3A_3123 = arith.muli %and3A_3120, %mul3A_3122 : vector<16xi32>
    %sub3A_3124 = arith.constant 3 : i32
    %sub3A_3125 = vector.broadcast %sub3A_3124 : i32 to vector<16xi32>
    %sub3A_3126 = arith.subi %mul3A_3123, %sub3A_3125 : vector<16xi32>
    %convert_element_type3A_3127 = arith.sitofp %sub3A_3126 : vector<16xi32> to vector<16xf32>
    %mul3A_3128 = arith.constant 0.316227764 : f32
    %mul3A_3129 = vector.broadcast %mul3A_3128 : f32 to vector<16xf32>
    %mul3A_3130 = arith.mulf %convert_element_type3A_3127, %mul3A_3129 : vector<16xf32>
    %swap3A_3131 = arith.constant 9 : i32
    %swap3A_3132 = arith.index_cast %swap3A_3131 : i32 to index
    %swap3A_3133 = arith.constant 208 : index
    %swap3A_3134 = tpu.vector_load %arg12[%swap3A_3132, %swap3A_3133] {strides = array<i32>} : memref<10x256xf32, #tpu.memory_space<vmem>>, vector<1x16xf32>,
    %swap3A_3135 = vector.shape_cast %swap3A_3134 : vector<1x16xf32> to vector<16xf32>
    %swap3A_3136 = vector.shape_cast %mul3A_3130 : vector<16xf32> to vector<1x16xf32>
    tpu.vector_store %arg12[%swap3A_3132, %swap3A_3133], %swap3A_3136 {strides = array<i32>} : memref<10x256xf32, #tpu.memory_space<vmem>>, vector<1x16xf32>,
    %get3A_3137 = arith.constant 224 : index
    %get3A_3138 = tpu.vector_load %arg10[%get3A_3137] {strides = array<i32>} : memref<256xi32, #tpu.memory_space<vmem>>, vector<16xi32>,
    %get3A_3139 = vector.shape_cast %get3A_3138 : vector<16xi32> to vector<16xi32>
    %get3A_3140 = arith.constant 224 : index
    %get3A_3141 = tpu.vector_load %arg11[%get3A_3140] {strides = array<i32>} : memref<256xi32, #tpu.memory_space<vmem>>, vector<16xi32>,
    %get3A_3142 = vector.shape_cast %get3A_3141 : vector<16xi32> to vector<16xi32>
    %shift_right_arithmetic3A_3143 = arith.constant 6 : i32
    %shift_right_arithmetic3A_3144 = vector.broadcast %shift_right_arithmetic3A_3143 : i32 to vector<16xi32>
    %shift_right_arithmetic3A_3145 = arith.shrsi %get3A_3139, %shift_right_arithmetic3A_3144 : vector<16xi32>
    %shift_right_arithmetic3A_3146 = arith.constant 2 : i32
    %shift_right_arithmetic3A_3147 = vector.broadcast %shift_right_arithmetic3A_3146 : i32 to vector<16xi32>
    %shift_right_arithmetic3A_3148 = arith.shrsi %get3A_3139, %shift_right_arithmetic3A_3147 : vector<16xi32>
    %and3A_3149 = arith.constant 15 : i32
    %and3A_3150 = vector.broadcast %and3A_3149 : i32 to vector<16xi32>
    %and3A_3151 = arith.andi %shift_right_arithmetic3A_3148, %and3A_3150 : vector<16xi32>
    %and3A_3152 = arith.constant 3 : i32
    %and3A_3153 = vector.broadcast %and3A_3152 : i32 to vector<16xi32>
    %and3A_3154 = arith.andi %get3A_3139, %and3A_3153 : vector<16xi32>
    %shift_left3A_3155 = arith.constant 2 : i32
    %shift_left3A_3156 = vector.broadcast %shift_left3A_3155 : i32 to vector<16xi32>
    %shift_left3A_3157 = arith.shli %and3A_3154, %shift_left3A_3156 : vector<16xi32>
    %shift_right_arithmetic3A_3158 = arith.constant 8 : i32
    %shift_right_arithmetic3A_3159 = vector.broadcast %shift_right_arithmetic3A_3158 : i32 to vector<16xi32>
    %shift_right_arithmetic3A_3160 = arith.shrsi %get3A_3142, %shift_right_arithmetic3A_3159 : vector<16xi32>
    %or3A_3161 = arith.ori %shift_left3A_3157, %shift_right_arithmetic3A_3160 : vector<16xi32>
    %shift_right_arithmetic3A_3162 = arith.constant 4 : i32
    %shift_right_arithmetic3A_3163 = vector.broadcast %shift_right_arithmetic3A_3162 : i32 to vector<16xi32>
    %shift_right_arithmetic3A_3164 = arith.shrsi %get3A_3142, %shift_right_arithmetic3A_3163 : vector<16xi32>
    %and3A_3165 = arith.constant 15 : i32
    %and3A_3166 = vector.broadcast %and3A_3165 : i32 to vector<16xi32>
    %and3A_3167 = arith.andi %shift_right_arithmetic3A_3164, %and3A_3166 : vector<16xi32>
    %and3A_3168 = arith.constant 15 : i32
    %and3A_3169 = vector.broadcast %and3A_3168 : i32 to vector<16xi32>
    %and3A_3170 = arith.andi %get3A_3142, %and3A_3169 : vector<16xi32>
    %shift_right_arithmetic3A_3171 = arith.constant 2 : i32
    %shift_right_arithmetic3A_3172 = vector.broadcast %shift_right_arithmetic3A_3171 : i32 to vector<16xi32>
    %shift_right_arithmetic3A_3173 = arith.shrsi %shift_right_arithmetic3A_3145, %shift_right_arithmetic3A_3172 : vector<16xi32>
    %mul3A_3174 = arith.constant 2 : i32
    %mul3A_3175 = vector.broadcast %mul3A_3174 : i32 to vector<16xi32>
    %mul3A_3176 = arith.muli %shift_right_arithmetic3A_3173, %mul3A_3175 : vector<16xi32>
    %sub3A_3177 = arith.constant 3 : i32
    %sub3A_3178 = vector.broadcast %sub3A_3177 : i32 to vector<16xi32>
    %sub3A_3179 = arith.subi %mul3A_3176, %sub3A_3178 : vector<16xi32>
    %convert_element_type3A_3180 = arith.sitofp %sub3A_3179 : vector<16xi32> to vector<16xf32>
    %mul3A_3181 = arith.constant 0.316227764 : f32
    %mul3A_3182 = vector.broadcast %mul3A_3181 : f32 to vector<16xf32>
    %mul3A_3183 = arith.mulf %convert_element_type3A_3180, %mul3A_3182 : vector<16xf32>
    %swap3A_3184 = arith.constant 0 : i32
    %swap3A_3185 = arith.index_cast %swap3A_3184 : i32 to index
    %swap3A_3186 = arith.constant 224 : index
    %swap3A_3187 = tpu.vector_load %arg12[%swap3A_3185, %swap3A_3186] {strides = array<i32>} : memref<10x256xf32, #tpu.memory_space<vmem>>, vector<1x16xf32>,
    %swap3A_3188 = vector.shape_cast %swap3A_3187 : vector<1x16xf32> to vector<16xf32>
    %swap3A_3189 = vector.shape_cast %mul3A_3183 : vector<16xf32> to vector<1x16xf32>
    tpu.vector_store %arg12[%swap3A_3185, %swap3A_3186], %swap3A_3189 {strides = array<i32>} : memref<10x256xf32, #tpu.memory_space<vmem>>, vector<1x16xf32>,
    %and3A_3190 = arith.constant 3 : i32
    %and3A_3191 = vector.broadcast %and3A_3190 : i32 to vector<16xi32>
    %and3A_3192 = arith.andi %shift_right_arithmetic3A_3145, %and3A_3191 : vector<16xi32>
    %mul3A_3193 = arith.constant 2 : i32
    %mul3A_3194 = vector.broadcast %mul3A_3193 : i32 to vector<16xi32>
    %mul3A_3195 = arith.muli %and3A_3192, %mul3A_3194 : vector<16xi32>
    %sub3A_3196 = arith.constant 3 : i32
    %sub3A_3197 = vector.broadcast %sub3A_3196 : i32 to vector<16xi32>
    %sub3A_3198 = arith.subi %mul3A_3195, %sub3A_3197 : vector<16xi32>
    %convert_element_type3A_3199 = arith.sitofp %sub3A_3198 : vector<16xi32> to vector<16xf32>
    %mul3A_3200 = arith.constant 0.316227764 : f32
    %mul3A_3201 = vector.broadcast %mul3A_3200 : f32 to vector<16xf32>
    %mul3A_3202 = arith.mulf %convert_element_type3A_3199, %mul3A_3201 : vector<16xf32>
    %swap3A_3203 = arith.constant 1 : i32
    %swap3A_3204 = arith.index_cast %swap3A_3203 : i32 to index
    %swap3A_3205 = arith.constant 224 : index
    %swap3A_3206 = tpu.vector_load %arg12[%swap3A_3204, %swap3A_3205] {strides = array<i32>} : memref<10x256xf32, #tpu.memory_space<vmem>>, vector<1x16xf32>,
    %swap3A_3207 = vector.shape_cast %swap3A_3206 : vector<1x16xf32> to vector<16xf32>
    %swap3A_3208 = vector.shape_cast %mul3A_3202 : vector<16xf32> to vector<1x16xf32>
    tpu.vector_store %arg12[%swap3A_3204, %swap3A_3205], %swap3A_3208 {strides = array<i32>} : memref<10x256xf32, #tpu.memory_space<vmem>>, vector<1x16xf32>,
    %shift_right_arithmetic3A_3209 = arith.constant 2 : i32
    %shift_right_arithmetic3A_3210 = vector.broadcast %shift_right_arithmetic3A_3209 : i32 to vector<16xi32>
    %shift_right_arithmetic3A_3211 = arith.shrsi %and3A_3151, %shift_right_arithmetic3A_3210 : vector<16xi32>
    %mul3A_3212 = arith.constant 2 : i32
    %mul3A_3213 = vector.broadcast %mul3A_3212 : i32 to vector<16xi32>
    %mul3A_3214 = arith.muli %shift_right_arithmetic3A_3211, %mul3A_3213 : vector<16xi32>
    %sub3A_3215 = arith.constant 3 : i32
    %sub3A_3216 = vector.broadcast %sub3A_3215 : i32 to vector<16xi32>
    %sub3A_3217 = arith.subi %mul3A_3214, %sub3A_3216 : vector<16xi32>
    %convert_element_type3A_3218 = arith.sitofp %sub3A_3217 : vector<16xi32> to vector<16xf32>
    %mul3A_3219 = arith.constant 0.316227764 : f32
    %mul3A_3220 = vector.broadcast %mul3A_3219 : f32 to vector<16xf32>
    %mul3A_3221 = arith.mulf %convert_element_type3A_3218, %mul3A_3220 : vector<16xf32>
    %swap3A_3222 = arith.constant 2 : i32
    %swap3A_3223 = arith.index_cast %swap3A_3222 : i32 to index
    %swap3A_3224 = arith.constant 224 : index
    %swap3A_3225 = tpu.vector_load %arg12[%swap3A_3223, %swap3A_3224] {strides = array<i32>} : memref<10x256xf32, #tpu.memory_space<vmem>>, vector<1x16xf32>,
    %swap3A_3226 = vector.shape_cast %swap3A_3225 : vector<1x16xf32> to vector<16xf32>
    %swap3A_3227 = vector.shape_cast %mul3A_3221 : vector<16xf32> to vector<1x16xf32>
    tpu.vector_store %arg12[%swap3A_3223, %swap3A_3224], %swap3A_3227 {strides = array<i32>} : memref<10x256xf32, #tpu.memory_space<vmem>>, vector<1x16xf32>,
    %and3A_3228 = arith.constant 3 : i32
    %and3A_3229 = vector.broadcast %and3A_3228 : i32 to vector<16xi32>
    %and3A_3230 = arith.andi %and3A_3151, %and3A_3229 : vector<16xi32>
    %mul3A_3231 = arith.constant 2 : i32
    %mul3A_3232 = vector.broadcast %mul3A_3231 : i32 to vector<16xi32>
    %mul3A_3233 = arith.muli %and3A_3230, %mul3A_3232 : vector<16xi32>
    %sub3A_3234 = arith.constant 3 : i32
    %sub3A_3235 = vector.broadcast %sub3A_3234 : i32 to vector<16xi32>
    %sub3A_3236 = arith.subi %mul3A_3233, %sub3A_3235 : vector<16xi32>
    %convert_element_type3A_3237 = arith.sitofp %sub3A_3236 : vector<16xi32> to vector<16xf32>
    %mul3A_3238 = arith.constant 0.316227764 : f32
    %mul3A_3239 = vector.broadcast %mul3A_3238 : f32 to vector<16xf32>
    %mul3A_3240 = arith.mulf %convert_element_type3A_3237, %mul3A_3239 : vector<16xf32>
    %swap3A_3241 = arith.constant 3 : i32
    %swap3A_3242 = arith.index_cast %swap3A_3241 : i32 to index
    %swap3A_3243 = arith.constant 224 : index
    %swap3A_3244 = tpu.vector_load %arg12[%swap3A_3242, %swap3A_3243] {strides = array<i32>} : memref<10x256xf32, #tpu.memory_space<vmem>>, vector<1x16xf32>,
    %swap3A_3245 = vector.shape_cast %swap3A_3244 : vector<1x16xf32> to vector<16xf32>
    %swap3A_3246 = vector.shape_cast %mul3A_3240 : vector<16xf32> to vector<1x16xf32>
    tpu.vector_store %arg12[%swap3A_3242, %swap3A_3243], %swap3A_3246 {strides = array<i32>} : memref<10x256xf32, #tpu.memory_space<vmem>>, vector<1x16xf32>,
    %shift_right_arithmetic3A_3247 = arith.constant 2 : i32
    %shift_right_arithmetic3A_3248 = vector.broadcast %shift_right_arithmetic3A_3247 : i32 to vector<16xi32>
    %shift_right_arithmetic3A_3249 = arith.shrsi %or3A_3161, %shift_right_arithmetic3A_3248 : vector<16xi32>
    %mul3A_3250 = arith.constant 2 : i32
    %mul3A_3251 = vector.broadcast %mul3A_3250 : i32 to vector<16xi32>
    %mul3A_3252 = arith.muli %shift_right_arithmetic3A_3249, %mul3A_3251 : vector<16xi32>
    %sub3A_3253 = arith.constant 3 : i32
    %sub3A_3254 = vector.broadcast %sub3A_3253 : i32 to vector<16xi32>
    %sub3A_3255 = arith.subi %mul3A_3252, %sub3A_3254 : vector<16xi32>
    %convert_element_type3A_3256 = arith.sitofp %sub3A_3255 : vector<16xi32> to vector<16xf32>
    %mul3A_3257 = arith.constant 0.316227764 : f32
    %mul3A_3258 = vector.broadcast %mul3A_3257 : f32 to vector<16xf32>
    %mul3A_3259 = arith.mulf %convert_element_type3A_3256, %mul3A_3258 : vector<16xf32>
    %swap3A_3260 = arith.constant 4 : i32
    %swap3A_3261 = arith.index_cast %swap3A_3260 : i32 to index
    %swap3A_3262 = arith.constant 224 : index
    %swap3A_3263 = tpu.vector_load %arg12[%swap3A_3261, %swap3A_3262] {strides = array<i32>} : memref<10x256xf32, #tpu.memory_space<vmem>>, vector<1x16xf32>,
    %swap3A_3264 = vector.shape_cast %swap3A_3263 : vector<1x16xf32> to vector<16xf32>
    %swap3A_3265 = vector.shape_cast %mul3A_3259 : vector<16xf32> to vector<1x16xf32>
    tpu.vector_store %arg12[%swap3A_3261, %swap3A_3262], %swap3A_3265 {strides = array<i32>} : memref<10x256xf32, #tpu.memory_space<vmem>>, vector<1x16xf32>,
    %and3A_3266 = arith.constant 3 : i32
    %and3A_3267 = vector.broadcast %and3A_3266 : i32 to vector<16xi32>
    %and3A_3268 = arith.andi %or3A_3161, %and3A_3267 : vector<16xi32>
    %mul3A_3269 = arith.constant 2 : i32
    %mul3A_3270 = vector.broadcast %mul3A_3269 : i32 to vector<16xi32>
    %mul3A_3271 = arith.muli %and3A_3268, %mul3A_3270 : vector<16xi32>
    %sub3A_3272 = arith.constant 3 : i32
    %sub3A_3273 = vector.broadcast %sub3A_3272 : i32 to vector<16xi32>
    %sub3A_3274 = arith.subi %mul3A_3271, %sub3A_3273 : vector<16xi32>
    %convert_element_type3A_3275 = arith.sitofp %sub3A_3274 : vector<16xi32> to vector<16xf32>
    %mul3A_3276 = arith.constant 0.316227764 : f32
    %mul3A_3277 = vector.broadcast %mul3A_3276 : f32 to vector<16xf32>
    %mul3A_3278 = arith.mulf %convert_element_type3A_3275, %mul3A_3277 : vector<16xf32>
    %swap3A_3279 = arith.constant 5 : i32
    %swap3A_3280 = arith.index_cast %swap3A_3279 : i32 to index
    %swap3A_3281 = arith.constant 224 : index
    %swap3A_3282 = tpu.vector_load %arg12[%swap3A_3280, %swap3A_3281] {strides = array<i32>} : memref<10x256xf32, #tpu.memory_space<vmem>>, vector<1x16xf32>,
    %swap3A_3283 = vector.shape_cast %swap3A_3282 : vector<1x16xf32> to vector<16xf32>
    %swap3A_3284 = vector.shape_cast %mul3A_3278 : vector<16xf32> to vector<1x16xf32>
    tpu.vector_store %arg12[%swap3A_3280, %swap3A_3281], %swap3A_3284 {strides = array<i32>} : memref<10x256xf32, #tpu.memory_space<vmem>>, vector<1x16xf32>,
    %shift_right_arithmetic3A_3285 = arith.constant 2 : i32
    %shift_right_arithmetic3A_3286 = vector.broadcast %shift_right_arithmetic3A_3285 : i32 to vector<16xi32>
    %shift_right_arithmetic3A_3287 = arith.shrsi %and3A_3167, %shift_right_arithmetic3A_3286 : vector<16xi32>
    %mul3A_3288 = arith.constant 2 : i32
    %mul3A_3289 = vector.broadcast %mul3A_3288 : i32 to vector<16xi32>
    %mul3A_3290 = arith.muli %shift_right_arithmetic3A_3287, %mul3A_3289 : vector<16xi32>
    %sub3A_3291 = arith.constant 3 : i32
    %sub3A_3292 = vector.broadcast %sub3A_3291 : i32 to vector<16xi32>
    %sub3A_3293 = arith.subi %mul3A_3290, %sub3A_3292 : vector<16xi32>
    %convert_element_type3A_3294 = arith.sitofp %sub3A_3293 : vector<16xi32> to vector<16xf32>
    %mul3A_3295 = arith.constant 0.316227764 : f32
    %mul3A_3296 = vector.broadcast %mul3A_3295 : f32 to vector<16xf32>
    %mul3A_3297 = arith.mulf %convert_element_type3A_3294, %mul3A_3296 : vector<16xf32>
    %swap3A_3298 = arith.constant 6 : i32
    %swap3A_3299 = arith.index_cast %swap3A_3298 : i32 to index
    %swap3A_3300 = arith.constant 224 : index
    %swap3A_3301 = tpu.vector_load %arg12[%swap3A_3299, %swap3A_3300] {strides = array<i32>} : memref<10x256xf32, #tpu.memory_space<vmem>>, vector<1x16xf32>,
    %swap3A_3302 = vector.shape_cast %swap3A_3301 : vector<1x16xf32> to vector<16xf32>
    %swap3A_3303 = vector.shape_cast %mul3A_3297 : vector<16xf32> to vector<1x16xf32>
    tpu.vector_store %arg12[%swap3A_3299, %swap3A_3300], %swap3A_3303 {strides = array<i32>} : memref<10x256xf32, #tpu.memory_space<vmem>>, vector<1x16xf32>,
    %and3A_3304 = arith.constant 3 : i32
    %and3A_3305 = vector.broadcast %and3A_3304 : i32 to vector<16xi32>
    %and3A_3306 = arith.andi %and3A_3167, %and3A_3305 : vector<16xi32>
    %mul3A_3307 = arith.constant 2 : i32
    %mul3A_3308 = vector.broadcast %mul3A_3307 : i32 to vector<16xi32>
    %mul3A_3309 = arith.muli %and3A_3306, %mul3A_3308 : vector<16xi32>
    %sub3A_3310 = arith.constant 3 : i32
    %sub3A_3311 = vector.broadcast %sub3A_3310 : i32 to vector<16xi32>
    %sub3A_3312 = arith.subi %mul3A_3309, %sub3A_3311 : vector<16xi32>
    %convert_element_type3A_3313 = arith.sitofp %sub3A_3312 : vector<16xi32> to vector<16xf32>
    %mul3A_3314 = arith.constant 0.316227764 : f32
    %mul3A_3315 = vector.broadcast %mul3A_3314 : f32 to vector<16xf32>
    %mul3A_3316 = arith.mulf %convert_element_type3A_3313, %mul3A_3315 : vector<16xf32>
    %swap3A_3317 = arith.constant 7 : i32
    %swap3A_3318 = arith.index_cast %swap3A_3317 : i32 to index
    %swap3A_3319 = arith.constant 224 : index
    %swap3A_3320 = tpu.vector_load %arg12[%swap3A_3318, %swap3A_3319] {strides = array<i32>} : memref<10x256xf32, #tpu.memory_space<vmem>>, vector<1x16xf32>,
    %swap3A_3321 = vector.shape_cast %swap3A_3320 : vector<1x16xf32> to vector<16xf32>
    %swap3A_3322 = vector.shape_cast %mul3A_3316 : vector<16xf32> to vector<1x16xf32>
    tpu.vector_store %arg12[%swap3A_3318, %swap3A_3319], %swap3A_3322 {strides = array<i32>} : memref<10x256xf32, #tpu.memory_space<vmem>>, vector<1x16xf32>,
    %shift_right_arithmetic3A_3323 = arith.constant 2 : i32
    %shift_right_arithmetic3A_3324 = vector.broadcast %shift_right_arithmetic3A_3323 : i32 to vector<16xi32>
    %shift_right_arithmetic3A_3325 = arith.shrsi %and3A_3170, %shift_right_arithmetic3A_3324 : vector<16xi32>
    %mul3A_3326 = arith.constant 2 : i32
    %mul3A_3327 = vector.broadcast %mul3A_3326 : i32 to vector<16xi32>
    %mul3A_3328 = arith.muli %shift_right_arithmetic3A_3325, %mul3A_3327 : vector<16xi32>
    %sub3A_3329 = arith.constant 3 : i32
    %sub3A_3330 = vector.broadcast %sub3A_3329 : i32 to vector<16xi32>
    %sub3A_3331 = arith.subi %mul3A_3328, %sub3A_3330 : vector<16xi32>
    %convert_element_type3A_3332 = arith.sitofp %sub3A_3331 : vector<16xi32> to vector<16xf32>
    %mul3A_3333 = arith.constant 0.316227764 : f32
    %mul3A_3334 = vector.broadcast %mul3A_3333 : f32 to vector<16xf32>
    %mul3A_3335 = arith.mulf %convert_element_type3A_3332, %mul3A_3334 : vector<16xf32>
    %swap3A_3336 = arith.constant 8 : i32
    %swap3A_3337 = arith.index_cast %swap3A_3336 : i32 to index
    %swap3A_3338 = arith.constant 224 : index
    %swap3A_3339 = tpu.vector_load %arg12[%swap3A_3337, %swap3A_3338] {strides = array<i32>} : memref<10x256xf32, #tpu.memory_space<vmem>>, vector<1x16xf32>,
    %swap3A_3340 = vector.shape_cast %swap3A_3339 : vector<1x16xf32> to vector<16xf32>
    %swap3A_3341 = vector.shape_cast %mul3A_3335 : vector<16xf32> to vector<1x16xf32>
    tpu.vector_store %arg12[%swap3A_3337, %swap3A_3338], %swap3A_3341 {strides = array<i32>} : memref<10x256xf32, #tpu.memory_space<vmem>>, vector<1x16xf32>,
    %and3A_3342 = arith.constant 3 : i32
    %and3A_3343 = vector.broadcast %and3A_3342 : i32 to vector<16xi32>
    %and3A_3344 = arith.andi %and3A_3170, %and3A_3343 : vector<16xi32>
    %mul3A_3345 = arith.constant 2 : i32
    %mul3A_3346 = vector.broadcast %mul3A_3345 : i32 to vector<16xi32>
    %mul3A_3347 = arith.muli %and3A_3344, %mul3A_3346 : vector<16xi32>
    %sub3A_3348 = arith.constant 3 : i32
    %sub3A_3349 = vector.broadcast %sub3A_3348 : i32 to vector<16xi32>
    %sub3A_3350 = arith.subi %mul3A_3347, %sub3A_3349 : vector<16xi32>
    %convert_element_type3A_3351 = arith.sitofp %sub3A_3350 : vector<16xi32> to vector<16xf32>
    %mul3A_3352 = arith.constant 0.316227764 : f32
    %mul3A_3353 = vector.broadcast %mul3A_3352 : f32 to vector<16xf32>
    %mul3A_3354 = arith.mulf %convert_element_type3A_3351, %mul3A_3353 : vector<16xf32>
    %swap3A_3355 = arith.constant 9 : i32
    %swap3A_3356 = arith.index_cast %swap3A_3355 : i32 to index
    %swap3A_3357 = arith.constant 224 : index
    %swap3A_3358 = tpu.vector_load %arg12[%swap3A_3356, %swap3A_3357] {strides = array<i32>} : memref<10x256xf32, #tpu.memory_space<vmem>>, vector<1x16xf32>,
    %swap3A_3359 = vector.shape_cast %swap3A_3358 : vector<1x16xf32> to vector<16xf32>
    %swap3A_3360 = vector.shape_cast %mul3A_3354 : vector<16xf32> to vector<1x16xf32>
    tpu.vector_store %arg12[%swap3A_3356, %swap3A_3357], %swap3A_3360 {strides = array<i32>} : memref<10x256xf32, #tpu.memory_space<vmem>>, vector<1x16xf32>,
    %get3A_3361 = arith.constant 240 : index
    %get3A_3362 = tpu.vector_load %arg10[%get3A_3361] {strides = array<i32>} : memref<256xi32, #tpu.memory_space<vmem>>, vector<16xi32>,
    %get3A_3363 = vector.shape_cast %get3A_3362 : vector<16xi32> to vector<16xi32>
    %get3A_3364 = arith.constant 240 : index
    %get3A_3365 = tpu.vector_load %arg11[%get3A_3364] {strides = array<i32>} : memref<256xi32, #tpu.memory_space<vmem>>, vector<16xi32>,
    %get3A_3366 = vector.shape_cast %get3A_3365 : vector<16xi32> to vector<16xi32>
    %shift_right_arithmetic3A_3367 = arith.constant 6 : i32
    %shift_right_arithmetic3A_3368 = vector.broadcast %shift_right_arithmetic3A_3367 : i32 to vector<16xi32>
    %shift_right_arithmetic3A_3369 = arith.shrsi %get3A_3363, %shift_right_arithmetic3A_3368 : vector<16xi32>
    %shift_right_arithmetic3A_3370 = arith.constant 2 : i32
    %shift_right_arithmetic3A_3371 = vector.broadcast %shift_right_arithmetic3A_3370 : i32 to vector<16xi32>
    %shift_right_arithmetic3A_3372 = arith.shrsi %get3A_3363, %shift_right_arithmetic3A_3371 : vector<16xi32>
    %and3A_3373 = arith.constant 15 : i32
    %and3A_3374 = vector.broadcast %and3A_3373 : i32 to vector<16xi32>
    %and3A_3375 = arith.andi %shift_right_arithmetic3A_3372, %and3A_3374 : vector<16xi32>
    %and3A_3376 = arith.constant 3 : i32
    %and3A_3377 = vector.broadcast %and3A_3376 : i32 to vector<16xi32>
    %and3A_3378 = arith.andi %get3A_3363, %and3A_3377 : vector<16xi32>
    %shift_left3A_3379 = arith.constant 2 : i32
    %shift_left3A_3380 = vector.broadcast %shift_left3A_3379 : i32 to vector<16xi32>
    %shift_left3A_3381 = arith.shli %and3A_3378, %shift_left3A_3380 : vector<16xi32>
    %shift_right_arithmetic3A_3382 = arith.constant 8 : i32
    %shift_right_arithmetic3A_3383 = vector.broadcast %shift_right_arithmetic3A_3382 : i32 to vector<16xi32>
    %shift_right_arithmetic3A_3384 = arith.shrsi %get3A_3366, %shift_right_arithmetic3A_3383 : vector<16xi32>
    %or3A_3385 = arith.ori %shift_left3A_3381, %shift_right_arithmetic3A_3384 : vector<16xi32>
    %shift_right_arithmetic3A_3386 = arith.constant 4 : i32
    %shift_right_arithmetic3A_3387 = vector.broadcast %shift_right_arithmetic3A_3386 : i32 to vector<16xi32>
    %shift_right_arithmetic3A_3388 = arith.shrsi %get3A_3366, %shift_right_arithmetic3A_3387 : vector<16xi32>
    %and3A_3389 = arith.constant 15 : i32
    %and3A_3390 = vector.broadcast %and3A_3389 : i32 to vector<16xi32>
    %and3A_3391 = arith.andi %shift_right_arithmetic3A_3388, %and3A_3390 : vector<16xi32>
    %and3A_3392 = arith.constant 15 : i32
    %and3A_3393 = vector.broadcast %and3A_3392 : i32 to vector<16xi32>
    %and3A_3394 = arith.andi %get3A_3366, %and3A_3393 : vector<16xi32>
    %shift_right_arithmetic3A_3395 = arith.constant 2 : i32
    %shift_right_arithmetic3A_3396 = vector.broadcast %shift_right_arithmetic3A_3395 : i32 to vector<16xi32>
    %shift_right_arithmetic3A_3397 = arith.shrsi %shift_right_arithmetic3A_3369, %shift_right_arithmetic3A_3396 : vector<16xi32>
    %mul3A_3398 = arith.constant 2 : i32
    %mul3A_3399 = vector.broadcast %mul3A_3398 : i32 to vector<16xi32>
    %mul3A_3400 = arith.muli %shift_right_arithmetic3A_3397, %mul3A_3399 : vector<16xi32>
    %sub3A_3401 = arith.constant 3 : i32
    %sub3A_3402 = vector.broadcast %sub3A_3401 : i32 to vector<16xi32>
    %sub3A_3403 = arith.subi %mul3A_3400, %sub3A_3402 : vector<16xi32>
    %convert_element_type3A_3404 = arith.sitofp %sub3A_3403 : vector<16xi32> to vector<16xf32>
    %mul3A_3405 = arith.constant 0.316227764 : f32
    %mul3A_3406 = vector.broadcast %mul3A_3405 : f32 to vector<16xf32>
    %mul3A_3407 = arith.mulf %convert_element_type3A_3404, %mul3A_3406 : vector<16xf32>
    %swap3A_3408 = arith.constant 0 : i32
    %swap3A_3409 = arith.index_cast %swap3A_3408 : i32 to index
    %swap3A_3410 = arith.constant 240 : index
    %swap3A_3411 = tpu.vector_load %arg12[%swap3A_3409, %swap3A_3410] {strides = array<i32>} : memref<10x256xf32, #tpu.memory_space<vmem>>, vector<1x16xf32>,
    %swap3A_3412 = vector.shape_cast %swap3A_3411 : vector<1x16xf32> to vector<16xf32>
    %swap3A_3413 = vector.shape_cast %mul3A_3407 : vector<16xf32> to vector<1x16xf32>
    tpu.vector_store %arg12[%swap3A_3409, %swap3A_3410], %swap3A_3413 {strides = array<i32>} : memref<10x256xf32, #tpu.memory_space<vmem>>, vector<1x16xf32>,
    %and3A_3414 = arith.constant 3 : i32
    %and3A_3415 = vector.broadcast %and3A_3414 : i32 to vector<16xi32>
    %and3A_3416 = arith.andi %shift_right_arithmetic3A_3369, %and3A_3415 : vector<16xi32>
    %mul3A_3417 = arith.constant 2 : i32
    %mul3A_3418 = vector.broadcast %mul3A_3417 : i32 to vector<16xi32>
    %mul3A_3419 = arith.muli %and3A_3416, %mul3A_3418 : vector<16xi32>
    %sub3A_3420 = arith.constant 3 : i32
    %sub3A_3421 = vector.broadcast %sub3A_3420 : i32 to vector<16xi32>
    %sub3A_3422 = arith.subi %mul3A_3419, %sub3A_3421 : vector<16xi32>
    %convert_element_type3A_3423 = arith.sitofp %sub3A_3422 : vector<16xi32> to vector<16xf32>
    %mul3A_3424 = arith.constant 0.316227764 : f32
    %mul3A_3425 = vector.broadcast %mul3A_3424 : f32 to vector<16xf32>
    %mul3A_3426 = arith.mulf %convert_element_type3A_3423, %mul3A_3425 : vector<16xf32>
    %swap3A_3427 = arith.constant 1 : i32
    %swap3A_3428 = arith.index_cast %swap3A_3427 : i32 to index
    %swap3A_3429 = arith.constant 240 : index
    %swap3A_3430 = tpu.vector_load %arg12[%swap3A_3428, %swap3A_3429] {strides = array<i32>} : memref<10x256xf32, #tpu.memory_space<vmem>>, vector<1x16xf32>,
    %swap3A_3431 = vector.shape_cast %swap3A_3430 : vector<1x16xf32> to vector<16xf32>
    %swap3A_3432 = vector.shape_cast %mul3A_3426 : vector<16xf32> to vector<1x16xf32>
    tpu.vector_store %arg12[%swap3A_3428, %swap3A_3429], %swap3A_3432 {strides = array<i32>} : memref<10x256xf32, #tpu.memory_space<vmem>>, vector<1x16xf32>,
    %shift_right_arithmetic3A_3433 = arith.constant 2 : i32
    %shift_right_arithmetic3A_3434 = vector.broadcast %shift_right_arithmetic3A_3433 : i32 to vector<16xi32>
    %shift_right_arithmetic3A_3435 = arith.shrsi %and3A_3375, %shift_right_arithmetic3A_3434 : vector<16xi32>
    %mul3A_3436 = arith.constant 2 : i32
    %mul3A_3437 = vector.broadcast %mul3A_3436 : i32 to vector<16xi32>
    %mul3A_3438 = arith.muli %shift_right_arithmetic3A_3435, %mul3A_3437 : vector<16xi32>
    %sub3A_3439 = arith.constant 3 : i32
    %sub3A_3440 = vector.broadcast %sub3A_3439 : i32 to vector<16xi32>
    %sub3A_3441 = arith.subi %mul3A_3438, %sub3A_3440 : vector<16xi32>
    %convert_element_type3A_3442 = arith.sitofp %sub3A_3441 : vector<16xi32> to vector<16xf32>
    %mul3A_3443 = arith.constant 0.316227764 : f32
    %mul3A_3444 = vector.broadcast %mul3A_3443 : f32 to vector<16xf32>
    %mul3A_3445 = arith.mulf %convert_element_type3A_3442, %mul3A_3444 : vector<16xf32>
    %swap3A_3446 = arith.constant 2 : i32
    %swap3A_3447 = arith.index_cast %swap3A_3446 : i32 to index
    %swap3A_3448 = arith.constant 240 : index
    %swap3A_3449 = tpu.vector_load %arg12[%swap3A_3447, %swap3A_3448] {strides = array<i32>} : memref<10x256xf32, #tpu.memory_space<vmem>>, vector<1x16xf32>,
    %swap3A_3450 = vector.shape_cast %swap3A_3449 : vector<1x16xf32> to vector<16xf32>
    %swap3A_3451 = vector.shape_cast %mul3A_3445 : vector<16xf32> to vector<1x16xf32>
    tpu.vector_store %arg12[%swap3A_3447, %swap3A_3448], %swap3A_3451 {strides = array<i32>} : memref<10x256xf32, #tpu.memory_space<vmem>>, vector<1x16xf32>,
    %and3A_3452 = arith.constant 3 : i32
    %and3A_3453 = vector.broadcast %and3A_3452 : i32 to vector<16xi32>
    %and3A_3454 = arith.andi %and3A_3375, %and3A_3453 : vector<16xi32>
    %mul3A_3455 = arith.constant 2 : i32
    %mul3A_3456 = vector.broadcast %mul3A_3455 : i32 to vector<16xi32>
    %mul3A_3457 = arith.muli %and3A_3454, %mul3A_3456 : vector<16xi32>
    %sub3A_3458 = arith.constant 3 : i32
    %sub3A_3459 = vector.broadcast %sub3A_3458 : i32 to vector<16xi32>
    %sub3A_3460 = arith.subi %mul3A_3457, %sub3A_3459 : vector<16xi32>
    %convert_element_type3A_3461 = arith.sitofp %sub3A_3460 : vector<16xi32> to vector<16xf32>
    %mul3A_3462 = arith.constant 0.316227764 : f32
    %mul3A_3463 = vector.broadcast %mul3A_3462 : f32 to vector<16xf32>
    %mul3A_3464 = arith.mulf %convert_element_type3A_3461, %mul3A_3463 : vector<16xf32>
    %swap3A_3465 = arith.constant 3 : i32
    %swap3A_3466 = arith.index_cast %swap3A_3465 : i32 to index
    %swap3A_3467 = arith.constant 240 : index
    %swap3A_3468 = tpu.vector_load %arg12[%swap3A_3466, %swap3A_3467] {strides = array<i32>} : memref<10x256xf32, #tpu.memory_space<vmem>>, vector<1x16xf32>,
    %swap3A_3469 = vector.shape_cast %swap3A_3468 : vector<1x16xf32> to vector<16xf32>
    %swap3A_3470 = vector.shape_cast %mul3A_3464 : vector<16xf32> to vector<1x16xf32>
    tpu.vector_store %arg12[%swap3A_3466, %swap3A_3467], %swap3A_3470 {strides = array<i32>} : memref<10x256xf32, #tpu.memory_space<vmem>>, vector<1x16xf32>,
    %shift_right_arithmetic3A_3471 = arith.constant 2 : i32
    %shift_right_arithmetic3A_3472 = vector.broadcast %shift_right_arithmetic3A_3471 : i32 to vector<16xi32>
    %shift_right_arithmetic3A_3473 = arith.shrsi %or3A_3385, %shift_right_arithmetic3A_3472 : vector<16xi32>
    %mul3A_3474 = arith.constant 2 : i32
    %mul3A_3475 = vector.broadcast %mul3A_3474 : i32 to vector<16xi32>
    %mul3A_3476 = arith.muli %shift_right_arithmetic3A_3473, %mul3A_3475 : vector<16xi32>
    %sub3A_3477 = arith.constant 3 : i32
    %sub3A_3478 = vector.broadcast %sub3A_3477 : i32 to vector<16xi32>
    %sub3A_3479 = arith.subi %mul3A_3476, %sub3A_3478 : vector<16xi32>
    %convert_element_type3A_3480 = arith.sitofp %sub3A_3479 : vector<16xi32> to vector<16xf32>
    %mul3A_3481 = arith.constant 0.316227764 : f32
    %mul3A_3482 = vector.broadcast %mul3A_3481 : f32 to vector<16xf32>
    %mul3A_3483 = arith.mulf %convert_element_type3A_3480, %mul3A_3482 : vector<16xf32>
    %swap3A_3484 = arith.constant 4 : i32
    %swap3A_3485 = arith.index_cast %swap3A_3484 : i32 to index
    %swap3A_3486 = arith.constant 240 : index
    %swap3A_3487 = tpu.vector_load %arg12[%swap3A_3485, %swap3A_3486] {strides = array<i32>} : memref<10x256xf32, #tpu.memory_space<vmem>>, vector<1x16xf32>,
    %swap3A_3488 = vector.shape_cast %swap3A_3487 : vector<1x16xf32> to vector<16xf32>
    %swap3A_3489 = vector.shape_cast %mul3A_3483 : vector<16xf32> to vector<1x16xf32>
    tpu.vector_store %arg12[%swap3A_3485, %swap3A_3486], %swap3A_3489 {strides = array<i32>} : memref<10x256xf32, #tpu.memory_space<vmem>>, vector<1x16xf32>,
    %and3A_3490 = arith.constant 3 : i32
    %and3A_3491 = vector.broadcast %and3A_3490 : i32 to vector<16xi32>
    %and3A_3492 = arith.andi %or3A_3385, %and3A_3491 : vector<16xi32>
    %mul3A_3493 = arith.constant 2 : i32
    %mul3A_3494 = vector.broadcast %mul3A_3493 : i32 to vector<16xi32>
    %mul3A_3495 = arith.muli %and3A_3492, %mul3A_3494 : vector<16xi32>
    %sub3A_3496 = arith.constant 3 : i32
    %sub3A_3497 = vector.broadcast %sub3A_3496 : i32 to vector<16xi32>
    %sub3A_3498 = arith.subi %mul3A_3495, %sub3A_3497 : vector<16xi32>
    %convert_element_type3A_3499 = arith.sitofp %sub3A_3498 : vector<16xi32> to vector<16xf32>
    %mul3A_3500 = arith.constant 0.316227764 : f32
    %mul3A_3501 = vector.broadcast %mul3A_3500 : f32 to vector<16xf32>
    %mul3A_3502 = arith.mulf %convert_element_type3A_3499, %mul3A_3501 : vector<16xf32>
    %swap3A_3503 = arith.constant 5 : i32
    %swap3A_3504 = arith.index_cast %swap3A_3503 : i32 to index
    %swap3A_3505 = arith.constant 240 : index
    %swap3A_3506 = tpu.vector_load %arg12[%swap3A_3504, %swap3A_3505] {strides = array<i32>} : memref<10x256xf32, #tpu.memory_space<vmem>>, vector<1x16xf32>,
    %swap3A_3507 = vector.shape_cast %swap3A_3506 : vector<1x16xf32> to vector<16xf32>
    %swap3A_3508 = vector.shape_cast %mul3A_3502 : vector<16xf32> to vector<1x16xf32>
    tpu.vector_store %arg12[%swap3A_3504, %swap3A_3505], %swap3A_3508 {strides = array<i32>} : memref<10x256xf32, #tpu.memory_space<vmem>>, vector<1x16xf32>,
    %shift_right_arithmetic3A_3509 = arith.constant 2 : i32
    %shift_right_arithmetic3A_3510 = vector.broadcast %shift_right_arithmetic3A_3509 : i32 to vector<16xi32>
    %shift_right_arithmetic3A_3511 = arith.shrsi %and3A_3391, %shift_right_arithmetic3A_3510 : vector<16xi32>
    %mul3A_3512 = arith.constant 2 : i32
    %mul3A_3513 = vector.broadcast %mul3A_3512 : i32 to vector<16xi32>
    %mul3A_3514 = arith.muli %shift_right_arithmetic3A_3511, %mul3A_3513 : vector<16xi32>
    %sub3A_3515 = arith.constant 3 : i32
    %sub3A_3516 = vector.broadcast %sub3A_3515 : i32 to vector<16xi32>
    %sub3A_3517 = arith.subi %mul3A_3514, %sub3A_3516 : vector<16xi32>
    %convert_element_type3A_3518 = arith.sitofp %sub3A_3517 : vector<16xi32> to vector<16xf32>
    %mul3A_3519 = arith.constant 0.316227764 : f32
    %mul3A_3520 = vector.broadcast %mul3A_3519 : f32 to vector<16xf32>
    %mul3A_3521 = arith.mulf %convert_element_type3A_3518, %mul3A_3520 : vector<16xf32>
    %swap3A_3522 = arith.constant 6 : i32
    %swap3A_3523 = arith.index_cast %swap3A_3522 : i32 to index
    %swap3A_3524 = arith.constant 240 : index
    %swap3A_3525 = tpu.vector_load %arg12[%swap3A_3523, %swap3A_3524] {strides = array<i32>} : memref<10x256xf32, #tpu.memory_space<vmem>>, vector<1x16xf32>,
    %swap3A_3526 = vector.shape_cast %swap3A_3525 : vector<1x16xf32> to vector<16xf32>
    %swap3A_3527 = vector.shape_cast %mul3A_3521 : vector<16xf32> to vector<1x16xf32>
    tpu.vector_store %arg12[%swap3A_3523, %swap3A_3524], %swap3A_3527 {strides = array<i32>} : memref<10x256xf32, #tpu.memory_space<vmem>>, vector<1x16xf32>,
    %and3A_3528 = arith.constant 3 : i32
    %and3A_3529 = vector.broadcast %and3A_3528 : i32 to vector<16xi32>
    %and3A_3530 = arith.andi %and3A_3391, %and3A_3529 : vector<16xi32>
    %mul3A_3531 = arith.constant 2 : i32
    %mul3A_3532 = vector.broadcast %mul3A_3531 : i32 to vector<16xi32>
    %mul3A_3533 = arith.muli %and3A_3530, %mul3A_3532 : vector<16xi32>
    %sub3A_3534 = arith.constant 3 : i32
    %sub3A_3535 = vector.broadcast %sub3A_3534 : i32 to vector<16xi32>
    %sub3A_3536 = arith.subi %mul3A_3533, %sub3A_3535 : vector<16xi32>
    %convert_element_type3A_3537 = arith.sitofp %sub3A_3536 : vector<16xi32> to vector<16xf32>
    %mul3A_3538 = arith.constant 0.316227764 : f32
    %mul3A_3539 = vector.broadcast %mul3A_3538 : f32 to vector<16xf32>
    %mul3A_3540 = arith.mulf %convert_element_type3A_3537, %mul3A_3539 : vector<16xf32>
    %swap3A_3541 = arith.constant 7 : i32
    %swap3A_3542 = arith.index_cast %swap3A_3541 : i32 to index
    %swap3A_3543 = arith.constant 240 : index
    %swap3A_3544 = tpu.vector_load %arg12[%swap3A_3542, %swap3A_3543] {strides = array<i32>} : memref<10x256xf32, #tpu.memory_space<vmem>>, vector<1x16xf32>,
    %swap3A_3545 = vector.shape_cast %swap3A_3544 : vector<1x16xf32> to vector<16xf32>
    %swap3A_3546 = vector.shape_cast %mul3A_3540 : vector<16xf32> to vector<1x16xf32>
    tpu.vector_store %arg12[%swap3A_3542, %swap3A_3543], %swap3A_3546 {strides = array<i32>} : memref<10x256xf32, #tpu.memory_space<vmem>>, vector<1x16xf32>,
    %shift_right_arithmetic3A_3547 = arith.constant 2 : i32
    %shift_right_arithmetic3A_3548 = vector.broadcast %shift_right_arithmetic3A_3547 : i32 to vector<16xi32>
    %shift_right_arithmetic3A_3549 = arith.shrsi %and3A_3394, %shift_right_arithmetic3A_3548 : vector<16xi32>
    %mul3A_3550 = arith.constant 2 : i32
    %mul3A_3551 = vector.broadcast %mul3A_3550 : i32 to vector<16xi32>
    %mul3A_3552 = arith.muli %shift_right_arithmetic3A_3549, %mul3A_3551 : vector<16xi32>
    %sub3A_3553 = arith.constant 3 : i32
    %sub3A_3554 = vector.broadcast %sub3A_3553 : i32 to vector<16xi32>
    %sub3A_3555 = arith.subi %mul3A_3552, %sub3A_3554 : vector<16xi32>
    %convert_element_type3A_3556 = arith.sitofp %sub3A_3555 : vector<16xi32> to vector<16xf32>
    %mul3A_3557 = arith.constant 0.316227764 : f32
    %mul3A_3558 = vector.broadcast %mul3A_3557 : f32 to vector<16xf32>
    %mul3A_3559 = arith.mulf %convert_element_type3A_3556, %mul3A_3558 : vector<16xf32>
    %swap3A_3560 = arith.constant 8 : i32
    %swap3A_3561 = arith.index_cast %swap3A_3560 : i32 to index
    %swap3A_3562 = arith.constant 240 : index
    %swap3A_3563 = tpu.vector_load %arg12[%swap3A_3561, %swap3A_3562] {strides = array<i32>} : memref<10x256xf32, #tpu.memory_space<vmem>>, vector<1x16xf32>,
    %swap3A_3564 = vector.shape_cast %swap3A_3563 : vector<1x16xf32> to vector<16xf32>
    %swap3A_3565 = vector.shape_cast %mul3A_3559 : vector<16xf32> to vector<1x16xf32>
    tpu.vector_store %arg12[%swap3A_3561, %swap3A_3562], %swap3A_3565 {strides = array<i32>} : memref<10x256xf32, #tpu.memory_space<vmem>>, vector<1x16xf32>,
    %and3A_3566 = arith.constant 3 : i32
    %and3A_3567 = vector.broadcast %and3A_3566 : i32 to vector<16xi32>
    %and3A_3568 = arith.andi %and3A_3394, %and3A_3567 : vector<16xi32>
    %mul3A_3569 = arith.constant 2 : i32
    %mul3A_3570 = vector.broadcast %mul3A_3569 : i32 to vector<16xi32>
    %mul3A_3571 = arith.muli %and3A_3568, %mul3A_3570 : vector<16xi32>
    %sub3A_3572 = arith.constant 3 : i32
    %sub3A_3573 = vector.broadcast %sub3A_3572 : i32 to vector<16xi32>
    %sub3A_3574 = arith.subi %mul3A_3571, %sub3A_3573 : vector<16xi32>
    %convert_element_type3A_3575 = arith.sitofp %sub3A_3574 : vector<16xi32> to vector<16xf32>
    %mul3A_3576 = arith.constant 0.316227764 : f32
    %mul3A_3577 = vector.broadcast %mul3A_3576 : f32 to vector<16xf32>
    %mul3A_3578 = arith.mulf %convert_element_type3A_3575, %mul3A_3577 : vector<16xf32>
    %swap3A_3579 = arith.constant 9 : i32
    %swap3A_3580 = arith.index_cast %swap3A_3579 : i32 to index
    %swap3A_3581 = arith.constant 240 : index
    %swap3A_3582 = tpu.vector_load %arg12[%swap3A_3580, %swap3A_3581] {strides = array<i32>} : memref<10x256xf32, #tpu.memory_space<vmem>>, vector<1x16xf32>,
    %swap3A_3583 = vector.shape_cast %swap3A_3582 : vector<1x16xf32> to vector<16xf32>
    %swap3A_3584 = vector.shape_cast %mul3A_3578 : vector<16xf32> to vector<1x16xf32>
    tpu.vector_store %arg12[%swap3A_3580, %swap3A_3581], %swap3A_3584 {strides = array<i32>} : memref<10x256xf32, #tpu.memory_space<vmem>>, vector<1x16xf32>,
    "tpu.region"() ({
      %run_scoped3A = tpu.sem_alloc : memref<!tpu.dma_semaphore, #tpu.memory_space<semaphore_mem>>
      %dma_start3A_3585 = arith.constant 0 : i32
      %dma_start3A_3586 = arith.constant 0 : i32
      %dma_start3A_3587 = tpu.memref_slice %arg7[%add3A, %dma_start3A_3585, %dma_start3A_3586] : memref<32x10x256xf32, #tpu.memory_space<hbm>> -> memref<1x10x256xf32, #tpu.memory_space<hbm>>
      %dma_start3A_3588 = tpu.memref_squeeze %dma_start3A_3587 : memref<1x10x256xf32, #tpu.memory_space<hbm>> -> memref<10x256xf32, #tpu.memory_space<hbm>>
      %dma_start3A_3589 = arith.constant 0 : i32
      %dma_start3A_3590 = arith.constant 0 : i32
      %dma_start3A_3591 = tpu.memref_slice %arg7[%add3A, %dma_start3A_3589, %dma_start3A_3590] : memref<32x10x256xf32, #tpu.memory_space<hbm>> -> memref<1x10x256xf32, #tpu.memory_space<hbm>>
      %dma_start3A_3592 = tpu.memref_squeeze %dma_start3A_3591 : memref<1x10x256xf32, #tpu.memory_space<hbm>> -> memref<10x256xf32, #tpu.memory_space<hbm>>
      tpu.enqueue_dma source(%arg12 : memref<10x256xf32, #tpu.memory_space<vmem>>) target(%dma_start3A_3592 : memref<10x256xf32, #tpu.memory_space<hbm>>) target_semaphore(%run_scoped3A : memref<!tpu.dma_semaphore, #tpu.memory_space<semaphore_mem>>)
      %dma_wait3A_3593 = arith.constant 0 : i32
      %dma_wait3A_3594 = arith.constant 0 : i32
      %dma_wait3A_3595 = tpu.memref_slice %arg7[%add3A, %dma_wait3A_3593, %dma_wait3A_3594] : memref<32x10x256xf32, #tpu.memory_space<hbm>> -> memref<1x10x256xf32, #tpu.memory_space<hbm>>
      %dma_wait3A_3596 = tpu.memref_squeeze %dma_wait3A_3595 : memref<1x10x256xf32, #tpu.memory_space<hbm>> -> memref<10x256xf32, #tpu.memory_space<hbm>>
      %dma_wait3A_3597 = arith.constant 0 : i32
      %dma_wait3A_3598 = arith.constant 0 : i32
      %dma_wait3A_3599 = tpu.memref_slice %arg7[%add3A, %dma_wait3A_3597, %dma_wait3A_3598] : memref<32x10x256xf32, #tpu.memory_space<hbm>> -> memref<1x10x256xf32, #tpu.memory_space<hbm>>
      %dma_wait3A_3600 = tpu.memref_squeeze %dma_wait3A_3599 : memref<1x10x256xf32, #tpu.memory_space<hbm>> -> memref<10x256xf32, #tpu.memory_space<hbm>>
      tpu.wait_dma2 semaphore(%run_scoped3A : memref<!tpu.dma_semaphore, #tpu.memory_space<semaphore_mem>>) src(%arg12 : memref<10x256xf32, #tpu.memory_space<vmem>>) dst(%dma_wait3A_3600 : memref<10x256xf32, #tpu.memory_space<hbm>>)
      tpu.yield
    }) : () -> ()
    return
  }
}

module attributes {stable_mosaic.version = 14 : i64} {
  func.func @_router_body(%arg0: memref<4x2048xf32, #tpu.memory_space<vmem>>, %arg1: memref<2048x128xf32, #tpu.memory_space<vmem>>, %arg2: memref<1x128xf32, #tpu.memory_space<vmem>>, %arg3: memref<128x128xf32, #tpu.memory_space<vmem>>, %arg4: memref<1x128xf32, #tpu.memory_space<vmem>>, %arg5: memref<128x32xf32, #tpu.memory_space<vmem>>, %arg6: memref<1x32xf32, #tpu.memory_space<vmem>>, %arg7: memref<4x32xf32, #tpu.memory_space<vmem>>, %arg8: memref<4x32xf32, #tpu.memory_space<vmem>>, %arg9: memref<4x4xi32, #tpu.memory_space<vmem>>) attributes {dimension_semantics = [], scalar_prefetch = 0 : i64, scratch_operands = 0 : i64, tpu.core_type = #tpu.core_type<tc>} {
    %get3A = arith.constant 0 : index
    %get3A_0 = arith.constant 0 : index
    %get3A_1 = vector.load %arg0[%get3A, %get3A_0] : memref<4x2048xf32, #tpu.memory_space<vmem>>, vector<4x2048xf32>
    %get3A_2 = arith.constant 0 : index
    %get3A_3 = arith.constant 0 : index
    %get3A_4 = vector.load %arg1[%get3A_2, %get3A_3] : memref<2048x128xf32, #tpu.memory_space<vmem>>, vector<2048x128xf32>
    %dot_general3A = arith.constant dense<0.000000e+00> : vector<4x128xf32>
    %dot_general3A_5 = tpu.matmul %get3A_1, %get3A_4, %dot_general3A {dimension_numbers = #tpu.dot_dimension_numbers<[1], [0], [0], [1], [0, 0, 1, 1], [], []>, transpose_lhs_hint = false} : vector<4x2048xf32>, vector<2048x128xf32>, vector<4x128xf32> -> vector<4x128xf32>
    %get3A_6 = arith.constant 0 : index
    %get3A_7 = arith.constant 0 : index
    %get3A_8 = vector.load %arg2[%get3A_6, %get3A_7] : memref<1x128xf32, #tpu.memory_space<vmem>>, vector<1x128xf32>
    %add3A = vector.broadcast %get3A_8 : vector<1x128xf32> to vector<4x128xf32>
    %add3A_9 = arith.addf %dot_general3A_5, %add3A : vector<4x128xf32>
    %max3A = arith.constant 0.000000e+00 : f32
    %max3A_10 = vector.broadcast %max3A : f32 to vector<4x128xf32>
    %max3A_11 = arith.maximumf %add3A_9, %max3A_10 : vector<4x128xf32>
    %get3A_12 = arith.constant 0 : index
    %get3A_13 = arith.constant 0 : index
    %get3A_14 = vector.load %arg3[%get3A_12, %get3A_13] : memref<128x128xf32, #tpu.memory_space<vmem>>, vector<128x128xf32>
    %dot_general3A_15 = arith.constant dense<0.000000e+00> : vector<4x128xf32>
    %dot_general3A_16 = tpu.matmul %max3A_11, %get3A_14, %dot_general3A_15 {dimension_numbers = #tpu.dot_dimension_numbers<[1], [0], [0], [1], [0, 0, 1, 1], [], []>, transpose_lhs_hint = false} : vector<4x128xf32>, vector<128x128xf32>, vector<4x128xf32> -> vector<4x128xf32>
    %get3A_17 = arith.constant 0 : index
    %get3A_18 = arith.constant 0 : index
    %get3A_19 = vector.load %arg4[%get3A_17, %get3A_18] : memref<1x128xf32, #tpu.memory_space<vmem>>, vector<1x128xf32>
    %add3A_20 = vector.broadcast %get3A_19 : vector<1x128xf32> to vector<4x128xf32>
    %add3A_21 = arith.addf %dot_general3A_16, %add3A_20 : vector<4x128xf32>
    %max3A_22 = arith.constant 0.000000e+00 : f32
    %max3A_23 = vector.broadcast %max3A_22 : f32 to vector<4x128xf32>
    %max3A_24 = arith.maximumf %add3A_21, %max3A_23 : vector<4x128xf32>
    %get3A_25 = arith.constant 0 : index
    %get3A_26 = arith.constant 0 : index
    %get3A_27 = vector.load %arg5[%get3A_25, %get3A_26] : memref<128x32xf32, #tpu.memory_space<vmem>>, vector<128x32xf32>
    %dot_general3A_28 = arith.constant dense<0.000000e+00> : vector<4x32xf32>
    %dot_general3A_29 = tpu.matmul %max3A_24, %get3A_27, %dot_general3A_28 {dimension_numbers = #tpu.dot_dimension_numbers<[1], [0], [0], [1], [0, 0, 1, 1], [], []>, transpose_lhs_hint = false} : vector<4x128xf32>, vector<128x32xf32>, vector<4x32xf32> -> vector<4x32xf32>
    %get3A_30 = arith.constant 0 : index
    %get3A_31 = arith.constant 0 : index
    %get3A_32 = vector.load %arg6[%get3A_30, %get3A_31] : memref<1x32xf32, #tpu.memory_space<vmem>>, vector<1x32xf32>
    %add3A_33 = vector.broadcast %get3A_32 : vector<1x32xf32> to vector<4x32xf32>
    %add3A_34 = arith.addf %dot_general3A_29, %add3A_33 : vector<4x32xf32>
    %swap3A = arith.constant 0 : index
    %swap3A_35 = arith.constant 0 : index
    %swap3A_36 = vector.load %arg7[%swap3A, %swap3A_35] : memref<4x32xf32, #tpu.memory_space<vmem>>, vector<4x32xf32>
    tpu.vector_store %arg7[%swap3A, %swap3A_35], %add3A_34 {strides = array<i32>} : memref<4x32xf32, #tpu.memory_space<vmem>>, vector<4x32xf32>,
    %reduce_max3A = arith.constant dense<0xFF800000> : vector<4xf32>
    %reduce_max3A_37 = vector.multi_reduction <maximumf>, %add3A_34, %reduce_max3A [1] : vector<4x32xf32> to vector<4xf32>
    %broadcast_in_dim3A = vector.shape_cast %reduce_max3A_37 : vector<4xf32> to vector<4x1xf32>
    %sub3A = vector.broadcast %broadcast_in_dim3A : vector<4x1xf32> to vector<4x32xf32>
    %sub3A_38 = arith.subf %add3A_34, %sub3A : vector<4x32xf32>
    %exp3A = math.exp %sub3A_38 : vector<4x32xf32>
    %reduce_sum3A = arith.constant dense<0.000000e+00> : vector<4xf32>
    %reduce_sum3A_39 = vector.multi_reduction <add>, %exp3A, %reduce_sum3A [1] : vector<4x32xf32> to vector<4xf32>
    %broadcast_in_dim3A_40 = vector.shape_cast %reduce_sum3A_39 : vector<4xf32> to vector<4x1xf32>
    %div3A = vector.broadcast %broadcast_in_dim3A_40 : vector<4x1xf32> to vector<4x32xf32>
    %div3A_41 = arith.divf %exp3A, %div3A : vector<4x32xf32>
    %swap3A_42 = arith.constant 0 : index
    %swap3A_43 = arith.constant 0 : index
    %swap3A_44 = vector.load %arg8[%swap3A_42, %swap3A_43] : memref<4x32xf32, #tpu.memory_space<vmem>>, vector<4x32xf32>
    tpu.vector_store %arg8[%swap3A_42, %swap3A_43], %div3A_41 {strides = array<i32>} : memref<4x32xf32, #tpu.memory_space<vmem>>, vector<4x32xf32>,
    %iota3A = tpu.iota {dimensions = array<i32: 1>} : vector<4x32xi32>
    %eq3A = vector.broadcast %broadcast_in_dim3A : vector<4x1xf32> to vector<4x32xf32>
    %eq3A_45 = arith.cmpf oeq, %add3A_34, %eq3A : vector<4x32xf32>
    %jit3A = arith.constant 32 : i32
    %broadcast_in_dim3A_46 = vector.broadcast %jit3A : i32 to vector<4x32xi32>
    %select_n3A = arith.select %eq3A_45, %iota3A, %broadcast_in_dim3A_46 : vector<4x32xi1>, vector<4x32xi32>
    %reduce_min3A = arith.constant dense<2147483647> : vector<4xi32>
    %reduce_min3A_47 = vector.multi_reduction <minsi>, %select_n3A, %reduce_min3A [1] : vector<4x32xi32> to vector<4xi32>
    %broadcast_in_dim3A_48 = vector.shape_cast %reduce_min3A_47 : vector<4xi32> to vector<4x1xi32>
    %jit3A_49 = arith.constant 4 : i32
    %div3A_50 = vector.broadcast %jit3A_49 : i32 to vector<4x1xi32>
    %div3A_51 = arith.divsi %broadcast_in_dim3A_48, %div3A_50 : vector<4x1xi32>
    %sign3A = arith.constant 0 : i32
    %sign3A_52 = vector.broadcast %sign3A : i32 to vector<4x1xi32>
    %sign3A_53 = arith.cmpi sgt, %broadcast_in_dim3A_48, %sign3A_52 : vector<4x1xi32>
    %sign3A_54 = arith.extui %sign3A_53 : vector<4x1xi1> to vector<4x1xi32>
    %sign3A_55 = arith.constant 0 : i32
    %sign3A_56 = vector.broadcast %sign3A_55 : i32 to vector<4x1xi32>
    %sign3A_57 = arith.cmpi slt, %broadcast_in_dim3A_48, %sign3A_56 : vector<4x1xi32>
    %sign3A_58 = arith.extui %sign3A_57 : vector<4x1xi1> to vector<4x1xi32>
    %sign3A_59 = arith.subi %sign3A_54, %sign3A_58 : vector<4x1xi32>
    %sign3A_60 = arith.constant 0 : i32
    %sign3A_61 = arith.cmpi sgt, %jit3A_49, %sign3A_60 : i32
    %sign3A_62 = arith.extui %sign3A_61 : i1 to i32
    %sign3A_63 = arith.constant 0 : i32
    %sign3A_64 = arith.cmpi slt, %jit3A_49, %sign3A_63 : i32
    %sign3A_65 = arith.extui %sign3A_64 : i1 to i32
    %sign3A_66 = arith.subi %sign3A_62, %sign3A_65 : i32
    %ne3A = vector.broadcast %sign3A_66 : i32 to vector<4x1xi32>
    %ne3A_67 = arith.cmpi ne, %sign3A_59, %ne3A : vector<4x1xi32>
    %rem3A = vector.broadcast %jit3A_49 : i32 to vector<4x1xi32>
    %rem3A_68 = arith.remsi %broadcast_in_dim3A_48, %rem3A : vector<4x1xi32>
    %ne3A_69 = arith.constant 0 : i32
    %ne3A_70 = vector.broadcast %ne3A_69 : i32 to vector<4x1xi32>
    %ne3A_71 = arith.cmpi ne, %rem3A_68, %ne3A_70 : vector<4x1xi32>
    %and3A = arith.andi %ne3A_67, %ne3A_71 : vector<4x1xi1>
    %sub3A_72 = arith.constant 1 : i32
    %sub3A_73 = vector.broadcast %sub3A_72 : i32 to vector<4x1xi32>
    %sub3A_74 = arith.subi %div3A_51, %sub3A_73 : vector<4x1xi32>
    %select_n3A_75 = arith.select %and3A, %sub3A_74, %div3A_51 : vector<4x1xi1>, vector<4x1xi32>
    %swap3A_76 = arith.constant 0 : index
    %swap3A_77 = arith.constant 0 : index
    %swap3A_78 = vector.load %arg9[%swap3A_76, %swap3A_77] : memref<4x4xi32, #tpu.memory_space<vmem>>, vector<4x1xi32>
    tpu.vector_store %arg9[%swap3A_76, %swap3A_77], %broadcast_in_dim3A_48 {strides = array<i32>} : memref<4x4xi32, #tpu.memory_space<vmem>>, vector<4x1xi32>,
    %swap3A_79 = arith.constant 0 : index
    %swap3A_80 = arith.constant 1 : index
    %swap3A_81 = vector.load %arg9[%swap3A_79, %swap3A_80] : memref<4x4xi32, #tpu.memory_space<vmem>>, vector<4x1xi32>
    tpu.vector_store %arg9[%swap3A_79, %swap3A_80], %select_n3A_75 {strides = array<i32>} : memref<4x4xi32, #tpu.memory_space<vmem>>, vector<4x1xi32>,
    %mul3A = arith.constant 4 : i32
    %mul3A_82 = vector.broadcast %mul3A : i32 to vector<4x1xi32>
    %mul3A_83 = arith.muli %mul3A_82, %select_n3A_75 : vector<4x1xi32>
    %sub3A_84 = arith.subi %broadcast_in_dim3A_48, %mul3A_83 : vector<4x1xi32>
    %swap3A_85 = arith.constant 0 : index
    %swap3A_86 = arith.constant 2 : index
    %swap3A_87 = vector.load %arg9[%swap3A_85, %swap3A_86] : memref<4x4xi32, #tpu.memory_space<vmem>>, vector<4x1xi32>
    tpu.vector_store %arg9[%swap3A_85, %swap3A_86], %sub3A_84 {strides = array<i32>} : memref<4x4xi32, #tpu.memory_space<vmem>>, vector<4x1xi32>,
    %swap3A_88 = arith.constant 0 : index
    %swap3A_89 = arith.constant 3 : index
    %swap3A_90 = vector.load %arg9[%swap3A_88, %swap3A_89] : memref<4x4xi32, #tpu.memory_space<vmem>>, vector<4x1xi32>
    tpu.vector_store %arg9[%swap3A_88, %swap3A_89], %broadcast_in_dim3A_48 {strides = array<i32>} : memref<4x4xi32, #tpu.memory_space<vmem>>, vector<4x1xi32>,
    return
  }
}

module attributes {stable_mosaic.version = 14 : i64} {
  func.func @_vq_body(%arg0: i32, %arg1: i32, %arg2: memref<4xi32, #tpu.memory_space<smem>>, %arg3: memref<1x1024x32xf32, #tpu.memory_space<vmem>>, %arg4: memref<1x1024x32xf32, #tpu.memory_space<vmem>>, %arg5: memref<4x4096xi32, #tpu.memory_space<vmem>>, %arg6: memref<4x4096xi32, #tpu.memory_space<vmem>>, %arg7: memref<1x1xf32, #tpu.memory_space<vmem>>) attributes {dimension_semantics = [#tpu.dimension_semantics<arbitrary>, #tpu.dimension_semantics<arbitrary>], iteration_bounds = array<i64: 4, 4>, scalar_prefetch = 1 : i64, scratch_operands = 0 : i64, tpu.core_type = #tpu.core_type<tc>, window_params = [{transform_indices = @transform_0, window_bounds = array<i64: 1, 1024, 32>}, {transform_indices = @transform_1, window_bounds = array<i64: 1, 1024, 32>}, {pipeline_mode = #tpu.pipeline_mode<synchronous>, transform_indices = @transform_2, window_bounds = array<i64: 4, 4096>}, {pipeline_mode = #tpu.pipeline_mode<synchronous>, transform_indices = @transform_3, window_bounds = array<i64: 4, 4096>}, {pipeline_mode = #tpu.pipeline_mode<synchronous>, transform_indices = @transform_4, window_bounds = array<i64: 1, 1>}]} {
    %get3A = arith.constant 0 : index
    %get3A_0 = arith.constant 0 : index
    %get3A_1 = arith.constant 0 : index
    %get3A_2 = vector.load %arg3[%get3A, %get3A_0, %get3A_1] : memref<1x1024x32xf32, #tpu.memory_space<vmem>>, vector<1x1024x32xf32>
    %get3A_3 = vector.shape_cast %get3A_2 : vector<1x1024x32xf32> to vector<1024x32xf32>
    %get3A_4 = arith.constant 0 : index
    %get3A_5 = arith.constant 0 : index
    %get3A_6 = arith.constant 0 : index
    %get3A_7 = vector.load %arg4[%get3A_4, %get3A_5, %get3A_6] : memref<1x1024x32xf32, #tpu.memory_space<vmem>>, vector<1x1024x32xf32>
    %get3A_8 = vector.shape_cast %get3A_7 : vector<1x1024x32xf32> to vector<1024x32xf32>
    %dot_general3A = arith.constant dense<0.000000e+00> : vector<1024x1024xf32>
    %dot_general3A_9 = tpu.matmul %get3A_8, %get3A_3, %dot_general3A {dimension_numbers = #tpu.dot_dimension_numbers<[1], [1], [0], [0], [0, 0, 1, 0], [], []>, transpose_lhs_hint = false} : vector<1024x32xf32>, vector<1024x32xf32>, vector<1024x1024xf32> -> vector<1024x1024xf32>
    %mul3A = arith.mulf %get3A_8, %get3A_8 : vector<1024x32xf32>
    %reduce_sum3A = arith.constant dense<0.000000e+00> : vector<1024xf32>
    %reduce_sum3A_10 = vector.multi_reduction <add>, %mul3A, %reduce_sum3A [1] : vector<1024x32xf32> to vector<1024xf32>
    %broadcast_in_dim3A = vector.shape_cast %reduce_sum3A_10 : vector<1024xf32> to vector<1024x1xf32>
    %mul3A_11 = arith.mulf %get3A_3, %get3A_3 : vector<1024x32xf32>
    %reduce_sum3A_12 = arith.constant dense<0.000000e+00> : vector<1024xf32>
    %reduce_sum3A_13 = vector.multi_reduction <add>, %mul3A_11, %reduce_sum3A_12 [1] : vector<1024x32xf32> to vector<1024xf32>
    %broadcast_in_dim3A_14 = vector.shape_cast %reduce_sum3A_13 : vector<1024xf32> to vector<1024x1xf32>
    %transpose3A = tpu.transpose %broadcast_in_dim3A_14, [1, 0] : vector<1024x1xf32> -> vector<1x1024xf32>
    %add3A = vector.broadcast %transpose3A : vector<1x1024xf32> to vector<1024x1024xf32>
    %add3A_15 = vector.broadcast %broadcast_in_dim3A : vector<1024x1xf32> to vector<1024x1024xf32>
    %add3A_16 = arith.addf %add3A, %add3A_15 : vector<1024x1024xf32>
    %mul3A_17 = arith.constant 2.000000e+00 : f32
    %mul3A_18 = vector.broadcast %mul3A_17 : f32 to vector<1024x1024xf32>
    %mul3A_19 = arith.mulf %mul3A_18, %dot_general3A_9 : vector<1024x1024xf32>
    %sub3A = arith.subf %add3A_16, %mul3A_19 : vector<1024x1024xf32>
    %argmin3A = tpu.reduce_index %sub3A {axis = 0 : i32, kind = #tpu.reduction_kind<arg_min>} : vector<1024x1024xf32> -> vector<1024xi32>
    %broadcast_in_dim3A_20 = vector.shape_cast %argmin3A : vector<1024xi32> to vector<1x1024xi32>
    %reduce_min3A = arith.constant dense<0x7F800000> : vector<1024xf32>
    %reduce_min3A_21 = vector.multi_reduction <minimumf>, %sub3A, %reduce_min3A [0] : vector<1024x1024xf32> to vector<1024xf32>
    %reduce_sum3A_22 = vector.shape_cast %reduce_min3A_21 : vector<1024xf32> to vector<1x1024xf32>
    %reduce_sum3A_23 = arith.constant dense<0.000000e+00> : vector<1xf32>
    %reduce_sum3A_24 = vector.multi_reduction <add>, %reduce_sum3A_22, %reduce_sum3A_23 [1] : vector<1x1024xf32> to vector<1xf32>
    %reduce_sum3A_25 = vector.shape_cast %reduce_sum3A_24 : vector<1xf32> to vector<1x1xf32>
    %reduce_sum3A_26 = vector.extract %reduce_sum3A_25[0, 0] : f32 from vector<1x1xf32>
    %eq3A = arith.constant 0 : i32
    %eq3A_27 = arith.cmpi eq, %arg0, %eq3A : i32
    %eq3A_28 = arith.constant 0 : i32
    %eq3A_29 = arith.cmpi eq, %arg1, %eq3A_28 : i32
    %and3A = arith.andi %eq3A_27, %eq3A_29 : i1
    %convert_element_type3A = arith.extui %and3A : i1 to i32
    %cond3A = arith.constant 0 : i32
    %cond3A_30 = arith.cmpi ne, %convert_element_type3A, %cond3A : i32
    scf.if %cond3A_30 {
      %broadcast_in_dim3A_61 = arith.constant 0.000000e+00 : f32
      %broadcast_in_dim3A_62 = vector.broadcast %broadcast_in_dim3A_61 : f32 to vector<1x1xf32>
      %swap3A_63 = arith.constant 0 : index
      %swap3A_64 = arith.constant 0 : index
      %swap3A_65 = vector.load %arg7[%swap3A_63, %swap3A_64] : memref<1x1xf32, #tpu.memory_space<vmem>>, vector<1x1xf32>
      tpu.vector_store %arg7[%swap3A_63, %swap3A_64], %broadcast_in_dim3A_62 {strides = array<i32>} : memref<1x1xf32, #tpu.memory_space<vmem>>, vector<1x1xf32>,
    } else {
    }
    %get3A_31 = arith.constant 0 : index
    %get3A_32 = arith.constant 0 : index
    %get3A_33 = vector.load %arg7[%get3A_31, %get3A_32] : memref<1x1xf32, #tpu.memory_space<vmem>>, vector<1x1xf32>
    %reshape3A = vector.broadcast %reduce_sum3A_26 : f32 to vector<1x1xf32>
    %add3A_34 = arith.addf %get3A_33, %reshape3A : vector<1x1xf32>
    %swap3A = arith.constant 0 : index
    %swap3A_35 = arith.constant 0 : index
    %swap3A_36 = vector.load %arg7[%swap3A, %swap3A_35] : memref<1x1xf32, #tpu.memory_space<vmem>>, vector<1x1xf32>
    tpu.vector_store %arg7[%swap3A, %swap3A_35], %add3A_34 {strides = array<i32>} : memref<1x1xf32, #tpu.memory_space<vmem>>, vector<1x1xf32>,
    %eq3A_37 = arith.constant 3 : i32
    %eq3A_38 = arith.cmpi eq, %arg0, %eq3A_37 : i32
    %eq3A_39 = arith.constant 3 : i32
    %eq3A_40 = arith.cmpi eq, %arg1, %eq3A_39 : i32
    %and3A_41 = arith.andi %eq3A_38, %eq3A_40 : i1
    %convert_element_type3A_42 = arith.extui %and3A_41 : i1 to i32
    %cond3A_43 = arith.constant 0 : i32
    %cond3A_44 = arith.cmpi ne, %convert_element_type3A_42, %cond3A_43 : i32
    scf.if %cond3A_44 {
      %get3A_61 = arith.constant 0 : index
      %get3A_62 = arith.constant 0 : index
      %get3A_63 = vector.load %arg7[%get3A_61, %get3A_62] : memref<1x1xf32, #tpu.memory_space<vmem>>, vector<1x1xf32>
      %mul3A_64 = arith.constant 7.4505806E-8 : f32
      %mul3A_65 = vector.broadcast %mul3A_64 : f32 to vector<1x1xf32>
      %mul3A_66 = arith.mulf %get3A_63, %mul3A_65 : vector<1x1xf32>
      %swap3A_67 = arith.constant 0 : index
      %swap3A_68 = arith.constant 0 : index
      %swap3A_69 = vector.load %arg7[%swap3A_67, %swap3A_68] : memref<1x1xf32, #tpu.memory_space<vmem>>, vector<1x1xf32>
      tpu.vector_store %arg7[%swap3A_67, %swap3A_68], %mul3A_66 {strides = array<i32>} : memref<1x1xf32, #tpu.memory_space<vmem>>, vector<1x1xf32>,
    } else {
    }
    %mul3A_45 = arith.constant 1024 : i32
    %mul3A_46 = arith.muli %arg1, %mul3A_45 : i32
    %swap3A_47 = arith.index_cast %arg0 : i32 to index
    %swap3A_48 = arith.index_cast %mul3A_46 : i32 to index
    %swap3A_49 = vector.load %arg5[%swap3A_47, %swap3A_48] : memref<4x4096xi32, #tpu.memory_space<vmem>>, vector<1x1024xi32>
    tpu.vector_store %arg5[%swap3A_47, %swap3A_48], %broadcast_in_dim3A_20 {strides = array<i32>} : memref<4x4096xi32, #tpu.memory_space<vmem>>, vector<1x1024xi32>,
    %get3A_50 = arith.index_cast %arg0 : i32 to index
    %get3A_51 = memref.load %arg2[%get3A_50] : memref<4xi32, #tpu.memory_space<smem>>
    %mul3A_52 = arith.constant 1024 : i32
    %mul3A_53 = arith.muli %get3A_51, %mul3A_52 : i32
    %add3A_54 = vector.broadcast %mul3A_53 : i32 to vector<1x1024xi32>
    %add3A_55 = arith.addi %broadcast_in_dim3A_20, %add3A_54 : vector<1x1024xi32>
    %mul3A_56 = arith.constant 1024 : i32
    %mul3A_57 = arith.muli %arg1, %mul3A_56 : i32
    %swap3A_58 = arith.index_cast %arg0 : i32 to index
    %swap3A_59 = arith.index_cast %mul3A_57 : i32 to index
    %swap3A_60 = vector.load %arg6[%swap3A_58, %swap3A_59] : memref<4x4096xi32, #tpu.memory_space<vmem>>, vector<1x1024xi32>
    tpu.vector_store %arg6[%swap3A_58, %swap3A_59], %add3A_55 {strides = array<i32>} : memref<4x4096xi32, #tpu.memory_space<vmem>>, vector<1x1024xi32>,
    return
  }
  func.func @transform_0(%arg0: i32, %arg1: i32, %arg2: memref<4xi32, #tpu.memory_space<smem>>) -> (i32, i32, i32) {
    %c0_i32 = arith.constant 0 : i32
    %c0_i32_0 = arith.constant 0 : i32
    return %arg0, %arg1, %c0_i32 : i32, i32, i32
  }
  func.func @transform_1(%arg0: i32, %arg1: i32, %arg2: memref<4xi32, #tpu.memory_space<smem>>) -> (i32, i32, i32) {
    %get3A = arith.index_cast %arg0 : i32 to index
    %get3A_0 = memref.load %arg2[%get3A] : memref<4xi32, #tpu.memory_space<smem>>
    %c0_i32 = arith.constant 0 : i32
    %c0_i32_1 = arith.constant 0 : i32
    %c0_i32_2 = arith.constant 0 : i32
    return %get3A_0, %c0_i32, %c0_i32_1 : i32, i32, i32
  }
  func.func @transform_2(%arg0: i32, %arg1: i32, %arg2: memref<4xi32, #tpu.memory_space<smem>>) -> (i32, i32) {
    %c0_i32 = arith.constant 0 : i32
    %c0_i32_0 = arith.constant 0 : i32
    %c0_i32_1 = arith.constant 0 : i32
    return %c0_i32, %c0_i32_0 : i32, i32
  }
  func.func @transform_3(%arg0: i32, %arg1: i32, %arg2: memref<4xi32, #tpu.memory_space<smem>>) -> (i32, i32) {
    %c0_i32 = arith.constant 0 : i32
    %c0_i32_0 = arith.constant 0 : i32
    %c0_i32_1 = arith.constant 0 : i32
    return %c0_i32, %c0_i32_0 : i32, i32
  }
  func.func @transform_4(%arg0: i32, %arg1: i32, %arg2: memref<4xi32, #tpu.memory_space<smem>>) -> (i32, i32) {
    %c0_i32 = arith.constant 0 : i32
    %c0_i32_0 = arith.constant 0 : i32
    %c0_i32_1 = arith.constant 0 : i32
    return %c0_i32, %c0_i32_0 : i32, i32
  }
}

</mosaic_0001>

<sc_bundles>
// kernel: kernel.5.cloned.1.call-start
scs
__scs_entry_jumppad:
0x0: {  	(pc) =	sbr.rel $0x88, $3  }
0x1: {  	(tag) =	ssettag $0x0;
	lr =	simm.s32 $0x1  }
0x2: {  	[smem:$0x3F98] =	sst lr;
	_ =	strace $0xD0000000  }
0x3: {  	_ = 	snop  }
0x4: {  	_ = 	snop  }
0x5: {  	_ = 	snop  }
0x6: {  	_ = 	snop  }
0x7: {  	_ = 	snop  }
__scs_overlays_trampoline_lowered:
0x8: {  	[smem:$0x3FA7] =	sst s0  }
0x9: {  	[smem:$0x3FA8] =	sst s1  }
0xa: {  	[smem:$0x3FA9] =	sst s2  }
0xb: {  	[smem:$0x3FAA] =	sst s3  }
0xc: {  	[smem:$0x3FAB] =	sst s4  }
0xd: {  	[smem:$0x3FAC] =	sst s5  }
0xe: {  	[smem:$0x3FAD] =	sst s6  }
0xf: {  	[smem:$0x3FAE] =	sst s7  }
0x10: {  	[smem:$0x3FAF] =	sst s8  }
0x11: {  	[smem:$0x3FB0] =	sst s9;
	s0 =	simm.s32 @!p0 $0x0  }
0x12: {  	s1 =	sld [smem:$0x3F96];
	s0 =	simm.s32 @p0 $0x1  }
0x13: {  	[smem:$0x3FB1] =	sst s0;
	s0 =	simm.s32 @!p1 $0x0  }
0x14: {  	s2 =	sld [smem:$0x3F95];
	s0 =	simm.s32 @p1 $0x1  }
0x15: {  	[smem:$0x3FB2] =	sst s0;
	s0 =	simm.s32 @!p2 $0x0  }
0x16: {  	s3 =	sld [smem:$0x3FDB];
	s0 =	simm.s32 @p2 $0x1  }
0x17: {  	s4 =	simm.s32 $0x1BF5;
	[smem:$0x3FB4] =	sst s0  }
0x18: {  	s0 =	sld [smem:$0x3F97];
	_ =	swait.ge [sflag:s4], $0x0  }
0x19: {  	s7 =	sld [smem:$0x3F98]  }
0x1a: {  	s8 =	sadd.s32 $0xFFFFE003, lr  }
0x1b: {  	s9 =	sadd.s32 $0xFFFFFEF7, lr;
	s5 =	simm.s32 $0xFFFFFFFF;
	p2 =	slt.u32 s8, $0xFFFFF086  }
0x1c: {  	p1 =	slt.u32 s9, $0xF7A;
	s5 =	simm.s32 @!p2 $0x0  }
0x1d: {  	s5 =	simm.s32 @p1 $0x1;
	p0 =	seq.s32 s7, s2  }
0x1e: {  	s7 =	smul.u32 @!p0 $0xF7A, s2;
	p2 =	seq.s32 @!p0 s5, $0x0  }
0x1f: {  	s9 =	smul.u32 $0xF7A, s1;
	s8 =	simm.s32 @!p0 $0x1BF5;
	p2 =	por !p2, p0  }
0x20: {  	[sflag:s8] =	ssyncset.s32 @!p0 $0xFFFFF086;
	s6 =	sadd.s32 @!p0 s3, s7;
	s7 =	simm.s32 @!p0 $0x108  }
0x21: {  	s3 =	sadd.s32 s3, s9;
	s6 =	sadd.s32 @!p0 $0x88, s6;
	s7 =	simm.s32 @p2 $0x1082  }
0x22: {  	[simem:s7], [sflag:s8] =	dma.local @!p0 [hbm:s6], $0xF7A  }
0x23: {  	s9 =	sor.u32 $0xD0000000, s2;
	s6 =	simm.s32 $0x108;
	_ =	swait.ge @!p0 [sflag:s8], $0x0  }
0x24: {  	s3 =	sadd.s32 $0x88, s3;
	s6 =	simm.s32 @!p1 $0x1082;
	[sflag:s4] =	ssyncset.s32 $0xFFFFF086  }
0x25: {  	[simem:s6], [sflag:s4] =	dma.local [hbm:s3], $0xF7A  }
0x26: {  	[smem:$0x3F98] =	sst s1;
	(tag) =	ssettag s2;
	_ =	strace s9  }
0x27: {  	s1 =	sld [smem:$0x3FA8]  }
0x28: {  	s2 =	sld [smem:$0x3FA9]  }
0x29: {  	s4 =	sld [smem:$0x3FAB]  }
0x2a: {  	p0 =	seq.s32 s5, $0x0;
	s5 =	sld [smem:$0x3FAC]  }
0x2b: {  	s6 =	sld [smem:$0x3FAD]  }
0x2c: {  	s7 =	sld [smem:$0x3FAE]  }
0x2d: {  	s3 =	simm.s32 $0x108;
	s8 =	sld [smem:$0x3FAF]  }
0x2e: {  	s3 =	simm.s32 @!p0 $0x1082;
	s9 =	sld [smem:$0x3FB0]  }
0x2f: {  	lr =	sadd.s32 s0, s3;
	s0 =	sld [smem:$0x3FA7]  }
0x30: {  	s3 =	sld [smem:$0x3FAA]  }
0x31: {  	[smem:$0x3FB3] =	sst s10  }
0x32: {  	s10 =	sld [smem:$0x3FB1];
	_ =	sdelay $0x3  }
0x33: {  	p0 =	seq.s32 s10, $0x1;
	s10 =	sld [smem:$0x3FB3];
	_ =	sdelay $0x3  }
0x34: {  	[smem:$0x3FB3] =	sst s10  }
0x35: {  	s10 =	sld [smem:$0x3FB2];
	_ =	sdelay $0x3  }
0x36: {  	p1 =	seq.s32 s10, $0x1;
	s10 =	sld [smem:$0x3FB3];
	_ =	sdelay $0x3  }
0x37: {  	[smem:$0x3FB3] =	sst s10  }
0x38: {  	s10 =	sld [smem:$0x3FB4]  }
0x39: {  	_ = 	snop;
	(pc) =	sbr.ind lr, $3  }
0x3a: {  	_ = 	snop  }
0x3b: {  	_ = 	snop  }
0x3c: {  	p2 =	seq.s32 s10, $0x1;
	s10 =	sld [smem:$0x3FB3]  }
0x3d: {  	_ =	shalt  }
0x3e: {  	_ =	shalt  }
0x3f: {  	_ =	shalt  }
0x40: {  	_ =	shalt  }
0x41: {  	_ =	shalt  }
0x42: {  	_ =	shalt  }
0x43: {  	_ =	shalt  }
0x44: {  	_ =	shalt  }
0x45: {  	_ =	shalt  }
0x46: {  	_ =	shalt  }
0x47: {  	_ =	shalt  }
0x48: {  	_ =	shalt  }
0x49: {  	_ =	shalt  }
0x4a: {  	_ =	shalt  }
0x4b: {  	_ =	shalt  }
0x4c: {  	_ =	shalt  }
0x4d: {  	_ =	shalt  }
0x4e: {  	_ =	shalt  }
0x4f: {  	_ =	shalt  }
0x50: {  	_ =	shalt  }
0x51: {  	_ =	shalt  }
0x52: {  	_ =	shalt  }
0x53: {  	_ =	shalt  }
0x54: {  	_ =	shalt  }
0x55: {  	_ =	shalt  }
0x56: {  	_ =	shalt  }
0x57: {  	_ =	shalt  }
0x58: {  	_ =	shalt  }
0x59: {  	_ =	shalt  }
0x5a: {  	_ =	shalt  }
0x5b: {  	_ =	shalt  }
0x5c: {  	_ =	shalt  }
0x5d: {  	_ =	shalt  }
0x5e: {  	_ =	shalt  }
0x5f: {  	_ =	shalt  }
0x60: {  	_ =	shalt  }
0x61: {  	_ =	shalt  }
0x62: {  	_ =	shalt  }
0x63: {  	_ =	shalt  }
0x64: {  	_ =	shalt  }
0x65: {  	_ =	shalt  }
0x66: {  	_ =	shalt  }
0x67: {  	_ =	shalt  }
0x68: {  	_ =	shalt  }
0x69: {  	_ =	shalt  }
0x6a: {  	_ =	shalt  }
0x6b: {  	_ =	shalt  }
0x6c: {  	_ =	shalt  }
0x6d: {  	_ =	shalt  }
0x6e: {  	_ =	shalt  }
0x6f: {  	_ =	shalt  }
0x70: {  	_ =	shalt  }
0x71: {  	_ =	shalt  }
0x72: {  	_ =	shalt  }
0x73: {  	_ =	shalt  }
0x74: {  	_ =	shalt  }
0x75: {  	_ =	shalt  }
0x76: {  	_ =	shalt  }
0x77: {  	_ =	shalt  }
0x78: {  	_ =	shalt  }
0x79: {  	_ =	shalt  }
0x7a: {  	_ =	shalt  }
0x7b: {  	_ =	shalt  }
0x7c: {  	_ =	shalt  }
0x7d: {  	_ =	shalt  }
0x7e: {  	_ =	shalt  }
0x7f: {  	_ =	shalt  }
0x80: {  	_ =	shalt  }
0x81: {  	_ =	shalt  }
0x82: {  	_ =	shalt  }
0x83: {  	_ =	shalt  }
0x84: {  	_ =	shalt  }
0x85: {  	_ =	shalt  }
0x86: {  	_ =	shalt  }
0x87: {  	_ =	shalt  }
.Lfunc_end0:
.L_simem_size_0:
called_computation_lowered:
.L_overlay_start_0:
0x88: {  	s2 =	sld [smem:$0x3FD9]  }
0x89: {  	s3 =	sld [smem:$0x3FFE];
	_ =	sdelay $0x1  }
0x8a: {  	s1 =	srdreg.scid  }
0x8b: {  	s0 =	sand.u32 $0x1, s1  }
0x8c: {  	s14 =	sshll.u32 s0, $0xA;
	s2 =	sadd.s32 s3, s2  }
0x8d: {  	s2 =	sadd.s32 s2, s14  }
0x8e: {  	[smem:$0x3FBF] =	sst s2  }
0x8f: {  	_ = 	snop  }
0x90: {  	s2 =	sld [smem:$0x3FD0];
	_ =	sdelay $0x2  }
0x91: {  	s15 =	simm.s32 $0xA;
	s4 =	simm.s32 $0x10  }
0x92: {  	[smem:s4], [sflag:s15] =	dma.local [hbm:s2], $0x1  }
0x93: {  	_ =	swait.eq [sflag:s15], $0x1  }
0x94: {  	[sflag:s15] =	ssyncset.done $0x0  }
0x95: {  	s16 =	sld [smem:$0x10];
	[sflag:s15] =	ssyncadd.s32 $0xFFFFFFFF  }
0x96: {  	s17 =	sld [smem:$0x17];
	(tm) =	ssettm $0x1  }
0x97: {  	s18 =	sld [smem:$0x3FFB];
	_ =	sdelay $0x3  }
0x98: {  	_ =	strace s18  }
0x99: {  	s4 =	sld [smem:$0x3FFC];
	_ =	sdelay $0x3  }
0x9a: {  	_ =	strace s4  }
0x9b: {  	s4 =	sld [smem:$0x3FFD];
	_ =	sdelay $0x3  }
0x9c: {  	_ =	strace s4  }
0x9d: {  	_ =	strace $0x8FFFFFFF  }
0x9e: {  	s19 =	sld [smem:$0x3FDB];
	_ =	sdelay $0x1  }
0x9f: {  	s5 =	simm.s32 $_scs_section_size  }
0xa0: {  	s6 =	simm.s32 $_size__tile_overlayer_lowered;
	s7 =	simm.s32 $_tile_overlayer_lowered  }
0xa1: {  	s22 =	simm.s32 $0x1BFF;
	s21 =	sshll.u32 s7, $0x1;
	s4 =	sadd.s32 s5, s19  }
0xa2: {  	s8 =	simm.s32 $0x0;
	s20 =	sshll.u32 s6, $0x1;
	s6 =	sadd.s32 s21, s4  }
0xa3: {  	[timem:s8], [sflag:s22] =	dma.local [hbm:s6], s20  }
0xa4: {  	_ =	swait.ge [sflag:s22], s20  }
0xa5: {  	s5 =	ssub.s32 $0x0, s20;
	[sflag:s22] =	ssyncset.done $0x0  }
0xa6: {  	[sflag:s22] =	ssyncadd.s32 s5;
	_ =	sdelay $0x1  }
0xa7: {  	s23 =	simm.s32 $0x1B8B  }
0xa8: {  	_ =	swait.ge [sflag:s23], $0x1  }
0xa9: {  	[sflag:s23] =	ssyncset.done $0x0  }
0xaa: {  	s25 =	simm.s32 $0x1B8E;
	s24 =	sld [smem:$0x3FFE];
	[sflag:s23] =	ssyncadd.s32 $0xFFFFFFFF  }
0xab: {  	s26 =	simm.s32 $execute0_lowered;
	[smem:$0x3FD2] =	sst s25  }
0xac: {  	s6 =	sshll.u32 s26, $0x1;
	_ =	strace $0x80000046;
	[dreg:$0x1] =	wrdreg $0xFFFFFFFF  }
0xad: {  	s28 =	simm.s32 $_size_execute0_lowered;
	s4 =	sadd.s32 s4, s6;
	[dreg:$0x0] =	wrdreg $0x0  }
0xae: {  	s6 =	sshll.u32 s28, $0x1;
	[dreg:$0x2] =	wrdreg s4  }
0xaf: {  	[dreg:$0x3] =	wrdreg s6  }
0xb0: {  	[dreg:$0x4] =	wrdreg $0xC0  }
0xb1: {  	_ =	task [dreg:s8], $0x5FFFF  }
0xb2: {  	[dreg:$0x1] =	wrdreg $0xFFFFFFFF  }
0xb3: {  	[dreg:$0x0] =	wrdreg $0x60  }
0xb4: {  	[dreg:$0x2] =	wrdreg s24  }
0xb5: {  	[dreg:$0x3] =	wrdreg s16  }
0xb6: {  	[dreg:$0x4] =	wrdreg s17  }
0xb7: {  	[dreg:$0x5] =	wrdreg $0x9  }
0xb8: {  	_ =	task.clear_ibuf [dreg:s8], $0x6FFFF;
	_ =	strace $0x90000046  }
0xb9: {  	s29 =	simm.s32 $0x9;
	_ =	strace $0x80000048  }
0xba: {  	_ =	swait.ge [sflag:s29], $0x1  }
0xbb: {  	[sflag:s29] =	ssyncadd.s32 $0xFFFFFFFF  }
0xbc: {  	_ =	strace $0x90000048  }
0xbd: {  	_ =	sfence  }
0xbe: {  	s30 =	sld [smem:$0x0];
	_ =	sdelay $0x2  }
0xbf: {  	s31 =	sshll.u32 s1, $0xD;
	s1 =	sshrl.u32 s1, $0x2  }
0xc0: {  	s3 =	sand.u32 $0x4000, s31;
	s1 =	sadd.s32 s1, s30  }
0xc1: {  	s0 =	sor.u32 s3, s0;
	s1 =	sshll.u32 s1, $0x11  }
0xc2: {  	s0 =	sor.u32 s1, s0  }
0xc3: {  	s0 =	sadd.s32 $0x8F2B, s0  }
0xc4: {  	[sflag:s0] =	ssyncadd.remote.s32 $0x1  }
0xc5: {  	_ =	sfence.sel $0xFFFF  }
0xc6: {  	[dreg:$0x0] =	wrdreg $0xFFFFFFFF;
	(pc) =	sbr.abs _section_cstart, $3  }
0xc7: {  	[dreg:$0x1] =	wrdreg $0xFFFFFFFF  }
0xc8: {  	_ =	task.clear_ibuf [dreg:s8], $0x2FFFF;
	_ =	strace $0x9FFFFFFF  }
0xc9: {  	(tm) =	ssettm $0x7FFFFFFF  }
tec
execute0_lowered:
.L_overlay_start_1:
0x0: {  	(tag) =	ssettag $0x1  }
0x1: {  	s3 =	rddreg [dreg:$0x0]  }
0x2: {  	s5 =	rddreg [dreg:$0x1]  }
0x3: {  	s8 =	rddreg [dreg:$0x2]  }
0x4: {  	s0 =	rddreg [dreg:$0x3]  }
0x5: {  	s4 =	srdreg.scid;
	s1 =	stileid.u32;
	s2 =	simm.s32 $0x0  }
0x6: {  	s13 =	simm.s32 $0x4200;
	s14 =	simm.s32 $0x4300;
	s15 =	simm.s32 $0x4400  }
0x7: {  	s4 =	sand.u32 $0x1, s4;
	s6 =	sshll.u32 s1, $0x1;
	[smem:$0x7FF] =	sst s2  }
0x8: {  	s6 =	sor.u32 s4, s6;
	_ =	strace $0x80000047;
	s4 =	ssub.s32 $0x2, s4  }
0x9: {  	s7 =	sshll.u32 s6, $0x6;
	s9 =	sshll.u32 s6, $0x5;
	s10 =	sshrl.u32 s4, $0x1  }
0xa: {  	s11 =	sshll.u32 s6, $0xB;
	s12 =	smul.u32 $0x140, s6;
	s7 =	sadd.s32 s7, s3  }
0xb: {  	s9 =	sadd.s32 s9, s3;
	s3 =	sadd.s32 $0x1400, s3;
	s10 =	ssub.s32 s4, s10  }
0xc: {  	s5 =	sadd.s32 s5, s11;
	s11 =	simm.s32 $0x200;
	s4 =	sadd.s32 $0xC00, s7  }
0xd: {  	s6 =	sadd.s32 $0x800, s9;
	s7 =	sadd.s32 $0x400, s9;
	s8 =	sadd.s32 s8, s12  }
0xe: {  	s9 =	smax.u32 s10, $0x1;
	s10 =	simm.s32 $0x2;
	s12 =	simm.s32 $0x1  }
.LBB2_1:
0xf: {  	[tilespmem:s2], [sflag:$0x2] =	stream.linear.gather [hbm4b:s4+s2], $0x200, $0x38;
	[tilespmem:$0x4E00] =	vst v63  }
0x10: {  	_ =	swait.ge [sflag:s10], $0x200  }
0x11: {  	[sflag:s10] =	ssyncset.done $0x0  }
0x12: {  	[sflag:s10] =	ssyncadd.s32 $0xFFFFFE00  }
0x13: {  	[tilespmem:s11], [sflag:$0x1] =	stream.indirect.gather [hbm4b:s3+s11], $0x20, s2, s11, $0xb8;
	[tilespmem:$0x4E00] =	vst v63  }
0x14: {  	_ =	swait.ge [sflag:s12], $0x4000  }
0x15: {  	[sflag:s12] =	ssyncset.done $0x0  }
0x16: {  	[sflag:s12] =	ssyncadd.s32 $0xFFFFC000  }
0x17: {  	[hbm4b:s5+s2] =	stream.linear.scatter [tilespmem:s11], [sflag:$0x2], $0x4000, $0x38;
	[tilespmem:$0x4E00] =	vst v63  }
0x18: {  	_ =	swait.ge [sflag:s10], $0x4000  }
0x19: {  	[sflag:s10] =	ssyncset.done $0x0  }
0x1a: {  	[sflag:s10] =	ssyncadd.s32 $0xFFFFC000  }
0x1b: {  	[tilespmem:s13], [sflag:$0x2] =	stream.linear.gather [hbm4b:s6+s2], $0x100, $0x38;
	[tilespmem:$0x4E00] =	vst v63  }
0x1c: {  	_ =	swait.ge [sflag:s10], $0x100  }
0x1d: {  	[sflag:s10] =	ssyncset.done $0x0  }
0x1e: {  	[sflag:s10] =	ssyncadd.s32 $0xFFFFFF00  }
0x1f: {  	[tilespmem:s14], [sflag:$0x2] =	stream.linear.gather [hbm4b:s7+s2], $0x100, $0x38;
	[tilespmem:$0x4E00] =	vst v63  }
0x20: {  	_ =	swait.ge [sflag:s10], $0x100  }
0x21: {  	[sflag:s10] =	ssyncset.done $0x0  }
0x22: {  	[sflag:s10] =	ssyncadd.s32 $0xFFFFFF00  }
0x23: {  	v0 =	vld [tilespmem:$0x4200];
	_ =	sdelay $0x1  }
0x24: {  	v1 =	vld [tilespmem:$0x4300];
	_ =	sdelay $0x1  }
0x25: {  	v63 =	vld [tilespmem:$0x4210]  }
0x26: {  	v10 =	vld [tilespmem:$0x4310];
	v2 =	vshra.s32 v0, $0x7  }
0x27: {  	v3 =	vshll.u32 v0, $0x2;
	v4 =	vshrl.u32 v0, $0x5;
	v5 =	vshrl.u32 v0, $0x3  }
0x28: {  	v33 =	vld [tilespmem:$0x4220];
	v6 =	vshra.s32 v1, $0x8;
	v0 =	vshrl.u32 v0, $0x1;
	v59 =	vshrl.u32 v1, $0x5  }
0x29: {  	v35 =	vld [tilespmem:$0x4320];
	v61 =	vshrl.u32 v1, $0x3;
	v62 =	vshrl.u32 v1, $0x1;
	v1 =	vshll.u32 v1, $0x1  }
0x2a: {  	v51 =	vld [tilespmem:$0x4230];
	v14 =	vshra.s32 v63, $0x7;
	v17 =	vshrl.u32 v63, $0x5;
	v18 =	vshll.u32 v63, $0x2  }
0x2b: {  	v19 =	vshra.s32 v10, $0x8;
	v21 =	vshrl.u32 v63, $0x3;
	v23 =	vshrl.u32 v63, $0x1  }
0x2c: {  	v25 =	vshrl.u32 v10, $0x5;
	v31 =	vshrl.u32 v10, $0x3;
	v32 =	vshrl.u32 v10, $0x1  }
0x2d: {  	v38 =	vshra.s32 v33, $0x7;
	v39 =	vshll.u32 v33, $0x2;
	v40 =	vshrl.u32 v33, $0x5  }
0x2e: {  	v41 =	vshrl.u32 v33, $0x3;
	v45 =	vshrl.u32 v35, $0x5;
	v49 =	vshrl.u32 v35, $0x3  }
0x2f: {  	v50 =	vshrl.u32 v35, $0x1;
	v55 =	vshra.s32 v51, $0x7;
	v2 =	vand.u32 $0xFFFFFFFE, v2  }
0x30: {  	v3 =	vand.u32 $0xC, v3;
	v4 =	vand.u32 $0x6, v4;
	v5 =	vand.u32 $0x6, v5  }
0x31: {  	v0 =	vand.u32 $0x6, v0;
	v58 =	vshll.u32 v6, $0x1;
	v60 =	vand.u32 $0x6, v59  }
0x32: {  	v1 =	vand.u32 $0x6, v1;
	v16 =	vand.u32 $0xFFFFFFFE, v14;
	v22 =	vand.u32 $0x6, v21  }
0x33: {  	v24 =	vshll.u32 v19, $0x1;
	v27 =	vand.u32 $0x6, v25;
	v46 =	vand.u32 $0x6, v45  }
0x34: {  	v59 =	vshll.u32 v51, $0x2;
	v2 =	vadd.s32 $0xFFFFFFFD, v2;
	v4 =	vadd.s32 $0xFFFFFFFD, v4  }
0x35: {  	v3 =	vor.u32 v6, v3;
	v57 =	vadd.s32 $0xFFFFFFFD, v5;
	v0 =	vadd.s32 $0xFFFFFFFD, v0  }
0x36: {  	v1 =	vadd.s32 $0xFFFFFFFD, v1;
	v29 =	vadd.s32 $0xFFFFFFFD, v27;
	v5 =	vand.u32 $0x6, v40  }
0x37: {  	v6 =	vand.u32 $0x6, v41;
	v2 =	vcvt.s32.f32 v2;
	v4 =	vcvt.s32.f32 v4  }
0x38: {  	v3 =	vshra.s32 v3, $0x1;
	v0 =	vcvt.s32.f32 v0;
	v7 =	vcvt.s32.f32 v1  }
0x39: {  	v30 =	vcvt.s32.f32 v29;
	v1 =	vshll.u32 v10, $0x1;
	v5 =	vadd.s32 $0xFFFFFFFD, v5  }
0x3a: {  	v53 =	vld [tilespmem:$0x4330];
	v42 =	vadd.s32 $0xFFFFFFFD, v6;
	v3 =	vand.u32 $0xFFFFFFFE, v3;
	v5 =	vcvt.s32.f32 v5  }
0x3b: {  	v1 =	vand.u32 $0x6, v1;
	v9 =	vmul.f32 $3.162277640e-01, v2;
	v8 =	vmul.f32 $3.162277640e-01, v4  }
0x3c: {  	v2 =	vcvt.s32.f32 v57;
	v4 =	vand.u32 $0x6, v58;
	v3 =	vadd.s32 $0xFFFFFFFD, v3  }
0x3d: {  	v15 =	vmul.f32 $3.162277640e-01, v0;
	v0 =	vadd.s32 $0xFFFFFFFD, v60;
	v20 =	vmul.f32 $3.162277640e-01, v7  }
0x3e: {  	v1 =	vadd.s32 $0xFFFFFFFD, v1;
	v7 =	vshra.s32 v35, $0x8;
	v57 =	vand.u32 $0xFFFFFFFE, v55  }
0x3f: {  	v58 =	vshrl.u32 v51, $0x5;
	v60 =	vshra.s32 v53, $0x8;
	v3 =	vcvt.s32.f32 v3  }
0x40: {  	v4 =	vadd.s32 $0xFFFFFFFD, v4;
	v0 =	vcvt.s32.f32 v0;
	v1 =	vcvt.s32.f32 v1  }
0x41: {  	v43 =	vshll.u32 v7, $0x1;
	v10 =	vshll.u32 v60, $0x1;
	v4 =	vcvt.s32.f32 v4  }
0x42: {  	v44 =	vmul.f32 $3.162277640e-01, v2;
	v2 =	vand.u32 $0x6, v61;
	v61 =	vshrl.u32 v51, $0x3  }
0x43: {  	v13 =	vmul.f32 $3.162277640e-01, v3;
	v3 =	vand.u32 $0x6, v62;
	v2 =	vadd.s32 $0xFFFFFFFD, v2  }
0x44: {  	v0 =	vmul.f32 $3.162277640e-01, v0;
	v37 =	vmul.f32 $3.162277640e-01, v1;
	v1 =	vand.u32 $0xFFFFFFFE, v38  }
0x45: {  	v62 =	vand.u32 $0x6, v61;
	v11 =	vmul.f32 $3.162277640e-01, v4;
	v3 =	vadd.s32 $0xFFFFFFFD, v3  }
0x46: {  	v2 =	vcvt.s32.f32 v2;
	v4 =	vand.u32 $0x6, v24;
	v1 =	vadd.s32 $0xFFFFFFFD, v1  }
0x47: {  	v3 =	vcvt.s32.f32 v3;
	[tilespmem:$0x1FEF0] =	vst v0;
	v0 =	vadd.s32 $0xFFFFFFFD, v16;
	v1 =	vcvt.s32.f32 v1  }
0x48: {  	v4 =	vadd.s32 $0xFFFFFFFD, v4;
	v2 =	vmul.f32 $3.162277640e-01, v2;
	v0 =	vcvt.s32.f32 v0  }
0x49: {  	v38 =	vld [tilespmem:$0x4340];
	v26 =	vcvt.s32.f32 v4;
	v4 =	vshrl.u32 v33, $0x1;
	v33 =	vshrl.u32 v53, $0x1  }
0x4a: {  	v12 =	vmul.f32 $3.162277640e-01, v3;
	v3 =	vand.u32 $0xC, v18;
	v21 =	vmul.f32 $3.162277640e-01, v1  }
0x4b: {  	v18 =	vmul.f32 $3.162277640e-01, v5;
	v1 =	vcvt.s32.f32 v42;
	v4 =	vand.u32 $0x6, v4  }
0x4c: {  	v5 =	vand.u32 $0x6, v43;
	[tilespmem:$0x1FF00] =	vst v2;
	v2 =	vand.u32 $0x6, v17;
	v3 =	vor.u32 v19, v3  }
0x4d: {  	v0 =	vmul.f32 $3.162277640e-01, v0;
	v19 =	vmul.f32 $3.162277640e-01, v30;
	v4 =	vadd.s32 $0xFFFFFFFD, v4  }
0x4e: {  	v5 =	vadd.s32 $0xFFFFFFFD, v5;
	v55 =	vshrl.u32 v38, $0x1;
	v2 =	vadd.s32 $0xFFFFFFFD, v2  }
0x4f: {  	v3 =	vshra.s32 v3, $0x1;
	v4 =	vcvt.s32.f32 v4;
	v5 =	vcvt.s32.f32 v5  }
0x50: {  	[tilespmem:$0x1FF10] =	vst v12;
	v27 =	vmul.f32 $3.162277640e-01, v1;
	v1 =	vadd.s32 $0xFFFFFFFD, v46;
	v12 =	vshrl.u32 v53, $0x5  }
0x51: {  	v2 =	vcvt.s32.f32 v2;
	[tilespmem:$0x1FF20] =	vst v0;
	v0 =	vadd.s32 $0xFFFFFFFD, v22;
	v3 =	vand.u32 $0xFFFFFFFE, v3  }
0x52: {  	v1 =	vcvt.s32.f32 v1;
	v17 =	vand.u32 $0x6, v12;
	v0 =	vcvt.s32.f32 v0  }
0x53: {  	v3 =	vadd.s32 $0xFFFFFFFD, v3;
	v24 =	vmul.f32 $3.162277640e-01, v4;
	v48 =	vmul.f32 $3.162277640e-01, v5  }
0x54: {  	v4 =	vand.u32 $0x6, v50;
	v5 =	vand.u32 $0x6, v10;
	v2 =	vmul.f32 $3.162277640e-01, v2  }
0x55: {  	v3 =	vcvt.s32.f32 v3;
	v4 =	vadd.s32 $0xFFFFFFFD, v4;
	v22 =	vmul.f32 $3.162277640e-01, v1  }
0x56: {  	v1 =	vadd.s32 $0xFFFFFFFD, v57;
	v16 =	vmul.f32 $3.162277640e-01, v0;
	v0 =	vmul.f32 $3.162277640e-01, v26  }
0x57: {  	v5 =	vadd.s32 $0xFFFFFFFD, v5;
	[tilespmem:$0x1FFB0] =	vst v48;
	v4 =	vcvt.s32.f32 v4;
	v1 =	vcvt.s32.f32 v1  }
0x58: {  	v14 =	vcvt.s32.f32 v5;
	v48 =	vshra.s32 v38, $0x8;
	[tilespmem:$0x1FF30] =	vst v2;
	v2 =	vand.u32 $0x6, v23  }
0x59: {  	v28 =	vmul.f32 $3.162277640e-01, v3;
	v3 =	vand.u32 $0x6, v32;
	v32 =	vshrl.u32 v53, $0x3  }
0x5a: {  	v2 =	vadd.s32 $0xFFFFFFFD, v2;
	v3 =	vadd.s32 $0xFFFFFFFD, v3;
	v54 =	vmul.f32 $3.162277640e-01, v4  }
0x5b: {  	v4 =	vand.u32 $0xC, v59;
	v26 =	vmul.f32 $3.162277640e-01, v1;
	v29 =	vmul.f32 $3.162277640e-01, v14  }
0x5c: {  	v1 =	vadd.s32 $0xFFFFFFFD, v62;
	v2 =	vcvt.s32.f32 v2;
	v3 =	vcvt.s32.f32 v3  }
0x5d: {  	[tilespmem:$0x1FF50] =	vst v28;
	v4 =	vor.u32 v60, v4;
	v1 =	vcvt.s32.f32 v1;
	v28 =	vadd.s32 $0xFFFFFFFD, v17  }
0x5e: {  	[tilespmem:$0x1FFC0] =	vst v54;
	v4 =	vshra.s32 v4, $0x1;
	v54 =	vshrl.u32 v38, $0x3;
	v2 =	vmul.f32 $3.162277640e-01, v2  }
0x5f: {  	v36 =	vmul.f32 $3.162277640e-01, v3;
	v3 =	vand.u32 $0xC, v39;
	v4 =	vand.u32 $0xFFFFFFFE, v4  }
0x60: {  	v25 =	vmul.f32 $3.162277640e-01, v1;
	v1 =	vshll.u32 v38, $0x1;
	v3 =	vor.u32 v7, v3  }
0x61: {  	v7 =	vshrl.u32 v51, $0x1;
	v4 =	vadd.s32 $0xFFFFFFFD, v4;
	v51 =	vshll.u32 v48, $0x1  }
0x62: {  	v1 =	vand.u32 $0x6, v1;
	[tilespmem:$0x1FF40] =	vst v2;
	v2 =	vand.u32 $0x6, v31;
	v3 =	vshra.s32 v3, $0x1  }
0x63: {  	v4 =	vcvt.s32.f32 v4;
	v31 =	vcvt.s32.f32 v28;
	v5 =	vand.u32 $0x6, v51  }
0x64: {  	v1 =	vadd.s32 $0xFFFFFFFD, v1;
	v2 =	vadd.s32 $0xFFFFFFFD, v2;
	v3 =	vand.u32 $0xFFFFFFFE, v3  }
0x65: {  	v5 =	vadd.s32 $0xFFFFFFFD, v5;
	v1 =	vcvt.s32.f32 v1;
	v2 =	vcvt.s32.f32 v2  }
0x66: {  	v3 =	vadd.s32 $0xFFFFFFFD, v3;
	v30 =	vmul.f32 $3.162277640e-01, v4;
	v39 =	vmul.f32 $3.162277640e-01, v31  }
0x67: {  	v4 =	vand.u32 $0x6, v33;
	v5 =	vcvt.s32.f32 v5;
	v3 =	vcvt.s32.f32 v3  }
0x68: {  	v4 =	vadd.s32 $0xFFFFFFFD, v4;
	v34 =	vmul.f32 $3.162277640e-01, v2;
	v2 =	vshll.u32 v35, $0x1  }
0x69: {  	v47 =	vmul.f32 $3.162277640e-01, v3;
	v3 =	vand.u32 $0x6, v49;
	v2 =	vand.u32 $0x6, v2  }
0x6a: {  	v4 =	vcvt.s32.f32 v4;
	v3 =	vadd.s32 $0xFFFFFFFD, v3;
	v2 =	vadd.s32 $0xFFFFFFFD, v2  }
0x6b: {  	[tilespmem:$0x1FF70] =	vst v34;
	v34 =	vld [tilespmem:$0x4240];
	v3 =	vcvt.s32.f32 v3;
	v52 =	vcvt.s32.f32 v2;
	v2 =	vshll.u32 v53, $0x1  }
0x6c: {  	[tilespmem:$0x1FFF0] =	vst v29;
	v42 =	vmul.f32 $3.162277640e-01, v5;
	v29 =	vmul.f32 $3.162277640e-01, v4;
	v2 =	vand.u32 $0x6, v2  }
0x6d: {  	v23 =	vmul.f32 $3.162277640e-01, v3;
	v56 =	vmul.f32 $3.162277640e-01, v52;
	v3 =	vand.u32 $0x6, v58  }
0x6e: {  	v2 =	vadd.s32 $0xFFFFFFFD, v2;
	v52 =	vshrl.u32 v38, $0x5;
	v38 =	vmul.f32 $3.162277640e-01, v1  }
0x6f: {  	v3 =	vadd.s32 $0xFFFFFFFD, v3;
	v2 =	vcvt.s32.f32 v2;
	v53 =	vand.u32 $0x6, v52  }
0x70: {  	v3 =	vcvt.s32.f32 v3;
	v43 =	vshra.s32 v34, $0x7;
	v45 =	vshll.u32 v34, $0x2  }
0x71: {  	[tilespmem:$0x1FFA0] =	vst v47;
	v46 =	vshrl.u32 v34, $0x5;
	v47 =	vshrl.u32 v34, $0x3;
	v31 =	vmul.f32 $3.162277640e-01, v2  }
0x72: {  	[tilespmem:$0x1FFD0] =	vst v56;
	v56 =	vld [tilespmem:$0x4250];
	v2 =	vand.u32 $0xFFFFFFFE, v43;
	v4 =	vand.u32 $0x6, v46;
	v63 =	vmul.f32 $3.162277640e-01, v3  }
0x73: {  	v3 =	vand.u32 $0x6, v7;
	v2 =	vadd.s32 $0xFFFFFFFD, v2;
	v4 =	vadd.s32 $0xFFFFFFFD, v4  }
0x74: {  	v3 =	vadd.s32 $0xFFFFFFFD, v3;
	v2 =	vcvt.s32.f32 v2;
	v4 =	vcvt.s32.f32 v4  }
0x75: {  	v50 =	vshrl.u32 v34, $0x1;
	v6 =	vand.u32 $0x6, v47;
	v3 =	vcvt.s32.f32 v3  }
0x76: {  	v49 =	vadd.s32 $0xFFFFFFFD, v6;
	v41 =	vmul.f32 $3.162277640e-01, v2;
	v40 =	vmul.f32 $3.162277640e-01, v4  }
0x77: {  	v2 =	vcvt.s32.f32 v49;
	v4 =	vand.u32 $0x6, v50;
	v57 =	vshra.s32 v56, $0x7  }
0x78: {  	v59 =	vshrl.u32 v56, $0x5;
	v60 =	vshll.u32 v56, $0x2;
	v62 =	vshrl.u32 v56, $0x3  }
0x79: {  	v7 =	vshrl.u32 v56, $0x1;
	v35 =	vmul.f32 $3.162277640e-01, v3;
	v3 =	vand.u32 $0x6, v32  }
0x7a: {  	v4 =	vadd.s32 $0xFFFFFFFD, v4;
	v58 =	vand.u32 $0xFFFFFFFE, v57;
	v3 =	vadd.s32 $0xFFFFFFFD, v3  }
0x7b: {  	v4 =	vcvt.s32.f32 v4;
	v33 =	vmul.f32 $3.162277640e-01, v2;
	v2 =	vadd.s32 $0xFFFFFFFD, v53  }
0x7c: {  	v49 =	vld [tilespmem:$0x4260];
	v1 =	vadd.s32 $0xFFFFFFFD, v58;
	v3 =	vcvt.s32.f32 v3;
	v2 =	vcvt.s32.f32 v2  }
0x7d: {  	[tilespmem:$0x1FFE0] =	vst v63;
	v63 =	vand.u32 $0x6, v62;
	v1 =	vcvt.s32.f32 v1;
	v34 =	vmul.f32 $3.162277640e-01, v4  }
0x7e: {  	v4 =	vand.u32 $0x6, v55;
	v28 =	vmul.f32 $3.162277640e-01, v3;
	v3 =	vand.u32 $0xC, v45  }
0x7f: {  	v4 =	vadd.s32 $0xFFFFFFFD, v4;
	v32 =	vmul.f32 $3.162277640e-01, v2;
	v2 =	vld [tilespmem:$0x4350];
	v51 =	vmul.f32 $3.162277640e-01, v1  }
0x80: {  	v1 =	vadd.s32 $0xFFFFFFFD, v63;
	v3 =	vor.u32 v48, v3;
	v4 =	vcvt.s32.f32 v4  }
0x81: {  	v62 =	vshll.u32 v49, $0x2;
	v1 =	vcvt.s32.f32 v1;
	v3 =	vshra.s32 v3, $0x1  }
0x82: {  	[tilespmem:$0x1FF90] =	vst v37;
	v63 =	vshrl.u32 v49, $0x5;
	v3 =	vand.u32 $0xFFFFFFFE, v3;
	v37 =	vmul.f32 $3.162277640e-01, v4  }
0x83: {  	v4 =	vand.u32 $0xC, v60;
	v56 =	vmul.f32 $3.162277640e-01, v1;
	v3 =	vadd.s32 $0xFFFFFFFD, v3  }
0x84: {  	v3 =	vcvt.s32.f32 v3;
	v61 =	vshra.s32 v2, $0x8;
	v12 =	vshrl.u32 v2, $0x5  }
0x85: {  	v47 =	vshrl.u32 v2, $0x3;
	v48 =	vshrl.u32 v2, $0x1;
	v2 =	vshll.u32 v2, $0x1  }
0x86: {  	v4 =	vor.u32 v61, v4;
	v10 =	vshll.u32 v61, $0x1;
	v17 =	vand.u32 $0x6, v12  }
0x87: {  	v1 =	vld [tilespmem:$0x4360];
	v2 =	vand.u32 $0x6, v2;
	v61 =	vshra.s32 v49, $0x7;
	v43 =	vmul.f32 $3.162277640e-01, v3  }
0x88: {  	v3 =	vand.u32 $0x6, v54;
	v4 =	vshra.s32 v4, $0x1;
	v5 =	vand.u32 $0x6, v10  }
0x89: {  	v45 =	vadd.s32 $0xFFFFFFFD, v17;
	v2 =	vadd.s32 $0xFFFFFFFD, v2;
	v10 =	vshrl.u32 v49, $0x3  }
0x8a: {  	v17 =	vshrl.u32 v49, $0x1;
	v3 =	vadd.s32 $0xFFFFFFFD, v3;
	v4 =	vand.u32 $0xFFFFFFFE, v4  }
0x8b: {  	v5 =	vadd.s32 $0xFFFFFFFD, v5;
	v46 =	vcvt.s32.f32 v45;
	v2 =	vcvt.s32.f32 v2  }
0x8c: {  	v6 =	vand.u32 $0x6, v10;
	v12 =	vshra.s32 v1, $0x8;
	v49 =	vshrl.u32 v1, $0x1  }
0x8d: {  	v3 =	vcvt.s32.f32 v3;
	v4 =	vadd.s32 $0xFFFFFFFD, v4;
	v14 =	vcvt.s32.f32 v5  }
0x8e: {  	v45 =	vshll.u32 v12, $0x1;
	v4 =	vcvt.s32.f32 v4;
	v54 =	vmul.f32 $3.162277640e-01, v2  }
0x8f: {  	[tilespmem:$0x1FF80] =	vst v36;
	v2 =	vand.u32 $0xFFFFFFFE, v61;
	v5 =	vand.u32 $0x6, v45;
	v36 =	vmul.f32 $3.162277640e-01, v3  }
0x90: {  	v3 =	vand.u32 $0x6, v59;
	v52 =	vmul.f32 $3.162277640e-01, v14;
	v59 =	vmul.f32 $3.162277640e-01, v46  }
0x91: {  	v2 =	vadd.s32 $0xFFFFFFFD, v2;
	v14 =	vadd.s32 $0xFFFFFFFD, v6;
	v3 =	vadd.s32 $0xFFFFFFFD, v3  }
0x92: {  	v46 =	vshrl.u32 v1, $0x5;
	v53 =	vmul.f32 $3.162277640e-01, v4;
	v3 =	vcvt.s32.f32 v3  }
0x93: {  	v4 =	vand.u32 $0x6, v48;
	v2 =	vcvt.s32.f32 v2;
	v48 =	vshrl.u32 v1, $0x3  }
0x94: {  	v4 =	vadd.s32 $0xFFFFFFFD, v4;
	v50 =	vmul.f32 $3.162277640e-01, v3;
	v3 =	vand.u32 $0x6, v7  }
0x95: {  	v1 =	vshll.u32 v1, $0x1;
	v4 =	vcvt.s32.f32 v4;
	v3 =	vadd.s32 $0xFFFFFFFD, v3  }
0x96: {  	v5 =	vadd.s32 $0xFFFFFFFD, v5;
	v1 =	vand.u32 $0x6, v1;
	v3 =	vcvt.s32.f32 v3  }
0x97: {  	v61 =	vmul.f32 $3.162277640e-01, v2;
	v57 =	vmul.f32 $3.162277640e-01, v4;
	v4 =	vand.u32 $0x6, v63  }
0x98: {  	v4 =	vadd.s32 $0xFFFFFFFD, v4;
	v55 =	vmul.f32 $3.162277640e-01, v3;
	v3 =	vand.u32 $0x6, v47  }
0x99: {  	v2 =	vcvt.s32.f32 v14;
	v4 =	vcvt.s32.f32 v4;
	v3 =	vadd.s32 $0xFFFFFFFD, v3  }
0x9a: {  	v5 =	vcvt.s32.f32 v5;
	v1 =	vadd.s32 $0xFFFFFFFD, v1;
	v3 =	vcvt.s32.f32 v3  }
0x9b: {  	v14 =	vmul.f32 $3.162277640e-01, v2;
	v47 =	vand.u32 $0x6, v46;
	v60 =	vmul.f32 $3.162277640e-01, v4  }
0x9c: {  	v4 =	vand.u32 $0x6, v17;
	v58 =	vmul.f32 $3.162277640e-01, v3;
	v3 =	vand.u32 $0xC, v62  }
0x9d: {  	v2 =	vadd.s32 $0xFFFFFFFD, v47;
	v4 =	vadd.s32 $0xFFFFFFFD, v4;
	v3 =	vor.u32 v12, v3  }
0x9e: {  	v4 =	vcvt.s32.f32 v4;
	v62 =	vmul.f32 $3.162277640e-01, v5;
	v5 =	vld [tilespmem:$0x4270];
	v3 =	vshra.s32 v3, $0x1  }
0x9f: {  	v1 =	vcvt.s32.f32 v1;
	v2 =	vcvt.s32.f32 v2;
	v3 =	vand.u32 $0xFFFFFFFE, v3  }
0xa0: {  	v17 =	vmul.f32 $3.162277640e-01, v4;
	v4 =	vand.u32 $0x6, v49;
	v3 =	vadd.s32 $0xFFFFFFFD, v3  }
0xa1: {  	v12 =	vmul.f32 $3.162277640e-01, v2;
	v2 =	vld [tilespmem:$0x4370];
	v4 =	vadd.s32 $0xFFFFFFFD, v4;
	v3 =	vcvt.s32.f32 v3  }
0xa2: {  	v49 =	vmul.f32 $3.162277640e-01, v1;
	v4 =	vcvt.s32.f32 v4  }
0xa3: {  	v7 =	vshra.s32 v5, $0x7;
	v63 =	vmul.f32 $3.162277640e-01, v3;
	v3 =	vand.u32 $0x6, v48  }
0xa4: {  	v45 =	vshrl.u32 v5, $0x5;
	v46 =	vshll.u32 v5, $0x2;
	v3 =	vadd.s32 $0xFFFFFFFD, v3  }
0xa5: {  	[tilespmem:$0x1FF60] =	vst v0;
	v0 =	vshrl.u32 v5, $0x3;
	v10 =	vand.u32 $0xFFFFFFFE, v7;
	v3 =	vcvt.s32.f32 v3  }
0xa6: {  	v6 =	vshra.s32 v2, $0x8;
	v7 =	vand.u32 $0x6, v0;
	v1 =	vadd.s32 $0xFFFFFFFD, v10  }
0xa7: {  	v1 =	vcvt.s32.f32 v1;
	v47 =	vmul.f32 $3.162277640e-01, v3;
	v3 =	vand.u32 $0x6, v45  }
0xa8: {  	v48 =	vmul.f32 $3.162277640e-01, v4;
	v4 =	vand.u32 $0xC, v46;
	v3 =	vadd.s32 $0xFFFFFFFD, v3  }
0xa9: {  	v10 =	vmul.f32 $3.162277640e-01, v1;
	v45 =	vshll.u32 v6, $0x1;
	v3 =	vcvt.s32.f32 v3  }
0xaa: {  	v1 =	vadd.s32 $0xFFFFFFFD, v7;
	v7 =	vshrl.u32 v5, $0x1;
	v5 =	vand.u32 $0x6, v45  }
0xab: {  	v5 =	vadd.s32 $0xFFFFFFFD, v5;
	v46 =	vmul.f32 $3.162277640e-01, v3;
	v3 =	vand.u32 $0x6, v7  }
0xac: {  	[tilespmem:$0x4400] =	vst v9;
	v9 =	vcvt.s32.f32 v5;
	v3 =	vadd.s32 $0xFFFFFFFD, v3  }
0xad: {  	v45 =	vshrl.u32 v2, $0x5;
	v3 =	vcvt.s32.f32 v3  }
0xae: {  	v0 =	vand.u32 $0x6, v45;
	v45 =	vmul.f32 $3.162277640e-01, v9;
	v9 =	vshrl.u32 v2, $0x3  }
0xaf: {  	v7 =	vmul.f32 $3.162277640e-01, v3;
	v3 =	vand.u32 $0x6, v9;
	v9 =	vld [tilespmem:$0x1FF00]  }
0xb0: {  	[tilespmem:$0x4500] =	vst v8  }
0xb1: {  	[tilespmem:$0x4700] =	vst v15  }
0xb2: {  	[tilespmem:$0x4D00] =	vst v20  }
0xb3: {  	[tilespmem:$0x4600] =	vst v44  }
0xb4: {  	v4 =	vor.u32 v6, v4;
	[tilespmem:$0x4B00] =	vst v9;
	v9 =	vld [tilespmem:$0x1FF10]  }
0xb5: {  	[tilespmem:$0x4800] =	vst v13;
	v15 =	vld [tilespmem:$0x1FEF0];
	v4 =	vshra.s32 v4, $0x1  }
0xb6: {  	[tilespmem:$0x4900] =	vst v11;
	v4 =	vand.u32 $0xFFFFFFFE, v4  }
0xb7: {  	[tilespmem:$0x4A50] =	vst v59;
	v59 =	vld [tilespmem:$0x42B0];
	v1 =	vcvt.s32.f32 v1;
	v4 =	vadd.s32 $0xFFFFFFFD, v4  }
0xb8: {  	[tilespmem:$0x4A10] =	vst v19;
	v4 =	vcvt.s32.f32 v4;
	v6 =	vadd.s32 $0xFFFFFFFD, v0;
	v0 =	vld [tilespmem:$0x4280]  }
0xb9: {  	v13 =	vshrl.u32 v2, $0x1;
	v8 =	vmul.f32 $3.162277640e-01, v1;
	[tilespmem:$0x4C00] =	vst v9;
	v9 =	vld [tilespmem:$0x1FF20]  }
0xba: {  	[tilespmem:$0x4A00] =	vst v15;
	v44 =	vmul.f32 $3.162277640e-01, v4;
	v4 =	vand.u32 $0x6, v13;
	v2 =	vshll.u32 v2, $0x1  }
0xbb: {  	[tilespmem:$0x4950] =	vst v52;
	v1 =	vcvt.s32.f32 v6;
	v4 =	vadd.s32 $0xFFFFFFFD, v4;
	v2 =	vand.u32 $0x6, v2  }
0xbc: {  	v19 =	vld [tilespmem:$0x1FF70];
	[tilespmem:$0x4460] =	vst v61;
	v61 =	vshra.s32 v59, $0x7;
	v4 =	vcvt.s32.f32 v4;
	v2 =	vadd.s32 $0xFFFFFFFD, v2  }
0xbd: {  	v52 =	vshrl.u32 v59, $0x3;
	v6 =	vmul.f32 $3.162277640e-01, v1;
	[tilespmem:$0x4970] =	vst v45;
	v45 =	vld [tilespmem:$0x43C0];
	v11 =	vcvt.s32.f32 v2  }
0xbe: {  	v15 =	vmul.f32 $3.162277640e-01, v4;
	v1 =	vshll.u32 v0, $0x2;
	v3 =	vadd.s32 $0xFFFFFFFD, v3;
	[tilespmem:$0x4410] =	vst v9;
	v9 =	vld [tilespmem:$0x1FF30]  }
0xbf: {  	[tilespmem:$0x4420] =	vst v21;
	v2 =	vld [tilespmem:$0x4380];
	v3 =	vcvt.s32.f32 v3;
	v20 =	vmul.f32 $3.162277640e-01, v11;
	v11 =	vshra.s32 v0, $0x7  }
0xc0: {  	[tilespmem:$0x4610] =	vst v16;
	v5 =	vand.u32 $0xC, v1;
	v4 =	vand.u32 $0xFFFFFFFE, v11;
	v11 =	vshrl.u32 v0, $0x5  }
0xc1: {  	[tilespmem:$0x4B10] =	vst v19;
	v13 =	vmul.f32 $3.162277640e-01, v3;
	v4 =	vadd.s32 $0xFFFFFFFD, v4;
	v3 =	vand.u32 $0x6, v11  }
0xc2: {  	v19 =	vld [tilespmem:$0x1FF80];
	[tilespmem:$0x4C70] =	vst v15;
	v11 =	vshrl.u32 v0, $0x3;
	v0 =	vshrl.u32 v0, $0x1;
	v15 =	vshll.u32 v45, $0x1  }
0xc3: {  	v4 =	vcvt.s32.f32 v4;
	v3 =	vadd.s32 $0xFFFFFFFD, v3;
	v16 =	vand.u32 $0x6, v11;
	[tilespmem:$0x4510] =	vst v9;
	v9 =	vld [tilespmem:$0x1FF40]  }
0xc4: {  	[tilespmem:$0x4520] =	vst v18;
	v1 =	vshra.s32 v2, $0x8;
	v0 =	vand.u32 $0x6, v0;
	v3 =	vcvt.s32.f32 v3  }
0xc5: {  	[tilespmem:$0x4620] =	vst v27;
	v11 =	vld [tilespmem:$0x1FF60];
	v5 =	vor.u32 v1, v5;
	v16 =	vadd.s32 $0xFFFFFFFD, v16;
	v1 =	vshll.u32 v1, $0x1  }
0xc6: {  	[tilespmem:$0x4720] =	vst v24;
	v0 =	vadd.s32 $0xFFFFFFFD, v0;
	v5 =	vshra.s32 v5, $0x1;
	v1 =	vand.u32 $0x6, v1  }
0xc7: {  	v24 =	vld [tilespmem:$0x1FFB0];
	[tilespmem:$0x4C10] =	vst v19;
	v19 =	vcvt.s32.f32 v0;
	v5 =	vand.u32 $0xFFFFFFFE, v5;
	v1 =	vadd.s32 $0xFFFFFFFD, v1  }
0xc8: {  	v16 =	vcvt.s32.f32 v16;
	v0 =	vadd.s32 $0xFFFFFFFD, v5;
	v1 =	vcvt.s32.f32 v1;
	[tilespmem:$0x4710] =	vst v9;
	v9 =	vld [tilespmem:$0x1FF50]  }
0xc9: {  	[tilespmem:$0x4A20] =	vst v22;
	v15 =	vand.u32 $0x6, v15;
	v21 =	vmul.f32 $3.162277640e-01, v19;
	v5 =	vcvt.s32.f32 v0  }
0xca: {  	v27 =	vld [tilespmem:$0x4290];
	v15 =	vadd.s32 $0xFFFFFFFD, v15;
	[tilespmem:$0x4910] =	vst v11;
	v11 =	vmul.f32 $3.162277640e-01, v3;
	v18 =	vmul.f32 $3.162277640e-01, v1  }
0xcb: {  	[tilespmem:$0x4430] =	vst v26;
	v3 =	vld [tilespmem:$0x1FF90];
	v1 =	vshrl.u32 v2, $0x3;
	v19 =	vmul.f32 $3.162277640e-01, v5;
	v5 =	vshrl.u32 v2, $0x1  }
0xcc: {  	v22 =	vld [tilespmem:$0x1FFC0];
	[tilespmem:$0x4920] =	vst v24;
	v15 =	vcvt.s32.f32 v15;
	v1 =	vand.u32 $0x6, v1;
	v5 =	vand.u32 $0x6, v5  }
0xcd: {  	v1 =	vadd.s32 $0xFFFFFFFD, v1;
	[tilespmem:$0x4810] =	vst v9;
	v9 =	vmul.f32 $3.162277640e-01, v4;
	v4 =	vshrl.u32 v2, $0x5  }
0xce: {  	[tilespmem:$0x4630] =	vst v25;
	v5 =	vadd.s32 $0xFFFFFFFD, v5;
	v2 =	vshll.u32 v2, $0x1;
	v0 =	vand.u32 $0x6, v4;
	v4 =	vld [tilespmem:$0x1FFA0]  }
0xcf: {  	[tilespmem:$0x4830] =	vst v30;
	v1 =	vcvt.s32.f32 v1;
	v2 =	vand.u32 $0x6, v2;
	v0 =	vadd.s32 $0xFFFFFFFD, v0  }
0xd0: {  	v30 =	vld [tilespmem:$0x1FFF0];
	[tilespmem:$0x4D10] =	vst v3;
	v2 =	vadd.s32 $0xFFFFFFFD, v2;
	v3 =	vcvt.s32.f32 v0;
	v0 =	vcvt.s32.f32 v5  }
0xd1: {  	[tilespmem:$0x4C20] =	vst v22;
	v2 =	vcvt.s32.f32 v2;
	v5 =	vmul.f32 $3.162277640e-01, v1;
	v1 =	vshrl.u32 v27, $0x5  }
0xd2: {  	[tilespmem:$0x4B20] =	vst v23;
	v1 =	vand.u32 $0x6, v1;
	v24 =	vmul.f32 $3.162277640e-01, v3;
	v23 =	vmul.f32 $3.162277640e-01, v0  }
0xd3: {  	v3 =	vld [tilespmem:$0x4390];
	v22 =	vmul.f32 $3.162277640e-01, v2;
	v1 =	vadd.s32 $0xFFFFFFFD, v1;
	[tilespmem:$0x4820] =	vst v4;
	v4 =	vshra.s32 v27, $0x7  }
0xd4: {  	[tilespmem:$0x4A30] =	vst v39;
	v2 =	vcvt.s32.f32 v1;
	v1 =	vshrl.u32 v27, $0x3;
	v0 =	vand.u32 $0xFFFFFFFE, v4;
	v4 =	vld [tilespmem:$0x1FFD0]  }
0xd5: {  	[tilespmem:$0x4930] =	vst v30;
	v16 =	vmul.f32 $3.162277640e-01, v16;
	v1 =	vand.u32 $0x6, v1;
	v0 =	vadd.s32 $0xFFFFFFFD, v0  }
0xd6: {  	[tilespmem:$0x4440] =	vst v41;
	v15 =	vmul.f32 $3.162277640e-01, v15;
	v1 =	vadd.s32 $0xFFFFFFFD, v1;
	v26 =	vcvt.s32.f32 v0;
	v0 =	vld [tilespmem:$0x1FFE0]  }
0xd7: {  	[tilespmem:$0x4D50] =	vst v54;
	v54 =	vshrl.u32 v59, $0x1;
	v25 =	vmul.f32 $3.162277640e-01, v2;
	v1 =	vcvt.s32.f32 v1  }
0xd8: {  	[tilespmem:$0x4730] =	vst v35;
	v35 =	vshrl.u32 v3, $0x5;
	v41 =	vshrl.u32 v3, $0x1;
	v26 =	vmul.f32 $3.162277640e-01, v26  }
0xd9: {  	v30 =	vmul.f32 $3.162277640e-01, v1;
	v39 =	vand.u32 $0x6, v35;
	[tilespmem:$0x4D20] =	vst v4;
	v4 =	vshll.u32 v27, $0x2  }
0xda: {  	[tilespmem:$0x4940] =	vst v42;
	v27 =	vshrl.u32 v27, $0x1;
	v1 =	vadd.s32 $0xFFFFFFFD, v39;
	v39 =	vshrl.u32 v3, $0x3  }
0xdb: {  	v4 =	vand.u32 $0xC, v4;
	v2 =	vand.u32 $0x6, v27;
	[tilespmem:$0x4530] =	vst v0;
	v0 =	vshra.s32 v3, $0x8  }
0xdc: {  	[tilespmem:$0x4C30] =	vst v29;
	v35 =	vcvt.s32.f32 v1;
	v4 =	vor.u32 v0, v4;
	v0 =	vshll.u32 v0, $0x1  }
0xdd: {  	[tilespmem:$0x4D30] =	vst v31;
	v1 =	vand.u32 $0x6, v39;
	v2 =	vadd.s32 $0xFFFFFFFD, v2;
	v0 =	vand.u32 $0x6, v0  }
0xde: {  	[tilespmem:$0x4540] =	vst v40;
	v3 =	vshll.u32 v3, $0x1;
	v4 =	vshra.s32 v4, $0x1;
	v0 =	vadd.s32 $0xFFFFFFFD, v0  }
0xdf: {  	[tilespmem:$0x4640] =	vst v33;
	v1 =	vadd.s32 $0xFFFFFFFD, v1;
	v4 =	vand.u32 $0xFFFFFFFE, v4;
	v0 =	vcvt.s32.f32 v0  }
0xe0: {  	[tilespmem:$0x4740] =	vst v34;
	v2 =	vcvt.s32.f32 v2;
	v1 =	vcvt.s32.f32 v1;
	v4 =	vadd.s32 $0xFFFFFFFD, v4  }
0xe1: {  	[tilespmem:$0x4B30] =	vst v28;
	v3 =	vand.u32 $0x6, v3;
	v4 =	vcvt.s32.f32 v4;
	v28 =	vmul.f32 $3.162277640e-01, v0;
	v0 =	vld [tilespmem:$0x43A0]  }
0xe2: {  	[tilespmem:$0x4A40] =	vst v32;
	v3 =	vadd.s32 $0xFFFFFFFD, v3;
	v31 =	vmul.f32 $3.162277640e-01, v2;
	v2 =	vand.u32 $0x6, v41  }
0xe3: {  	[tilespmem:$0x4850] =	vst v53;
	v3 =	vcvt.s32.f32 v3;
	v2 =	vadd.s32 $0xFFFFFFFD, v2;
	v29 =	vmul.f32 $3.162277640e-01, v4;
	v4 =	vld [tilespmem:$0x42A0]  }
0xe4: {  	[tilespmem:$0x4C50] =	vst v57;
	v53 =	vand.u32 $0x6, v52;
	v35 =	vmul.f32 $3.162277640e-01, v35;
	v2 =	vcvt.s32.f32 v2  }
0xe5: {  	[tilespmem:$0x4860] =	vst v63;
	v63 =	vand.u32 $0xFFFFFFFE, v61;
	v34 =	vmul.f32 $3.162277640e-01, v1;
	v32 =	vmul.f32 $3.162277640e-01, v3  }
0xe6: {  	[tilespmem:$0x4750] =	vst v55;
	v33 =	vmul.f32 $3.162277640e-01, v2;
	v42 =	vshra.s32 v0, $0x8;
	v55 =	vshrl.u32 v0, $0x5  }
0xe7: {  	[tilespmem:$0x4B50] =	vst v58;
	v57 =	vshrl.u32 v0, $0x3;
	v58 =	vshrl.u32 v0, $0x1;
	v0 =	vshll.u32 v0, $0x1  }
0xe8: {  	[tilespmem:$0x4450] =	vst v51;
	v27 =	vshra.s32 v4, $0x7;
	v39 =	vshll.u32 v4, $0x2;
	v40 =	vshrl.u32 v4, $0x5  }
0xe9: {  	[tilespmem:$0x4550] =	vst v50;
	v41 =	vshrl.u32 v4, $0x3;
	v50 =	vshrl.u32 v4, $0x1;
	v51 =	vshll.u32 v42, $0x1  }
0xea: {  	[tilespmem:$0x4650] =	vst v56;
	v56 =	vand.u32 $0x6, v55;
	v0 =	vand.u32 $0x6, v0;
	v1 =	vand.u32 $0xFFFFFFFE, v27  }
0xeb: {  	v2 =	vand.u32 $0xC, v39;
	v3 =	vand.u32 $0x6, v40;
	v27 =	vand.u32 $0x6, v41  }
0xec: {  	v4 =	vand.u32 $0x6, v51;
	v0 =	vadd.s32 $0xFFFFFFFD, v0;
	v1 =	vadd.s32 $0xFFFFFFFD, v1  }
0xed: {  	[tilespmem:$0x4840] =	vst v43;
	v3 =	vadd.s32 $0xFFFFFFFD, v3;
	v2 =	vor.u32 v42, v2;
	v43 =	vadd.s32 $0xFFFFFFFD, v27  }
0xee: {  	v4 =	vadd.s32 $0xFFFFFFFD, v4;
	v0 =	vcvt.s32.f32 v0;
	v27 =	vshrl.u32 v59, $0x5  }
0xef: {  	[tilespmem:$0x4C40] =	vst v37;
	v1 =	vcvt.s32.f32 v1;
	v3 =	vcvt.s32.f32 v3;
	v2 =	vshra.s32 v2, $0x1  }
0xf0: {  	[tilespmem:$0x4660] =	vst v14;
	v4 =	vcvt.s32.f32 v4;
	v2 =	vand.u32 $0xFFFFFFFE, v2;
	v14 =	vmul.f32 $3.162277640e-01, v0  }
0xf1: {  	[tilespmem:$0x4B40] =	vst v36;
	v0 =	vadd.s32 $0xFFFFFFFD, v63;
	v37 =	vmul.f32 $3.162277640e-01, v1;
	v36 =	vmul.f32 $3.162277640e-01, v3  }
0xf2: {  	[tilespmem:$0x4D40] =	vst v38;
	v1 =	vcvt.s32.f32 v43;
	v3 =	vand.u32 $0x6, v50;
	v2 =	vadd.s32 $0xFFFFFFFD, v2  }
0xf3: {  	[tilespmem:$0x4A60] =	vst v12;
	v63 =	vld [tilespmem:$0x42C0];
	v38 =	vmul.f32 $3.162277640e-01, v4;
	v0 =	vcvt.s32.f32 v0;
	v3 =	vadd.s32 $0xFFFFFFFD, v3  }
0xf4: {  	[tilespmem:$0x4D60] =	vst v49;
	v50 =	vshll.u32 v59, $0x2;
	v2 =	vcvt.s32.f32 v2;
	v3 =	vcvt.s32.f32 v3  }
0xf5: {  	[tilespmem:$0x4C60] =	vst v48;
	v41 =	vmul.f32 $3.162277640e-01, v1;
	v1 =	vadd.s32 $0xFFFFFFFD, v56;
	v12 =	vmul.f32 $3.162277640e-01, v0  }
0xf6: {  	[tilespmem:$0x4B60] =	vst v47;
	v0 =	vadd.s32 $0xFFFFFFFD, v53;
	v39 =	vmul.f32 $3.162277640e-01, v2;
	v1 =	vcvt.s32.f32 v1  }
0xf7: {  	[tilespmem:$0x4570] =	vst v46;
	v2 =	vand.u32 $0x6, v57;
	v0 =	vcvt.s32.f32 v0;
	v40 =	vmul.f32 $3.162277640e-01, v3  }
0xf8: {  	[tilespmem:$0x4770] =	vst v7;
	v3 =	vand.u32 $0x6, v58;
	v2 =	vadd.s32 $0xFFFFFFFD, v2;
	v46 =	vshra.s32 v63, $0x7  }
0xf9: {  	[tilespmem:$0x4B70] =	vst v13;
	v47 =	vshll.u32 v63, $0x2;
	v48 =	vshrl.u32 v63, $0x5;
	v49 =	vshrl.u32 v63, $0x3  }
0xfa: {  	[tilespmem:$0x4680] =	vst v16;
	v13 =	vshrl.u32 v63, $0x1;
	v3 =	vadd.s32 $0xFFFFFFFD, v3;
	v2 =	vcvt.s32.f32 v2  }
0xfb: {  	[tilespmem:$0x4480] =	vst v9;
	v42 =	vmul.f32 $3.162277640e-01, v1;
	v7 =	vmul.f32 $3.162277640e-01, v0;
	v9 =	vand.u32 $0xFFFFFFFE, v46  }
0xfc: {  	[tilespmem:$0x4580] =	vst v11;
	v11 =	vand.u32 $0xC, v47;
	v16 =	vand.u32 $0x6, v48;
	v52 =	vand.u32 $0x6, v49  }
0xfd: {  	v13 =	vand.u32 $0x6, v13;
	v3 =	vcvt.s32.f32 v3;
	v9 =	vadd.s32 $0xFFFFFFFD, v9  }
0xfe: {  	[tilespmem:$0x4560] =	vst v60;
	v1 =	vld [tilespmem:$0x43B0];
	v13 =	vadd.s32 $0xFFFFFFFD, v13;
	v43 =	vmul.f32 $3.162277640e-01, v2;
	v9 =	vcvt.s32.f32 v9  }
0xff: {  	[tilespmem:$0x4760] =	vst v17;
	v2 =	vand.u32 $0x6, v27;
	v13 =	vcvt.s32.f32 v13;
	v17 =	vmul.f32 $3.162277640e-01, v3  }
0x100: {  	[tilespmem:$0x4960] =	vst v62;
	v46 =	vld [tilespmem:$0x42E0];
	v3 =	vand.u32 $0xC, v50;
	v2 =	vadd.s32 $0xFFFFFFFD, v2;
	v50 =	vshra.s32 v45, $0x8  }
0x101: {  	[tilespmem:$0x4470] =	vst v10;
	v16 =	vadd.s32 $0xFFFFFFFD, v16;
	v2 =	vcvt.s32.f32 v2;
	v11 =	vor.u32 v50, v11  }
0x102: {  	[tilespmem:$0x4670] =	vst v8;
	v9 =	vmul.f32 $3.162277640e-01, v9;
	v53 =	vshll.u32 v50, $0x1;
	v13 =	vmul.f32 $3.162277640e-01, v13  }
0x103: {  	[tilespmem:$0x4870] =	vst v44;
	v51 =	vshra.s32 v1, $0x8;
	v56 =	vshrl.u32 v1, $0x5;
	v61 =	vshrl.u32 v1, $0x3  }
0x104: {  	[tilespmem:$0x4980] =	vst v18;
	v62 =	vshrl.u32 v1, $0x1;
	v1 =	vshll.u32 v1, $0x1;
	v11 =	vshra.s32 v11, $0x1  }
0x105: {  	v18 =	vand.u32 $0x6, v53;
	[tilespmem:$0x4CA0] =	vst v17;
	v17 =	vshrl.u32 v46, $0x1;
	v3 =	vor.u32 v51, v3  }
0x106: {  	[tilespmem:$0x4A70] =	vst v6;
	v10 =	vmul.f32 $3.162277640e-01, v2;
	v2 =	vand.u32 $0x6, v54;
	v55 =	vshll.u32 v51, $0x1  }
0x107: {  	[tilespmem:$0x4D70] =	vst v20;
	v58 =	vand.u32 $0x6, v56;
	v1 =	vand.u32 $0x6, v1;
	v51 =	vcvt.s32.f32 v16  }
0x108: {  	[tilespmem:$0x4780] =	vst v21;
	v16 =	vadd.s32 $0xFFFFFFFD, v52;
	v11 =	vand.u32 $0xFFFFFFFE, v11;
	v18 =	vadd.s32 $0xFFFFFFFD, v18  }
0x109: {  	v54 =	vshrl.u32 v45, $0x5;
	v56 =	vshrl.u32 v45, $0x1;
	[tilespmem:$0x47C0] =	vst v13;
	v13 =	vand.u32 $0x6, v17  }
0x10a: {  	[tilespmem:$0x4DC0] =	vst v15;
	v3 =	vshra.s32 v3, $0x1;
	v2 =	vadd.s32 $0xFFFFFFFD, v2;
	v4 =	vand.u32 $0x6, v55  }
0x10b: {  	[tilespmem:$0x4880] =	vst v19;
	v59 =	vadd.s32 $0xFFFFFFFD, v58;
	v1 =	vadd.s32 $0xFFFFFFFD, v1;
	v16 =	vcvt.s32.f32 v16  }
0x10c: {  	[tilespmem:$0x4B80] =	vst v5;
	v11 =	vadd.s32 $0xFFFFFFFD, v11;
	v18 =	vcvt.s32.f32 v18;
	v19 =	vand.u32 $0x6, v54  }
0x10d: {  	[tilespmem:$0x4A80] =	vst v24;
	v55 =	vshrl.u32 v45, $0x3;
	v21 =	vand.u32 $0x6, v56;
	v13 =	vadd.s32 $0xFFFFFFFD, v13  }
0x10e: {  	[tilespmem:$0x4C80] =	vst v23;
	v3 =	vand.u32 $0xFFFFFFFE, v3;
	v2 =	vcvt.s32.f32 v2;
	v60 =	vcvt.s32.f32 v59  }
0x10f: {  	[tilespmem:$0x4D80] =	vst v22;
	v4 =	vadd.s32 $0xFFFFFFFD, v4;
	v44 =	vcvt.s32.f32 v1;
	v5 =	vmul.f32 $3.162277640e-01, v51  }
0x110: {  	[tilespmem:$0x4590] =	vst v25;
	v11 =	vcvt.s32.f32 v11;
	v19 =	vadd.s32 $0xFFFFFFFD, v19;
	v13 =	vcvt.s32.f32 v13  }
0x111: {  	[tilespmem:$0x4490] =	vst v26;
	v21 =	vadd.s32 $0xFFFFFFFD, v21;
	v57 =	vcvt.s32.f32 v4;
	v16 =	vmul.f32 $3.162277640e-01, v16  }
0x112: {  	[tilespmem:$0x4690] =	vst v30;
	v3 =	vadd.s32 $0xFFFFFFFD, v3;
	v18 =	vmul.f32 $3.162277640e-01, v18;
	v19 =	vcvt.s32.f32 v19  }
0x113: {  	[tilespmem:$0x4A90] =	vst v35;
	v20 =	vand.u32 $0x6, v55;
	v21 =	vcvt.s32.f32 v21;
	v3 =	vcvt.s32.f32 v3  }
0x114: {  	[tilespmem:$0x4790] =	vst v31;
	v20 =	vadd.s32 $0xFFFFFFFD, v20;
	v8 =	vmul.f32 $3.162277640e-01, v2;
	v0 =	vmul.f32 $3.162277640e-01, v44  }
0x115: {  	[tilespmem:$0x4B90] =	vst v34;
	v58 =	vld [tilespmem:$0x43D0];
	v4 =	vand.u32 $0x6, v62;
	v11 =	vmul.f32 $3.162277640e-01, v11;
	v20 =	vcvt.s32.f32 v20  }
0x116: {  	[tilespmem:$0x4D90] =	vst v32;
	v4 =	vadd.s32 $0xFFFFFFFD, v4;
	v13 =	vmul.f32 $3.162277640e-01, v13;
	v2 =	vmul.f32 $3.162277640e-01, v57  }
0x117: {  	[tilespmem:$0x4990] =	vst v28;
	v56 =	vld [tilespmem:$0x43E0];
	v27 =	vcvt.s32.f32 v4;
	v4 =	vmul.f32 $3.162277640e-01, v60  }
0x118: {  	v19 =	vmul.f32 $3.162277640e-01, v19;
	v21 =	vmul.f32 $3.162277640e-01, v21;
	[tilespmem:$0x46C0] =	vst v16;
	v16 =	vshrl.u32 v46, $0x3  }
0x119: {  	[tilespmem:$0x4890] =	vst v29;
	v6 =	vmul.f32 $3.162277640e-01, v3;
	v3 =	vand.u32 $0x6, v61;
	v20 =	vmul.f32 $3.162277640e-01, v20  }
0x11a: {  	v30 =	vld [tilespmem:$0x43F0];
	[tilespmem:$0x46A0] =	vst v41;
	v62 =	vshra.s32 v58, $0x8;
	v41 =	vshrl.u32 v58, $0x5;
	v48 =	vshrl.u32 v58, $0x3  }
0x11b: {  	v50 =	vshrl.u32 v58, $0x1;
	v51 =	vshll.u32 v58, $0x1;
	[tilespmem:$0x48C0] =	vst v11;
	v11 =	vand.u32 $0x6, v16  }
0x11c: {  	[tilespmem:$0x4C90] =	vst v33;
	v23 =	vshrl.u32 v56, $0x1;
	v3 =	vadd.s32 $0xFFFFFFFD, v3;
	v1 =	vmul.f32 $3.162277640e-01, v27  }
0x11d: {  	[tilespmem:$0x4BA0] =	vst v43;
	v35 =	vshll.u32 v62, $0x1;
	v43 =	vand.u32 $0x6, v41;
	v49 =	vand.u32 $0x6, v48  }
0x11e: {  	[tilespmem:$0x49A0] =	vst v38;
	v52 =	vand.u32 $0x6, v50;
	v53 =	vand.u32 $0x6, v51;
	v11 =	vadd.s32 $0xFFFFFFFD, v11  }
0x11f: {  	[tilespmem:$0x4AC0] =	vst v19;
	v19 =	vshrl.u32 v56, $0x5;
	v48 =	vshrl.u32 v30, $0x5;
	v51 =	vshrl.u32 v30, $0x3  }
0x120: {  	[tilespmem:$0x44B0] =	vst v12;
	v57 =	vld [tilespmem:$0x42D0];
	v3 =	vcvt.s32.f32 v3;
	v38 =	vand.u32 $0x6, v35;
	v45 =	vadd.s32 $0xFFFFFFFD, v43  }
0x121: {  	[tilespmem:$0x49B0] =	vst v2;
	v2 =	vadd.s32 $0xFFFFFFFD, v49;
	v54 =	vadd.s32 $0xFFFFFFFD, v52;
	v55 =	vadd.s32 $0xFFFFFFFD, v53  }
0x122: {  	[tilespmem:$0x4BC0] =	vst v20;
	v11 =	vcvt.s32.f32 v11;
	v15 =	vand.u32 $0x6, v19;
	v20 =	vshrl.u32 v56, $0x3  }
0x123: {  	[tilespmem:$0x47A0] =	vst v40;
	v52 =	vshrl.u32 v30, $0x1;
	v40 =	vadd.s32 $0xFFFFFFFD, v38;
	v12 =	vcvt.s32.f32 v45  }
0x124: {  	[tilespmem:$0x4CC0] =	vst v21;
	v2 =	vcvt.s32.f32 v2;
	v58 =	vcvt.s32.f32 v55;
	v21 =	vadd.s32 $0xFFFFFFFD, v15  }
0x125: {  	[tilespmem:$0x4DA0] =	vst v14;
	v55 =	vshll.u32 v30, $0x1;
	v3 =	vmul.f32 $3.162277640e-01, v3;
	v59 =	vshra.s32 v57, $0x7  }
0x126: {  	[tilespmem:$0x44A0] =	vst v37;
	v60 =	vshrl.u32 v57, $0x5;
	v61 =	vshll.u32 v57, $0x2;
	v63 =	vshrl.u32 v57, $0x3  }
0x127: {  	[tilespmem:$0x45A0] =	vst v36;
	v22 =	vshrl.u32 v57, $0x1;
	v14 =	vcvt.s32.f32 v40;
	v57 =	vcvt.s32.f32 v54  }
0x128: {  	[tilespmem:$0x46B0] =	vst v7;
	v11 =	vmul.f32 $3.162277640e-01, v11;
	v7 =	vcvt.s32.f32 v21;
	v40 =	vshra.s32 v30, $0x8  }
0x129: {  	[tilespmem:$0x48A0] =	vst v39;
	v54 =	vand.u32 $0x6, v52;
	v24 =	vand.u32 $0xFFFFFFFE, v59;
	v25 =	vand.u32 $0x6, v60  }
0x12a: {  	[tilespmem:$0x4AA0] =	vst v42;
	v26 =	vand.u32 $0xC, v61;
	v28 =	vand.u32 $0x6, v63;
	v22 =	vand.u32 $0x6, v22  }
0x12b: {  	[tilespmem:$0x44C0] =	vst v9;
	v59 =	vshra.s32 v46, $0x7;
	v60 =	vmul.f32 $3.162277640e-01, v12;
	v2 =	vmul.f32 $3.162277640e-01, v2  }
0x12c: {  	[tilespmem:$0x45B0] =	vst v10;
	v61 =	vshll.u32 v46, $0x2;
	v63 =	vshra.s32 v56, $0x8;
	v24 =	vadd.s32 $0xFFFFFFFD, v24  }
0x12d: {  	[tilespmem:$0x4AB0] =	vst v4;
	v25 =	vadd.s32 $0xFFFFFFFD, v25;
	v26 =	vor.u32 v62, v26;
	v28 =	vadd.s32 $0xFFFFFFFD, v28  }
0x12e: {  	[tilespmem:$0x4CB0] =	vst v1;
	v33 =	vadd.s32 $0xFFFFFFFD, v22;
	v47 =	vmul.f32 $3.162277640e-01, v14;
	v4 =	vand.u32 $0xFFFFFFFE, v59  }
0x12f: {  	[tilespmem:$0x4BB0] =	vst v3;
	v1 =	vmul.f32 $3.162277640e-01, v57;
	v3 =	vmul.f32 $3.162277640e-01, v58;
	v62 =	vshrl.u32 v46, $0x5  }
0x130: {  	[tilespmem:$0x45C0] =	vst v5;
	v5 =	vand.u32 $0xC, v61;
	v12 =	vshll.u32 v63, $0x1;
	v22 =	vand.u32 $0x6, v20  }
0x131: {  	[tilespmem:$0x49C0] =	vst v18;
	v14 =	vshll.u32 v56, $0x1;
	v31 =	vmul.f32 $3.162277640e-01, v7;
	v57 =	vadd.s32 $0xFFFFFFFD, v54  }
0x132: {  	[tilespmem:$0x47B0] =	vst v8;
	v58 =	vand.u32 $0x6, v55;
	v24 =	vcvt.s32.f32 v24;
	v25 =	vcvt.s32.f32 v25  }
0x133: {  	[tilespmem:$0x4DB0] =	vst v0;
	v32 =	vcvt.s32.f32 v28;
	v26 =	vshra.s32 v26, $0x1;
	v36 =	vcvt.s32.f32 v33  }
0x134: {  	[tilespmem:$0x47E0] =	vst v13;
	v4 =	vadd.s32 $0xFFFFFFFD, v4;
	v9 =	vand.u32 $0x6, v62;
	v5 =	vor.u32 v63, v5  }
0x135: {  	v12 =	vand.u32 $0x6, v12;
	v29 =	vand.u32 $0x6, v14;
	[tilespmem:$0x4BD0] =	vst v2;
	v2 =	vcvt.s32.f32 v57  }
0x136: {  	[tilespmem:$0x4AD0] =	vst v60;
	v60 =	vadd.s32 $0xFFFFFFFD, v58;
	v34 =	vand.u32 $0xFFFFFFFE, v26;
	v4 =	vcvt.s32.f32 v4  }
0x137: {  	[tilespmem:$0x48B0] =	vst v6;
	v9 =	vadd.s32 $0xFFFFFFFD, v9;
	v5 =	vshra.s32 v5, $0x1;
	v61 =	vcvt.s32.f32 v60  }
0x138: {  	[tilespmem:$0x46E0] =	vst v11;
	v12 =	vadd.s32 $0xFFFFFFFD, v12;
	v24 =	vmul.f32 $3.162277640e-01, v24;
	v25 =	vmul.f32 $3.162277640e-01, v25  }
0x139: {  	[tilespmem:$0x49D0] =	vst v47;
	v33 =	vadd.s32 $0xFFFFFFFD, v29;
	v42 =	vmul.f32 $3.162277640e-01, v32;
	v44 =	vmul.f32 $3.162277640e-01, v36  }
0x13a: {  	[tilespmem:$0x4CD0] =	vst v1;
	v37 =	vadd.s32 $0xFFFFFFFD, v34;
	v9 =	vcvt.s32.f32 v9;
	v12 =	vcvt.s32.f32 v12  }
0x13b: {  	v26 =	vld [tilespmem:$0x42F0];
	[tilespmem:$0x4DD0] =	vst v3;
	v5 =	vand.u32 $0xFFFFFFFE, v5;
	v62 =	vmul.f32 $3.162277640e-01, v2;
	v39 =	vcvt.s32.f32 v37  }
0x13c: {  	[tilespmem:$0x4AE0] =	vst v31;
	v4 =	vmul.f32 $3.162277640e-01, v4;
	v5 =	vadd.s32 $0xFFFFFFFD, v5;
	v63 =	vmul.f32 $3.162277640e-01, v61  }
0x13d: {  	v9 =	vmul.f32 $3.162277640e-01, v9;
	v5 =	vcvt.s32.f32 v5;
	[tilespmem:$0x44D0] =	vst v24;
	v24 =	vadd.s32 $0xFFFFFFFD, v22  }
0x13e: {  	[tilespmem:$0x45D0] =	vst v25;
	v25 =	vand.u32 $0x6, v23;
	v28 =	vmul.f32 $3.162277640e-01, v12;
	v10 =	vmul.f32 $3.162277640e-01, v39  }
0x13f: {  	v8 =	vcvt.s32.f32 v24;
	v27 =	vadd.s32 $0xFFFFFFFD, v25;
	[tilespmem:$0x44E0] =	vst v4;
	v4 =	vshll.u32 v40, $0x1  }
0x140: {  	[tilespmem:$0x46D0] =	vst v42;
	v5 =	vmul.f32 $3.162277640e-01, v5;
	v35 =	vshll.u32 v26, $0x2;
	v36 =	vshra.s32 v26, $0x7  }
0x141: {  	[tilespmem:$0x47D0] =	vst v44;
	v37 =	vshrl.u32 v26, $0x5;
	v42 =	vshrl.u32 v26, $0x3;
	v44 =	vshrl.u32 v26, $0x1  }
0x142: {  	v4 =	vand.u32 $0x6, v4;
	[tilespmem:$0x48D0] =	vst v10;
	v10 =	vcvt.s32.f32 v27;
	v32 =	vmul.f32 $3.162277640e-01, v8  }
0x143: {  	[tilespmem:$0x4CF0] =	vst v62;
	v8 =	vcvt.s32.f32 v33;
	v1 =	vand.u32 $0xC, v35;
	v38 =	vand.u32 $0xFFFFFFFE, v36  }
0x144: {  	[tilespmem:$0x4DF0] =	vst v63;
	v39 =	vand.u32 $0x6, v37;
	v45 =	vand.u32 $0x6, v44;
	v4 =	vadd.s32 $0xFFFFFFFD, v4  }
0x145: {  	[tilespmem:$0x45E0] =	vst v9;
	v3 =	vadd.s32 $0xFFFFFFFD, v38;
	v1 =	vor.u32 v40, v1;
	v46 =	vadd.s32 $0xFFFFFFFD, v45  }
0x146: {  	[tilespmem:$0x48E0] =	vst v5;
	v4 =	vcvt.s32.f32 v4;
	v5 =	vand.u32 $0x6, v48;
	v34 =	vmul.f32 $3.162277640e-01, v10  }
0x147: {  	[tilespmem:$0x49E0] =	vst v28;
	v10 =	vadd.s32 $0xFFFFFFFD, v39;
	v3 =	vcvt.s32.f32 v3;
	v8 =	vmul.f32 $3.162277640e-01, v8  }
0x148: {  	v1 =	vshra.s32 v1, $0x1;
	[tilespmem:$0x4BE0] =	vst v32;
	v0 =	vcvt.s32.f32 v46;
	v50 =	vadd.s32 $0xFFFFFFFD, v5  }
0x149: {  	v5 =	vand.u32 $0x6, v51;
	v41 =	vcvt.s32.f32 v10;
	v49 =	vmul.f32 $3.162277640e-01, v4;
	[tilespmem:$0x4CE0] =	vst v34  }
0x14a: {  	v10 =	vand.u32 $0x6, v42;
	v1 =	vand.u32 $0xFFFFFFFE, v1;
	v3 =	vmul.f32 $3.162277640e-01, v3;
	[tilespmem:$0x4DE0] =	vst v8  }
0x14b: {  	v4 =	vcvt.s32.f32 v50;
	v53 =	vadd.s32 $0xFFFFFFFD, v5;
	v0 =	vmul.f32 $3.162277640e-01, v0;
	[tilespmem:$0x49F0] =	vst v49  }
0x14c: {  	v10 =	vadd.s32 $0xFFFFFFFD, v10;
	v56 =	vcvt.s32.f32 v53;
	v9 =	vmul.f32 $3.162277640e-01, v41;
	[tilespmem:$0x44F0] =	vst v3  }
0x14d: {  	v1 =	vadd.s32 $0xFFFFFFFD, v1;
	v43 =	vcvt.s32.f32 v10;
	v59 =	vmul.f32 $3.162277640e-01, v4;
	[tilespmem:$0x47F0] =	vst v0  }
0x14e: {  	v1 =	vcvt.s32.f32 v1;
	v0 =	vmul.f32 $3.162277640e-01, v56;
	[tilespmem:$0x45F0] =	vst v9  }
0x14f: {  	v47 =	vmul.f32 $3.162277640e-01, v43;
	[tilespmem:$0x4AF0] =	vst v59  }
0x150: {  	v1 =	vmul.f32 $3.162277640e-01, v1;
	[tilespmem:$0x4BF0] =	vst v0  }
0x151: {  	p0 =	sne.s32 s9, $0x1;
	[tilespmem:$0x46F0] =	vst v47  }
.Ltmp0:
0x152: {  	[tilespmem:$0x48F0] =	vst v1;
	(pc) =	sbr.rel @p0 .LBB2_1-.Ltmp0, $4  }
0x153: {  	[hbm4b:s8+s2] =	stream.linear.scatter [tilespmem:s15], [sflag:$0x2], $0xA00, $0x38;
	[tilespmem:$0x4E00] =	vst v63  }
0x154: {  	_ =	swait.ge [sflag:s10], $0xA00  }
0x155: {  	[sflag:s10] =	ssyncset.done $0x0  }
0x156: {  	s9 =	sadd.s32 $0xFFFFFFFF, s9;
	[sflag:s10] =	ssyncadd.s32 $0xFFFFF600  }
0x157: {  	_ =	sfence.sel $0x180000  }
0x158: {  	[bflag:$0x0] =	sbarrier.arrive $0xFFFF  }
0x159: {  	p0 =	sne.s32 s1, $0x0;
	_ =	strace $0x90000047  }
0x15a: {  	s0 =	sadd.s32 @!p0 $0x100000, s0;
	[bflag:$0x2] =	sbarrier.arrive $0xFFFF  }
0x15b: {  	[sflag:s0] =	ssyncadd.tile.s32 @!p0 $0x1;
	_ =	shalt  }
.Lfunc_end2:
_tile_overlayer_lowered:
.L_overlay_start_2:
0x15c: {  	(tag) =	ssettag $0x2  }
0x15d: {  	s0 =	rddreg [dreg:$0x0];
	s2 =	stileid.u32  }
0x15e: {  	s1 =	rddreg [dreg:$0x1];
	p0 =	sne.s32 s2, $0x0  }
0x15f: {  	s3 =	rddreg [dreg:$0x2];
	[bflag:$0x3] =	sbarrier.arrive $0xFFFF;
	s2 =	simm.s32 @!p0 $0x1C02  }
0x160: {  	[timem:s3], [sflag:s2] =	dma.local @!p0 [hbm:s0], s1  }
0x161: {  	s0 =	simm.s32 @!p0 $0x2  }
0x162: {  	_ =	swait.ge @!p0 [sflag:s0], s1  }
0x163: {  	s1 =	ssub.s32 @!p0 $0x0, s1;
	[sflag:s0] =	ssyncset.done @!p0 $0x0  }
0x164: {  	[sflag:s0] =	ssyncadd.s32 @!p0 s1  }
0x165: {  	[bflag:$0x3] =	sbarrier.arrive $0xFFFF  }
0x166: {  	_ =	shalt  }

</sc_bundles>
